<compile_context>
chip_gen: v7x
topology: tpu7x:2x2x1
jax: 0.10.2.dev20260603
libtpu: 0.0.44.dev20260713+nightly
codegen_flags: <defaults>
</compile_context>

<pallas_src>
import functools

import jax
import jax.numpy as jnp
from jax import lax
from jax.experimental import pallas as pl
from jax.experimental.pallas import tpu as pltpu
from jax.experimental.pallas import tpu_sc as plsc

N = 10000
D = 128
H = 4
F = 128
FH = F // 2
NP = 10240
BN = 1024
NBN = NP // BN
NTILES = 16
B = 96
SB = 6
EB = NTILES * B



def _front_body(x_ref, w3_ref, a8_ref, z_ref, eler_ref):
    xb = x_ref[...]
    z_ref[...] = jnp.dot(xb, w3_ref[0, 0], preferred_element_type=jnp.float32)
    eler_ref[...] = lax.dot_general(
        a8_ref[...], xb, (((1,), (1,)), ((), ())),
        preferred_element_type=jnp.float32)


def _tc_front(x, W3, A8):
    return pl.pallas_call(
        _front_body,
        grid=(NBN, H, 2),
        in_specs=[
            pl.BlockSpec((BN, D), lambda n, h, f: (n, 0)),
            pl.BlockSpec((1, 1, D, FH), lambda n, h, f: (h, f, 0, 0)),
            pl.BlockSpec((8, D), lambda n, h, f: (0, 0)),
        ],
        out_specs=[
            pl.BlockSpec((BN, FH), lambda n, h, f: (f * H * NBN + h * NBN + n, 0)),
            pl.BlockSpec((8, BN), lambda n, h, f: (0, n)),
        ],
        out_shape=[
            jax.ShapeDtypeStruct((2 * H * NP, FH), jnp.float32),
            jax.ShapeDtypeStruct((8, NP), jnp.float32),
        ],
    )(x, W3, A8)


def _post_body(apply_elu, agg0_ref, agg1_ref, b_ref, out_ref):
    h = pl.program_id(1)
    v0 = agg0_ref[...] + b_ref[0, pl.ds(h, 1), :]
    v1 = agg1_ref[...] + b_ref[1, pl.ds(h, 1), :]
    v = jnp.concatenate([v0, v1], axis=1)
    if apply_elu:
        v = jnp.where(v > 0, v, jnp.exp(jnp.minimum(v, 0.0)) - 1.0)
    contrib = v * (1.0 / H)

    @pl.when(h == 0)
    def _():
        out_ref[...] = contrib

    @pl.when(h > 0)
    def _():
        out_ref[...] += contrib


def _tc_post(agg, b4, apply_elu):
    return pl.pallas_call(
        functools.partial(_post_body, apply_elu),
        grid=(NBN, H),
        in_specs=[
            pl.BlockSpec((BN, FH), lambda n, h: (h * NBN + n, 0)),
            pl.BlockSpec((BN, FH), lambda n, h: (H * NBN + h * NBN + n, 0)),
            pl.BlockSpec((2, H, FH), lambda n, h: (0, 0, 0)),
        ],
        out_specs=pl.BlockSpec((BN, F), lambda n, h: (n, 0)),
        out_shape=jax.ShapeDtypeStruct((NP, F), jnp.float32),
    )(agg, agg, b4)



def _sc_layer_body(nblk, zh, eler, srcm, dstm, agg,
                   src2, dst2, elv, erv, den_v,
                   zb0, zb1, zb2, zsmall,
                   wb0, wb1, wi0, wi1,
                   zi0, zi1, zi2, albuf, den_s, acc_s,
                   gs0, gs1, gs2, ss0, ss1, ss2, ws0, ws1):
    c = lax.axis_index("c")
    s = lax.axis_index("s")
    rows_per_tile = NP // NTILES
    nsb = nblk // SB
    zbufs = (zb0, zb1, zb2)
    zidxs = (zi0, zi1, zi2)
    gsems = (gs0, gs1, gs2)
    ssems = (ss0, ss1, ss2)
    wbufs = (wb0, wb1)
    widxs = (wi0, wi1)
    wsems = (ws0, ws1)

    pltpu.sync_copy(eler.at[pl.ds(2 * c * NP, 2 * NP)], elv)
    pltpu.sync_copy(eler.at[pl.ds((4 + 2 * c) * NP, 2 * NP)], erv)

    zer16 = jnp.zeros((16,), jnp.float32)

    def _z(i, _):
        zsmall[pl.ds(i * 16, 16)] = zer16
        return 0
    lax.fori_loop(0, (2 * NP // NTILES) // 16, _z, 0)
    pltpu.sync_copy(zsmall, den_s.at[pl.ds(s * (2 * NP // NTILES),
                                           2 * NP // NTILES)])
    plsc.subcore_barrier()

    def _wcompute(jb, wbuf, widx):
        def _p1i(i, _):
            sv = src2[jb, pl.ds(i * 16, 16)]
            dv = dst2[jb, pl.ds(i * 16, 16)]
            for h in range(2):
                el = plsc.load_gather(elv, [sv + h * NP])
                er = plsc.load_gather(erv, [dv + h * NP])
                e = el + er
                e = jnp.where(e >= 0, e, 0.2 * e)
                w = jnp.exp(e)
                wbuf[h, pl.ds(i * 16, 16)] = w
                widx[h, pl.ds(i * 16, 16)] = dv + h * NP
            return 0
        lax.fori_loop(0, B // 16, _p1i, 0)

    def _p1(sb, _):
        pltpu.sync_copy(srcm.at[s, pl.ds(sb * SB, SB)], src2)
        pltpu.sync_copy(dstm.at[s, pl.ds(sb * SB, SB)], dst2)

        def _p1pair(jp, _):
            for par in range(2):
                jb = 2 * jp + par
                wbuf, widx, wsem = wbufs[par], widxs[par], wsems[par]

                @pl.when(jp >= 1)
                def _():
                    for h in range(2):
                        pltpu.make_async_copy(
                            wbuf.at[h], den_s.at[widx.at[h]], wsem).wait()
                _wcompute(jb, wbuf, widx)
                for h in range(2):
                    pltpu.async_copy(
                        wbuf.at[h], den_s.at[widx.at[h]], wsem, add=True)
            return 0
        lax.fori_loop(0, SB // 2, _p1pair, 0)
        for par in range(2):
            for h in range(2):
                pltpu.make_async_copy(
                    wbufs[par].at[h], den_s.at[widxs[par].at[h]],
                    wsems[par]).wait()
        return 0
    lax.fori_loop(0, nsb, _p1, 0)
    plsc.subcore_barrier()
    pltpu.sync_copy(den_s, den_v)

    def _round(rd, _):
        r = rd // 2
        fh = rd - 2 * r
        zrow0 = (fh * H + 2 * c + r) * NP

        def _zz(i, _):
            for j in range(FH // 16):
                zb0[i, pl.ds(j * 16, 16)] = zer16
            return 0
        lax.fori_loop(0, B, _zz, 0)
        nz = rows_per_tile // B
        for k in range(nz):
            pltpu.sync_copy(zb0, acc_s.at[pl.ds(s * rows_per_tile + k * B, B)])
        rem = rows_per_tile - nz * B
        if rem:
            pltpu.sync_copy(zb0.at[pl.ds(0, rem)],
                            acc_s.at[pl.ds(s * rows_per_tile + nz * B, rem)])
        plsc.subcore_barrier()

        def _build_idx(jb, zidx):
            def _gi(i, _):
                zidx[pl.ds(i * 16, 16)] = src2[jb, pl.ds(i * 16, 16)] + zrow0
                return 0
            lax.fori_loop(0, B // 16, _gi, 0)

        def _p2(sb, _):
            pltpu.sync_copy(srcm.at[s, pl.ds(sb * SB, SB)], src2)
            pltpu.sync_copy(dstm.at[s, pl.ds(sb * SB, SB)], dst2)

            for m in range(2):
                _build_idx(m, zidxs[m])
                pltpu.async_copy(zh.at[zidxs[m]], zbufs[m], gsems[m])

            def _p2trip(jt, _):
                for m3 in range(3):
                    jb = 3 * jt + m3
                    zbuf, zidx = zbufs[m3], zidxs[m3]
                    pltpu.make_async_copy(zh.at[zidx], zbuf, gsems[m3]).wait()

                    mN = (m3 + 2) % 3
                    @pl.when(jb + 2 < SB)
                    def _():
                        @pl.when(jb >= 1)
                        def _():
                            pltpu.make_async_copy(
                                zbufs[mN], acc_s.at[dst2.at[jb - 1]],
                                ssems[mN]).wait()
                        _build_idx(jb + 2, zidxs[mN])
                        pltpu.async_copy(zh.at[zidxs[mN]], zbufs[mN],
                                         gsems[mN])

                    def _ai(i, _):
                        sv = src2[jb, pl.ds(i * 16, 16)]
                        dv = dst2[jb, pl.ds(i * 16, 16)]
                        el = plsc.load_gather(elv, [sv + r * NP])
                        er = plsc.load_gather(erv, [dv + r * NP])
                        e = el + er
                        e = jnp.where(e >= 0, e, 0.2 * e)
                        w = jnp.exp(e)
                        den = plsc.load_gather(den_v, [dv + r * NP])
                        albuf[pl.ds(i * 16, 16)] = w / den
                        return 0
                    lax.fori_loop(0, B // 16, _ai, 0)

                    def _scale(e_i, _):
                        a16 = plsc.load_gather(
                            albuf,
                            [jnp.broadcast_to(e_i, (16,)).astype(jnp.int32)])
                        for j in range(FH // 16):
                            zbuf[e_i, pl.ds(j * 16, 16)] = (
                                zbuf[e_i, pl.ds(j * 16, 16)] * a16)
                        return 0
                    lax.fori_loop(0, B, _scale, 0)

                    pltpu.async_copy(zbuf, acc_s.at[dst2.at[jb]], ssems[m3],
                                     add=True)
                return 0
            lax.fori_loop(0, SB // 3, _p2trip, 0)

            for m in range(3):
                jb = SB - 3 + m
                pltpu.make_async_copy(zbufs[m % 3], acc_s.at[dst2.at[jb]],
                                      ssems[jb % 3]).wait()
            return 0
        lax.fori_loop(0, nsb, _p2, 0)
        plsc.subcore_barrier()

        pltpu.sync_copy(acc_s.at[pl.ds(s * rows_per_tile, rows_per_tile)],
                        agg.at[pl.ds(zrow0 + s * rows_per_tile,
                                     rows_per_tile)])
        plsc.subcore_barrier()
        return 0
    lax.fori_loop(0, 4, _round, 0)


def _sc_layer(nblk, zh, eler, srcm, dstm):
    mesh = plsc.VectorSubcoreMesh(core_axis_name="c", subcore_axis_name="s")
    fn = functools.partial(
        pl.kernel,
        mesh=mesh,
        compiler_params=pltpu.CompilerParams(
            needs_layout_passes=False, use_tc_tiling_on_sc=False),
        out_type=jax.ShapeDtypeStruct((2 * H * NP, FH), jnp.float32),
        scratch_types=[
            pltpu.VMEM((SB, B), jnp.int32),
            pltpu.VMEM((SB, B), jnp.int32),
            pltpu.VMEM((2 * NP,), jnp.float32),
            pltpu.VMEM((2 * NP,), jnp.float32),
            pltpu.VMEM((2 * NP,), jnp.float32),
            pltpu.VMEM((B, FH), jnp.float32),
            pltpu.VMEM((B, FH), jnp.float32),
            pltpu.VMEM((B, FH), jnp.float32),
            pltpu.VMEM((2 * NP // NTILES,), jnp.float32),
            pltpu.VMEM((2, B), jnp.float32),
            pltpu.VMEM((2, B), jnp.float32),
            pltpu.VMEM((2, B), jnp.int32),
            pltpu.VMEM((2, B), jnp.int32),
            pltpu.VMEM((B,), jnp.int32),
            pltpu.VMEM((B,), jnp.int32),
            pltpu.VMEM((B,), jnp.int32),
            pltpu.VMEM((B,), jnp.float32),
            pltpu.VMEM_SHARED((2 * NP,), jnp.float32),
            pltpu.VMEM_SHARED((NP, FH), jnp.float32),
            pltpu.SemaphoreType.DMA,
            pltpu.SemaphoreType.DMA,
            pltpu.SemaphoreType.DMA,
            pltpu.SemaphoreType.DMA,
            pltpu.SemaphoreType.DMA,
            pltpu.SemaphoreType.DMA,
            pltpu.SemaphoreType.DMA,
            pltpu.SemaphoreType.DMA,
        ],
    )(functools.partial(_sc_layer_body, nblk))
    return fn(zh, eler.reshape(-1), srcm, dstm)



def _weight_transforms(W, attn_l, attn_r):
    W3 = W.reshape(D, H, F).transpose(1, 0, 2)
    wl = jnp.einsum("hdf,hf->hd", W3, attn_l)
    wr = jnp.einsum("hdf,hf->hd", W3, attn_r)
    A8 = jnp.concatenate([wl, wr], axis=0)
    W4 = W3.reshape(H, D, 2, FH).transpose(0, 2, 1, 3)
    return W4, A8


def kernel(features, edge_index, W1, attn_l1, attn_r1, b1,
           W2, attn_l2, attn_r2, b2):
    x = jnp.pad(features, ((0, NP - N), (0, 0)))
    loop = jnp.arange(N, dtype=jnp.int32)
    src = jnp.concatenate([edge_index[0].astype(jnp.int32), loop])
    dst = jnp.concatenate([edge_index[1].astype(jnp.int32), loop])
    etot = src.shape[0]
    nblk = SB * (-(-etot // (EB * SB)))
    epad = nblk * EB
    npad = epad - etot
    pad_dst = N + (jnp.arange(npad, dtype=jnp.int32) % (NP - N))
    src = jnp.concatenate([src, jnp.zeros((npad,), jnp.int32)])
    dst = jnp.concatenate([dst, pad_dst])
    srcm = src.reshape(NTILES, nblk, B)
    dstm = dst.reshape(NTILES, nblk, B)

    W3_1, A8_1 = _weight_transforms(W1, attn_l1, attn_r1)
    W3_2, A8_2 = _weight_transforms(W2, attn_l2, attn_r2)
    b4_1 = b1.reshape(H, 2, FH).transpose(1, 0, 2)
    b4_2 = b2.reshape(H, 2, FH).transpose(1, 0, 2)

    z1, eler1 = _tc_front(x, W3_1, A8_1)
    agg1 = _sc_layer(nblk, z1, eler1, srcm, dstm)
    x2 = _tc_post(agg1, b4_1, True)

    z2, eler2 = _tc_front(x2, W3_2, A8_2)
    agg2 = _sc_layer(nblk, z2, eler2, srcm, dstm)
    out = _tc_post(agg2, b4_2, False)
    return out[:N]

# --- scband reference (transcript-rebuilt; emitter-appended) ---
"""Pipeline reference for scband-gat-9852654977464 (READ-ONLY COPY).

The authoritative reference and input builder live on the scoring server;
editing this copy changes nothing except your own understanding.
"""

import jax, jax.numpy as jnp
import numpy as np

N = 10000
E = 320000
D = 128
H = 4
F = 128

def setup_inputs(seed: int = 0) -> dict:
    key = jax.random.key(seed)
    ks = jax.random.split(key, 12)
    features = jax.random.normal(ks[0], (N, D), dtype=jnp.float32)
    edge_index = jax.random.randint(ks[1], (2, E), 0, N, dtype=jnp.int64)
    s = 1.0 / np.sqrt(D)
    W1 = jax.random.normal(ks[2], (D, H * F), dtype=jnp.float32) * s
    attn_l1 = jax.random.normal(ks[3], (H, F), dtype=jnp.float32) * s
    attn_r1 = jax.random.normal(ks[4], (H, F), dtype=jnp.float32) * s
    b1 = jnp.zeros((H * F,), dtype=jnp.float32)
    W2 = jax.random.normal(ks[5], (F, H * F), dtype=jnp.float32) * s
    attn_l2 = jax.random.normal(ks[6], (H, F), dtype=jnp.float32) * s
    attn_r2 = jax.random.normal(ks[7], (H, F), dtype=jnp.float32) * s
    b2 = jnp.zeros((H * F,), dtype=jnp.float32)
    return {"features": features, "edge_index": edge_index,
            "W1": W1, "attn_l1": attn_l1, "attn_r1": attn_r1, "b1": b1,
            "W2": W2, "attn_l2": attn_l2, "attn_r2": attn_r2, "b2": b2}

def _gat_conv(x, src, dst, W, attn_l, attn_r, b, apply_elu):
    n = x.shape[0]
    z = (x @ W).reshape(n, H, F)
    el = (z * attn_l[None]).sum(-1)  # [N,H]
    er = (z * attn_r[None]).sum(-1)  # [N,H]
    e = jax.nn.leaky_relu(el[src] + er[dst], 0.2)  # [E,H]
    emax = jax.ops.segment_max(e, dst, num_segments=n)
    ee = jnp.exp(e - emax[dst])
    denom = jax.ops.segment_sum(ee, dst, num_segments=n)
    alpha = ee / (denom[dst] + 1e-9)
    msg = z[src] * alpha[..., None]  # [E,H,F]
    out = jax.ops.segment_sum(msg, dst, num_segments=n)
    out = out + b.reshape(1, H, F)
    if apply_elu:
        out = jax.nn.elu(out)
    return out

def reference(features, edge_index, W1, attn_l1, attn_r1, b1, W2, attn_l2, attn_r2, b2):
    n = features.shape[0]
    loop = jnp.arange(n, dtype=edge_index.dtype)
    src = jnp.concatenate([edge_index[0], loop])
    dst = jnp.concatenate([edge_index[1], loop])
    h = _gat_conv(features, src, dst, W1, attn_l1, attn_r1, b1, True)
    h = h.mean(axis=1)  # avg heads
    h = _gat_conv(h, src, dst, W2, attn_l2, attn_r2, b2, False)
    h = h.mean(axis=1)
    return h

if __name__ == "__main__":
    import jax
    _d = setup_inputs()
    print(jax.jit(kernel)(*tuple(_d.values())))

</pallas_src>

<mosaic_0001>
#map = affine_map<(d0, d1) -> (0, 0)>
#map1 = affine_map<(d0, d1) -> (0)>
#map2 = affine_map<(d0, d1) -> (0, 0, 0)>
module attributes {stable_mosaic.version = 14 : i64} {
  func.func @_sc_layer_body(%arg0: i32, %arg1: i32, %arg2: memref<81920x64xf32, #tpu.memory_space<hbm>>, %arg3: memref<81920xf32, #tpu.memory_space<hbm>>, %arg4: memref<16x216x96xi32, #tpu.memory_space<hbm>>, %arg5: memref<16x216x96xi32, #tpu.memory_space<hbm>>, %arg6: memref<81920x64xf32, #tpu.memory_space<hbm>>, %arg7: memref<6x96xi32, #tpu.memory_space<vmem>>, %arg8: memref<6x96xi32, #tpu.memory_space<vmem>>, %arg9: memref<20480xf32, #tpu.memory_space<vmem>>, %arg10: memref<20480xf32, #tpu.memory_space<vmem>>, %arg11: memref<20480xf32, #tpu.memory_space<vmem>>, %arg12: memref<96x64xf32, #tpu.memory_space<vmem>>, %arg13: memref<96x64xf32, #tpu.memory_space<vmem>>, %arg14: memref<96x64xf32, #tpu.memory_space<vmem>>, %arg15: memref<1280xf32, #tpu.memory_space<vmem>>, %arg16: memref<2x96xf32, #tpu.memory_space<vmem>>, %arg17: memref<2x96xf32, #tpu.memory_space<vmem>>, %arg18: memref<2x96xi32, #tpu.memory_space<vmem>>, %arg19: memref<2x96xi32, #tpu.memory_space<vmem>>, %arg20: memref<96xi32, #tpu.memory_space<vmem>>, %arg21: memref<96xi32, #tpu.memory_space<vmem>>, %arg22: memref<96xi32, #tpu.memory_space<vmem>>, %arg23: memref<96xf32, #tpu.memory_space<vmem>>, %arg24: memref<20480xf32, #tpu.memory_space<vmem_shared>>, %arg25: memref<10240x64xf32, #tpu.memory_space<vmem_shared>>, %arg26: memref<!tpu.dma_semaphore, #tpu.memory_space<semaphore_mem>>, %arg27: memref<!tpu.dma_semaphore, #tpu.memory_space<semaphore_mem>>, %arg28: memref<!tpu.dma_semaphore, #tpu.memory_space<semaphore_mem>>, %arg29: memref<!tpu.dma_semaphore, #tpu.memory_space<semaphore_mem>>, %arg30: memref<!tpu.dma_semaphore, #tpu.memory_space<semaphore_mem>>, %arg31: memref<!tpu.dma_semaphore, #tpu.memory_space<semaphore_mem>>, %arg32: memref<!tpu.dma_semaphore, #tpu.memory_space<semaphore_mem>>, %arg33: memref<!tpu.dma_semaphore, #tpu.memory_space<semaphore_mem>>) attributes {dimension_semantics = [#tpu.dimension_semantics<core_parallel>, #tpu.dimension_semantics<subcore_parallel>], iteration_bounds = array<i64: 2, 16>, scalar_prefetch = 0 : i64, scratch_operands = 27 : i64, tpu.core_type = #tpu.core_type<sc_vector_subcore>, window_params = [{transform_indices = #map}, {transform_indices = #map1}, {transform_indices = #map2}, {transform_indices = #map2}, {transform_indices = #map}]} {
    %mul3A = arith.constant 2 : i32
    %mul3A_0 = arith.muli %mul3A, %arg0 : i32
    %mul3A_1 = arith.constant 10240 : i32
    %mul3A_2 = arith.muli %mul3A_0, %mul3A_1 : i32
    "tpu.region"() ({
      %run_scoped3A = tpu.sem_alloc : memref<!tpu.dma_semaphore, #tpu.memory_space<semaphore_mem>>
      %dma_start3A = tpu.memref_slice %arg3[%mul3A_2] : memref<81920xf32, #tpu.memory_space<hbm>> -> memref<20480xf32, #tpu.memory_space<hbm>>
      %dma_start3A_32 = tpu.memref_slice %arg3[%mul3A_2] : memref<81920xf32, #tpu.memory_space<hbm>> -> memref<20480xf32, #tpu.memory_space<hbm>>
      tpu.enqueue_dma source(%dma_start3A_32 : memref<20480xf32, #tpu.memory_space<hbm>>) target(%arg9 : memref<20480xf32, #tpu.memory_space<vmem>>) target_semaphore(%run_scoped3A : memref<!tpu.dma_semaphore, #tpu.memory_space<semaphore_mem>>)
      %dma_wait3A = tpu.memref_slice %arg3[%mul3A_2] : memref<81920xf32, #tpu.memory_space<hbm>> -> memref<20480xf32, #tpu.memory_space<hbm>>
      %dma_wait3A_33 = tpu.memref_slice %arg3[%mul3A_2] : memref<81920xf32, #tpu.memory_space<hbm>> -> memref<20480xf32, #tpu.memory_space<hbm>>
      tpu.wait_dma2 semaphore(%run_scoped3A : memref<!tpu.dma_semaphore, #tpu.memory_space<semaphore_mem>>) src(%dma_wait3A_33 : memref<20480xf32, #tpu.memory_space<hbm>>) dst(%arg9 : memref<20480xf32, #tpu.memory_space<vmem>>)
      tpu.yield
    }) : () -> ()
    %mul3A_3 = arith.constant 2 : i32
    %mul3A_4 = arith.muli %mul3A_3, %arg0 : i32
    %add3A = arith.constant 4 : i32
    %add3A_5 = arith.addi %add3A, %mul3A_4 : i32
    %mul3A_6 = arith.constant 10240 : i32
    %mul3A_7 = arith.muli %add3A_5, %mul3A_6 : i32
    "tpu.region"() ({
      %run_scoped3A = tpu.sem_alloc : memref<!tpu.dma_semaphore, #tpu.memory_space<semaphore_mem>>
      %dma_start3A = tpu.memref_slice %arg3[%mul3A_7] : memref<81920xf32, #tpu.memory_space<hbm>> -> memref<20480xf32, #tpu.memory_space<hbm>>
      %dma_start3A_32 = tpu.memref_slice %arg3[%mul3A_7] : memref<81920xf32, #tpu.memory_space<hbm>> -> memref<20480xf32, #tpu.memory_space<hbm>>
      tpu.enqueue_dma source(%dma_start3A_32 : memref<20480xf32, #tpu.memory_space<hbm>>) target(%arg10 : memref<20480xf32, #tpu.memory_space<vmem>>) target_semaphore(%run_scoped3A : memref<!tpu.dma_semaphore, #tpu.memory_space<semaphore_mem>>)
      %dma_wait3A = tpu.memref_slice %arg3[%mul3A_7] : memref<81920xf32, #tpu.memory_space<hbm>> -> memref<20480xf32, #tpu.memory_space<hbm>>
      %dma_wait3A_33 = tpu.memref_slice %arg3[%mul3A_7] : memref<81920xf32, #tpu.memory_space<hbm>> -> memref<20480xf32, #tpu.memory_space<hbm>>
      tpu.wait_dma2 semaphore(%run_scoped3A : memref<!tpu.dma_semaphore, #tpu.memory_space<semaphore_mem>>) src(%dma_wait3A_33 : memref<20480xf32, #tpu.memory_space<hbm>>) dst(%arg10 : memref<20480xf32, #tpu.memory_space<vmem>>)
      tpu.yield
    }) : () -> ()
    %broadcast_in_dim3A = arith.constant 0.000000e+00 : f32
    %broadcast_in_dim3A_8 = vector.broadcast %broadcast_in_dim3A : f32 to vector<16xf32>
    %scan3A = arith.constant 0 : i32
    %scan3A_9 = arith.constant 0 : i32
    %scan3A_10 = arith.constant 80 : i32
    %scan3A_11 = arith.addi %scan3A_9, %scan3A_10 : i32
    %scan3A_12 = arith.constant 1 : i32
    %scan3A_13 = scf.for %scan3A_32 = %scan3A_9 to %scan3A_11 step %scan3A_12 iter_args(%scan3A_33 = %scan3A) -> (i32)  : i32 {
      %mul3A_34 = arith.constant 16 : i32
      %mul3A_35 = arith.muli %scan3A_32, %mul3A_34 : i32
      %swap3A = arith.index_cast %mul3A_35 : i32 to index
      %swap3A_36 = tpu.vector_load %arg15[%swap3A] {strides = array<i32>} : memref<1280xf32, #tpu.memory_space<vmem>>, vector<16xf32>,
      tpu.vector_store %arg15[%swap3A], %broadcast_in_dim3A_8 {strides = array<i32>} : memref<1280xf32, #tpu.memory_space<vmem>>, vector<16xf32>,
      %scan3A_37 = arith.constant 0 : i32
      scf.yield %scan3A_37 : i32
    }
    %scan3A_14 = arith.constant 80 : i32
    %mul3A_15 = arith.constant 1280 : i32
    %mul3A_16 = arith.muli %arg1, %mul3A_15 : i32
    "tpu.region"() ({
      %run_scoped3A = tpu.sem_alloc : memref<!tpu.dma_semaphore, #tpu.memory_space<semaphore_mem>>
      %dma_start3A = tpu.memref_slice %arg24[%mul3A_16] : memref<20480xf32, #tpu.memory_space<vmem_shared>> -> memref<1280xf32, #tpu.memory_space<vmem_shared>>
      %dma_start3A_32 = tpu.memref_slice %arg24[%mul3A_16] : memref<20480xf32, #tpu.memory_space<vmem_shared>> -> memref<1280xf32, #tpu.memory_space<vmem_shared>>
      tpu.enqueue_dma source(%arg15 : memref<1280xf32, #tpu.memory_space<vmem>>) target(%dma_start3A_32 : memref<1280xf32, #tpu.memory_space<vmem_shared>>) target_semaphore(%run_scoped3A : memref<!tpu.dma_semaphore, #tpu.memory_space<semaphore_mem>>)
      %dma_wait3A = tpu.memref_slice %arg24[%mul3A_16] : memref<20480xf32, #tpu.memory_space<vmem_shared>> -> memref<1280xf32, #tpu.memory_space<vmem_shared>>
      %dma_wait3A_33 = tpu.memref_slice %arg24[%mul3A_16] : memref<20480xf32, #tpu.memory_space<vmem_shared>> -> memref<1280xf32, #tpu.memory_space<vmem_shared>>
      tpu.wait_dma2 semaphore(%run_scoped3A : memref<!tpu.dma_semaphore, #tpu.memory_space<semaphore_mem>>) src(%arg15 : memref<1280xf32, #tpu.memory_space<vmem>>) dst(%dma_wait3A_33 : memref<1280xf32, #tpu.memory_space<vmem_shared>>)
      tpu.yield
    }) : () -> ()
    %barrier3A = arith.constant 0 : index
    tpu.barrier barrier_id(%barrier3A)
    %scan3A_17 = arith.constant 0 : i32
    %scan3A_18 = arith.constant 0 : i32
    %scan3A_19 = arith.constant 36 : i32
    %scan3A_20 = arith.addi %scan3A_18, %scan3A_19 : i32
    %scan3A_21 = arith.constant 1 : i32
    %scan3A_22 = scf.for %scan3A_32 = %scan3A_18 to %scan3A_20 step %scan3A_21 iter_args(%scan3A_33 = %scan3A_17) -> (i32)  : i32 {
      %mul3A_34 = arith.constant 6 : i32
      %mul3A_35 = arith.muli %scan3A_32, %mul3A_34 : i32
      "tpu.region"() ({
        %run_scoped3A = tpu.sem_alloc : memref<!tpu.dma_semaphore, #tpu.memory_space<semaphore_mem>>
        %dma_start3A = arith.constant 0 : i32
        %dma_start3A_85 = tpu.memref_slice %arg4[%arg1, %mul3A_35, %dma_start3A] : memref<16x216x96xi32, #tpu.memory_space<hbm>> -> memref<1x6x96xi32, #tpu.memory_space<hbm>>
        %dma_start3A_86 = tpu.memref_squeeze %dma_start3A_85 : memref<1x6x96xi32, #tpu.memory_space<hbm>> -> memref<6x96xi32, #tpu.memory_space<hbm>>
        %dma_start3A_87 = arith.constant 0 : i32
        %dma_start3A_88 = tpu.memref_slice %arg4[%arg1, %mul3A_35, %dma_start3A_87] : memref<16x216x96xi32, #tpu.memory_space<hbm>> -> memref<1x6x96xi32, #tpu.memory_space<hbm>>
        %dma_start3A_89 = tpu.memref_squeeze %dma_start3A_88 : memref<1x6x96xi32, #tpu.memory_space<hbm>> -> memref<6x96xi32, #tpu.memory_space<hbm>>
        tpu.enqueue_dma source(%dma_start3A_89 : memref<6x96xi32, #tpu.memory_space<hbm>>) target(%arg7 : memref<6x96xi32, #tpu.memory_space<vmem>>) target_semaphore(%run_scoped3A : memref<!tpu.dma_semaphore, #tpu.memory_space<semaphore_mem>>)
        %dma_wait3A_90 = arith.constant 0 : i32
        %dma_wait3A_91 = tpu.memref_slice %arg4[%arg1, %mul3A_35, %dma_wait3A_90] : memref<16x216x96xi32, #tpu.memory_space<hbm>> -> memref<1x6x96xi32, #tpu.memory_space<hbm>>
        %dma_wait3A_92 = tpu.memref_squeeze %dma_wait3A_91 : memref<1x6x96xi32, #tpu.memory_space<hbm>> -> memref<6x96xi32, #tpu.memory_space<hbm>>
        %dma_wait3A_93 = arith.constant 0 : i32
        %dma_wait3A_94 = tpu.memref_slice %arg4[%arg1, %mul3A_35, %dma_wait3A_93] : memref<16x216x96xi32, #tpu.memory_space<hbm>> -> memref<1x6x96xi32, #tpu.memory_space<hbm>>
        %dma_wait3A_95 = tpu.memref_squeeze %dma_wait3A_94 : memref<1x6x96xi32, #tpu.memory_space<hbm>> -> memref<6x96xi32, #tpu.memory_space<hbm>>
        tpu.wait_dma2 semaphore(%run_scoped3A : memref<!tpu.dma_semaphore, #tpu.memory_space<semaphore_mem>>) src(%dma_wait3A_95 : memref<6x96xi32, #tpu.memory_space<hbm>>) dst(%arg7 : memref<6x96xi32, #tpu.memory_space<vmem>>)
        tpu.yield
      }) : () -> ()
      %mul3A_36 = arith.constant 6 : i32
      %mul3A_37 = arith.muli %scan3A_32, %mul3A_36 : i32
      "tpu.region"() ({
        %run_scoped3A = tpu.sem_alloc : memref<!tpu.dma_semaphore, #tpu.memory_space<semaphore_mem>>
        %dma_start3A = arith.constant 0 : i32
        %dma_start3A_85 = tpu.memref_slice %arg5[%arg1, %mul3A_37, %dma_start3A] : memref<16x216x96xi32, #tpu.memory_space<hbm>> -> memref<1x6x96xi32, #tpu.memory_space<hbm>>
        %dma_start3A_86 = tpu.memref_squeeze %dma_start3A_85 : memref<1x6x96xi32, #tpu.memory_space<hbm>> -> memref<6x96xi32, #tpu.memory_space<hbm>>
        %dma_start3A_87 = arith.constant 0 : i32
        %dma_start3A_88 = tpu.memref_slice %arg5[%arg1, %mul3A_37, %dma_start3A_87] : memref<16x216x96xi32, #tpu.memory_space<hbm>> -> memref<1x6x96xi32, #tpu.memory_space<hbm>>
        %dma_start3A_89 = tpu.memref_squeeze %dma_start3A_88 : memref<1x6x96xi32, #tpu.memory_space<hbm>> -> memref<6x96xi32, #tpu.memory_space<hbm>>
        tpu.enqueue_dma source(%dma_start3A_89 : memref<6x96xi32, #tpu.memory_space<hbm>>) target(%arg8 : memref<6x96xi32, #tpu.memory_space<vmem>>) target_semaphore(%run_scoped3A : memref<!tpu.dma_semaphore, #tpu.memory_space<semaphore_mem>>)
        %dma_wait3A_90 = arith.constant 0 : i32
        %dma_wait3A_91 = tpu.memref_slice %arg5[%arg1, %mul3A_37, %dma_wait3A_90] : memref<16x216x96xi32, #tpu.memory_space<hbm>> -> memref<1x6x96xi32, #tpu.memory_space<hbm>>
        %dma_wait3A_92 = tpu.memref_squeeze %dma_wait3A_91 : memref<1x6x96xi32, #tpu.memory_space<hbm>> -> memref<6x96xi32, #tpu.memory_space<hbm>>
        %dma_wait3A_93 = arith.constant 0 : i32
        %dma_wait3A_94 = tpu.memref_slice %arg5[%arg1, %mul3A_37, %dma_wait3A_93] : memref<16x216x96xi32, #tpu.memory_space<hbm>> -> memref<1x6x96xi32, #tpu.memory_space<hbm>>
        %dma_wait3A_95 = tpu.memref_squeeze %dma_wait3A_94 : memref<1x6x96xi32, #tpu.memory_space<hbm>> -> memref<6x96xi32, #tpu.memory_space<hbm>>
        tpu.wait_dma2 semaphore(%run_scoped3A : memref<!tpu.dma_semaphore, #tpu.memory_space<semaphore_mem>>) src(%dma_wait3A_95 : memref<6x96xi32, #tpu.memory_space<hbm>>) dst(%arg8 : memref<6x96xi32, #tpu.memory_space<vmem>>)
        tpu.yield
      }) : () -> ()
      %scan3A_38 = arith.constant 0 : i32
      %scan3A_39 = arith.constant 0 : i32
      %scan3A_40 = arith.constant 3 : i32
      %scan3A_41 = arith.addi %scan3A_39, %scan3A_40 : i32
      %scan3A_42 = arith.constant 1 : i32
      %scan3A_43 = scf.for %scan3A_85 = %scan3A_39 to %scan3A_41 step %scan3A_42 iter_args(%scan3A_86 = %scan3A_38) -> (i32)  : i32 {
        %mul3A_87 = arith.constant 2 : i32
        %mul3A_88 = arith.muli %mul3A_87, %scan3A_85 : i32
        %add3A_89 = arith.constant 0 : i32
        %add3A_90 = arith.addi %mul3A_88, %add3A_89 : i32
        %ge3A = arith.constant 1 : i32
        %ge3A_91 = arith.cmpi sge, %scan3A_85, %ge3A : i32
        %convert_element_type3A = arith.extui %ge3A_91 : i1 to i32
        %cond3A = arith.constant 0 : i32
        %cond3A_92 = arith.cmpi ne, %convert_element_type3A, %cond3A : i32
        scf.if %cond3A_92 {
          %dma_wait3A_156 = arith.constant 0 : i32
          %dma_wait3A_157 = arith.constant 0 : i32
          %dma_wait3A_158 = arith.constant 0 : i32
          %dma_wait3A_159 = tpu.memref_slice %arg16[%dma_wait3A_156, %dma_wait3A_158] : memref<2x96xf32, #tpu.memory_space<vmem>> -> memref<1x96xf32, #tpu.memory_space<vmem>>
          %dma_wait3A_160 = tpu.memref_squeeze %dma_wait3A_159 : memref<1x96xf32, #tpu.memory_space<vmem>> -> memref<96xf32, #tpu.memory_space<vmem>>
          %dma_wait3A_161 = arith.constant 0 : i32
          %dma_wait3A_162 = tpu.memref_slice %arg18[%dma_wait3A_157, %dma_wait3A_161] : memref<2x96xi32, #tpu.memory_space<vmem>> -> memref<1x96xi32, #tpu.memory_space<vmem>>
          %dma_wait3A_163 = tpu.memref_squeeze %dma_wait3A_162 : memref<1x96xi32, #tpu.memory_space<vmem>> -> memref<96xi32, #tpu.memory_space<vmem>>
          %dma_wait3A_164 = arith.constant 0 : i32
          %dma_wait3A_165 = tpu.memref_slice %arg24[%dma_wait3A_164] : memref<20480xf32, #tpu.memory_space<vmem_shared>> -> memref<20480xf32, #tpu.memory_space<vmem_shared>>
          tpu.wait_indirect_dma semaphore(%arg32 : memref<!tpu.dma_semaphore, #tpu.memory_space<semaphore_mem>>) src(%dma_wait3A_160 : memref<96xf32, #tpu.memory_space<vmem>>) dst(%dma_wait3A_165 : memref<20480xf32, #tpu.memory_space<vmem_shared>>)
          %dma_wait3A_166 = arith.constant 1 : i32
          %dma_wait3A_167 = arith.constant 1 : i32
          %dma_wait3A_168 = arith.constant 0 : i32
          %dma_wait3A_169 = tpu.memref_slice %arg16[%dma_wait3A_166, %dma_wait3A_168] : memref<2x96xf32, #tpu.memory_space<vmem>> -> memref<1x96xf32, #tpu.memory_space<vmem>>
          %dma_wait3A_170 = tpu.memref_squeeze %dma_wait3A_169 : memref<1x96xf32, #tpu.memory_space<vmem>> -> memref<96xf32, #tpu.memory_space<vmem>>
          %dma_wait3A_171 = arith.constant 0 : i32
          %dma_wait3A_172 = tpu.memref_slice %arg18[%dma_wait3A_167, %dma_wait3A_171] : memref<2x96xi32, #tpu.memory_space<vmem>> -> memref<1x96xi32, #tpu.memory_space<vmem>>
          %dma_wait3A_173 = tpu.memref_squeeze %dma_wait3A_172 : memref<1x96xi32, #tpu.memory_space<vmem>> -> memref<96xi32, #tpu.memory_space<vmem>>
          %dma_wait3A_174 = arith.constant 0 : i32
          %dma_wait3A_175 = tpu.memref_slice %arg24[%dma_wait3A_174] : memref<20480xf32, #tpu.memory_space<vmem_shared>> -> memref<20480xf32, #tpu.memory_space<vmem_shared>>
          tpu.wait_indirect_dma semaphore(%arg32 : memref<!tpu.dma_semaphore, #tpu.memory_space<semaphore_mem>>) src(%dma_wait3A_170 : memref<96xf32, #tpu.memory_space<vmem>>) dst(%dma_wait3A_175 : memref<20480xf32, #tpu.memory_space<vmem_shared>>)
        } else {
        }
        %scan3A_93 = arith.constant 0 : i32
        %scan3A_94 = arith.constant 0 : i32
        %scan3A_95 = arith.constant 6 : i32
        %scan3A_96 = arith.addi %scan3A_94, %scan3A_95 : i32
        %scan3A_97 = arith.constant 1 : i32
        %scan3A_98 = scf.for %scan3A_156 = %scan3A_94 to %scan3A_96 step %scan3A_97 iter_args(%scan3A_157 = %scan3A_93) -> (i32)  : i32 {
          %mul3A_158 = arith.constant 16 : i32
          %mul3A_159 = arith.muli %scan3A_156, %mul3A_158 : i32
          %get3A = arith.index_cast %add3A_90 : i32 to index
          %get3A_160 = arith.index_cast %mul3A_159 : i32 to index
          %get3A_161 = tpu.vector_load %arg7[%get3A, %get3A_160] {strides = array<i32>} : memref<6x96xi32, #tpu.memory_space<vmem>>, vector<16xi32>,
          %mul3A_162 = arith.constant 16 : i32
          %mul3A_163 = arith.muli %scan3A_156, %mul3A_162 : i32
          %get3A_164 = arith.index_cast %add3A_90 : i32 to index
          %get3A_165 = arith.index_cast %mul3A_163 : i32 to index
          %get3A_166 = tpu.vector_load %arg8[%get3A_164, %get3A_165] {strides = array<i32>} : memref<6x96xi32, #tpu.memory_space<vmem>>, vector<16xi32>,
          %add3A_167 = arith.constant 0 : i32
          %add3A_168 = vector.broadcast %add3A_167 : i32 to vector<16xi32>
          %add3A_169 = arith.addi %get3A_161, %add3A_168 : vector<16xi32>
          %gather3A = tpu.vector_load_idx %arg9[%add3A_169] : memref<20480xf32, #tpu.memory_space<vmem>>[vector<16xi32>], vector<16xf32>,
          %add3A_170 = arith.constant 0 : i32
          %add3A_171 = vector.broadcast %add3A_170 : i32 to vector<16xi32>
          %add3A_172 = arith.addi %get3A_166, %add3A_171 : vector<16xi32>
          %gather3A_173 = tpu.vector_load_idx %arg10[%add3A_172] : memref<20480xf32, #tpu.memory_space<vmem>>[vector<16xi32>], vector<16xf32>,
          %add3A_174 = arith.addf %gather3A, %gather3A_173 : vector<16xf32>
          %ge3A_175 = arith.constant 0.000000e+00 : f32
          %ge3A_176 = vector.broadcast %ge3A_175 : f32 to vector<16xf32>
          %ge3A_177 = arith.cmpf oge, %add3A_174, %ge3A_176 : vector<16xf32>
          %mul3A_178 = arith.constant 2.000000e-01 : f32
          %mul3A_179 = vector.broadcast %mul3A_178 : f32 to vector<16xf32>
          %mul3A_180 = arith.mulf %mul3A_179, %add3A_174 : vector<16xf32>
          %select_n3A = arith.select %ge3A_177, %add3A_174, %mul3A_180 : vector<16xi1>, vector<16xf32>
          %exp3A = math.exp %select_n3A : vector<16xf32>
          %mul3A_181 = arith.constant 16 : i32
          %mul3A_182 = arith.muli %scan3A_156, %mul3A_181 : i32
          %swap3A = arith.constant 0 : i32
          %swap3A_183 = arith.index_cast %swap3A : i32 to index
          %swap3A_184 = arith.index_cast %mul3A_182 : i32 to index
          %swap3A_185 = tpu.vector_load %arg16[%swap3A_183, %swap3A_184] {strides = array<i32>} : memref<2x96xf32, #tpu.memory_space<vmem>>, vector<16xf32>,
          tpu.vector_store %arg16[%swap3A_183, %swap3A_184], %exp3A {strides = array<i32>} : memref<2x96xf32, #tpu.memory_space<vmem>>, vector<16xf32>,
          %add3A_186 = arith.constant 0 : i32
          %add3A_187 = vector.broadcast %add3A_186 : i32 to vector<16xi32>
          %add3A_188 = arith.addi %get3A_166, %add3A_187 : vector<16xi32>
          %mul3A_189 = arith.constant 16 : i32
          %mul3A_190 = arith.muli %scan3A_156, %mul3A_189 : i32
          %swap3A_191 = arith.constant 0 : i32
          %swap3A_192 = arith.index_cast %swap3A_191 : i32 to index
          %swap3A_193 = arith.index_cast %mul3A_190 : i32 to index
          %swap3A_194 = tpu.vector_load %arg18[%swap3A_192, %swap3A_193] {strides = array<i32>} : memref<2x96xi32, #tpu.memory_space<vmem>>, vector<16xi32>,
          tpu.vector_store %arg18[%swap3A_192, %swap3A_193], %add3A_188 {strides = array<i32>} : memref<2x96xi32, #tpu.memory_space<vmem>>, vector<16xi32>,
          %add3A_195 = arith.constant 10240 : i32
          %add3A_196 = vector.broadcast %add3A_195 : i32 to vector<16xi32>
          %add3A_197 = arith.addi %get3A_161, %add3A_196 : vector<16xi32>
          %gather3A_198 = tpu.vector_load_idx %arg9[%add3A_197] : memref<20480xf32, #tpu.memory_space<vmem>>[vector<16xi32>], vector<16xf32>,
          %add3A_199 = arith.constant 10240 : i32
          %add3A_200 = vector.broadcast %add3A_199 : i32 to vector<16xi32>
          %add3A_201 = arith.addi %get3A_166, %add3A_200 : vector<16xi32>
          %gather3A_202 = tpu.vector_load_idx %arg10[%add3A_201] : memref<20480xf32, #tpu.memory_space<vmem>>[vector<16xi32>], vector<16xf32>,
          %add3A_203 = arith.addf %gather3A_198, %gather3A_202 : vector<16xf32>
          %ge3A_204 = arith.constant 0.000000e+00 : f32
          %ge3A_205 = vector.broadcast %ge3A_204 : f32 to vector<16xf32>
          %ge3A_206 = arith.cmpf oge, %add3A_203, %ge3A_205 : vector<16xf32>
          %mul3A_207 = arith.constant 2.000000e-01 : f32
          %mul3A_208 = vector.broadcast %mul3A_207 : f32 to vector<16xf32>
          %mul3A_209 = arith.mulf %mul3A_208, %add3A_203 : vector<16xf32>
          %select_n3A_210 = arith.select %ge3A_206, %add3A_203, %mul3A_209 : vector<16xi1>, vector<16xf32>
          %exp3A_211 = math.exp %select_n3A_210 : vector<16xf32>
          %mul3A_212 = arith.constant 16 : i32
          %mul3A_213 = arith.muli %scan3A_156, %mul3A_212 : i32
          %swap3A_214 = arith.constant 1 : i32
          %swap3A_215 = arith.index_cast %swap3A_214 : i32 to index
          %swap3A_216 = arith.index_cast %mul3A_213 : i32 to index
          %swap3A_217 = tpu.vector_load %arg16[%swap3A_215, %swap3A_216] {strides = array<i32>} : memref<2x96xf32, #tpu.memory_space<vmem>>, vector<16xf32>,
          tpu.vector_store %arg16[%swap3A_215, %swap3A_216], %exp3A_211 {strides = array<i32>} : memref<2x96xf32, #tpu.memory_space<vmem>>, vector<16xf32>,
          %add3A_218 = arith.constant 10240 : i32
          %add3A_219 = vector.broadcast %add3A_218 : i32 to vector<16xi32>
          %add3A_220 = arith.addi %get3A_166, %add3A_219 : vector<16xi32>
          %mul3A_221 = arith.constant 16 : i32
          %mul3A_222 = arith.muli %scan3A_156, %mul3A_221 : i32
          %swap3A_223 = arith.constant 1 : i32
          %swap3A_224 = arith.index_cast %swap3A_223 : i32 to index
          %swap3A_225 = arith.index_cast %mul3A_222 : i32 to index
          %swap3A_226 = tpu.vector_load %arg18[%swap3A_224, %swap3A_225] {strides = array<i32>} : memref<2x96xi32, #tpu.memory_space<vmem>>, vector<16xi32>,
          tpu.vector_store %arg18[%swap3A_224, %swap3A_225], %add3A_220 {strides = array<i32>} : memref<2x96xi32, #tpu.memory_space<vmem>>, vector<16xi32>,
          %scan3A_227 = arith.constant 0 : i32
          scf.yield %scan3A_227 : i32
        }
        %scan3A_99 = arith.constant 6 : i32
        %dma_start3A = arith.constant 0 : i32
        %dma_start3A_100 = arith.constant 0 : i32
        %dma_start3A_101 = arith.constant 0 : i32
        %dma_start3A_102 = tpu.memref_slice %arg16[%dma_start3A, %dma_start3A_101] : memref<2x96xf32, #tpu.memory_space<vmem>> -> memref<1x96xf32, #tpu.memory_space<vmem>>
        %dma_start3A_103 = tpu.memref_squeeze %dma_start3A_102 : memref<1x96xf32, #tpu.memory_space<vmem>> -> memref<96xf32, #tpu.memory_space<vmem>>
        %dma_start3A_104 = arith.constant 0 : i32
        %dma_start3A_105 = tpu.memref_slice %arg18[%dma_start3A_100, %dma_start3A_104] : memref<2x96xi32, #tpu.memory_space<vmem>> -> memref<1x96xi32, #tpu.memory_space<vmem>>
        %dma_start3A_106 = tpu.memref_squeeze %dma_start3A_105 : memref<1x96xi32, #tpu.memory_space<vmem>> -> memref<96xi32, #tpu.memory_space<vmem>>
        %dma_start3A_107 = arith.constant 0 : i32
        %dma_start3A_108 = tpu.memref_slice %arg24[%dma_start3A_107] : memref<20480xf32, #tpu.memory_space<vmem_shared>> -> memref<20480xf32, #tpu.memory_space<vmem_shared>>
        tpu.enqueue_indirect_dma source(%dma_start3A_103 : memref<96xf32, #tpu.memory_space<vmem>>) target(%dma_start3A_108 : memref<20480xf32, #tpu.memory_space<vmem_shared>>) offsets(%dma_start3A_106 : memref<96xi32, #tpu.memory_space<vmem>>) semaphore(%arg32 : memref<!tpu.dma_semaphore, #tpu.memory_space<semaphore_mem>>) {add = true}
        %dma_start3A_109 = arith.constant 1 : i32
        %dma_start3A_110 = arith.constant 1 : i32
        %dma_start3A_111 = arith.constant 0 : i32
        %dma_start3A_112 = tpu.memref_slice %arg16[%dma_start3A_109, %dma_start3A_111] : memref<2x96xf32, #tpu.memory_space<vmem>> -> memref<1x96xf32, #tpu.memory_space<vmem>>
        %dma_start3A_113 = tpu.memref_squeeze %dma_start3A_112 : memref<1x96xf32, #tpu.memory_space<vmem>> -> memref<96xf32, #tpu.memory_space<vmem>>
        %dma_start3A_114 = arith.constant 0 : i32
        %dma_start3A_115 = tpu.memref_slice %arg18[%dma_start3A_110, %dma_start3A_114] : memref<2x96xi32, #tpu.memory_space<vmem>> -> memref<1x96xi32, #tpu.memory_space<vmem>>
        %dma_start3A_116 = tpu.memref_squeeze %dma_start3A_115 : memref<1x96xi32, #tpu.memory_space<vmem>> -> memref<96xi32, #tpu.memory_space<vmem>>
        %dma_start3A_117 = arith.constant 0 : i32
        %dma_start3A_118 = tpu.memref_slice %arg24[%dma_start3A_117] : memref<20480xf32, #tpu.memory_space<vmem_shared>> -> memref<20480xf32, #tpu.memory_space<vmem_shared>>
        tpu.enqueue_indirect_dma source(%dma_start3A_113 : memref<96xf32, #tpu.memory_space<vmem>>) target(%dma_start3A_118 : memref<20480xf32, #tpu.memory_space<vmem_shared>>) offsets(%dma_start3A_116 : memref<96xi32, #tpu.memory_space<vmem>>) semaphore(%arg32 : memref<!tpu.dma_semaphore, #tpu.memory_space<semaphore_mem>>) {add = true}
        %mul3A_119 = arith.constant 2 : i32
        %mul3A_120 = arith.muli %mul3A_119, %scan3A_85 : i32
        %add3A_121 = arith.constant 1 : i32
        %add3A_122 = arith.addi %mul3A_120, %add3A_121 : i32
        %ge3A_123 = arith.constant 1 : i32
        %ge3A_124 = arith.cmpi sge, %scan3A_85, %ge3A_123 : i32
        %convert_element_type3A_125 = arith.extui %ge3A_124 : i1 to i32
        %cond3A_126 = arith.constant 0 : i32
        %cond3A_127 = arith.cmpi ne, %convert_element_type3A_125, %cond3A_126 : i32
        scf.if %cond3A_127 {
          %dma_wait3A_156 = arith.constant 0 : i32
          %dma_wait3A_157 = arith.constant 0 : i32
          %dma_wait3A_158 = arith.constant 0 : i32
          %dma_wait3A_159 = tpu.memref_slice %arg17[%dma_wait3A_156, %dma_wait3A_158] : memref<2x96xf32, #tpu.memory_space<vmem>> -> memref<1x96xf32, #tpu.memory_space<vmem>>
          %dma_wait3A_160 = tpu.memref_squeeze %dma_wait3A_159 : memref<1x96xf32, #tpu.memory_space<vmem>> -> memref<96xf32, #tpu.memory_space<vmem>>
          %dma_wait3A_161 = arith.constant 0 : i32
          %dma_wait3A_162 = tpu.memref_slice %arg19[%dma_wait3A_157, %dma_wait3A_161] : memref<2x96xi32, #tpu.memory_space<vmem>> -> memref<1x96xi32, #tpu.memory_space<vmem>>
          %dma_wait3A_163 = tpu.memref_squeeze %dma_wait3A_162 : memref<1x96xi32, #tpu.memory_space<vmem>> -> memref<96xi32, #tpu.memory_space<vmem>>
          %dma_wait3A_164 = arith.constant 0 : i32
          %dma_wait3A_165 = tpu.memref_slice %arg24[%dma_wait3A_164] : memref<20480xf32, #tpu.memory_space<vmem_shared>> -> memref<20480xf32, #tpu.memory_space<vmem_shared>>
          tpu.wait_indirect_dma semaphore(%arg33 : memref<!tpu.dma_semaphore, #tpu.memory_space<semaphore_mem>>) src(%dma_wait3A_160 : memref<96xf32, #tpu.memory_space<vmem>>) dst(%dma_wait3A_165 : memref<20480xf32, #tpu.memory_space<vmem_shared>>)
          %dma_wait3A_166 = arith.constant 1 : i32
          %dma_wait3A_167 = arith.constant 1 : i32
          %dma_wait3A_168 = arith.constant 0 : i32
          %dma_wait3A_169 = tpu.memref_slice %arg17[%dma_wait3A_166, %dma_wait3A_168] : memref<2x96xf32, #tpu.memory_space<vmem>> -> memref<1x96xf32, #tpu.memory_space<vmem>>
          %dma_wait3A_170 = tpu.memref_squeeze %dma_wait3A_169 : memref<1x96xf32, #tpu.memory_space<vmem>> -> memref<96xf32, #tpu.memory_space<vmem>>
          %dma_wait3A_171 = arith.constant 0 : i32
          %dma_wait3A_172 = tpu.memref_slice %arg19[%dma_wait3A_167, %dma_wait3A_171] : memref<2x96xi32, #tpu.memory_space<vmem>> -> memref<1x96xi32, #tpu.memory_space<vmem>>
          %dma_wait3A_173 = tpu.memref_squeeze %dma_wait3A_172 : memref<1x96xi32, #tpu.memory_space<vmem>> -> memref<96xi32, #tpu.memory_space<vmem>>
          %dma_wait3A_174 = arith.constant 0 : i32
          %dma_wait3A_175 = tpu.memref_slice %arg24[%dma_wait3A_174] : memref<20480xf32, #tpu.memory_space<vmem_shared>> -> memref<20480xf32, #tpu.memory_space<vmem_shared>>
          tpu.wait_indirect_dma semaphore(%arg33 : memref<!tpu.dma_semaphore, #tpu.memory_space<semaphore_mem>>) src(%dma_wait3A_170 : memref<96xf32, #tpu.memory_space<vmem>>) dst(%dma_wait3A_175 : memref<20480xf32, #tpu.memory_space<vmem_shared>>)
        } else {
        }
        %scan3A_128 = arith.constant 0 : i32
        %scan3A_129 = arith.constant 0 : i32
        %scan3A_130 = arith.constant 6 : i32
        %scan3A_131 = arith.addi %scan3A_129, %scan3A_130 : i32
        %scan3A_132 = arith.constant 1 : i32
        %scan3A_133 = scf.for %scan3A_156 = %scan3A_129 to %scan3A_131 step %scan3A_132 iter_args(%scan3A_157 = %scan3A_128) -> (i32)  : i32 {
          %mul3A_158 = arith.constant 16 : i32
          %mul3A_159 = arith.muli %scan3A_156, %mul3A_158 : i32
          %get3A = arith.index_cast %add3A_122 : i32 to index
          %get3A_160 = arith.index_cast %mul3A_159 : i32 to index
          %get3A_161 = tpu.vector_load %arg7[%get3A, %get3A_160] {strides = array<i32>} : memref<6x96xi32, #tpu.memory_space<vmem>>, vector<16xi32>,
          %mul3A_162 = arith.constant 16 : i32
          %mul3A_163 = arith.muli %scan3A_156, %mul3A_162 : i32
          %get3A_164 = arith.index_cast %add3A_122 : i32 to index
          %get3A_165 = arith.index_cast %mul3A_163 : i32 to index
          %get3A_166 = tpu.vector_load %arg8[%get3A_164, %get3A_165] {strides = array<i32>} : memref<6x96xi32, #tpu.memory_space<vmem>>, vector<16xi32>,
          %add3A_167 = arith.constant 0 : i32
          %add3A_168 = vector.broadcast %add3A_167 : i32 to vector<16xi32>
          %add3A_169 = arith.addi %get3A_161, %add3A_168 : vector<16xi32>
          %gather3A = tpu.vector_load_idx %arg9[%add3A_169] : memref<20480xf32, #tpu.memory_space<vmem>>[vector<16xi32>], vector<16xf32>,
          %add3A_170 = arith.constant 0 : i32
          %add3A_171 = vector.broadcast %add3A_170 : i32 to vector<16xi32>
          %add3A_172 = arith.addi %get3A_166, %add3A_171 : vector<16xi32>
          %gather3A_173 = tpu.vector_load_idx %arg10[%add3A_172] : memref<20480xf32, #tpu.memory_space<vmem>>[vector<16xi32>], vector<16xf32>,
          %add3A_174 = arith.addf %gather3A, %gather3A_173 : vector<16xf32>
          %ge3A_175 = arith.constant 0.000000e+00 : f32
          %ge3A_176 = vector.broadcast %ge3A_175 : f32 to vector<16xf32>
          %ge3A_177 = arith.cmpf oge, %add3A_174, %ge3A_176 : vector<16xf32>
          %mul3A_178 = arith.constant 2.000000e-01 : f32
          %mul3A_179 = vector.broadcast %mul3A_178 : f32 to vector<16xf32>
          %mul3A_180 = arith.mulf %mul3A_179, %add3A_174 : vector<16xf32>
          %select_n3A = arith.select %ge3A_177, %add3A_174, %mul3A_180 : vector<16xi1>, vector<16xf32>
          %exp3A = math.exp %select_n3A : vector<16xf32>
          %mul3A_181 = arith.constant 16 : i32
          %mul3A_182 = arith.muli %scan3A_156, %mul3A_181 : i32
          %swap3A = arith.constant 0 : i32
          %swap3A_183 = arith.index_cast %swap3A : i32 to index
          %swap3A_184 = arith.index_cast %mul3A_182 : i32 to index
          %swap3A_185 = tpu.vector_load %arg17[%swap3A_183, %swap3A_184] {strides = array<i32>} : memref<2x96xf32, #tpu.memory_space<vmem>>, vector<16xf32>,
          tpu.vector_store %arg17[%swap3A_183, %swap3A_184], %exp3A {strides = array<i32>} : memref<2x96xf32, #tpu.memory_space<vmem>>, vector<16xf32>,
          %add3A_186 = arith.constant 0 : i32
          %add3A_187 = vector.broadcast %add3A_186 : i32 to vector<16xi32>
          %add3A_188 = arith.addi %get3A_166, %add3A_187 : vector<16xi32>
          %mul3A_189 = arith.constant 16 : i32
          %mul3A_190 = arith.muli %scan3A_156, %mul3A_189 : i32
          %swap3A_191 = arith.constant 0 : i32
          %swap3A_192 = arith.index_cast %swap3A_191 : i32 to index
          %swap3A_193 = arith.index_cast %mul3A_190 : i32 to index
          %swap3A_194 = tpu.vector_load %arg19[%swap3A_192, %swap3A_193] {strides = array<i32>} : memref<2x96xi32, #tpu.memory_space<vmem>>, vector<16xi32>,
          tpu.vector_store %arg19[%swap3A_192, %swap3A_193], %add3A_188 {strides = array<i32>} : memref<2x96xi32, #tpu.memory_space<vmem>>, vector<16xi32>,
          %add3A_195 = arith.constant 10240 : i32
          %add3A_196 = vector.broadcast %add3A_195 : i32 to vector<16xi32>
          %add3A_197 = arith.addi %get3A_161, %add3A_196 : vector<16xi32>
          %gather3A_198 = tpu.vector_load_idx %arg9[%add3A_197] : memref<20480xf32, #tpu.memory_space<vmem>>[vector<16xi32>], vector<16xf32>,
          %add3A_199 = arith.constant 10240 : i32
          %add3A_200 = vector.broadcast %add3A_199 : i32 to vector<16xi32>
          %add3A_201 = arith.addi %get3A_166, %add3A_200 : vector<16xi32>
          %gather3A_202 = tpu.vector_load_idx %arg10[%add3A_201] : memref<20480xf32, #tpu.memory_space<vmem>>[vector<16xi32>], vector<16xf32>,
          %add3A_203 = arith.addf %gather3A_198, %gather3A_202 : vector<16xf32>
          %ge3A_204 = arith.constant 0.000000e+00 : f32
          %ge3A_205 = vector.broadcast %ge3A_204 : f32 to vector<16xf32>
          %ge3A_206 = arith.cmpf oge, %add3A_203, %ge3A_205 : vector<16xf32>
          %mul3A_207 = arith.constant 2.000000e-01 : f32
          %mul3A_208 = vector.broadcast %mul3A_207 : f32 to vector<16xf32>
          %mul3A_209 = arith.mulf %mul3A_208, %add3A_203 : vector<16xf32>
          %select_n3A_210 = arith.select %ge3A_206, %add3A_203, %mul3A_209 : vector<16xi1>, vector<16xf32>
          %exp3A_211 = math.exp %select_n3A_210 : vector<16xf32>
          %mul3A_212 = arith.constant 16 : i32
          %mul3A_213 = arith.muli %scan3A_156, %mul3A_212 : i32
          %swap3A_214 = arith.constant 1 : i32
          %swap3A_215 = arith.index_cast %swap3A_214 : i32 to index
          %swap3A_216 = arith.index_cast %mul3A_213 : i32 to index
          %swap3A_217 = tpu.vector_load %arg17[%swap3A_215, %swap3A_216] {strides = array<i32>} : memref<2x96xf32, #tpu.memory_space<vmem>>, vector<16xf32>,
          tpu.vector_store %arg17[%swap3A_215, %swap3A_216], %exp3A_211 {strides = array<i32>} : memref<2x96xf32, #tpu.memory_space<vmem>>, vector<16xf32>,
          %add3A_218 = arith.constant 10240 : i32
          %add3A_219 = vector.broadcast %add3A_218 : i32 to vector<16xi32>
          %add3A_220 = arith.addi %get3A_166, %add3A_219 : vector<16xi32>
          %mul3A_221 = arith.constant 16 : i32
          %mul3A_222 = arith.muli %scan3A_156, %mul3A_221 : i32
          %swap3A_223 = arith.constant 1 : i32
          %swap3A_224 = arith.index_cast %swap3A_223 : i32 to index
          %swap3A_225 = arith.index_cast %mul3A_222 : i32 to index
          %swap3A_226 = tpu.vector_load %arg19[%swap3A_224, %swap3A_225] {strides = array<i32>} : memref<2x96xi32, #tpu.memory_space<vmem>>, vector<16xi32>,
          tpu.vector_store %arg19[%swap3A_224, %swap3A_225], %add3A_220 {strides = array<i32>} : memref<2x96xi32, #tpu.memory_space<vmem>>, vector<16xi32>,
          %scan3A_227 = arith.constant 0 : i32
          scf.yield %scan3A_227 : i32
        }
        %scan3A_134 = arith.constant 6 : i32
        %dma_start3A_135 = arith.constant 0 : i32
        %dma_start3A_136 = arith.constant 0 : i32
        %dma_start3A_137 = arith.constant 0 : i32
        %dma_start3A_138 = tpu.memref_slice %arg17[%dma_start3A_135, %dma_start3A_137] : memref<2x96xf32, #tpu.memory_space<vmem>> -> memref<1x96xf32, #tpu.memory_space<vmem>>
        %dma_start3A_139 = tpu.memref_squeeze %dma_start3A_138 : memref<1x96xf32, #tpu.memory_space<vmem>> -> memref<96xf32, #tpu.memory_space<vmem>>
        %dma_start3A_140 = arith.constant 0 : i32
        %dma_start3A_141 = tpu.memref_slice %arg19[%dma_start3A_136, %dma_start3A_140] : memref<2x96xi32, #tpu.memory_space<vmem>> -> memref<1x96xi32, #tpu.memory_space<vmem>>
        %dma_start3A_142 = tpu.memref_squeeze %dma_start3A_141 : memref<1x96xi32, #tpu.memory_space<vmem>> -> memref<96xi32, #tpu.memory_space<vmem>>
        %dma_start3A_143 = arith.constant 0 : i32
        %dma_start3A_144 = tpu.memref_slice %arg24[%dma_start3A_143] : memref<20480xf32, #tpu.memory_space<vmem_shared>> -> memref<20480xf32, #tpu.memory_space<vmem_shared>>
        tpu.enqueue_indirect_dma source(%dma_start3A_139 : memref<96xf32, #tpu.memory_space<vmem>>) target(%dma_start3A_144 : memref<20480xf32, #tpu.memory_space<vmem_shared>>) offsets(%dma_start3A_142 : memref<96xi32, #tpu.memory_space<vmem>>) semaphore(%arg33 : memref<!tpu.dma_semaphore, #tpu.memory_space<semaphore_mem>>) {add = true}
        %dma_start3A_145 = arith.constant 1 : i32
        %dma_start3A_146 = arith.constant 1 : i32
        %dma_start3A_147 = arith.constant 0 : i32
        %dma_start3A_148 = tpu.memref_slice %arg17[%dma_start3A_145, %dma_start3A_147] : memref<2x96xf32, #tpu.memory_space<vmem>> -> memref<1x96xf32, #tpu.memory_space<vmem>>
        %dma_start3A_149 = tpu.memref_squeeze %dma_start3A_148 : memref<1x96xf32, #tpu.memory_space<vmem>> -> memref<96xf32, #tpu.memory_space<vmem>>
        %dma_start3A_150 = arith.constant 0 : i32
        %dma_start3A_151 = tpu.memref_slice %arg19[%dma_start3A_146, %dma_start3A_150] : memref<2x96xi32, #tpu.memory_space<vmem>> -> memref<1x96xi32, #tpu.memory_space<vmem>>
        %dma_start3A_152 = tpu.memref_squeeze %dma_start3A_151 : memref<1x96xi32, #tpu.memory_space<vmem>> -> memref<96xi32, #tpu.memory_space<vmem>>
        %dma_start3A_153 = arith.constant 0 : i32
        %dma_start3A_154 = tpu.memref_slice %arg24[%dma_start3A_153] : memref<20480xf32, #tpu.memory_space<vmem_shared>> -> memref<20480xf32, #tpu.memory_space<vmem_shared>>
        tpu.enqueue_indirect_dma source(%dma_start3A_149 : memref<96xf32, #tpu.memory_space<vmem>>) target(%dma_start3A_154 : memref<20480xf32, #tpu.memory_space<vmem_shared>>) offsets(%dma_start3A_152 : memref<96xi32, #tpu.memory_space<vmem>>) semaphore(%arg33 : memref<!tpu.dma_semaphore, #tpu.memory_space<semaphore_mem>>) {add = true}
        %scan3A_155 = arith.constant 0 : i32
        scf.yield %scan3A_155 : i32
      }
      %scan3A_44 = arith.constant 3 : i32
      %dma_wait3A = arith.constant 0 : i32
      %dma_wait3A_45 = arith.constant 0 : i32
      %dma_wait3A_46 = arith.constant 0 : i32
      %dma_wait3A_47 = tpu.memref_slice %arg16[%dma_wait3A, %dma_wait3A_46] : memref<2x96xf32, #tpu.memory_space<vmem>> -> memref<1x96xf32, #tpu.memory_space<vmem>>
      %dma_wait3A_48 = tpu.memref_squeeze %dma_wait3A_47 : memref<1x96xf32, #tpu.memory_space<vmem>> -> memref<96xf32, #tpu.memory_space<vmem>>
      %dma_wait3A_49 = arith.constant 0 : i32
      %dma_wait3A_50 = tpu.memref_slice %arg18[%dma_wait3A_45, %dma_wait3A_49] : memref<2x96xi32, #tpu.memory_space<vmem>> -> memref<1x96xi32, #tpu.memory_space<vmem>>
      %dma_wait3A_51 = tpu.memref_squeeze %dma_wait3A_50 : memref<1x96xi32, #tpu.memory_space<vmem>> -> memref<96xi32, #tpu.memory_space<vmem>>
      %dma_wait3A_52 = arith.constant 0 : i32
      %dma_wait3A_53 = tpu.memref_slice %arg24[%dma_wait3A_52] : memref<20480xf32, #tpu.memory_space<vmem_shared>> -> memref<20480xf32, #tpu.memory_space<vmem_shared>>
      tpu.wait_indirect_dma semaphore(%arg32 : memref<!tpu.dma_semaphore, #tpu.memory_space<semaphore_mem>>) src(%dma_wait3A_48 : memref<96xf32, #tpu.memory_space<vmem>>) dst(%dma_wait3A_53 : memref<20480xf32, #tpu.memory_space<vmem_shared>>)
      %dma_wait3A_54 = arith.constant 1 : i32
      %dma_wait3A_55 = arith.constant 1 : i32
      %dma_wait3A_56 = arith.constant 0 : i32
      %dma_wait3A_57 = tpu.memref_slice %arg16[%dma_wait3A_54, %dma_wait3A_56] : memref<2x96xf32, #tpu.memory_space<vmem>> -> memref<1x96xf32, #tpu.memory_space<vmem>>
      %dma_wait3A_58 = tpu.memref_squeeze %dma_wait3A_57 : memref<1x96xf32, #tpu.memory_space<vmem>> -> memref<96xf32, #tpu.memory_space<vmem>>
      %dma_wait3A_59 = arith.constant 0 : i32
      %dma_wait3A_60 = tpu.memref_slice %arg18[%dma_wait3A_55, %dma_wait3A_59] : memref<2x96xi32, #tpu.memory_space<vmem>> -> memref<1x96xi32, #tpu.memory_space<vmem>>
      %dma_wait3A_61 = tpu.memref_squeeze %dma_wait3A_60 : memref<1x96xi32, #tpu.memory_space<vmem>> -> memref<96xi32, #tpu.memory_space<vmem>>
      %dma_wait3A_62 = arith.constant 0 : i32
      %dma_wait3A_63 = tpu.memref_slice %arg24[%dma_wait3A_62] : memref<20480xf32, #tpu.memory_space<vmem_shared>> -> memref<20480xf32, #tpu.memory_space<vmem_shared>>
      tpu.wait_indirect_dma semaphore(%arg32 : memref<!tpu.dma_semaphore, #tpu.memory_space<semaphore_mem>>) src(%dma_wait3A_58 : memref<96xf32, #tpu.memory_space<vmem>>) dst(%dma_wait3A_63 : memref<20480xf32, #tpu.memory_space<vmem_shared>>)
      %dma_wait3A_64 = arith.constant 0 : i32
      %dma_wait3A_65 = arith.constant 0 : i32
      %dma_wait3A_66 = arith.constant 0 : i32
      %dma_wait3A_67 = tpu.memref_slice %arg17[%dma_wait3A_64, %dma_wait3A_66] : memref<2x96xf32, #tpu.memory_space<vmem>> -> memref<1x96xf32, #tpu.memory_space<vmem>>
      %dma_wait3A_68 = tpu.memref_squeeze %dma_wait3A_67 : memref<1x96xf32, #tpu.memory_space<vmem>> -> memref<96xf32, #tpu.memory_space<vmem>>
      %dma_wait3A_69 = arith.constant 0 : i32
      %dma_wait3A_70 = tpu.memref_slice %arg19[%dma_wait3A_65, %dma_wait3A_69] : memref<2x96xi32, #tpu.memory_space<vmem>> -> memref<1x96xi32, #tpu.memory_space<vmem>>
      %dma_wait3A_71 = tpu.memref_squeeze %dma_wait3A_70 : memref<1x96xi32, #tpu.memory_space<vmem>> -> memref<96xi32, #tpu.memory_space<vmem>>
      %dma_wait3A_72 = arith.constant 0 : i32
      %dma_wait3A_73 = tpu.memref_slice %arg24[%dma_wait3A_72] : memref<20480xf32, #tpu.memory_space<vmem_shared>> -> memref<20480xf32, #tpu.memory_space<vmem_shared>>
      tpu.wait_indirect_dma semaphore(%arg33 : memref<!tpu.dma_semaphore, #tpu.memory_space<semaphore_mem>>) src(%dma_wait3A_68 : memref<96xf32, #tpu.memory_space<vmem>>) dst(%dma_wait3A_73 : memref<20480xf32, #tpu.memory_space<vmem_shared>>)
      %dma_wait3A_74 = arith.constant 1 : i32
      %dma_wait3A_75 = arith.constant 1 : i32
      %dma_wait3A_76 = arith.constant 0 : i32
      %dma_wait3A_77 = tpu.memref_slice %arg17[%dma_wait3A_74, %dma_wait3A_76] : memref<2x96xf32, #tpu.memory_space<vmem>> -> memref<1x96xf32, #tpu.memory_space<vmem>>
      %dma_wait3A_78 = tpu.memref_squeeze %dma_wait3A_77 : memref<1x96xf32, #tpu.memory_space<vmem>> -> memref<96xf32, #tpu.memory_space<vmem>>
      %dma_wait3A_79 = arith.constant 0 : i32
      %dma_wait3A_80 = tpu.memref_slice %arg19[%dma_wait3A_75, %dma_wait3A_79] : memref<2x96xi32, #tpu.memory_space<vmem>> -> memref<1x96xi32, #tpu.memory_space<vmem>>
      %dma_wait3A_81 = tpu.memref_squeeze %dma_wait3A_80 : memref<1x96xi32, #tpu.memory_space<vmem>> -> memref<96xi32, #tpu.memory_space<vmem>>
      %dma_wait3A_82 = arith.constant 0 : i32
      %dma_wait3A_83 = tpu.memref_slice %arg24[%dma_wait3A_82] : memref<20480xf32, #tpu.memory_space<vmem_shared>> -> memref<20480xf32, #tpu.memory_space<vmem_shared>>
      tpu.wait_indirect_dma semaphore(%arg33 : memref<!tpu.dma_semaphore, #tpu.memory_space<semaphore_mem>>) src(%dma_wait3A_78 : memref<96xf32, #tpu.memory_space<vmem>>) dst(%dma_wait3A_83 : memref<20480xf32, #tpu.memory_space<vmem_shared>>)
      %scan3A_84 = arith.constant 0 : i32
      scf.yield %scan3A_84 : i32
    }
    %scan3A_23 = arith.constant 36 : i32
    %barrier3A_24 = arith.constant 0 : index
    tpu.barrier barrier_id(%barrier3A_24)
    "tpu.region"() ({
      %run_scoped3A = tpu.sem_alloc : memref<!tpu.dma_semaphore, #tpu.memory_space<semaphore_mem>>
      tpu.enqueue_dma source(%arg24 : memref<20480xf32, #tpu.memory_space<vmem_shared>>) target(%arg11 : memref<20480xf32, #tpu.memory_space<vmem>>) target_semaphore(%run_scoped3A : memref<!tpu.dma_semaphore, #tpu.memory_space<semaphore_mem>>)
      tpu.wait_dma2 semaphore(%run_scoped3A : memref<!tpu.dma_semaphore, #tpu.memory_space<semaphore_mem>>) src(%arg24 : memref<20480xf32, #tpu.memory_space<vmem_shared>>) dst(%arg11 : memref<20480xf32, #tpu.memory_space<vmem>>)
      tpu.yield
    }) : () -> ()
    %scan3A_25 = arith.constant 0 : i32
    %scan3A_26 = arith.constant 0 : i32
    %scan3A_27 = arith.constant 4 : i32
    %scan3A_28 = arith.addi %scan3A_26, %scan3A_27 : i32
    %scan3A_29 = arith.constant 1 : i32
    %scan3A_30 = scf.for %scan3A_32 = %scan3A_26 to %scan3A_28 step %scan3A_29 iter_args(%scan3A_33 = %scan3A_25) -> (i32)  : i32 {
      %jit3A = arith.constant 2 : i32
      %div3A = arith.divsi %scan3A_32, %jit3A : i32
      %sign3A = arith.constant 0 : i32
      %sign3A_34 = arith.cmpi sgt, %scan3A_32, %sign3A : i32
      %sign3A_35 = arith.extui %sign3A_34 : i1 to i32
      %sign3A_36 = arith.constant 0 : i32
      %sign3A_37 = arith.cmpi slt, %scan3A_32, %sign3A_36 : i32
      %sign3A_38 = arith.extui %sign3A_37 : i1 to i32
      %sign3A_39 = arith.subi %sign3A_35, %sign3A_38 : i32
      %sign3A_40 = arith.constant 0 : i32
      %sign3A_41 = arith.cmpi sgt, %jit3A, %sign3A_40 : i32
      %sign3A_42 = arith.extui %sign3A_41 : i1 to i32
      %sign3A_43 = arith.constant 0 : i32
      %sign3A_44 = arith.cmpi slt, %jit3A, %sign3A_43 : i32
      %sign3A_45 = arith.extui %sign3A_44 : i1 to i32
      %sign3A_46 = arith.subi %sign3A_42, %sign3A_45 : i32
      %ne3A = arith.cmpi ne, %sign3A_39, %sign3A_46 : i32
      %rem3A = arith.remsi %scan3A_32, %jit3A : i32
      %ne3A_47 = arith.constant 0 : i32
      %ne3A_48 = arith.cmpi ne, %rem3A, %ne3A_47 : i32
      %and3A = arith.andi %ne3A, %ne3A_48 : i1
      %sub3A = arith.constant 1 : i32
      %sub3A_49 = arith.subi %div3A, %sub3A : i32
      %select_n3A = arith.select %and3A, %sub3A_49, %div3A : i32
      %mul3A_50 = arith.constant 2 : i32
      %mul3A_51 = arith.muli %mul3A_50, %select_n3A : i32
      %sub3A_52 = arith.subi %scan3A_32, %mul3A_51 : i32
      %mul3A_53 = arith.constant 4 : i32
      %mul3A_54 = arith.muli %sub3A_52, %mul3A_53 : i32
      %mul3A_55 = arith.constant 2 : i32
      %mul3A_56 = arith.muli %mul3A_55, %arg0 : i32
      %add3A_57 = arith.addi %mul3A_54, %mul3A_56 : i32
      %add3A_58 = arith.addi %add3A_57, %select_n3A : i32
      %mul3A_59 = arith.constant 10240 : i32
      %mul3A_60 = arith.muli %add3A_58, %mul3A_59 : i32
      %scan3A_61 = arith.constant 0 : i32
      %scan3A_62 = arith.constant 0 : i32
      %scan3A_63 = arith.constant 96 : i32
      %scan3A_64 = arith.addi %scan3A_62, %scan3A_63 : i32
      %scan3A_65 = arith.constant 1 : i32
      %scan3A_66 = scf.for %scan3A_112 = %scan3A_62 to %scan3A_64 step %scan3A_65 iter_args(%scan3A_113 = %scan3A_61) -> (i32)  : i32 {
        %swap3A = arith.index_cast %scan3A_112 : i32 to index
        %swap3A_114 = arith.constant 0 : index
        %swap3A_115 = tpu.vector_load %arg12[%swap3A, %swap3A_114] {strides = array<i32>} : memref<96x64xf32, #tpu.memory_space<vmem>>, vector<16xf32>,
        tpu.vector_store %arg12[%swap3A, %swap3A_114], %broadcast_in_dim3A_8 {strides = array<i32>} : memref<96x64xf32, #tpu.memory_space<vmem>>, vector<16xf32>,
        %swap3A_116 = arith.index_cast %scan3A_112 : i32 to index
        %swap3A_117 = arith.constant 16 : index
        %swap3A_118 = tpu.vector_load %arg12[%swap3A_116, %swap3A_117] {strides = array<i32>} : memref<96x64xf32, #tpu.memory_space<vmem>>, vector<16xf32>,
        tpu.vector_store %arg12[%swap3A_116, %swap3A_117], %broadcast_in_dim3A_8 {strides = array<i32>} : memref<96x64xf32, #tpu.memory_space<vmem>>, vector<16xf32>,
        %swap3A_119 = arith.index_cast %scan3A_112 : i32 to index
        %swap3A_120 = arith.constant 32 : index
        %swap3A_121 = tpu.vector_load %arg12[%swap3A_119, %swap3A_120] {strides = array<i32>} : memref<96x64xf32, #tpu.memory_space<vmem>>, vector<16xf32>,
        tpu.vector_store %arg12[%swap3A_119, %swap3A_120], %broadcast_in_dim3A_8 {strides = array<i32>} : memref<96x64xf32, #tpu.memory_space<vmem>>, vector<16xf32>,
        %swap3A_122 = arith.index_cast %scan3A_112 : i32 to index
        %swap3A_123 = arith.constant 48 : index
        %swap3A_124 = tpu.vector_load %arg12[%swap3A_122, %swap3A_123] {strides = array<i32>} : memref<96x64xf32, #tpu.memory_space<vmem>>, vector<16xf32>,
        tpu.vector_store %arg12[%swap3A_122, %swap3A_123], %broadcast_in_dim3A_8 {strides = array<i32>} : memref<96x64xf32, #tpu.memory_space<vmem>>, vector<16xf32>,
        %scan3A_125 = arith.constant 0 : i32
        scf.yield %scan3A_125 : i32
      }
      %scan3A_67 = arith.constant 96 : i32
      %mul3A_68 = arith.constant 640 : i32
      %mul3A_69 = arith.muli %arg1, %mul3A_68 : i32
      %add3A_70 = arith.constant 0 : i32
      %add3A_71 = arith.addi %mul3A_69, %add3A_70 : i32
      "tpu.region"() ({
        %run_scoped3A = tpu.sem_alloc : memref<!tpu.dma_semaphore, #tpu.memory_space<semaphore_mem>>
        %dma_start3A = arith.constant 0 : i32
        %dma_start3A_112 = tpu.memref_slice %arg25[%add3A_71, %dma_start3A] : memref<10240x64xf32, #tpu.memory_space<vmem_shared>> -> memref<96x64xf32, #tpu.memory_space<vmem_shared>>
        %dma_start3A_113 = arith.constant 0 : i32
        %dma_start3A_114 = tpu.memref_slice %arg25[%add3A_71, %dma_start3A_113] : memref<10240x64xf32, #tpu.memory_space<vmem_shared>> -> memref<96x64xf32, #tpu.memory_space<vmem_shared>>
        tpu.enqueue_dma source(%arg12 : memref<96x64xf32, #tpu.memory_space<vmem>>) target(%dma_start3A_114 : memref<96x64xf32, #tpu.memory_space<vmem_shared>>) target_semaphore(%run_scoped3A : memref<!tpu.dma_semaphore, #tpu.memory_space<semaphore_mem>>)
        %dma_wait3A = arith.constant 0 : i32
        %dma_wait3A_115 = tpu.memref_slice %arg25[%add3A_71, %dma_wait3A] : memref<10240x64xf32, #tpu.memory_space<vmem_shared>> -> memref<96x64xf32, #tpu.memory_space<vmem_shared>>
        %dma_wait3A_116 = arith.constant 0 : i32
        %dma_wait3A_117 = tpu.memref_slice %arg25[%add3A_71, %dma_wait3A_116] : memref<10240x64xf32, #tpu.memory_space<vmem_shared>> -> memref<96x64xf32, #tpu.memory_space<vmem_shared>>
        tpu.wait_dma2 semaphore(%run_scoped3A : memref<!tpu.dma_semaphore, #tpu.memory_space<semaphore_mem>>) src(%arg12 : memref<96x64xf32, #tpu.memory_space<vmem>>) dst(%dma_wait3A_117 : memref<96x64xf32, #tpu.memory_space<vmem_shared>>)
        tpu.yield
      }) : () -> ()
      %mul3A_72 = arith.constant 640 : i32
      %mul3A_73 = arith.muli %arg1, %mul3A_72 : i32
      %add3A_74 = arith.constant 96 : i32
      %add3A_75 = arith.addi %mul3A_73, %add3A_74 : i32
      "tpu.region"() ({
        %run_scoped3A = tpu.sem_alloc : memref<!tpu.dma_semaphore, #tpu.memory_space<semaphore_mem>>
        %dma_start3A = arith.constant 0 : i32
        %dma_start3A_112 = tpu.memref_slice %arg25[%add3A_75, %dma_start3A] : memref<10240x64xf32, #tpu.memory_space<vmem_shared>> -> memref<96x64xf32, #tpu.memory_space<vmem_shared>>
        %dma_start3A_113 = arith.constant 0 : i32
        %dma_start3A_114 = tpu.memref_slice %arg25[%add3A_75, %dma_start3A_113] : memref<10240x64xf32, #tpu.memory_space<vmem_shared>> -> memref<96x64xf32, #tpu.memory_space<vmem_shared>>
        tpu.enqueue_dma source(%arg12 : memref<96x64xf32, #tpu.memory_space<vmem>>) target(%dma_start3A_114 : memref<96x64xf32, #tpu.memory_space<vmem_shared>>) target_semaphore(%run_scoped3A : memref<!tpu.dma_semaphore, #tpu.memory_space<semaphore_mem>>)
        %dma_wait3A = arith.constant 0 : i32
        %dma_wait3A_115 = tpu.memref_slice %arg25[%add3A_75, %dma_wait3A] : memref<10240x64xf32, #tpu.memory_space<vmem_shared>> -> memref<96x64xf32, #tpu.memory_space<vmem_shared>>
        %dma_wait3A_116 = arith.constant 0 : i32
        %dma_wait3A_117 = tpu.memref_slice %arg25[%add3A_75, %dma_wait3A_116] : memref<10240x64xf32, #tpu.memory_space<vmem_shared>> -> memref<96x64xf32, #tpu.memory_space<vmem_shared>>
        tpu.wait_dma2 semaphore(%run_scoped3A : memref<!tpu.dma_semaphore, #tpu.memory_space<semaphore_mem>>) src(%arg12 : memref<96x64xf32, #tpu.memory_space<vmem>>) dst(%dma_wait3A_117 : memref<96x64xf32, #tpu.memory_space<vmem_shared>>)
        tpu.yield
      }) : () -> ()
      %mul3A_76 = arith.constant 640 : i32
      %mul3A_77 = arith.muli %arg1, %mul3A_76 : i32
      %add3A_78 = arith.constant 192 : i32
      %add3A_79 = arith.addi %mul3A_77, %add3A_78 : i32
      "tpu.region"() ({
        %run_scoped3A = tpu.sem_alloc : memref<!tpu.dma_semaphore, #tpu.memory_space<semaphore_mem>>
        %dma_start3A = arith.constant 0 : i32
        %dma_start3A_112 = tpu.memref_slice %arg25[%add3A_79, %dma_start3A] : memref<10240x64xf32, #tpu.memory_space<vmem_shared>> -> memref<96x64xf32, #tpu.memory_space<vmem_shared>>
        %dma_start3A_113 = arith.constant 0 : i32
        %dma_start3A_114 = tpu.memref_slice %arg25[%add3A_79, %dma_start3A_113] : memref<10240x64xf32, #tpu.memory_space<vmem_shared>> -> memref<96x64xf32, #tpu.memory_space<vmem_shared>>
        tpu.enqueue_dma source(%arg12 : memref<96x64xf32, #tpu.memory_space<vmem>>) target(%dma_start3A_114 : memref<96x64xf32, #tpu.memory_space<vmem_shared>>) target_semaphore(%run_scoped3A : memref<!tpu.dma_semaphore, #tpu.memory_space<semaphore_mem>>)
        %dma_wait3A = arith.constant 0 : i32
        %dma_wait3A_115 = tpu.memref_slice %arg25[%add3A_79, %dma_wait3A] : memref<10240x64xf32, #tpu.memory_space<vmem_shared>> -> memref<96x64xf32, #tpu.memory_space<vmem_shared>>
        %dma_wait3A_116 = arith.constant 0 : i32
        %dma_wait3A_117 = tpu.memref_slice %arg25[%add3A_79, %dma_wait3A_116] : memref<10240x64xf32, #tpu.memory_space<vmem_shared>> -> memref<96x64xf32, #tpu.memory_space<vmem_shared>>
        tpu.wait_dma2 semaphore(%run_scoped3A : memref<!tpu.dma_semaphore, #tpu.memory_space<semaphore_mem>>) src(%arg12 : memref<96x64xf32, #tpu.memory_space<vmem>>) dst(%dma_wait3A_117 : memref<96x64xf32, #tpu.memory_space<vmem_shared>>)
        tpu.yield
      }) : () -> ()
      %mul3A_80 = arith.constant 640 : i32
      %mul3A_81 = arith.muli %arg1, %mul3A_80 : i32
      %add3A_82 = arith.constant 288 : i32
      %add3A_83 = arith.addi %mul3A_81, %add3A_82 : i32
      "tpu.region"() ({
        %run_scoped3A = tpu.sem_alloc : memref<!tpu.dma_semaphore, #tpu.memory_space<semaphore_mem>>
        %dma_start3A = arith.constant 0 : i32
        %dma_start3A_112 = tpu.memref_slice %arg25[%add3A_83, %dma_start3A] : memref<10240x64xf32, #tpu.memory_space<vmem_shared>> -> memref<96x64xf32, #tpu.memory_space<vmem_shared>>
        %dma_start3A_113 = arith.constant 0 : i32
        %dma_start3A_114 = tpu.memref_slice %arg25[%add3A_83, %dma_start3A_113] : memref<10240x64xf32, #tpu.memory_space<vmem_shared>> -> memref<96x64xf32, #tpu.memory_space<vmem_shared>>
        tpu.enqueue_dma source(%arg12 : memref<96x64xf32, #tpu.memory_space<vmem>>) target(%dma_start3A_114 : memref<96x64xf32, #tpu.memory_space<vmem_shared>>) target_semaphore(%run_scoped3A : memref<!tpu.dma_semaphore, #tpu.memory_space<semaphore_mem>>)
        %dma_wait3A = arith.constant 0 : i32
        %dma_wait3A_115 = tpu.memref_slice %arg25[%add3A_83, %dma_wait3A] : memref<10240x64xf32, #tpu.memory_space<vmem_shared>> -> memref<96x64xf32, #tpu.memory_space<vmem_shared>>
        %dma_wait3A_116 = arith.constant 0 : i32
        %dma_wait3A_117 = tpu.memref_slice %arg25[%add3A_83, %dma_wait3A_116] : memref<10240x64xf32, #tpu.memory_space<vmem_shared>> -> memref<96x64xf32, #tpu.memory_space<vmem_shared>>
        tpu.wait_dma2 semaphore(%run_scoped3A : memref<!tpu.dma_semaphore, #tpu.memory_space<semaphore_mem>>) src(%arg12 : memref<96x64xf32, #tpu.memory_space<vmem>>) dst(%dma_wait3A_117 : memref<96x64xf32, #tpu.memory_space<vmem_shared>>)
        tpu.yield
      }) : () -> ()
      %mul3A_84 = arith.constant 640 : i32
      %mul3A_85 = arith.muli %arg1, %mul3A_84 : i32
      %add3A_86 = arith.constant 384 : i32
      %add3A_87 = arith.addi %mul3A_85, %add3A_86 : i32
      "tpu.region"() ({
        %run_scoped3A = tpu.sem_alloc : memref<!tpu.dma_semaphore, #tpu.memory_space<semaphore_mem>>
        %dma_start3A = arith.constant 0 : i32
        %dma_start3A_112 = tpu.memref_slice %arg25[%add3A_87, %dma_start3A] : memref<10240x64xf32, #tpu.memory_space<vmem_shared>> -> memref<96x64xf32, #tpu.memory_space<vmem_shared>>
        %dma_start3A_113 = arith.constant 0 : i32
        %dma_start3A_114 = tpu.memref_slice %arg25[%add3A_87, %dma_start3A_113] : memref<10240x64xf32, #tpu.memory_space<vmem_shared>> -> memref<96x64xf32, #tpu.memory_space<vmem_shared>>
        tpu.enqueue_dma source(%arg12 : memref<96x64xf32, #tpu.memory_space<vmem>>) target(%dma_start3A_114 : memref<96x64xf32, #tpu.memory_space<vmem_shared>>) target_semaphore(%run_scoped3A : memref<!tpu.dma_semaphore, #tpu.memory_space<semaphore_mem>>)
        %dma_wait3A = arith.constant 0 : i32
        %dma_wait3A_115 = tpu.memref_slice %arg25[%add3A_87, %dma_wait3A] : memref<10240x64xf32, #tpu.memory_space<vmem_shared>> -> memref<96x64xf32, #tpu.memory_space<vmem_shared>>
        %dma_wait3A_116 = arith.constant 0 : i32
        %dma_wait3A_117 = tpu.memref_slice %arg25[%add3A_87, %dma_wait3A_116] : memref<10240x64xf32, #tpu.memory_space<vmem_shared>> -> memref<96x64xf32, #tpu.memory_space<vmem_shared>>
        tpu.wait_dma2 semaphore(%run_scoped3A : memref<!tpu.dma_semaphore, #tpu.memory_space<semaphore_mem>>) src(%arg12 : memref<96x64xf32, #tpu.memory_space<vmem>>) dst(%dma_wait3A_117 : memref<96x64xf32, #tpu.memory_space<vmem_shared>>)
        tpu.yield
      }) : () -> ()
      %mul3A_88 = arith.constant 640 : i32
      %mul3A_89 = arith.muli %arg1, %mul3A_88 : i32
      %add3A_90 = arith.constant 480 : i32
      %add3A_91 = arith.addi %mul3A_89, %add3A_90 : i32
      "tpu.region"() ({
        %run_scoped3A = tpu.sem_alloc : memref<!tpu.dma_semaphore, #tpu.memory_space<semaphore_mem>>
        %dma_start3A = arith.constant 0 : i32
        %dma_start3A_112 = tpu.memref_slice %arg25[%add3A_91, %dma_start3A] : memref<10240x64xf32, #tpu.memory_space<vmem_shared>> -> memref<96x64xf32, #tpu.memory_space<vmem_shared>>
        %dma_start3A_113 = arith.constant 0 : i32
        %dma_start3A_114 = tpu.memref_slice %arg25[%add3A_91, %dma_start3A_113] : memref<10240x64xf32, #tpu.memory_space<vmem_shared>> -> memref<96x64xf32, #tpu.memory_space<vmem_shared>>
        tpu.enqueue_dma source(%arg12 : memref<96x64xf32, #tpu.memory_space<vmem>>) target(%dma_start3A_114 : memref<96x64xf32, #tpu.memory_space<vmem_shared>>) target_semaphore(%run_scoped3A : memref<!tpu.dma_semaphore, #tpu.memory_space<semaphore_mem>>)
        %dma_wait3A = arith.constant 0 : i32
        %dma_wait3A_115 = tpu.memref_slice %arg25[%add3A_91, %dma_wait3A] : memref<10240x64xf32, #tpu.memory_space<vmem_shared>> -> memref<96x64xf32, #tpu.memory_space<vmem_shared>>
        %dma_wait3A_116 = arith.constant 0 : i32
        %dma_wait3A_117 = tpu.memref_slice %arg25[%add3A_91, %dma_wait3A_116] : memref<10240x64xf32, #tpu.memory_space<vmem_shared>> -> memref<96x64xf32, #tpu.memory_space<vmem_shared>>
        tpu.wait_dma2 semaphore(%run_scoped3A : memref<!tpu.dma_semaphore, #tpu.memory_space<semaphore_mem>>) src(%arg12 : memref<96x64xf32, #tpu.memory_space<vmem>>) dst(%dma_wait3A_117 : memref<96x64xf32, #tpu.memory_space<vmem_shared>>)
        tpu.yield
      }) : () -> ()
      %mul3A_92 = arith.constant 640 : i32
      %mul3A_93 = arith.muli %arg1, %mul3A_92 : i32
      %add3A_94 = arith.constant 576 : i32
      %add3A_95 = arith.addi %mul3A_93, %add3A_94 : i32
      "tpu.region"() ({
        %run_scoped3A = tpu.sem_alloc : memref<!tpu.dma_semaphore, #tpu.memory_space<semaphore_mem>>
        %dma_start3A = arith.constant 0 : i32
        %dma_start3A_112 = arith.constant 0 : i32
        %dma_start3A_113 = tpu.memref_slice %arg12[%dma_start3A, %dma_start3A_112] : memref<96x64xf32, #tpu.memory_space<vmem>> -> memref<64x64xf32, #tpu.memory_space<vmem>>
        %dma_start3A_114 = arith.constant 0 : i32
        %dma_start3A_115 = tpu.memref_slice %arg25[%add3A_95, %dma_start3A_114] : memref<10240x64xf32, #tpu.memory_space<vmem_shared>> -> memref<64x64xf32, #tpu.memory_space<vmem_shared>>
        %dma_start3A_116 = arith.constant 0 : i32
        %dma_start3A_117 = tpu.memref_slice %arg25[%add3A_95, %dma_start3A_116] : memref<10240x64xf32, #tpu.memory_space<vmem_shared>> -> memref<64x64xf32, #tpu.memory_space<vmem_shared>>
        %dma_start3A_118 = arith.constant 0 : i32
        %dma_start3A_119 = arith.constant 0 : i32
        %dma_start3A_120 = tpu.memref_slice %arg12[%dma_start3A_118, %dma_start3A_119] : memref<96x64xf32, #tpu.memory_space<vmem>> -> memref<64x64xf32, #tpu.memory_space<vmem>>
        tpu.enqueue_dma source(%dma_start3A_120 : memref<64x64xf32, #tpu.memory_space<vmem>>) target(%dma_start3A_117 : memref<64x64xf32, #tpu.memory_space<vmem_shared>>) target_semaphore(%run_scoped3A : memref<!tpu.dma_semaphore, #tpu.memory_space<semaphore_mem>>)
        %dma_wait3A = arith.constant 0 : i32
        %dma_wait3A_121 = arith.constant 0 : i32
        %dma_wait3A_122 = tpu.memref_slice %arg12[%dma_wait3A, %dma_wait3A_121] : memref<96x64xf32, #tpu.memory_space<vmem>> -> memref<64x64xf32, #tpu.memory_space<vmem>>
        %dma_wait3A_123 = arith.constant 0 : i32
        %dma_wait3A_124 = tpu.memref_slice %arg25[%add3A_95, %dma_wait3A_123] : memref<10240x64xf32, #tpu.memory_space<vmem_shared>> -> memref<64x64xf32, #tpu.memory_space<vmem_shared>>
        %dma_wait3A_125 = arith.constant 0 : i32
        %dma_wait3A_126 = tpu.memref_slice %arg25[%add3A_95, %dma_wait3A_125] : memref<10240x64xf32, #tpu.memory_space<vmem_shared>> -> memref<64x64xf32, #tpu.memory_space<vmem_shared>>
        %dma_wait3A_127 = arith.constant 0 : i32
        %dma_wait3A_128 = arith.constant 0 : i32
        %dma_wait3A_129 = tpu.memref_slice %arg12[%dma_wait3A_127, %dma_wait3A_128] : memref<96x64xf32, #tpu.memory_space<vmem>> -> memref<64x64xf32, #tpu.memory_space<vmem>>
        tpu.wait_dma2 semaphore(%run_scoped3A : memref<!tpu.dma_semaphore, #tpu.memory_space<semaphore_mem>>) src(%dma_wait3A_129 : memref<64x64xf32, #tpu.memory_space<vmem>>) dst(%dma_wait3A_126 : memref<64x64xf32, #tpu.memory_space<vmem_shared>>)
        tpu.yield
      }) : () -> ()
      %barrier3A_96 = arith.constant 0 : index
      tpu.barrier barrier_id(%barrier3A_96)
      %scan3A_97 = arith.constant 0 : i32
      %scan3A_98 = arith.constant 0 : i32
      %scan3A_99 = arith.constant 36 : i32
      %scan3A_100 = arith.addi %scan3A_98, %scan3A_99 : i32
      %scan3A_101 = arith.constant 1 : i32
      %scan3A_102 = scf.for %scan3A_112 = %scan3A_98 to %scan3A_100 step %scan3A_101 iter_args(%scan3A_113 = %scan3A_97) -> (i32)  : i32 {
        %mul3A_114 = arith.constant 6 : i32
        %mul3A_115 = arith.muli %scan3A_112, %mul3A_114 : i32
        "tpu.region"() ({
          %run_scoped3A = tpu.sem_alloc : memref<!tpu.dma_semaphore, #tpu.memory_space<semaphore_mem>>
          %dma_start3A_165 = arith.constant 0 : i32
          %dma_start3A_166 = tpu.memref_slice %arg4[%arg1, %mul3A_115, %dma_start3A_165] : memref<16x216x96xi32, #tpu.memory_space<hbm>> -> memref<1x6x96xi32, #tpu.memory_space<hbm>>
          %dma_start3A_167 = tpu.memref_squeeze %dma_start3A_166 : memref<1x6x96xi32, #tpu.memory_space<hbm>> -> memref<6x96xi32, #tpu.memory_space<hbm>>
          %dma_start3A_168 = arith.constant 0 : i32
          %dma_start3A_169 = tpu.memref_slice %arg4[%arg1, %mul3A_115, %dma_start3A_168] : memref<16x216x96xi32, #tpu.memory_space<hbm>> -> memref<1x6x96xi32, #tpu.memory_space<hbm>>
          %dma_start3A_170 = tpu.memref_squeeze %dma_start3A_169 : memref<1x6x96xi32, #tpu.memory_space<hbm>> -> memref<6x96xi32, #tpu.memory_space<hbm>>
          tpu.enqueue_dma source(%dma_start3A_170 : memref<6x96xi32, #tpu.memory_space<hbm>>) target(%arg7 : memref<6x96xi32, #tpu.memory_space<vmem>>) target_semaphore(%run_scoped3A : memref<!tpu.dma_semaphore, #tpu.memory_space<semaphore_mem>>)
          %dma_wait3A_171 = arith.constant 0 : i32
          %dma_wait3A_172 = tpu.memref_slice %arg4[%arg1, %mul3A_115, %dma_wait3A_171] : memref<16x216x96xi32, #tpu.memory_space<hbm>> -> memref<1x6x96xi32, #tpu.memory_space<hbm>>
          %dma_wait3A_173 = tpu.memref_squeeze %dma_wait3A_172 : memref<1x6x96xi32, #tpu.memory_space<hbm>> -> memref<6x96xi32, #tpu.memory_space<hbm>>
          %dma_wait3A_174 = arith.constant 0 : i32
          %dma_wait3A_175 = tpu.memref_slice %arg4[%arg1, %mul3A_115, %dma_wait3A_174] : memref<16x216x96xi32, #tpu.memory_space<hbm>> -> memref<1x6x96xi32, #tpu.memory_space<hbm>>
          %dma_wait3A_176 = tpu.memref_squeeze %dma_wait3A_175 : memref<1x6x96xi32, #tpu.memory_space<hbm>> -> memref<6x96xi32, #tpu.memory_space<hbm>>
          tpu.wait_dma2 semaphore(%run_scoped3A : memref<!tpu.dma_semaphore, #tpu.memory_space<semaphore_mem>>) src(%dma_wait3A_176 : memref<6x96xi32, #tpu.memory_space<hbm>>) dst(%arg7 : memref<6x96xi32, #tpu.memory_space<vmem>>)
          tpu.yield
        }) : () -> ()
        %mul3A_116 = arith.constant 6 : i32
        %mul3A_117 = arith.muli %scan3A_112, %mul3A_116 : i32
        "tpu.region"() ({
          %run_scoped3A = tpu.sem_alloc : memref<!tpu.dma_semaphore, #tpu.memory_space<semaphore_mem>>
          %dma_start3A_165 = arith.constant 0 : i32
          %dma_start3A_166 = tpu.memref_slice %arg5[%arg1, %mul3A_117, %dma_start3A_165] : memref<16x216x96xi32, #tpu.memory_space<hbm>> -> memref<1x6x96xi32, #tpu.memory_space<hbm>>
          %dma_start3A_167 = tpu.memref_squeeze %dma_start3A_166 : memref<1x6x96xi32, #tpu.memory_space<hbm>> -> memref<6x96xi32, #tpu.memory_space<hbm>>
          %dma_start3A_168 = arith.constant 0 : i32
          %dma_start3A_169 = tpu.memref_slice %arg5[%arg1, %mul3A_117, %dma_start3A_168] : memref<16x216x96xi32, #tpu.memory_space<hbm>> -> memref<1x6x96xi32, #tpu.memory_space<hbm>>
          %dma_start3A_170 = tpu.memref_squeeze %dma_start3A_169 : memref<1x6x96xi32, #tpu.memory_space<hbm>> -> memref<6x96xi32, #tpu.memory_space<hbm>>
          tpu.enqueue_dma source(%dma_start3A_170 : memref<6x96xi32, #tpu.memory_space<hbm>>) target(%arg8 : memref<6x96xi32, #tpu.memory_space<vmem>>) target_semaphore(%run_scoped3A : memref<!tpu.dma_semaphore, #tpu.memory_space<semaphore_mem>>)
          %dma_wait3A_171 = arith.constant 0 : i32
          %dma_wait3A_172 = tpu.memref_slice %arg5[%arg1, %mul3A_117, %dma_wait3A_171] : memref<16x216x96xi32, #tpu.memory_space<hbm>> -> memref<1x6x96xi32, #tpu.memory_space<hbm>>
          %dma_wait3A_173 = tpu.memref_squeeze %dma_wait3A_172 : memref<1x6x96xi32, #tpu.memory_space<hbm>> -> memref<6x96xi32, #tpu.memory_space<hbm>>
          %dma_wait3A_174 = arith.constant 0 : i32
          %dma_wait3A_175 = tpu.memref_slice %arg5[%arg1, %mul3A_117, %dma_wait3A_174] : memref<16x216x96xi32, #tpu.memory_space<hbm>> -> memref<1x6x96xi32, #tpu.memory_space<hbm>>
          %dma_wait3A_176 = tpu.memref_squeeze %dma_wait3A_175 : memref<1x6x96xi32, #tpu.memory_space<hbm>> -> memref<6x96xi32, #tpu.memory_space<hbm>>
          tpu.wait_dma2 semaphore(%run_scoped3A : memref<!tpu.dma_semaphore, #tpu.memory_space<semaphore_mem>>) src(%dma_wait3A_176 : memref<6x96xi32, #tpu.memory_space<hbm>>) dst(%arg8 : memref<6x96xi32, #tpu.memory_space<vmem>>)
          tpu.yield
        }) : () -> ()
        %scan3A_118 = arith.constant 0 : i32
        %scan3A_119 = arith.constant 0 : i32
        %scan3A_120 = arith.constant 6 : i32
        %scan3A_121 = arith.addi %scan3A_119, %scan3A_120 : i32
        %scan3A_122 = arith.constant 1 : i32
        %scan3A_123 = scf.for %scan3A_165 = %scan3A_119 to %scan3A_121 step %scan3A_122 iter_args(%scan3A_166 = %scan3A_118) -> (i32)  : i32 {
          %mul3A_167 = arith.constant 16 : i32
          %mul3A_168 = arith.muli %scan3A_165, %mul3A_167 : i32
          %get3A = arith.constant 0 : i32
          %get3A_169 = arith.index_cast %get3A : i32 to index
          %get3A_170 = arith.index_cast %mul3A_168 : i32 to index
          %get3A_171 = tpu.vector_load %arg7[%get3A_169, %get3A_170] {strides = array<i32>} : memref<6x96xi32, #tpu.memory_space<vmem>>, vector<16xi32>,
          %add3A_172 = vector.broadcast %mul3A_60 : i32 to vector<16xi32>
          %add3A_173 = arith.addi %get3A_171, %add3A_172 : vector<16xi32>
          %mul3A_174 = arith.constant 16 : i32
          %mul3A_175 = arith.muli %scan3A_165, %mul3A_174 : i32
          %swap3A = arith.index_cast %mul3A_175 : i32 to index
          %swap3A_176 = tpu.vector_load %arg20[%swap3A] {strides = array<i32>} : memref<96xi32, #tpu.memory_space<vmem>>, vector<16xi32>,
          tpu.vector_store %arg20[%swap3A], %add3A_173 {strides = array<i32>} : memref<96xi32, #tpu.memory_space<vmem>>, vector<16xi32>,
          %scan3A_177 = arith.constant 0 : i32
          scf.yield %scan3A_177 : i32
        }
        %scan3A_124 = arith.constant 6 : i32
        %dma_start3A = arith.constant 0 : i32
        %dma_start3A_125 = arith.constant 0 : i32
        %dma_start3A_126 = tpu.memref_slice %arg2[%dma_start3A, %dma_start3A_125] : memref<81920x64xf32, #tpu.memory_space<hbm>> -> memref<81920x64xf32, #tpu.memory_space<hbm>>
        tpu.enqueue_indirect_dma source(%dma_start3A_126 : memref<81920x64xf32, #tpu.memory_space<hbm>>) target(%arg12 : memref<96x64xf32, #tpu.memory_space<vmem>>) offsets(%arg20 : memref<96xi32, #tpu.memory_space<vmem>>) semaphore(%arg26 : memref<!tpu.dma_semaphore, #tpu.memory_space<semaphore_mem>>)
        %scan3A_127 = arith.constant 0 : i32
        %scan3A_128 = arith.constant 0 : i32
        %scan3A_129 = arith.constant 6 : i32
        %scan3A_130 = arith.addi %scan3A_128, %scan3A_129 : i32
        %scan3A_131 = arith.constant 1 : i32
        %scan3A_132 = scf.for %scan3A_165 = %scan3A_128 to %scan3A_130 step %scan3A_131 iter_args(%scan3A_166 = %scan3A_127) -> (i32)  : i32 {
          %mul3A_167 = arith.constant 16 : i32
          %mul3A_168 = arith.muli %scan3A_165, %mul3A_167 : i32
          %get3A = arith.constant 1 : i32
          %get3A_169 = arith.index_cast %get3A : i32 to index
          %get3A_170 = arith.index_cast %mul3A_168 : i32 to index
          %get3A_171 = tpu.vector_load %arg7[%get3A_169, %get3A_170] {strides = array<i32>} : memref<6x96xi32, #tpu.memory_space<vmem>>, vector<16xi32>,
          %add3A_172 = vector.broadcast %mul3A_60 : i32 to vector<16xi32>
          %add3A_173 = arith.addi %get3A_171, %add3A_172 : vector<16xi32>
          %mul3A_174 = arith.constant 16 : i32
          %mul3A_175 = arith.muli %scan3A_165, %mul3A_174 : i32
          %swap3A = arith.index_cast %mul3A_175 : i32 to index
          %swap3A_176 = tpu.vector_load %arg21[%swap3A] {strides = array<i32>} : memref<96xi32, #tpu.memory_space<vmem>>, vector<16xi32>,
          tpu.vector_store %arg21[%swap3A], %add3A_173 {strides = array<i32>} : memref<96xi32, #tpu.memory_space<vmem>>, vector<16xi32>,
          %scan3A_177 = arith.constant 0 : i32
          scf.yield %scan3A_177 : i32
        }
        %scan3A_133 = arith.constant 6 : i32
        %dma_start3A_134 = arith.constant 0 : i32
        %dma_start3A_135 = arith.constant 0 : i32
        %dma_start3A_136 = tpu.memref_slice %arg2[%dma_start3A_134, %dma_start3A_135] : memref<81920x64xf32, #tpu.memory_space<hbm>> -> memref<81920x64xf32, #tpu.memory_space<hbm>>
        tpu.enqueue_indirect_dma source(%dma_start3A_136 : memref<81920x64xf32, #tpu.memory_space<hbm>>) target(%arg13 : memref<96x64xf32, #tpu.memory_space<vmem>>) offsets(%arg21 : memref<96xi32, #tpu.memory_space<vmem>>) semaphore(%arg27 : memref<!tpu.dma_semaphore, #tpu.memory_space<semaphore_mem>>)
        %scan3A_137 = arith.constant 0 : i32
        %scan3A_138 = arith.constant 0 : i32
        %scan3A_139 = arith.constant 2 : i32
        %scan3A_140 = arith.addi %scan3A_138, %scan3A_139 : i32
        %scan3A_141 = arith.constant 1 : i32
        %scan3A_142 = scf.for %scan3A_165 = %scan3A_138 to %scan3A_140 step %scan3A_141 iter_args(%scan3A_166 = %scan3A_137) -> (i32)  : i32 {
          %mul3A_167 = arith.constant 3 : i32
          %mul3A_168 = arith.muli %mul3A_167, %scan3A_165 : i32
          %add3A_169 = arith.constant 0 : i32
          %add3A_170 = arith.addi %mul3A_168, %add3A_169 : i32
          %dma_wait3A_171 = arith.constant 0 : i32
          %dma_wait3A_172 = arith.constant 0 : i32
          %dma_wait3A_173 = tpu.memref_slice %arg2[%dma_wait3A_171, %dma_wait3A_172] : memref<81920x64xf32, #tpu.memory_space<hbm>> -> memref<81920x64xf32, #tpu.memory_space<hbm>>
          tpu.wait_indirect_dma semaphore(%arg26 : memref<!tpu.dma_semaphore, #tpu.memory_space<semaphore_mem>>) src(%dma_wait3A_173 : memref<81920x64xf32, #tpu.memory_space<hbm>>) dst(%arg12 : memref<96x64xf32, #tpu.memory_space<vmem>>)
          %add3A_174 = arith.constant 2 : i32
          %add3A_175 = arith.addi %add3A_170, %add3A_174 : i32
          %lt3A = arith.constant 6 : i32
          %lt3A_176 = arith.cmpi slt, %add3A_175, %lt3A : i32
          %convert_element_type3A = arith.extui %lt3A_176 : i1 to i32
          %cond3A = arith.constant 0 : i32
          %cond3A_177 = arith.cmpi ne, %convert_element_type3A, %cond3A : i32
          scf.if %cond3A_177 {
            %ge3A = arith.constant 1 : i32
            %ge3A_267 = arith.cmpi sge, %add3A_170, %ge3A : i32
            %convert_element_type3A_268 = arith.extui %ge3A_267 : i1 to i32
            %cond3A_269 = arith.constant 0 : i32
            %cond3A_270 = arith.cmpi ne, %convert_element_type3A_268, %cond3A_269 : i32
            scf.if %cond3A_270 {
              %sub3A_283 = arith.constant 1 : i32
              %sub3A_284 = arith.subi %add3A_170, %sub3A_283 : i32
              %dma_wait3A_285 = arith.constant 0 : i32
              %dma_wait3A_286 = tpu.memref_slice %arg8[%sub3A_284, %dma_wait3A_285] : memref<6x96xi32, #tpu.memory_space<vmem>> -> memref<1x96xi32, #tpu.memory_space<vmem>>
              %dma_wait3A_287 = tpu.memref_squeeze %dma_wait3A_286 : memref<1x96xi32, #tpu.memory_space<vmem>> -> memref<96xi32, #tpu.memory_space<vmem>>
              %dma_wait3A_288 = arith.constant 0 : i32
              %dma_wait3A_289 = arith.constant 0 : i32
              %dma_wait3A_290 = tpu.memref_slice %arg25[%dma_wait3A_288, %dma_wait3A_289] : memref<10240x64xf32, #tpu.memory_space<vmem_shared>> -> memref<10240x64xf32, #tpu.memory_space<vmem_shared>>
              tpu.wait_indirect_dma semaphore(%arg31 : memref<!tpu.dma_semaphore, #tpu.memory_space<semaphore_mem>>) src(%arg14 : memref<96x64xf32, #tpu.memory_space<vmem>>) dst(%dma_wait3A_290 : memref<10240x64xf32, #tpu.memory_space<vmem_shared>>)
            } else {
            }
            %add3A_271 = arith.constant 2 : i32
            %add3A_272 = arith.addi %add3A_170, %add3A_271 : i32
            %scan3A_273 = arith.constant 0 : i32
            %scan3A_274 = arith.constant 0 : i32
            %scan3A_275 = arith.constant 6 : i32
            %scan3A_276 = arith.addi %scan3A_274, %scan3A_275 : i32
            %scan3A_277 = arith.constant 1 : i32
            %scan3A_278 = scf.for %scan3A_283 = %scan3A_274 to %scan3A_276 step %scan3A_277 iter_args(%scan3A_284 = %scan3A_273) -> (i32)  : i32 {
              %mul3A_285 = arith.constant 16 : i32
              %mul3A_286 = arith.muli %scan3A_283, %mul3A_285 : i32
              %get3A = arith.index_cast %add3A_272 : i32 to index
              %get3A_287 = arith.index_cast %mul3A_286 : i32 to index
              %get3A_288 = tpu.vector_load %arg7[%get3A, %get3A_287] {strides = array<i32>} : memref<6x96xi32, #tpu.memory_space<vmem>>, vector<16xi32>,
              %add3A_289 = vector.broadcast %mul3A_60 : i32 to vector<16xi32>
              %add3A_290 = arith.addi %get3A_288, %add3A_289 : vector<16xi32>
              %mul3A_291 = arith.constant 16 : i32
              %mul3A_292 = arith.muli %scan3A_283, %mul3A_291 : i32
              %swap3A = arith.index_cast %mul3A_292 : i32 to index
              %swap3A_293 = tpu.vector_load %arg22[%swap3A] {strides = array<i32>} : memref<96xi32, #tpu.memory_space<vmem>>, vector<16xi32>,
              tpu.vector_store %arg22[%swap3A], %add3A_290 {strides = array<i32>} : memref<96xi32, #tpu.memory_space<vmem>>, vector<16xi32>,
              %scan3A_294 = arith.constant 0 : i32
              scf.yield %scan3A_294 : i32
            }
            %scan3A_279 = arith.constant 6 : i32
            %dma_start3A_280 = arith.constant 0 : i32
            %dma_start3A_281 = arith.constant 0 : i32
            %dma_start3A_282 = tpu.memref_slice %arg2[%dma_start3A_280, %dma_start3A_281] : memref<81920x64xf32, #tpu.memory_space<hbm>> -> memref<81920x64xf32, #tpu.memory_space<hbm>>
            tpu.enqueue_indirect_dma source(%dma_start3A_282 : memref<81920x64xf32, #tpu.memory_space<hbm>>) target(%arg14 : memref<96x64xf32, #tpu.memory_space<vmem>>) offsets(%arg22 : memref<96xi32, #tpu.memory_space<vmem>>) semaphore(%arg28 : memref<!tpu.dma_semaphore, #tpu.memory_space<semaphore_mem>>)
          } else {
          }
          %scan3A_178 = arith.constant 0 : i32
          %scan3A_179 = arith.constant 0 : i32
          %scan3A_180 = arith.constant 6 : i32
          %scan3A_181 = arith.addi %scan3A_179, %scan3A_180 : i32
          %scan3A_182 = arith.constant 1 : i32
          %scan3A_183 = scf.for %scan3A_267 = %scan3A_179 to %scan3A_181 step %scan3A_182 iter_args(%scan3A_268 = %scan3A_178) -> (i32)  : i32 {
            %mul3A_269 = arith.constant 16 : i32
            %mul3A_270 = arith.muli %scan3A_267, %mul3A_269 : i32
            %get3A = arith.index_cast %add3A_170 : i32 to index
            %get3A_271 = arith.index_cast %mul3A_270 : i32 to index
            %get3A_272 = tpu.vector_load %arg7[%get3A, %get3A_271] {strides = array<i32>} : memref<6x96xi32, #tpu.memory_space<vmem>>, vector<16xi32>,
            %mul3A_273 = arith.constant 16 : i32
            %mul3A_274 = arith.muli %scan3A_267, %mul3A_273 : i32
            %get3A_275 = arith.index_cast %add3A_170 : i32 to index
            %get3A_276 = arith.index_cast %mul3A_274 : i32 to index
            %get3A_277 = tpu.vector_load %arg8[%get3A_275, %get3A_276] {strides = array<i32>} : memref<6x96xi32, #tpu.memory_space<vmem>>, vector<16xi32>,
            %mul3A_278 = arith.constant 10240 : i32
            %mul3A_279 = arith.muli %select_n3A, %mul3A_278 : i32
            %add3A_280 = vector.broadcast %mul3A_279 : i32 to vector<16xi32>
            %add3A_281 = arith.addi %get3A_272, %add3A_280 : vector<16xi32>
            %gather3A = tpu.vector_load_idx %arg9[%add3A_281] : memref<20480xf32, #tpu.memory_space<vmem>>[vector<16xi32>], vector<16xf32>,
            %mul3A_282 = arith.constant 10240 : i32
            %mul3A_283 = arith.muli %select_n3A, %mul3A_282 : i32
            %add3A_284 = vector.broadcast %mul3A_283 : i32 to vector<16xi32>
            %add3A_285 = arith.addi %get3A_277, %add3A_284 : vector<16xi32>
            %gather3A_286 = tpu.vector_load_idx %arg10[%add3A_285] : memref<20480xf32, #tpu.memory_space<vmem>>[vector<16xi32>], vector<16xf32>,
            %add3A_287 = arith.addf %gather3A, %gather3A_286 : vector<16xf32>
            %ge3A = arith.constant 0.000000e+00 : f32
            %ge3A_288 = vector.broadcast %ge3A : f32 to vector<16xf32>
            %ge3A_289 = arith.cmpf oge, %add3A_287, %ge3A_288 : vector<16xf32>
            %mul3A_290 = arith.constant 2.000000e-01 : f32
            %mul3A_291 = vector.broadcast %mul3A_290 : f32 to vector<16xf32>
            %mul3A_292 = arith.mulf %mul3A_291, %add3A_287 : vector<16xf32>
            %select_n3A_293 = arith.select %ge3A_289, %add3A_287, %mul3A_292 : vector<16xi1>, vector<16xf32>
            %exp3A = math.exp %select_n3A_293 : vector<16xf32>
            %mul3A_294 = arith.constant 10240 : i32
            %mul3A_295 = arith.muli %select_n3A, %mul3A_294 : i32
            %add3A_296 = vector.broadcast %mul3A_295 : i32 to vector<16xi32>
            %add3A_297 = arith.addi %get3A_277, %add3A_296 : vector<16xi32>
            %gather3A_298 = tpu.vector_load_idx %arg11[%add3A_297] : memref<20480xf32, #tpu.memory_space<vmem>>[vector<16xi32>], vector<16xf32>,
            %div3A_299 = arith.divf %exp3A, %gather3A_298 : vector<16xf32>
            %mul3A_300 = arith.constant 16 : i32
            %mul3A_301 = arith.muli %scan3A_267, %mul3A_300 : i32
            %swap3A = arith.index_cast %mul3A_301 : i32 to index
            %swap3A_302 = tpu.vector_load %arg23[%swap3A] {strides = array<i32>} : memref<96xf32, #tpu.memory_space<vmem>>, vector<16xf32>,
            tpu.vector_store %arg23[%swap3A], %div3A_299 {strides = array<i32>} : memref<96xf32, #tpu.memory_space<vmem>>, vector<16xf32>,
            %scan3A_303 = arith.constant 0 : i32
            scf.yield %scan3A_303 : i32
          }
          %scan3A_184 = arith.constant 6 : i32
          %scan3A_185 = arith.constant 0 : i32
          %scan3A_186 = arith.constant 0 : i32
          %scan3A_187 = arith.constant 96 : i32
          %scan3A_188 = arith.addi %scan3A_186, %scan3A_187 : i32
          %scan3A_189 = arith.constant 1 : i32
          %scan3A_190 = scf.for %scan3A_267 = %scan3A_186 to %scan3A_188 step %scan3A_189 iter_args(%scan3A_268 = %scan3A_185) -> (i32)  : i32 {
            %broadcast_in_dim3A_269 = vector.broadcast %scan3A_267 : i32 to vector<16xi32>
            %gather3A = tpu.vector_load_idx %arg23[%broadcast_in_dim3A_269] : memref<96xf32, #tpu.memory_space<vmem>>[vector<16xi32>], vector<16xf32>,
            %get3A = arith.index_cast %scan3A_267 : i32 to index
            %get3A_270 = arith.constant 0 : index
            %get3A_271 = tpu.vector_load %arg12[%get3A, %get3A_270] {strides = array<i32>} : memref<96x64xf32, #tpu.memory_space<vmem>>, vector<16xf32>,
            %mul3A_272 = arith.mulf %get3A_271, %gather3A : vector<16xf32>
            %swap3A = arith.index_cast %scan3A_267 : i32 to index
            %swap3A_273 = arith.constant 0 : index
            %swap3A_274 = tpu.vector_load %arg12[%swap3A, %swap3A_273] {strides = array<i32>} : memref<96x64xf32, #tpu.memory_space<vmem>>, vector<16xf32>,
            tpu.vector_store %arg12[%swap3A, %swap3A_273], %mul3A_272 {strides = array<i32>} : memref<96x64xf32, #tpu.memory_space<vmem>>, vector<16xf32>,
            %get3A_275 = arith.index_cast %scan3A_267 : i32 to index
            %get3A_276 = arith.constant 16 : index
            %get3A_277 = tpu.vector_load %arg12[%get3A_275, %get3A_276] {strides = array<i32>} : memref<96x64xf32, #tpu.memory_space<vmem>>, vector<16xf32>,
            %mul3A_278 = arith.mulf %get3A_277, %gather3A : vector<16xf32>
            %swap3A_279 = arith.index_cast %scan3A_267 : i32 to index
            %swap3A_280 = arith.constant 16 : index
            %swap3A_281 = tpu.vector_load %arg12[%swap3A_279, %swap3A_280] {strides = array<i32>} : memref<96x64xf32, #tpu.memory_space<vmem>>, vector<16xf32>,
            tpu.vector_store %arg12[%swap3A_279, %swap3A_280], %mul3A_278 {strides = array<i32>} : memref<96x64xf32, #tpu.memory_space<vmem>>, vector<16xf32>,
            %get3A_282 = arith.index_cast %scan3A_267 : i32 to index
            %get3A_283 = arith.constant 32 : index
            %get3A_284 = tpu.vector_load %arg12[%get3A_282, %get3A_283] {strides = array<i32>} : memref<96x64xf32, #tpu.memory_space<vmem>>, vector<16xf32>,
            %mul3A_285 = arith.mulf %get3A_284, %gather3A : vector<16xf32>
            %swap3A_286 = arith.index_cast %scan3A_267 : i32 to index
            %swap3A_287 = arith.constant 32 : index
            %swap3A_288 = tpu.vector_load %arg12[%swap3A_286, %swap3A_287] {strides = array<i32>} : memref<96x64xf32, #tpu.memory_space<vmem>>, vector<16xf32>,
            tpu.vector_store %arg12[%swap3A_286, %swap3A_287], %mul3A_285 {strides = array<i32>} : memref<96x64xf32, #tpu.memory_space<vmem>>, vector<16xf32>,
            %get3A_289 = arith.index_cast %scan3A_267 : i32 to index
            %get3A_290 = arith.constant 48 : index
            %get3A_291 = tpu.vector_load %arg12[%get3A_289, %get3A_290] {strides = array<i32>} : memref<96x64xf32, #tpu.memory_space<vmem>>, vector<16xf32>,
            %mul3A_292 = arith.mulf %get3A_291, %gather3A : vector<16xf32>
            %swap3A_293 = arith.index_cast %scan3A_267 : i32 to index
            %swap3A_294 = arith.constant 48 : index
            %swap3A_295 = tpu.vector_load %arg12[%swap3A_293, %swap3A_294] {strides = array<i32>} : memref<96x64xf32, #tpu.memory_space<vmem>>, vector<16xf32>,
            tpu.vector_store %arg12[%swap3A_293, %swap3A_294], %mul3A_292 {strides = array<i32>} : memref<96x64xf32, #tpu.memory_space<vmem>>, vector<16xf32>,
            %scan3A_296 = arith.constant 0 : i32
            scf.yield %scan3A_296 : i32
          }
          %scan3A_191 = arith.constant 96 : i32
          %dma_start3A_192 = arith.constant 0 : i32
          %dma_start3A_193 = tpu.memref_slice %arg8[%add3A_170, %dma_start3A_192] : memref<6x96xi32, #tpu.memory_space<vmem>> -> memref<1x96xi32, #tpu.memory_space<vmem>>
          %dma_start3A_194 = tpu.memref_squeeze %dma_start3A_193 : memref<1x96xi32, #tpu.memory_space<vmem>> -> memref<96xi32, #tpu.memory_space<vmem>>
          %dma_start3A_195 = arith.constant 0 : i32
          %dma_start3A_196 = arith.constant 0 : i32
          %dma_start3A_197 = tpu.memref_slice %arg25[%dma_start3A_195, %dma_start3A_196] : memref<10240x64xf32, #tpu.memory_space<vmem_shared>> -> memref<10240x64xf32, #tpu.memory_space<vmem_shared>>
          tpu.enqueue_indirect_dma source(%arg12 : memref<96x64xf32, #tpu.memory_space<vmem>>) target(%dma_start3A_197 : memref<10240x64xf32, #tpu.memory_space<vmem_shared>>) offsets(%dma_start3A_194 : memref<96xi32, #tpu.memory_space<vmem>>) semaphore(%arg29 : memref<!tpu.dma_semaphore, #tpu.memory_space<semaphore_mem>>) {add = true}
          %mul3A_198 = arith.constant 3 : i32
          %mul3A_199 = arith.muli %mul3A_198, %scan3A_165 : i32
          %add3A_200 = arith.constant 1 : i32
          %add3A_201 = arith.addi %mul3A_199, %add3A_200 : i32
          %dma_wait3A_202 = arith.constant 0 : i32
          %dma_wait3A_203 = arith.constant 0 : i32
          %dma_wait3A_204 = tpu.memref_slice %arg2[%dma_wait3A_202, %dma_wait3A_203] : memref<81920x64xf32, #tpu.memory_space<hbm>> -> memref<81920x64xf32, #tpu.memory_space<hbm>>
          tpu.wait_indirect_dma semaphore(%arg27 : memref<!tpu.dma_semaphore, #tpu.memory_space<semaphore_mem>>) src(%dma_wait3A_204 : memref<81920x64xf32, #tpu.memory_space<hbm>>) dst(%arg13 : memref<96x64xf32, #tpu.memory_space<vmem>>)
          %add3A_205 = arith.constant 2 : i32
          %add3A_206 = arith.addi %add3A_201, %add3A_205 : i32
          %lt3A_207 = arith.constant 6 : i32
          %lt3A_208 = arith.cmpi slt, %add3A_206, %lt3A_207 : i32
          %convert_element_type3A_209 = arith.extui %lt3A_208 : i1 to i32
          %cond3A_210 = arith.constant 0 : i32
          %cond3A_211 = arith.cmpi ne, %convert_element_type3A_209, %cond3A_210 : i32
          scf.if %cond3A_211 {
            %ge3A = arith.constant 1 : i32
            %ge3A_267 = arith.cmpi sge, %add3A_201, %ge3A : i32
            %convert_element_type3A_268 = arith.extui %ge3A_267 : i1 to i32
            %cond3A_269 = arith.constant 0 : i32
            %cond3A_270 = arith.cmpi ne, %convert_element_type3A_268, %cond3A_269 : i32
            scf.if %cond3A_270 {
              %sub3A_283 = arith.constant 1 : i32
              %sub3A_284 = arith.subi %add3A_201, %sub3A_283 : i32
              %dma_wait3A_285 = arith.constant 0 : i32
              %dma_wait3A_286 = tpu.memref_slice %arg8[%sub3A_284, %dma_wait3A_285] : memref<6x96xi32, #tpu.memory_space<vmem>> -> memref<1x96xi32, #tpu.memory_space<vmem>>
              %dma_wait3A_287 = tpu.memref_squeeze %dma_wait3A_286 : memref<1x96xi32, #tpu.memory_space<vmem>> -> memref<96xi32, #tpu.memory_space<vmem>>
              %dma_wait3A_288 = arith.constant 0 : i32
              %dma_wait3A_289 = arith.constant 0 : i32
              %dma_wait3A_290 = tpu.memref_slice %arg25[%dma_wait3A_288, %dma_wait3A_289] : memref<10240x64xf32, #tpu.memory_space<vmem_shared>> -> memref<10240x64xf32, #tpu.memory_space<vmem_shared>>
              tpu.wait_indirect_dma semaphore(%arg29 : memref<!tpu.dma_semaphore, #tpu.memory_space<semaphore_mem>>) src(%arg12 : memref<96x64xf32, #tpu.memory_space<vmem>>) dst(%dma_wait3A_290 : memref<10240x64xf32, #tpu.memory_space<vmem_shared>>)
            } else {
            }
            %add3A_271 = arith.constant 2 : i32
            %add3A_272 = arith.addi %add3A_201, %add3A_271 : i32
            %scan3A_273 = arith.constant 0 : i32
            %scan3A_274 = arith.constant 0 : i32
            %scan3A_275 = arith.constant 6 : i32
            %scan3A_276 = arith.addi %scan3A_274, %scan3A_275 : i32
            %scan3A_277 = arith.constant 1 : i32
            %scan3A_278 = scf.for %scan3A_283 = %scan3A_274 to %scan3A_276 step %scan3A_277 iter_args(%scan3A_284 = %scan3A_273) -> (i32)  : i32 {
              %mul3A_285 = arith.constant 16 : i32
              %mul3A_286 = arith.muli %scan3A_283, %mul3A_285 : i32
              %get3A = arith.index_cast %add3A_272 : i32 to index
              %get3A_287 = arith.index_cast %mul3A_286 : i32 to index
              %get3A_288 = tpu.vector_load %arg7[%get3A, %get3A_287] {strides = array<i32>} : memref<6x96xi32, #tpu.memory_space<vmem>>, vector<16xi32>,
              %add3A_289 = vector.broadcast %mul3A_60 : i32 to vector<16xi32>
              %add3A_290 = arith.addi %get3A_288, %add3A_289 : vector<16xi32>
              %mul3A_291 = arith.constant 16 : i32
              %mul3A_292 = arith.muli %scan3A_283, %mul3A_291 : i32
              %swap3A = arith.index_cast %mul3A_292 : i32 to index
              %swap3A_293 = tpu.vector_load %arg20[%swap3A] {strides = array<i32>} : memref<96xi32, #tpu.memory_space<vmem>>, vector<16xi32>,
              tpu.vector_store %arg20[%swap3A], %add3A_290 {strides = array<i32>} : memref<96xi32, #tpu.memory_space<vmem>>, vector<16xi32>,
              %scan3A_294 = arith.constant 0 : i32
              scf.yield %scan3A_294 : i32
            }
            %scan3A_279 = arith.constant 6 : i32
            %dma_start3A_280 = arith.constant 0 : i32
            %dma_start3A_281 = arith.constant 0 : i32
            %dma_start3A_282 = tpu.memref_slice %arg2[%dma_start3A_280, %dma_start3A_281] : memref<81920x64xf32, #tpu.memory_space<hbm>> -> memref<81920x64xf32, #tpu.memory_space<hbm>>
            tpu.enqueue_indirect_dma source(%dma_start3A_282 : memref<81920x64xf32, #tpu.memory_space<hbm>>) target(%arg12 : memref<96x64xf32, #tpu.memory_space<vmem>>) offsets(%arg20 : memref<96xi32, #tpu.memory_space<vmem>>) semaphore(%arg26 : memref<!tpu.dma_semaphore, #tpu.memory_space<semaphore_mem>>)
          } else {
          }
          %scan3A_212 = arith.constant 0 : i32
          %scan3A_213 = arith.constant 0 : i32
          %scan3A_214 = arith.constant 6 : i32
          %scan3A_215 = arith.addi %scan3A_213, %scan3A_214 : i32
          %scan3A_216 = arith.constant 1 : i32
          %scan3A_217 = scf.for %scan3A_267 = %scan3A_213 to %scan3A_215 step %scan3A_216 iter_args(%scan3A_268 = %scan3A_212) -> (i32)  : i32 {
            %mul3A_269 = arith.constant 16 : i32
            %mul3A_270 = arith.muli %scan3A_267, %mul3A_269 : i32
            %get3A = arith.index_cast %add3A_201 : i32 to index
            %get3A_271 = arith.index_cast %mul3A_270 : i32 to index
            %get3A_272 = tpu.vector_load %arg7[%get3A, %get3A_271] {strides = array<i32>} : memref<6x96xi32, #tpu.memory_space<vmem>>, vector<16xi32>,
            %mul3A_273 = arith.constant 16 : i32
            %mul3A_274 = arith.muli %scan3A_267, %mul3A_273 : i32
            %get3A_275 = arith.index_cast %add3A_201 : i32 to index
            %get3A_276 = arith.index_cast %mul3A_274 : i32 to index
            %get3A_277 = tpu.vector_load %arg8[%get3A_275, %get3A_276] {strides = array<i32>} : memref<6x96xi32, #tpu.memory_space<vmem>>, vector<16xi32>,
            %mul3A_278 = arith.constant 10240 : i32
            %mul3A_279 = arith.muli %select_n3A, %mul3A_278 : i32
            %add3A_280 = vector.broadcast %mul3A_279 : i32 to vector<16xi32>
            %add3A_281 = arith.addi %get3A_272, %add3A_280 : vector<16xi32>
            %gather3A = tpu.vector_load_idx %arg9[%add3A_281] : memref<20480xf32, #tpu.memory_space<vmem>>[vector<16xi32>], vector<16xf32>,
            %mul3A_282 = arith.constant 10240 : i32
            %mul3A_283 = arith.muli %select_n3A, %mul3A_282 : i32
            %add3A_284 = vector.broadcast %mul3A_283 : i32 to vector<16xi32>
            %add3A_285 = arith.addi %get3A_277, %add3A_284 : vector<16xi32>
            %gather3A_286 = tpu.vector_load_idx %arg10[%add3A_285] : memref<20480xf32, #tpu.memory_space<vmem>>[vector<16xi32>], vector<16xf32>,
            %add3A_287 = arith.addf %gather3A, %gather3A_286 : vector<16xf32>
            %ge3A = arith.constant 0.000000e+00 : f32
            %ge3A_288 = vector.broadcast %ge3A : f32 to vector<16xf32>
            %ge3A_289 = arith.cmpf oge, %add3A_287, %ge3A_288 : vector<16xf32>
            %mul3A_290 = arith.constant 2.000000e-01 : f32
            %mul3A_291 = vector.broadcast %mul3A_290 : f32 to vector<16xf32>
            %mul3A_292 = arith.mulf %mul3A_291, %add3A_287 : vector<16xf32>
            %select_n3A_293 = arith.select %ge3A_289, %add3A_287, %mul3A_292 : vector<16xi1>, vector<16xf32>
            %exp3A = math.exp %select_n3A_293 : vector<16xf32>
            %mul3A_294 = arith.constant 10240 : i32
            %mul3A_295 = arith.muli %select_n3A, %mul3A_294 : i32
            %add3A_296 = vector.broadcast %mul3A_295 : i32 to vector<16xi32>
            %add3A_297 = arith.addi %get3A_277, %add3A_296 : vector<16xi32>
            %gather3A_298 = tpu.vector_load_idx %arg11[%add3A_297] : memref<20480xf32, #tpu.memory_space<vmem>>[vector<16xi32>], vector<16xf32>,
            %div3A_299 = arith.divf %exp3A, %gather3A_298 : vector<16xf32>
            %mul3A_300 = arith.constant 16 : i32
            %mul3A_301 = arith.muli %scan3A_267, %mul3A_300 : i32
            %swap3A = arith.index_cast %mul3A_301 : i32 to index
            %swap3A_302 = tpu.vector_load %arg23[%swap3A] {strides = array<i32>} : memref<96xf32, #tpu.memory_space<vmem>>, vector<16xf32>,
            tpu.vector_store %arg23[%swap3A], %div3A_299 {strides = array<i32>} : memref<96xf32, #tpu.memory_space<vmem>>, vector<16xf32>,
            %scan3A_303 = arith.constant 0 : i32
            scf.yield %scan3A_303 : i32
          }
          %scan3A_218 = arith.constant 6 : i32
          %scan3A_219 = arith.constant 0 : i32
          %scan3A_220 = arith.constant 0 : i32
          %scan3A_221 = arith.constant 96 : i32
          %scan3A_222 = arith.addi %scan3A_220, %scan3A_221 : i32
          %scan3A_223 = arith.constant 1 : i32
          %scan3A_224 = scf.for %scan3A_267 = %scan3A_220 to %scan3A_222 step %scan3A_223 iter_args(%scan3A_268 = %scan3A_219) -> (i32)  : i32 {
            %broadcast_in_dim3A_269 = vector.broadcast %scan3A_267 : i32 to vector<16xi32>
            %gather3A = tpu.vector_load_idx %arg23[%broadcast_in_dim3A_269] : memref<96xf32, #tpu.memory_space<vmem>>[vector<16xi32>], vector<16xf32>,
            %get3A = arith.index_cast %scan3A_267 : i32 to index
            %get3A_270 = arith.constant 0 : index
            %get3A_271 = tpu.vector_load %arg13[%get3A, %get3A_270] {strides = array<i32>} : memref<96x64xf32, #tpu.memory_space<vmem>>, vector<16xf32>,
            %mul3A_272 = arith.mulf %get3A_271, %gather3A : vector<16xf32>
            %swap3A = arith.index_cast %scan3A_267 : i32 to index
            %swap3A_273 = arith.constant 0 : index
            %swap3A_274 = tpu.vector_load %arg13[%swap3A, %swap3A_273] {strides = array<i32>} : memref<96x64xf32, #tpu.memory_space<vmem>>, vector<16xf32>,
            tpu.vector_store %arg13[%swap3A, %swap3A_273], %mul3A_272 {strides = array<i32>} : memref<96x64xf32, #tpu.memory_space<vmem>>, vector<16xf32>,
            %get3A_275 = arith.index_cast %scan3A_267 : i32 to index
            %get3A_276 = arith.constant 16 : index
            %get3A_277 = tpu.vector_load %arg13[%get3A_275, %get3A_276] {strides = array<i32>} : memref<96x64xf32, #tpu.memory_space<vmem>>, vector<16xf32>,
            %mul3A_278 = arith.mulf %get3A_277, %gather3A : vector<16xf32>
            %swap3A_279 = arith.index_cast %scan3A_267 : i32 to index
            %swap3A_280 = arith.constant 16 : index
            %swap3A_281 = tpu.vector_load %arg13[%swap3A_279, %swap3A_280] {strides = array<i32>} : memref<96x64xf32, #tpu.memory_space<vmem>>, vector<16xf32>,
            tpu.vector_store %arg13[%swap3A_279, %swap3A_280], %mul3A_278 {strides = array<i32>} : memref<96x64xf32, #tpu.memory_space<vmem>>, vector<16xf32>,
            %get3A_282 = arith.index_cast %scan3A_267 : i32 to index
            %get3A_283 = arith.constant 32 : index
            %get3A_284 = tpu.vector_load %arg13[%get3A_282, %get3A_283] {strides = array<i32>} : memref<96x64xf32, #tpu.memory_space<vmem>>, vector<16xf32>,
            %mul3A_285 = arith.mulf %get3A_284, %gather3A : vector<16xf32>
            %swap3A_286 = arith.index_cast %scan3A_267 : i32 to index
            %swap3A_287 = arith.constant 32 : index
            %swap3A_288 = tpu.vector_load %arg13[%swap3A_286, %swap3A_287] {strides = array<i32>} : memref<96x64xf32, #tpu.memory_space<vmem>>, vector<16xf32>,
            tpu.vector_store %arg13[%swap3A_286, %swap3A_287], %mul3A_285 {strides = array<i32>} : memref<96x64xf32, #tpu.memory_space<vmem>>, vector<16xf32>,
            %get3A_289 = arith.index_cast %scan3A_267 : i32 to index
            %get3A_290 = arith.constant 48 : index
            %get3A_291 = tpu.vector_load %arg13[%get3A_289, %get3A_290] {strides = array<i32>} : memref<96x64xf32, #tpu.memory_space<vmem>>, vector<16xf32>,
            %mul3A_292 = arith.mulf %get3A_291, %gather3A : vector<16xf32>
            %swap3A_293 = arith.index_cast %scan3A_267 : i32 to index
            %swap3A_294 = arith.constant 48 : index
            %swap3A_295 = tpu.vector_load %arg13[%swap3A_293, %swap3A_294] {strides = array<i32>} : memref<96x64xf32, #tpu.memory_space<vmem>>, vector<16xf32>,
            tpu.vector_store %arg13[%swap3A_293, %swap3A_294], %mul3A_292 {strides = array<i32>} : memref<96x64xf32, #tpu.memory_space<vmem>>, vector<16xf32>,
            %scan3A_296 = arith.constant 0 : i32
            scf.yield %scan3A_296 : i32
          }
          %scan3A_225 = arith.constant 96 : i32
          %dma_start3A_226 = arith.constant 0 : i32
          %dma_start3A_227 = tpu.memref_slice %arg8[%add3A_201, %dma_start3A_226] : memref<6x96xi32, #tpu.memory_space<vmem>> -> memref<1x96xi32, #tpu.memory_space<vmem>>
          %dma_start3A_228 = tpu.memref_squeeze %dma_start3A_227 : memref<1x96xi32, #tpu.memory_space<vmem>> -> memref<96xi32, #tpu.memory_space<vmem>>
          %dma_start3A_229 = arith.constant 0 : i32
          %dma_start3A_230 = arith.constant 0 : i32
          %dma_start3A_231 = tpu.memref_slice %arg25[%dma_start3A_229, %dma_start3A_230] : memref<10240x64xf32, #tpu.memory_space<vmem_shared>> -> memref<10240x64xf32, #tpu.memory_space<vmem_shared>>
          tpu.enqueue_indirect_dma source(%arg13 : memref<96x64xf32, #tpu.memory_space<vmem>>) target(%dma_start3A_231 : memref<10240x64xf32, #tpu.memory_space<vmem_shared>>) offsets(%dma_start3A_228 : memref<96xi32, #tpu.memory_space<vmem>>) semaphore(%arg30 : memref<!tpu.dma_semaphore, #tpu.memory_space<semaphore_mem>>) {add = true}
          %mul3A_232 = arith.constant 3 : i32
          %mul3A_233 = arith.muli %mul3A_232, %scan3A_165 : i32
          %add3A_234 = arith.constant 2 : i32
          %add3A_235 = arith.addi %mul3A_233, %add3A_234 : i32
          %dma_wait3A_236 = arith.constant 0 : i32
          %dma_wait3A_237 = arith.constant 0 : i32
          %dma_wait3A_238 = tpu.memref_slice %arg2[%dma_wait3A_236, %dma_wait3A_237] : memref<81920x64xf32, #tpu.memory_space<hbm>> -> memref<81920x64xf32, #tpu.memory_space<hbm>>
          tpu.wait_indirect_dma semaphore(%arg28 : memref<!tpu.dma_semaphore, #tpu.memory_space<semaphore_mem>>) src(%dma_wait3A_238 : memref<81920x64xf32, #tpu.memory_space<hbm>>) dst(%arg14 : memref<96x64xf32, #tpu.memory_space<vmem>>)
          %add3A_239 = arith.constant 2 : i32
          %add3A_240 = arith.addi %add3A_235, %add3A_239 : i32
          %lt3A_241 = arith.constant 6 : i32
          %lt3A_242 = arith.cmpi slt, %add3A_240, %lt3A_241 : i32
          %convert_element_type3A_243 = arith.extui %lt3A_242 : i1 to i32
          %cond3A_244 = arith.constant 0 : i32
          %cond3A_245 = arith.cmpi ne, %convert_element_type3A_243, %cond3A_244 : i32
          scf.if %cond3A_245 {
            %ge3A = arith.constant 1 : i32
            %ge3A_267 = arith.cmpi sge, %add3A_235, %ge3A : i32
            %convert_element_type3A_268 = arith.extui %ge3A_267 : i1 to i32
            %cond3A_269 = arith.constant 0 : i32
            %cond3A_270 = arith.cmpi ne, %convert_element_type3A_268, %cond3A_269 : i32
            scf.if %cond3A_270 {
              %sub3A_283 = arith.constant 1 : i32
              %sub3A_284 = arith.subi %add3A_235, %sub3A_283 : i32
              %dma_wait3A_285 = arith.constant 0 : i32
              %dma_wait3A_286 = tpu.memref_slice %arg8[%sub3A_284, %dma_wait3A_285] : memref<6x96xi32, #tpu.memory_space<vmem>> -> memref<1x96xi32, #tpu.memory_space<vmem>>
              %dma_wait3A_287 = tpu.memref_squeeze %dma_wait3A_286 : memref<1x96xi32, #tpu.memory_space<vmem>> -> memref<96xi32, #tpu.memory_space<vmem>>
              %dma_wait3A_288 = arith.constant 0 : i32
              %dma_wait3A_289 = arith.constant 0 : i32
              %dma_wait3A_290 = tpu.memref_slice %arg25[%dma_wait3A_288, %dma_wait3A_289] : memref<10240x64xf32, #tpu.memory_space<vmem_shared>> -> memref<10240x64xf32, #tpu.memory_space<vmem_shared>>
              tpu.wait_indirect_dma semaphore(%arg30 : memref<!tpu.dma_semaphore, #tpu.memory_space<semaphore_mem>>) src(%arg13 : memref<96x64xf32, #tpu.memory_space<vmem>>) dst(%dma_wait3A_290 : memref<10240x64xf32, #tpu.memory_space<vmem_shared>>)
            } else {
            }
            %add3A_271 = arith.constant 2 : i32
            %add3A_272 = arith.addi %add3A_235, %add3A_271 : i32
            %scan3A_273 = arith.constant 0 : i32
            %scan3A_274 = arith.constant 0 : i32
            %scan3A_275 = arith.constant 6 : i32
            %scan3A_276 = arith.addi %scan3A_274, %scan3A_275 : i32
            %scan3A_277 = arith.constant 1 : i32
            %scan3A_278 = scf.for %scan3A_283 = %scan3A_274 to %scan3A_276 step %scan3A_277 iter_args(%scan3A_284 = %scan3A_273) -> (i32)  : i32 {
              %mul3A_285 = arith.constant 16 : i32
              %mul3A_286 = arith.muli %scan3A_283, %mul3A_285 : i32
              %get3A = arith.index_cast %add3A_272 : i32 to index
              %get3A_287 = arith.index_cast %mul3A_286 : i32 to index
              %get3A_288 = tpu.vector_load %arg7[%get3A, %get3A_287] {strides = array<i32>} : memref<6x96xi32, #tpu.memory_space<vmem>>, vector<16xi32>,
              %add3A_289 = vector.broadcast %mul3A_60 : i32 to vector<16xi32>
              %add3A_290 = arith.addi %get3A_288, %add3A_289 : vector<16xi32>
              %mul3A_291 = arith.constant 16 : i32
              %mul3A_292 = arith.muli %scan3A_283, %mul3A_291 : i32
              %swap3A = arith.index_cast %mul3A_292 : i32 to index
              %swap3A_293 = tpu.vector_load %arg21[%swap3A] {strides = array<i32>} : memref<96xi32, #tpu.memory_space<vmem>>, vector<16xi32>,
              tpu.vector_store %arg21[%swap3A], %add3A_290 {strides = array<i32>} : memref<96xi32, #tpu.memory_space<vmem>>, vector<16xi32>,
              %scan3A_294 = arith.constant 0 : i32
              scf.yield %scan3A_294 : i32
            }
            %scan3A_279 = arith.constant 6 : i32
            %dma_start3A_280 = arith.constant 0 : i32
            %dma_start3A_281 = arith.constant 0 : i32
            %dma_start3A_282 = tpu.memref_slice %arg2[%dma_start3A_280, %dma_start3A_281] : memref<81920x64xf32, #tpu.memory_space<hbm>> -> memref<81920x64xf32, #tpu.memory_space<hbm>>
            tpu.enqueue_indirect_dma source(%dma_start3A_282 : memref<81920x64xf32, #tpu.memory_space<hbm>>) target(%arg13 : memref<96x64xf32, #tpu.memory_space<vmem>>) offsets(%arg21 : memref<96xi32, #tpu.memory_space<vmem>>) semaphore(%arg27 : memref<!tpu.dma_semaphore, #tpu.memory_space<semaphore_mem>>)
          } else {
          }
          %scan3A_246 = arith.constant 0 : i32
          %scan3A_247 = arith.constant 0 : i32
          %scan3A_248 = arith.constant 6 : i32
          %scan3A_249 = arith.addi %scan3A_247, %scan3A_248 : i32
          %scan3A_250 = arith.constant 1 : i32
          %scan3A_251 = scf.for %scan3A_267 = %scan3A_247 to %scan3A_249 step %scan3A_250 iter_args(%scan3A_268 = %scan3A_246) -> (i32)  : i32 {
            %mul3A_269 = arith.constant 16 : i32
            %mul3A_270 = arith.muli %scan3A_267, %mul3A_269 : i32
            %get3A = arith.index_cast %add3A_235 : i32 to index
            %get3A_271 = arith.index_cast %mul3A_270 : i32 to index
            %get3A_272 = tpu.vector_load %arg7[%get3A, %get3A_271] {strides = array<i32>} : memref<6x96xi32, #tpu.memory_space<vmem>>, vector<16xi32>,
            %mul3A_273 = arith.constant 16 : i32
            %mul3A_274 = arith.muli %scan3A_267, %mul3A_273 : i32
            %get3A_275 = arith.index_cast %add3A_235 : i32 to index
            %get3A_276 = arith.index_cast %mul3A_274 : i32 to index
            %get3A_277 = tpu.vector_load %arg8[%get3A_275, %get3A_276] {strides = array<i32>} : memref<6x96xi32, #tpu.memory_space<vmem>>, vector<16xi32>,
            %mul3A_278 = arith.constant 10240 : i32
            %mul3A_279 = arith.muli %select_n3A, %mul3A_278 : i32
            %add3A_280 = vector.broadcast %mul3A_279 : i32 to vector<16xi32>
            %add3A_281 = arith.addi %get3A_272, %add3A_280 : vector<16xi32>
            %gather3A = tpu.vector_load_idx %arg9[%add3A_281] : memref<20480xf32, #tpu.memory_space<vmem>>[vector<16xi32>], vector<16xf32>,
            %mul3A_282 = arith.constant 10240 : i32
            %mul3A_283 = arith.muli %select_n3A, %mul3A_282 : i32
            %add3A_284 = vector.broadcast %mul3A_283 : i32 to vector<16xi32>
            %add3A_285 = arith.addi %get3A_277, %add3A_284 : vector<16xi32>
            %gather3A_286 = tpu.vector_load_idx %arg10[%add3A_285] : memref<20480xf32, #tpu.memory_space<vmem>>[vector<16xi32>], vector<16xf32>,
            %add3A_287 = arith.addf %gather3A, %gather3A_286 : vector<16xf32>
            %ge3A = arith.constant 0.000000e+00 : f32
            %ge3A_288 = vector.broadcast %ge3A : f32 to vector<16xf32>
            %ge3A_289 = arith.cmpf oge, %add3A_287, %ge3A_288 : vector<16xf32>
            %mul3A_290 = arith.constant 2.000000e-01 : f32
            %mul3A_291 = vector.broadcast %mul3A_290 : f32 to vector<16xf32>
            %mul3A_292 = arith.mulf %mul3A_291, %add3A_287 : vector<16xf32>
            %select_n3A_293 = arith.select %ge3A_289, %add3A_287, %mul3A_292 : vector<16xi1>, vector<16xf32>
            %exp3A = math.exp %select_n3A_293 : vector<16xf32>
            %mul3A_294 = arith.constant 10240 : i32
            %mul3A_295 = arith.muli %select_n3A, %mul3A_294 : i32
            %add3A_296 = vector.broadcast %mul3A_295 : i32 to vector<16xi32>
            %add3A_297 = arith.addi %get3A_277, %add3A_296 : vector<16xi32>
            %gather3A_298 = tpu.vector_load_idx %arg11[%add3A_297] : memref<20480xf32, #tpu.memory_space<vmem>>[vector<16xi32>], vector<16xf32>,
            %div3A_299 = arith.divf %exp3A, %gather3A_298 : vector<16xf32>
            %mul3A_300 = arith.constant 16 : i32
            %mul3A_301 = arith.muli %scan3A_267, %mul3A_300 : i32
            %swap3A = arith.index_cast %mul3A_301 : i32 to index
            %swap3A_302 = tpu.vector_load %arg23[%swap3A] {strides = array<i32>} : memref<96xf32, #tpu.memory_space<vmem>>, vector<16xf32>,
            tpu.vector_store %arg23[%swap3A], %div3A_299 {strides = array<i32>} : memref<96xf32, #tpu.memory_space<vmem>>, vector<16xf32>,
            %scan3A_303 = arith.constant 0 : i32
            scf.yield %scan3A_303 : i32
          }
          %scan3A_252 = arith.constant 6 : i32
          %scan3A_253 = arith.constant 0 : i32
          %scan3A_254 = arith.constant 0 : i32
          %scan3A_255 = arith.constant 96 : i32
          %scan3A_256 = arith.addi %scan3A_254, %scan3A_255 : i32
          %scan3A_257 = arith.constant 1 : i32
          %scan3A_258 = scf.for %scan3A_267 = %scan3A_254 to %scan3A_256 step %scan3A_257 iter_args(%scan3A_268 = %scan3A_253) -> (i32)  : i32 {
            %broadcast_in_dim3A_269 = vector.broadcast %scan3A_267 : i32 to vector<16xi32>
            %gather3A = tpu.vector_load_idx %arg23[%broadcast_in_dim3A_269] : memref<96xf32, #tpu.memory_space<vmem>>[vector<16xi32>], vector<16xf32>,
            %get3A = arith.index_cast %scan3A_267 : i32 to index
            %get3A_270 = arith.constant 0 : index
            %get3A_271 = tpu.vector_load %arg14[%get3A, %get3A_270] {strides = array<i32>} : memref<96x64xf32, #tpu.memory_space<vmem>>, vector<16xf32>,
            %mul3A_272 = arith.mulf %get3A_271, %gather3A : vector<16xf32>
            %swap3A = arith.index_cast %scan3A_267 : i32 to index
            %swap3A_273 = arith.constant 0 : index
            %swap3A_274 = tpu.vector_load %arg14[%swap3A, %swap3A_273] {strides = array<i32>} : memref<96x64xf32, #tpu.memory_space<vmem>>, vector<16xf32>,
            tpu.vector_store %arg14[%swap3A, %swap3A_273], %mul3A_272 {strides = array<i32>} : memref<96x64xf32, #tpu.memory_space<vmem>>, vector<16xf32>,
            %get3A_275 = arith.index_cast %scan3A_267 : i32 to index
            %get3A_276 = arith.constant 16 : index
            %get3A_277 = tpu.vector_load %arg14[%get3A_275, %get3A_276] {strides = array<i32>} : memref<96x64xf32, #tpu.memory_space<vmem>>, vector<16xf32>,
            %mul3A_278 = arith.mulf %get3A_277, %gather3A : vector<16xf32>
            %swap3A_279 = arith.index_cast %scan3A_267 : i32 to index
            %swap3A_280 = arith.constant 16 : index
            %swap3A_281 = tpu.vector_load %arg14[%swap3A_279, %swap3A_280] {strides = array<i32>} : memref<96x64xf32, #tpu.memory_space<vmem>>, vector<16xf32>,
            tpu.vector_store %arg14[%swap3A_279, %swap3A_280], %mul3A_278 {strides = array<i32>} : memref<96x64xf32, #tpu.memory_space<vmem>>, vector<16xf32>,
            %get3A_282 = arith.index_cast %scan3A_267 : i32 to index
            %get3A_283 = arith.constant 32 : index
            %get3A_284 = tpu.vector_load %arg14[%get3A_282, %get3A_283] {strides = array<i32>} : memref<96x64xf32, #tpu.memory_space<vmem>>, vector<16xf32>,
            %mul3A_285 = arith.mulf %get3A_284, %gather3A : vector<16xf32>
            %swap3A_286 = arith.index_cast %scan3A_267 : i32 to index
            %swap3A_287 = arith.constant 32 : index
            %swap3A_288 = tpu.vector_load %arg14[%swap3A_286, %swap3A_287] {strides = array<i32>} : memref<96x64xf32, #tpu.memory_space<vmem>>, vector<16xf32>,
            tpu.vector_store %arg14[%swap3A_286, %swap3A_287], %mul3A_285 {strides = array<i32>} : memref<96x64xf32, #tpu.memory_space<vmem>>, vector<16xf32>,
            %get3A_289 = arith.index_cast %scan3A_267 : i32 to index
            %get3A_290 = arith.constant 48 : index
            %get3A_291 = tpu.vector_load %arg14[%get3A_289, %get3A_290] {strides = array<i32>} : memref<96x64xf32, #tpu.memory_space<vmem>>, vector<16xf32>,
            %mul3A_292 = arith.mulf %get3A_291, %gather3A : vector<16xf32>
            %swap3A_293 = arith.index_cast %scan3A_267 : i32 to index
            %swap3A_294 = arith.constant 48 : index
            %swap3A_295 = tpu.vector_load %arg14[%swap3A_293, %swap3A_294] {strides = array<i32>} : memref<96x64xf32, #tpu.memory_space<vmem>>, vector<16xf32>,
            tpu.vector_store %arg14[%swap3A_293, %swap3A_294], %mul3A_292 {strides = array<i32>} : memref<96x64xf32, #tpu.memory_space<vmem>>, vector<16xf32>,
            %scan3A_296 = arith.constant 0 : i32
            scf.yield %scan3A_296 : i32
          }
          %scan3A_259 = arith.constant 96 : i32
          %dma_start3A_260 = arith.constant 0 : i32
          %dma_start3A_261 = tpu.memref_slice %arg8[%add3A_235, %dma_start3A_260] : memref<6x96xi32, #tpu.memory_space<vmem>> -> memref<1x96xi32, #tpu.memory_space<vmem>>
          %dma_start3A_262 = tpu.memref_squeeze %dma_start3A_261 : memref<1x96xi32, #tpu.memory_space<vmem>> -> memref<96xi32, #tpu.memory_space<vmem>>
          %dma_start3A_263 = arith.constant 0 : i32
          %dma_start3A_264 = arith.constant 0 : i32
          %dma_start3A_265 = tpu.memref_slice %arg25[%dma_start3A_263, %dma_start3A_264] : memref<10240x64xf32, #tpu.memory_space<vmem_shared>> -> memref<10240x64xf32, #tpu.memory_space<vmem_shared>>
          tpu.enqueue_indirect_dma source(%arg14 : memref<96x64xf32, #tpu.memory_space<vmem>>) target(%dma_start3A_265 : memref<10240x64xf32, #tpu.memory_space<vmem_shared>>) offsets(%dma_start3A_262 : memref<96xi32, #tpu.memory_space<vmem>>) semaphore(%arg31 : memref<!tpu.dma_semaphore, #tpu.memory_space<semaphore_mem>>) {add = true}
          %scan3A_266 = arith.constant 0 : i32
          scf.yield %scan3A_266 : i32
        }
        %scan3A_143 = arith.constant 2 : i32
        %dma_wait3A = arith.constant 3 : i32
        %dma_wait3A_144 = arith.constant 0 : i32
        %dma_wait3A_145 = tpu.memref_slice %arg8[%dma_wait3A, %dma_wait3A_144] : memref<6x96xi32, #tpu.memory_space<vmem>> -> memref<1x96xi32, #tpu.memory_space<vmem>>
        %dma_wait3A_146 = tpu.memref_squeeze %dma_wait3A_145 : memref<1x96xi32, #tpu.memory_space<vmem>> -> memref<96xi32, #tpu.memory_space<vmem>>
        %dma_wait3A_147 = arith.constant 0 : i32
        %dma_wait3A_148 = arith.constant 0 : i32
        %dma_wait3A_149 = tpu.memref_slice %arg25[%dma_wait3A_147, %dma_wait3A_148] : memref<10240x64xf32, #tpu.memory_space<vmem_shared>> -> memref<10240x64xf32, #tpu.memory_space<vmem_shared>>
        tpu.wait_indirect_dma semaphore(%arg29 : memref<!tpu.dma_semaphore, #tpu.memory_space<semaphore_mem>>) src(%arg12 : memref<96x64xf32, #tpu.memory_space<vmem>>) dst(%dma_wait3A_149 : memref<10240x64xf32, #tpu.memory_space<vmem_shared>>)
        %dma_wait3A_150 = arith.constant 4 : i32
        %dma_wait3A_151 = arith.constant 0 : i32
        %dma_wait3A_152 = tpu.memref_slice %arg8[%dma_wait3A_150, %dma_wait3A_151] : memref<6x96xi32, #tpu.memory_space<vmem>> -> memref<1x96xi32, #tpu.memory_space<vmem>>
        %dma_wait3A_153 = tpu.memref_squeeze %dma_wait3A_152 : memref<1x96xi32, #tpu.memory_space<vmem>> -> memref<96xi32, #tpu.memory_space<vmem>>
        %dma_wait3A_154 = arith.constant 0 : i32
        %dma_wait3A_155 = arith.constant 0 : i32
        %dma_wait3A_156 = tpu.memref_slice %arg25[%dma_wait3A_154, %dma_wait3A_155] : memref<10240x64xf32, #tpu.memory_space<vmem_shared>> -> memref<10240x64xf32, #tpu.memory_space<vmem_shared>>
        tpu.wait_indirect_dma semaphore(%arg30 : memref<!tpu.dma_semaphore, #tpu.memory_space<semaphore_mem>>) src(%arg13 : memref<96x64xf32, #tpu.memory_space<vmem>>) dst(%dma_wait3A_156 : memref<10240x64xf32, #tpu.memory_space<vmem_shared>>)
        %dma_wait3A_157 = arith.constant 5 : i32
        %dma_wait3A_158 = arith.constant 0 : i32
        %dma_wait3A_159 = tpu.memref_slice %arg8[%dma_wait3A_157, %dma_wait3A_158] : memref<6x96xi32, #tpu.memory_space<vmem>> -> memref<1x96xi32, #tpu.memory_space<vmem>>
        %dma_wait3A_160 = tpu.memref_squeeze %dma_wait3A_159 : memref<1x96xi32, #tpu.memory_space<vmem>> -> memref<96xi32, #tpu.memory_space<vmem>>
        %dma_wait3A_161 = arith.constant 0 : i32
        %dma_wait3A_162 = arith.constant 0 : i32
        %dma_wait3A_163 = tpu.memref_slice %arg25[%dma_wait3A_161, %dma_wait3A_162] : memref<10240x64xf32, #tpu.memory_space<vmem_shared>> -> memref<10240x64xf32, #tpu.memory_space<vmem_shared>>
        tpu.wait_indirect_dma semaphore(%arg31 : memref<!tpu.dma_semaphore, #tpu.memory_space<semaphore_mem>>) src(%arg14 : memref<96x64xf32, #tpu.memory_space<vmem>>) dst(%dma_wait3A_163 : memref<10240x64xf32, #tpu.memory_space<vmem_shared>>)
        %scan3A_164 = arith.constant 0 : i32
        scf.yield %scan3A_164 : i32
      }
      %scan3A_103 = arith.constant 36 : i32
      %barrier3A_104 = arith.constant 0 : index
      tpu.barrier barrier_id(%barrier3A_104)
      %mul3A_105 = arith.constant 640 : i32
      %mul3A_106 = arith.muli %arg1, %mul3A_105 : i32
      %mul3A_107 = arith.constant 640 : i32
      %mul3A_108 = arith.muli %arg1, %mul3A_107 : i32
      %add3A_109 = arith.addi %mul3A_60, %mul3A_108 : i32
      "tpu.region"() ({
        %run_scoped3A = tpu.sem_alloc : memref<!tpu.dma_semaphore, #tpu.memory_space<semaphore_mem>>
        %dma_start3A = arith.constant 0 : i32
        %dma_start3A_112 = tpu.memref_slice %arg6[%add3A_109, %dma_start3A] : memref<81920x64xf32, #tpu.memory_space<hbm>> -> memref<640x64xf32, #tpu.memory_space<hbm>>
        %dma_start3A_113 = arith.constant 0 : i32
        %dma_start3A_114 = tpu.memref_slice %arg25[%mul3A_106, %dma_start3A_113] : memref<10240x64xf32, #tpu.memory_space<vmem_shared>> -> memref<640x64xf32, #tpu.memory_space<vmem_shared>>
        tpu.enqueue_dma source(%dma_start3A_114 : memref<640x64xf32, #tpu.memory_space<vmem_shared>>) target(%dma_start3A_112 : memref<640x64xf32, #tpu.memory_space<hbm>>) target_semaphore(%run_scoped3A : memref<!tpu.dma_semaphore, #tpu.memory_space<semaphore_mem>>)
        %dma_wait3A = arith.constant 0 : i32
        %dma_wait3A_115 = tpu.memref_slice %arg6[%add3A_109, %dma_wait3A] : memref<81920x64xf32, #tpu.memory_space<hbm>> -> memref<640x64xf32, #tpu.memory_space<hbm>>
        %dma_wait3A_116 = arith.constant 0 : i32
        %dma_wait3A_117 = tpu.memref_slice %arg25[%mul3A_106, %dma_wait3A_116] : memref<10240x64xf32, #tpu.memory_space<vmem_shared>> -> memref<640x64xf32, #tpu.memory_space<vmem_shared>>
        tpu.wait_dma2 semaphore(%run_scoped3A : memref<!tpu.dma_semaphore, #tpu.memory_space<semaphore_mem>>) src(%dma_wait3A_117 : memref<640x64xf32, #tpu.memory_space<vmem_shared>>) dst(%dma_wait3A_115 : memref<640x64xf32, #tpu.memory_space<hbm>>)
        tpu.yield
      }) : () -> ()
      %barrier3A_110 = arith.constant 0 : index
      tpu.barrier barrier_id(%barrier3A_110)
      %scan3A_111 = arith.constant 0 : i32
      scf.yield %scan3A_111 : i32
    }
    %scan3A_31 = arith.constant 4 : i32
    return
  }
}

#map = affine_map<(d0, d1) -> (0, 0)>
#map1 = affine_map<(d0, d1) -> (0)>
#map2 = affine_map<(d0, d1) -> (0, 0, 0)>
module attributes {stable_mosaic.version = 14 : i64} {
  func.func @_sc_layer_body(%arg0: i32, %arg1: i32, %arg2: memref<81920x64xf32, #tpu.memory_space<hbm>>, %arg3: memref<81920xf32, #tpu.memory_space<hbm>>, %arg4: memref<16x216x96xi32, #tpu.memory_space<hbm>>, %arg5: memref<16x216x96xi32, #tpu.memory_space<hbm>>, %arg6: memref<81920x64xf32, #tpu.memory_space<hbm>>, %arg7: memref<6x96xi32, #tpu.memory_space<vmem>>, %arg8: memref<6x96xi32, #tpu.memory_space<vmem>>, %arg9: memref<20480xf32, #tpu.memory_space<vmem>>, %arg10: memref<20480xf32, #tpu.memory_space<vmem>>, %arg11: memref<20480xf32, #tpu.memory_space<vmem>>, %arg12: memref<96x64xf32, #tpu.memory_space<vmem>>, %arg13: memref<96x64xf32, #tpu.memory_space<vmem>>, %arg14: memref<96x64xf32, #tpu.memory_space<vmem>>, %arg15: memref<1280xf32, #tpu.memory_space<vmem>>, %arg16: memref<2x96xf32, #tpu.memory_space<vmem>>, %arg17: memref<2x96xf32, #tpu.memory_space<vmem>>, %arg18: memref<2x96xi32, #tpu.memory_space<vmem>>, %arg19: memref<2x96xi32, #tpu.memory_space<vmem>>, %arg20: memref<96xi32, #tpu.memory_space<vmem>>, %arg21: memref<96xi32, #tpu.memory_space<vmem>>, %arg22: memref<96xi32, #tpu.memory_space<vmem>>, %arg23: memref<96xf32, #tpu.memory_space<vmem>>, %arg24: memref<20480xf32, #tpu.memory_space<vmem_shared>>, %arg25: memref<10240x64xf32, #tpu.memory_space<vmem_shared>>, %arg26: memref<!tpu.dma_semaphore, #tpu.memory_space<semaphore_mem>>, %arg27: memref<!tpu.dma_semaphore, #tpu.memory_space<semaphore_mem>>, %arg28: memref<!tpu.dma_semaphore, #tpu.memory_space<semaphore_mem>>, %arg29: memref<!tpu.dma_semaphore, #tpu.memory_space<semaphore_mem>>, %arg30: memref<!tpu.dma_semaphore, #tpu.memory_space<semaphore_mem>>, %arg31: memref<!tpu.dma_semaphore, #tpu.memory_space<semaphore_mem>>, %arg32: memref<!tpu.dma_semaphore, #tpu.memory_space<semaphore_mem>>, %arg33: memref<!tpu.dma_semaphore, #tpu.memory_space<semaphore_mem>>) attributes {dimension_semantics = [#tpu.dimension_semantics<core_parallel>, #tpu.dimension_semantics<subcore_parallel>], iteration_bounds = array<i64: 2, 16>, scalar_prefetch = 0 : i64, scratch_operands = 27 : i64, tpu.core_type = #tpu.core_type<sc_vector_subcore>, window_params = [{transform_indices = #map}, {transform_indices = #map1}, {transform_indices = #map2}, {transform_indices = #map2}, {transform_indices = #map}]} {
    %mul3A = arith.constant 2 : i32
    %mul3A_0 = arith.muli %mul3A, %arg0 : i32
    %mul3A_1 = arith.constant 10240 : i32
    %mul3A_2 = arith.muli %mul3A_0, %mul3A_1 : i32
    "tpu.region"() ({
      %run_scoped3A = tpu.sem_alloc : memref<!tpu.dma_semaphore, #tpu.memory_space<semaphore_mem>>
      %dma_start3A = tpu.memref_slice %arg3[%mul3A_2] : memref<81920xf32, #tpu.memory_space<hbm>> -> memref<20480xf32, #tpu.memory_space<hbm>>
      %dma_start3A_32 = tpu.memref_slice %arg3[%mul3A_2] : memref<81920xf32, #tpu.memory_space<hbm>> -> memref<20480xf32, #tpu.memory_space<hbm>>
      tpu.enqueue_dma source(%dma_start3A_32 : memref<20480xf32, #tpu.memory_space<hbm>>) target(%arg9 : memref<20480xf32, #tpu.memory_space<vmem>>) target_semaphore(%run_scoped3A : memref<!tpu.dma_semaphore, #tpu.memory_space<semaphore_mem>>)
      %dma_wait3A = tpu.memref_slice %arg3[%mul3A_2] : memref<81920xf32, #tpu.memory_space<hbm>> -> memref<20480xf32, #tpu.memory_space<hbm>>
      %dma_wait3A_33 = tpu.memref_slice %arg3[%mul3A_2] : memref<81920xf32, #tpu.memory_space<hbm>> -> memref<20480xf32, #tpu.memory_space<hbm>>
      tpu.wait_dma2 semaphore(%run_scoped3A : memref<!tpu.dma_semaphore, #tpu.memory_space<semaphore_mem>>) src(%dma_wait3A_33 : memref<20480xf32, #tpu.memory_space<hbm>>) dst(%arg9 : memref<20480xf32, #tpu.memory_space<vmem>>)
      tpu.yield
    }) : () -> ()
    %mul3A_3 = arith.constant 2 : i32
    %mul3A_4 = arith.muli %mul3A_3, %arg0 : i32
    %add3A = arith.constant 4 : i32
    %add3A_5 = arith.addi %add3A, %mul3A_4 : i32
    %mul3A_6 = arith.constant 10240 : i32
    %mul3A_7 = arith.muli %add3A_5, %mul3A_6 : i32
    "tpu.region"() ({
      %run_scoped3A = tpu.sem_alloc : memref<!tpu.dma_semaphore, #tpu.memory_space<semaphore_mem>>
      %dma_start3A = tpu.memref_slice %arg3[%mul3A_7] : memref<81920xf32, #tpu.memory_space<hbm>> -> memref<20480xf32, #tpu.memory_space<hbm>>
      %dma_start3A_32 = tpu.memref_slice %arg3[%mul3A_7] : memref<81920xf32, #tpu.memory_space<hbm>> -> memref<20480xf32, #tpu.memory_space<hbm>>
      tpu.enqueue_dma source(%dma_start3A_32 : memref<20480xf32, #tpu.memory_space<hbm>>) target(%arg10 : memref<20480xf32, #tpu.memory_space<vmem>>) target_semaphore(%run_scoped3A : memref<!tpu.dma_semaphore, #tpu.memory_space<semaphore_mem>>)
      %dma_wait3A = tpu.memref_slice %arg3[%mul3A_7] : memref<81920xf32, #tpu.memory_space<hbm>> -> memref<20480xf32, #tpu.memory_space<hbm>>
      %dma_wait3A_33 = tpu.memref_slice %arg3[%mul3A_7] : memref<81920xf32, #tpu.memory_space<hbm>> -> memref<20480xf32, #tpu.memory_space<hbm>>
      tpu.wait_dma2 semaphore(%run_scoped3A : memref<!tpu.dma_semaphore, #tpu.memory_space<semaphore_mem>>) src(%dma_wait3A_33 : memref<20480xf32, #tpu.memory_space<hbm>>) dst(%arg10 : memref<20480xf32, #tpu.memory_space<vmem>>)
      tpu.yield
    }) : () -> ()
    %broadcast_in_dim3A = arith.constant 0.000000e+00 : f32
    %broadcast_in_dim3A_8 = vector.broadcast %broadcast_in_dim3A : f32 to vector<16xf32>
    %scan3A = arith.constant 0 : i32
    %scan3A_9 = arith.constant 0 : i32
    %scan3A_10 = arith.constant 80 : i32
    %scan3A_11 = arith.addi %scan3A_9, %scan3A_10 : i32
    %scan3A_12 = arith.constant 1 : i32
    %scan3A_13 = scf.for %scan3A_32 = %scan3A_9 to %scan3A_11 step %scan3A_12 iter_args(%scan3A_33 = %scan3A) -> (i32)  : i32 {
      %mul3A_34 = arith.constant 16 : i32
      %mul3A_35 = arith.muli %scan3A_32, %mul3A_34 : i32
      %swap3A = arith.index_cast %mul3A_35 : i32 to index
      %swap3A_36 = tpu.vector_load %arg15[%swap3A] {strides = array<i32>} : memref<1280xf32, #tpu.memory_space<vmem>>, vector<16xf32>,
      tpu.vector_store %arg15[%swap3A], %broadcast_in_dim3A_8 {strides = array<i32>} : memref<1280xf32, #tpu.memory_space<vmem>>, vector<16xf32>,
      %scan3A_37 = arith.constant 0 : i32
      scf.yield %scan3A_37 : i32
    }
    %scan3A_14 = arith.constant 80 : i32
    %mul3A_15 = arith.constant 1280 : i32
    %mul3A_16 = arith.muli %arg1, %mul3A_15 : i32
    "tpu.region"() ({
      %run_scoped3A = tpu.sem_alloc : memref<!tpu.dma_semaphore, #tpu.memory_space<semaphore_mem>>
      %dma_start3A = tpu.memref_slice %arg24[%mul3A_16] : memref<20480xf32, #tpu.memory_space<vmem_shared>> -> memref<1280xf32, #tpu.memory_space<vmem_shared>>
      %dma_start3A_32 = tpu.memref_slice %arg24[%mul3A_16] : memref<20480xf32, #tpu.memory_space<vmem_shared>> -> memref<1280xf32, #tpu.memory_space<vmem_shared>>
      tpu.enqueue_dma source(%arg15 : memref<1280xf32, #tpu.memory_space<vmem>>) target(%dma_start3A_32 : memref<1280xf32, #tpu.memory_space<vmem_shared>>) target_semaphore(%run_scoped3A : memref<!tpu.dma_semaphore, #tpu.memory_space<semaphore_mem>>)
      %dma_wait3A = tpu.memref_slice %arg24[%mul3A_16] : memref<20480xf32, #tpu.memory_space<vmem_shared>> -> memref<1280xf32, #tpu.memory_space<vmem_shared>>
      %dma_wait3A_33 = tpu.memref_slice %arg24[%mul3A_16] : memref<20480xf32, #tpu.memory_space<vmem_shared>> -> memref<1280xf32, #tpu.memory_space<vmem_shared>>
      tpu.wait_dma2 semaphore(%run_scoped3A : memref<!tpu.dma_semaphore, #tpu.memory_space<semaphore_mem>>) src(%arg15 : memref<1280xf32, #tpu.memory_space<vmem>>) dst(%dma_wait3A_33 : memref<1280xf32, #tpu.memory_space<vmem_shared>>)
      tpu.yield
    }) : () -> ()
    %barrier3A = arith.constant 0 : index
    tpu.barrier barrier_id(%barrier3A)
    %scan3A_17 = arith.constant 0 : i32
    %scan3A_18 = arith.constant 0 : i32
    %scan3A_19 = arith.constant 36 : i32
    %scan3A_20 = arith.addi %scan3A_18, %scan3A_19 : i32
    %scan3A_21 = arith.constant 1 : i32
    %scan3A_22 = scf.for %scan3A_32 = %scan3A_18 to %scan3A_20 step %scan3A_21 iter_args(%scan3A_33 = %scan3A_17) -> (i32)  : i32 {
      %mul3A_34 = arith.constant 6 : i32
      %mul3A_35 = arith.muli %scan3A_32, %mul3A_34 : i32
      "tpu.region"() ({
        %run_scoped3A = tpu.sem_alloc : memref<!tpu.dma_semaphore, #tpu.memory_space<semaphore_mem>>
        %dma_start3A = arith.constant 0 : i32
        %dma_start3A_85 = tpu.memref_slice %arg4[%arg1, %mul3A_35, %dma_start3A] : memref<16x216x96xi32, #tpu.memory_space<hbm>> -> memref<1x6x96xi32, #tpu.memory_space<hbm>>
        %dma_start3A_86 = tpu.memref_squeeze %dma_start3A_85 : memref<1x6x96xi32, #tpu.memory_space<hbm>> -> memref<6x96xi32, #tpu.memory_space<hbm>>
        %dma_start3A_87 = arith.constant 0 : i32
        %dma_start3A_88 = tpu.memref_slice %arg4[%arg1, %mul3A_35, %dma_start3A_87] : memref<16x216x96xi32, #tpu.memory_space<hbm>> -> memref<1x6x96xi32, #tpu.memory_space<hbm>>
        %dma_start3A_89 = tpu.memref_squeeze %dma_start3A_88 : memref<1x6x96xi32, #tpu.memory_space<hbm>> -> memref<6x96xi32, #tpu.memory_space<hbm>>
        tpu.enqueue_dma source(%dma_start3A_89 : memref<6x96xi32, #tpu.memory_space<hbm>>) target(%arg7 : memref<6x96xi32, #tpu.memory_space<vmem>>) target_semaphore(%run_scoped3A : memref<!tpu.dma_semaphore, #tpu.memory_space<semaphore_mem>>)
        %dma_wait3A_90 = arith.constant 0 : i32
        %dma_wait3A_91 = tpu.memref_slice %arg4[%arg1, %mul3A_35, %dma_wait3A_90] : memref<16x216x96xi32, #tpu.memory_space<hbm>> -> memref<1x6x96xi32, #tpu.memory_space<hbm>>
        %dma_wait3A_92 = tpu.memref_squeeze %dma_wait3A_91 : memref<1x6x96xi32, #tpu.memory_space<hbm>> -> memref<6x96xi32, #tpu.memory_space<hbm>>
        %dma_wait3A_93 = arith.constant 0 : i32
        %dma_wait3A_94 = tpu.memref_slice %arg4[%arg1, %mul3A_35, %dma_wait3A_93] : memref<16x216x96xi32, #tpu.memory_space<hbm>> -> memref<1x6x96xi32, #tpu.memory_space<hbm>>
        %dma_wait3A_95 = tpu.memref_squeeze %dma_wait3A_94 : memref<1x6x96xi32, #tpu.memory_space<hbm>> -> memref<6x96xi32, #tpu.memory_space<hbm>>
        tpu.wait_dma2 semaphore(%run_scoped3A : memref<!tpu.dma_semaphore, #tpu.memory_space<semaphore_mem>>) src(%dma_wait3A_95 : memref<6x96xi32, #tpu.memory_space<hbm>>) dst(%arg7 : memref<6x96xi32, #tpu.memory_space<vmem>>)
        tpu.yield
      }) : () -> ()
      %mul3A_36 = arith.constant 6 : i32
      %mul3A_37 = arith.muli %scan3A_32, %mul3A_36 : i32
      "tpu.region"() ({
        %run_scoped3A = tpu.sem_alloc : memref<!tpu.dma_semaphore, #tpu.memory_space<semaphore_mem>>
        %dma_start3A = arith.constant 0 : i32
        %dma_start3A_85 = tpu.memref_slice %arg5[%arg1, %mul3A_37, %dma_start3A] : memref<16x216x96xi32, #tpu.memory_space<hbm>> -> memref<1x6x96xi32, #tpu.memory_space<hbm>>
        %dma_start3A_86 = tpu.memref_squeeze %dma_start3A_85 : memref<1x6x96xi32, #tpu.memory_space<hbm>> -> memref<6x96xi32, #tpu.memory_space<hbm>>
        %dma_start3A_87 = arith.constant 0 : i32
        %dma_start3A_88 = tpu.memref_slice %arg5[%arg1, %mul3A_37, %dma_start3A_87] : memref<16x216x96xi32, #tpu.memory_space<hbm>> -> memref<1x6x96xi32, #tpu.memory_space<hbm>>
        %dma_start3A_89 = tpu.memref_squeeze %dma_start3A_88 : memref<1x6x96xi32, #tpu.memory_space<hbm>> -> memref<6x96xi32, #tpu.memory_space<hbm>>
        tpu.enqueue_dma source(%dma_start3A_89 : memref<6x96xi32, #tpu.memory_space<hbm>>) target(%arg8 : memref<6x96xi32, #tpu.memory_space<vmem>>) target_semaphore(%run_scoped3A : memref<!tpu.dma_semaphore, #tpu.memory_space<semaphore_mem>>)
        %dma_wait3A_90 = arith.constant 0 : i32
        %dma_wait3A_91 = tpu.memref_slice %arg5[%arg1, %mul3A_37, %dma_wait3A_90] : memref<16x216x96xi32, #tpu.memory_space<hbm>> -> memref<1x6x96xi32, #tpu.memory_space<hbm>>
        %dma_wait3A_92 = tpu.memref_squeeze %dma_wait3A_91 : memref<1x6x96xi32, #tpu.memory_space<hbm>> -> memref<6x96xi32, #tpu.memory_space<hbm>>
        %dma_wait3A_93 = arith.constant 0 : i32
        %dma_wait3A_94 = tpu.memref_slice %arg5[%arg1, %mul3A_37, %dma_wait3A_93] : memref<16x216x96xi32, #tpu.memory_space<hbm>> -> memref<1x6x96xi32, #tpu.memory_space<hbm>>
        %dma_wait3A_95 = tpu.memref_squeeze %dma_wait3A_94 : memref<1x6x96xi32, #tpu.memory_space<hbm>> -> memref<6x96xi32, #tpu.memory_space<hbm>>
        tpu.wait_dma2 semaphore(%run_scoped3A : memref<!tpu.dma_semaphore, #tpu.memory_space<semaphore_mem>>) src(%dma_wait3A_95 : memref<6x96xi32, #tpu.memory_space<hbm>>) dst(%arg8 : memref<6x96xi32, #tpu.memory_space<vmem>>)
        tpu.yield
      }) : () -> ()
      %scan3A_38 = arith.constant 0 : i32
      %scan3A_39 = arith.constant 0 : i32
      %scan3A_40 = arith.constant 3 : i32
      %scan3A_41 = arith.addi %scan3A_39, %scan3A_40 : i32
      %scan3A_42 = arith.constant 1 : i32
      %scan3A_43 = scf.for %scan3A_85 = %scan3A_39 to %scan3A_41 step %scan3A_42 iter_args(%scan3A_86 = %scan3A_38) -> (i32)  : i32 {
        %mul3A_87 = arith.constant 2 : i32
        %mul3A_88 = arith.muli %mul3A_87, %scan3A_85 : i32
        %add3A_89 = arith.constant 0 : i32
        %add3A_90 = arith.addi %mul3A_88, %add3A_89 : i32
        %ge3A = arith.constant 1 : i32
        %ge3A_91 = arith.cmpi sge, %scan3A_85, %ge3A : i32
        %convert_element_type3A = arith.extui %ge3A_91 : i1 to i32
        %cond3A = arith.constant 0 : i32
        %cond3A_92 = arith.cmpi ne, %convert_element_type3A, %cond3A : i32
        scf.if %cond3A_92 {
          %dma_wait3A_156 = arith.constant 0 : i32
          %dma_wait3A_157 = arith.constant 0 : i32
          %dma_wait3A_158 = arith.constant 0 : i32
          %dma_wait3A_159 = tpu.memref_slice %arg16[%dma_wait3A_156, %dma_wait3A_158] : memref<2x96xf32, #tpu.memory_space<vmem>> -> memref<1x96xf32, #tpu.memory_space<vmem>>
          %dma_wait3A_160 = tpu.memref_squeeze %dma_wait3A_159 : memref<1x96xf32, #tpu.memory_space<vmem>> -> memref<96xf32, #tpu.memory_space<vmem>>
          %dma_wait3A_161 = arith.constant 0 : i32
          %dma_wait3A_162 = tpu.memref_slice %arg18[%dma_wait3A_157, %dma_wait3A_161] : memref<2x96xi32, #tpu.memory_space<vmem>> -> memref<1x96xi32, #tpu.memory_space<vmem>>
          %dma_wait3A_163 = tpu.memref_squeeze %dma_wait3A_162 : memref<1x96xi32, #tpu.memory_space<vmem>> -> memref<96xi32, #tpu.memory_space<vmem>>
          %dma_wait3A_164 = arith.constant 0 : i32
          %dma_wait3A_165 = tpu.memref_slice %arg24[%dma_wait3A_164] : memref<20480xf32, #tpu.memory_space<vmem_shared>> -> memref<20480xf32, #tpu.memory_space<vmem_shared>>
          tpu.wait_indirect_dma semaphore(%arg32 : memref<!tpu.dma_semaphore, #tpu.memory_space<semaphore_mem>>) src(%dma_wait3A_160 : memref<96xf32, #tpu.memory_space<vmem>>) dst(%dma_wait3A_165 : memref<20480xf32, #tpu.memory_space<vmem_shared>>)
          %dma_wait3A_166 = arith.constant 1 : i32
          %dma_wait3A_167 = arith.constant 1 : i32
          %dma_wait3A_168 = arith.constant 0 : i32
          %dma_wait3A_169 = tpu.memref_slice %arg16[%dma_wait3A_166, %dma_wait3A_168] : memref<2x96xf32, #tpu.memory_space<vmem>> -> memref<1x96xf32, #tpu.memory_space<vmem>>
          %dma_wait3A_170 = tpu.memref_squeeze %dma_wait3A_169 : memref<1x96xf32, #tpu.memory_space<vmem>> -> memref<96xf32, #tpu.memory_space<vmem>>
          %dma_wait3A_171 = arith.constant 0 : i32
          %dma_wait3A_172 = tpu.memref_slice %arg18[%dma_wait3A_167, %dma_wait3A_171] : memref<2x96xi32, #tpu.memory_space<vmem>> -> memref<1x96xi32, #tpu.memory_space<vmem>>
          %dma_wait3A_173 = tpu.memref_squeeze %dma_wait3A_172 : memref<1x96xi32, #tpu.memory_space<vmem>> -> memref<96xi32, #tpu.memory_space<vmem>>
          %dma_wait3A_174 = arith.constant 0 : i32
          %dma_wait3A_175 = tpu.memref_slice %arg24[%dma_wait3A_174] : memref<20480xf32, #tpu.memory_space<vmem_shared>> -> memref<20480xf32, #tpu.memory_space<vmem_shared>>
          tpu.wait_indirect_dma semaphore(%arg32 : memref<!tpu.dma_semaphore, #tpu.memory_space<semaphore_mem>>) src(%dma_wait3A_170 : memref<96xf32, #tpu.memory_space<vmem>>) dst(%dma_wait3A_175 : memref<20480xf32, #tpu.memory_space<vmem_shared>>)
        } else {
        }
        %scan3A_93 = arith.constant 0 : i32
        %scan3A_94 = arith.constant 0 : i32
        %scan3A_95 = arith.constant 6 : i32
        %scan3A_96 = arith.addi %scan3A_94, %scan3A_95 : i32
        %scan3A_97 = arith.constant 1 : i32
        %scan3A_98 = scf.for %scan3A_156 = %scan3A_94 to %scan3A_96 step %scan3A_97 iter_args(%scan3A_157 = %scan3A_93) -> (i32)  : i32 {
          %mul3A_158 = arith.constant 16 : i32
          %mul3A_159 = arith.muli %scan3A_156, %mul3A_158 : i32
          %get3A = arith.index_cast %add3A_90 : i32 to index
          %get3A_160 = arith.index_cast %mul3A_159 : i32 to index
          %get3A_161 = tpu.vector_load %arg7[%get3A, %get3A_160] {strides = array<i32>} : memref<6x96xi32, #tpu.memory_space<vmem>>, vector<16xi32>,
          %mul3A_162 = arith.constant 16 : i32
          %mul3A_163 = arith.muli %scan3A_156, %mul3A_162 : i32
          %get3A_164 = arith.index_cast %add3A_90 : i32 to index
          %get3A_165 = arith.index_cast %mul3A_163 : i32 to index
          %get3A_166 = tpu.vector_load %arg8[%get3A_164, %get3A_165] {strides = array<i32>} : memref<6x96xi32, #tpu.memory_space<vmem>>, vector<16xi32>,
          %add3A_167 = arith.constant 0 : i32
          %add3A_168 = vector.broadcast %add3A_167 : i32 to vector<16xi32>
          %add3A_169 = arith.addi %get3A_161, %add3A_168 : vector<16xi32>
          %gather3A = tpu.vector_load_idx %arg9[%add3A_169] : memref<20480xf32, #tpu.memory_space<vmem>>[vector<16xi32>], vector<16xf32>,
          %add3A_170 = arith.constant 0 : i32
          %add3A_171 = vector.broadcast %add3A_170 : i32 to vector<16xi32>
          %add3A_172 = arith.addi %get3A_166, %add3A_171 : vector<16xi32>
          %gather3A_173 = tpu.vector_load_idx %arg10[%add3A_172] : memref<20480xf32, #tpu.memory_space<vmem>>[vector<16xi32>], vector<16xf32>,
          %add3A_174 = arith.addf %gather3A, %gather3A_173 : vector<16xf32>
          %ge3A_175 = arith.constant 0.000000e+00 : f32
          %ge3A_176 = vector.broadcast %ge3A_175 : f32 to vector<16xf32>
          %ge3A_177 = arith.cmpf oge, %add3A_174, %ge3A_176 : vector<16xf32>
          %mul3A_178 = arith.constant 2.000000e-01 : f32
          %mul3A_179 = vector.broadcast %mul3A_178 : f32 to vector<16xf32>
          %mul3A_180 = arith.mulf %mul3A_179, %add3A_174 : vector<16xf32>
          %select_n3A = arith.select %ge3A_177, %add3A_174, %mul3A_180 : vector<16xi1>, vector<16xf32>
          %exp3A = math.exp %select_n3A : vector<16xf32>
          %mul3A_181 = arith.constant 16 : i32
          %mul3A_182 = arith.muli %scan3A_156, %mul3A_181 : i32
          %swap3A = arith.constant 0 : i32
          %swap3A_183 = arith.index_cast %swap3A : i32 to index
          %swap3A_184 = arith.index_cast %mul3A_182 : i32 to index
          %swap3A_185 = tpu.vector_load %arg16[%swap3A_183, %swap3A_184] {strides = array<i32>} : memref<2x96xf32, #tpu.memory_space<vmem>>, vector<16xf32>,
          tpu.vector_store %arg16[%swap3A_183, %swap3A_184], %exp3A {strides = array<i32>} : memref<2x96xf32, #tpu.memory_space<vmem>>, vector<16xf32>,
          %add3A_186 = arith.constant 0 : i32
          %add3A_187 = vector.broadcast %add3A_186 : i32 to vector<16xi32>
          %add3A_188 = arith.addi %get3A_166, %add3A_187 : vector<16xi32>
          %mul3A_189 = arith.constant 16 : i32
          %mul3A_190 = arith.muli %scan3A_156, %mul3A_189 : i32
          %swap3A_191 = arith.constant 0 : i32
          %swap3A_192 = arith.index_cast %swap3A_191 : i32 to index
          %swap3A_193 = arith.index_cast %mul3A_190 : i32 to index
          %swap3A_194 = tpu.vector_load %arg18[%swap3A_192, %swap3A_193] {strides = array<i32>} : memref<2x96xi32, #tpu.memory_space<vmem>>, vector<16xi32>,
          tpu.vector_store %arg18[%swap3A_192, %swap3A_193], %add3A_188 {strides = array<i32>} : memref<2x96xi32, #tpu.memory_space<vmem>>, vector<16xi32>,
          %add3A_195 = arith.constant 10240 : i32
          %add3A_196 = vector.broadcast %add3A_195 : i32 to vector<16xi32>
          %add3A_197 = arith.addi %get3A_161, %add3A_196 : vector<16xi32>
          %gather3A_198 = tpu.vector_load_idx %arg9[%add3A_197] : memref<20480xf32, #tpu.memory_space<vmem>>[vector<16xi32>], vector<16xf32>,
          %add3A_199 = arith.constant 10240 : i32
          %add3A_200 = vector.broadcast %add3A_199 : i32 to vector<16xi32>
          %add3A_201 = arith.addi %get3A_166, %add3A_200 : vector<16xi32>
          %gather3A_202 = tpu.vector_load_idx %arg10[%add3A_201] : memref<20480xf32, #tpu.memory_space<vmem>>[vector<16xi32>], vector<16xf32>,
          %add3A_203 = arith.addf %gather3A_198, %gather3A_202 : vector<16xf32>
          %ge3A_204 = arith.constant 0.000000e+00 : f32
          %ge3A_205 = vector.broadcast %ge3A_204 : f32 to vector<16xf32>
          %ge3A_206 = arith.cmpf oge, %add3A_203, %ge3A_205 : vector<16xf32>
          %mul3A_207 = arith.constant 2.000000e-01 : f32
          %mul3A_208 = vector.broadcast %mul3A_207 : f32 to vector<16xf32>
          %mul3A_209 = arith.mulf %mul3A_208, %add3A_203 : vector<16xf32>
          %select_n3A_210 = arith.select %ge3A_206, %add3A_203, %mul3A_209 : vector<16xi1>, vector<16xf32>
          %exp3A_211 = math.exp %select_n3A_210 : vector<16xf32>
          %mul3A_212 = arith.constant 16 : i32
          %mul3A_213 = arith.muli %scan3A_156, %mul3A_212 : i32
          %swap3A_214 = arith.constant 1 : i32
          %swap3A_215 = arith.index_cast %swap3A_214 : i32 to index
          %swap3A_216 = arith.index_cast %mul3A_213 : i32 to index
          %swap3A_217 = tpu.vector_load %arg16[%swap3A_215, %swap3A_216] {strides = array<i32>} : memref<2x96xf32, #tpu.memory_space<vmem>>, vector<16xf32>,
          tpu.vector_store %arg16[%swap3A_215, %swap3A_216], %exp3A_211 {strides = array<i32>} : memref<2x96xf32, #tpu.memory_space<vmem>>, vector<16xf32>,
          %add3A_218 = arith.constant 10240 : i32
          %add3A_219 = vector.broadcast %add3A_218 : i32 to vector<16xi32>
          %add3A_220 = arith.addi %get3A_166, %add3A_219 : vector<16xi32>
          %mul3A_221 = arith.constant 16 : i32
          %mul3A_222 = arith.muli %scan3A_156, %mul3A_221 : i32
          %swap3A_223 = arith.constant 1 : i32
          %swap3A_224 = arith.index_cast %swap3A_223 : i32 to index
          %swap3A_225 = arith.index_cast %mul3A_222 : i32 to index
          %swap3A_226 = tpu.vector_load %arg18[%swap3A_224, %swap3A_225] {strides = array<i32>} : memref<2x96xi32, #tpu.memory_space<vmem>>, vector<16xi32>,
          tpu.vector_store %arg18[%swap3A_224, %swap3A_225], %add3A_220 {strides = array<i32>} : memref<2x96xi32, #tpu.memory_space<vmem>>, vector<16xi32>,
          %scan3A_227 = arith.constant 0 : i32
          scf.yield %scan3A_227 : i32
        }
        %scan3A_99 = arith.constant 6 : i32
        %dma_start3A = arith.constant 0 : i32
        %dma_start3A_100 = arith.constant 0 : i32
        %dma_start3A_101 = arith.constant 0 : i32
        %dma_start3A_102 = tpu.memref_slice %arg16[%dma_start3A, %dma_start3A_101] : memref<2x96xf32, #tpu.memory_space<vmem>> -> memref<1x96xf32, #tpu.memory_space<vmem>>
        %dma_start3A_103 = tpu.memref_squeeze %dma_start3A_102 : memref<1x96xf32, #tpu.memory_space<vmem>> -> memref<96xf32, #tpu.memory_space<vmem>>
        %dma_start3A_104 = arith.constant 0 : i32
        %dma_start3A_105 = tpu.memref_slice %arg18[%dma_start3A_100, %dma_start3A_104] : memref<2x96xi32, #tpu.memory_space<vmem>> -> memref<1x96xi32, #tpu.memory_space<vmem>>
        %dma_start3A_106 = tpu.memref_squeeze %dma_start3A_105 : memref<1x96xi32, #tpu.memory_space<vmem>> -> memref<96xi32, #tpu.memory_space<vmem>>
        %dma_start3A_107 = arith.constant 0 : i32
        %dma_start3A_108 = tpu.memref_slice %arg24[%dma_start3A_107] : memref<20480xf32, #tpu.memory_space<vmem_shared>> -> memref<20480xf32, #tpu.memory_space<vmem_shared>>
        tpu.enqueue_indirect_dma source(%dma_start3A_103 : memref<96xf32, #tpu.memory_space<vmem>>) target(%dma_start3A_108 : memref<20480xf32, #tpu.memory_space<vmem_shared>>) offsets(%dma_start3A_106 : memref<96xi32, #tpu.memory_space<vmem>>) semaphore(%arg32 : memref<!tpu.dma_semaphore, #tpu.memory_space<semaphore_mem>>) {add = true}
        %dma_start3A_109 = arith.constant 1 : i32
        %dma_start3A_110 = arith.constant 1 : i32
        %dma_start3A_111 = arith.constant 0 : i32
        %dma_start3A_112 = tpu.memref_slice %arg16[%dma_start3A_109, %dma_start3A_111] : memref<2x96xf32, #tpu.memory_space<vmem>> -> memref<1x96xf32, #tpu.memory_space<vmem>>
        %dma_start3A_113 = tpu.memref_squeeze %dma_start3A_112 : memref<1x96xf32, #tpu.memory_space<vmem>> -> memref<96xf32, #tpu.memory_space<vmem>>
        %dma_start3A_114 = arith.constant 0 : i32
        %dma_start3A_115 = tpu.memref_slice %arg18[%dma_start3A_110, %dma_start3A_114] : memref<2x96xi32, #tpu.memory_space<vmem>> -> memref<1x96xi32, #tpu.memory_space<vmem>>
        %dma_start3A_116 = tpu.memref_squeeze %dma_start3A_115 : memref<1x96xi32, #tpu.memory_space<vmem>> -> memref<96xi32, #tpu.memory_space<vmem>>
        %dma_start3A_117 = arith.constant 0 : i32
        %dma_start3A_118 = tpu.memref_slice %arg24[%dma_start3A_117] : memref<20480xf32, #tpu.memory_space<vmem_shared>> -> memref<20480xf32, #tpu.memory_space<vmem_shared>>
        tpu.enqueue_indirect_dma source(%dma_start3A_113 : memref<96xf32, #tpu.memory_space<vmem>>) target(%dma_start3A_118 : memref<20480xf32, #tpu.memory_space<vmem_shared>>) offsets(%dma_start3A_116 : memref<96xi32, #tpu.memory_space<vmem>>) semaphore(%arg32 : memref<!tpu.dma_semaphore, #tpu.memory_space<semaphore_mem>>) {add = true}
        %mul3A_119 = arith.constant 2 : i32
        %mul3A_120 = arith.muli %mul3A_119, %scan3A_85 : i32
        %add3A_121 = arith.constant 1 : i32
        %add3A_122 = arith.addi %mul3A_120, %add3A_121 : i32
        %ge3A_123 = arith.constant 1 : i32
        %ge3A_124 = arith.cmpi sge, %scan3A_85, %ge3A_123 : i32
        %convert_element_type3A_125 = arith.extui %ge3A_124 : i1 to i32
        %cond3A_126 = arith.constant 0 : i32
        %cond3A_127 = arith.cmpi ne, %convert_element_type3A_125, %cond3A_126 : i32
        scf.if %cond3A_127 {
          %dma_wait3A_156 = arith.constant 0 : i32
          %dma_wait3A_157 = arith.constant 0 : i32
          %dma_wait3A_158 = arith.constant 0 : i32
          %dma_wait3A_159 = tpu.memref_slice %arg17[%dma_wait3A_156, %dma_wait3A_158] : memref<2x96xf32, #tpu.memory_space<vmem>> -> memref<1x96xf32, #tpu.memory_space<vmem>>
          %dma_wait3A_160 = tpu.memref_squeeze %dma_wait3A_159 : memref<1x96xf32, #tpu.memory_space<vmem>> -> memref<96xf32, #tpu.memory_space<vmem>>
          %dma_wait3A_161 = arith.constant 0 : i32
          %dma_wait3A_162 = tpu.memref_slice %arg19[%dma_wait3A_157, %dma_wait3A_161] : memref<2x96xi32, #tpu.memory_space<vmem>> -> memref<1x96xi32, #tpu.memory_space<vmem>>
          %dma_wait3A_163 = tpu.memref_squeeze %dma_wait3A_162 : memref<1x96xi32, #tpu.memory_space<vmem>> -> memref<96xi32, #tpu.memory_space<vmem>>
          %dma_wait3A_164 = arith.constant 0 : i32
          %dma_wait3A_165 = tpu.memref_slice %arg24[%dma_wait3A_164] : memref<20480xf32, #tpu.memory_space<vmem_shared>> -> memref<20480xf32, #tpu.memory_space<vmem_shared>>
          tpu.wait_indirect_dma semaphore(%arg33 : memref<!tpu.dma_semaphore, #tpu.memory_space<semaphore_mem>>) src(%dma_wait3A_160 : memref<96xf32, #tpu.memory_space<vmem>>) dst(%dma_wait3A_165 : memref<20480xf32, #tpu.memory_space<vmem_shared>>)
          %dma_wait3A_166 = arith.constant 1 : i32
          %dma_wait3A_167 = arith.constant 1 : i32
          %dma_wait3A_168 = arith.constant 0 : i32
          %dma_wait3A_169 = tpu.memref_slice %arg17[%dma_wait3A_166, %dma_wait3A_168] : memref<2x96xf32, #tpu.memory_space<vmem>> -> memref<1x96xf32, #tpu.memory_space<vmem>>
          %dma_wait3A_170 = tpu.memref_squeeze %dma_wait3A_169 : memref<1x96xf32, #tpu.memory_space<vmem>> -> memref<96xf32, #tpu.memory_space<vmem>>
          %dma_wait3A_171 = arith.constant 0 : i32
          %dma_wait3A_172 = tpu.memref_slice %arg19[%dma_wait3A_167, %dma_wait3A_171] : memref<2x96xi32, #tpu.memory_space<vmem>> -> memref<1x96xi32, #tpu.memory_space<vmem>>
          %dma_wait3A_173 = tpu.memref_squeeze %dma_wait3A_172 : memref<1x96xi32, #tpu.memory_space<vmem>> -> memref<96xi32, #tpu.memory_space<vmem>>
          %dma_wait3A_174 = arith.constant 0 : i32
          %dma_wait3A_175 = tpu.memref_slice %arg24[%dma_wait3A_174] : memref<20480xf32, #tpu.memory_space<vmem_shared>> -> memref<20480xf32, #tpu.memory_space<vmem_shared>>
          tpu.wait_indirect_dma semaphore(%arg33 : memref<!tpu.dma_semaphore, #tpu.memory_space<semaphore_mem>>) src(%dma_wait3A_170 : memref<96xf32, #tpu.memory_space<vmem>>) dst(%dma_wait3A_175 : memref<20480xf32, #tpu.memory_space<vmem_shared>>)
        } else {
        }
        %scan3A_128 = arith.constant 0 : i32
        %scan3A_129 = arith.constant 0 : i32
        %scan3A_130 = arith.constant 6 : i32
        %scan3A_131 = arith.addi %scan3A_129, %scan3A_130 : i32
        %scan3A_132 = arith.constant 1 : i32
        %scan3A_133 = scf.for %scan3A_156 = %scan3A_129 to %scan3A_131 step %scan3A_132 iter_args(%scan3A_157 = %scan3A_128) -> (i32)  : i32 {
          %mul3A_158 = arith.constant 16 : i32
          %mul3A_159 = arith.muli %scan3A_156, %mul3A_158 : i32
          %get3A = arith.index_cast %add3A_122 : i32 to index
          %get3A_160 = arith.index_cast %mul3A_159 : i32 to index
          %get3A_161 = tpu.vector_load %arg7[%get3A, %get3A_160] {strides = array<i32>} : memref<6x96xi32, #tpu.memory_space<vmem>>, vector<16xi32>,
          %mul3A_162 = arith.constant 16 : i32
          %mul3A_163 = arith.muli %scan3A_156, %mul3A_162 : i32
          %get3A_164 = arith.index_cast %add3A_122 : i32 to index
          %get3A_165 = arith.index_cast %mul3A_163 : i32 to index
          %get3A_166 = tpu.vector_load %arg8[%get3A_164, %get3A_165] {strides = array<i32>} : memref<6x96xi32, #tpu.memory_space<vmem>>, vector<16xi32>,
          %add3A_167 = arith.constant 0 : i32
          %add3A_168 = vector.broadcast %add3A_167 : i32 to vector<16xi32>
          %add3A_169 = arith.addi %get3A_161, %add3A_168 : vector<16xi32>
          %gather3A = tpu.vector_load_idx %arg9[%add3A_169] : memref<20480xf32, #tpu.memory_space<vmem>>[vector<16xi32>], vector<16xf32>,
          %add3A_170 = arith.constant 0 : i32
          %add3A_171 = vector.broadcast %add3A_170 : i32 to vector<16xi32>
          %add3A_172 = arith.addi %get3A_166, %add3A_171 : vector<16xi32>
          %gather3A_173 = tpu.vector_load_idx %arg10[%add3A_172] : memref<20480xf32, #tpu.memory_space<vmem>>[vector<16xi32>], vector<16xf32>,
          %add3A_174 = arith.addf %gather3A, %gather3A_173 : vector<16xf32>
          %ge3A_175 = arith.constant 0.000000e+00 : f32
          %ge3A_176 = vector.broadcast %ge3A_175 : f32 to vector<16xf32>
          %ge3A_177 = arith.cmpf oge, %add3A_174, %ge3A_176 : vector<16xf32>
          %mul3A_178 = arith.constant 2.000000e-01 : f32
          %mul3A_179 = vector.broadcast %mul3A_178 : f32 to vector<16xf32>
          %mul3A_180 = arith.mulf %mul3A_179, %add3A_174 : vector<16xf32>
          %select_n3A = arith.select %ge3A_177, %add3A_174, %mul3A_180 : vector<16xi1>, vector<16xf32>
          %exp3A = math.exp %select_n3A : vector<16xf32>
          %mul3A_181 = arith.constant 16 : i32
          %mul3A_182 = arith.muli %scan3A_156, %mul3A_181 : i32
          %swap3A = arith.constant 0 : i32
          %swap3A_183 = arith.index_cast %swap3A : i32 to index
          %swap3A_184 = arith.index_cast %mul3A_182 : i32 to index
          %swap3A_185 = tpu.vector_load %arg17[%swap3A_183, %swap3A_184] {strides = array<i32>} : memref<2x96xf32, #tpu.memory_space<vmem>>, vector<16xf32>,
          tpu.vector_store %arg17[%swap3A_183, %swap3A_184], %exp3A {strides = array<i32>} : memref<2x96xf32, #tpu.memory_space<vmem>>, vector<16xf32>,
          %add3A_186 = arith.constant 0 : i32
          %add3A_187 = vector.broadcast %add3A_186 : i32 to vector<16xi32>
          %add3A_188 = arith.addi %get3A_166, %add3A_187 : vector<16xi32>
          %mul3A_189 = arith.constant 16 : i32
          %mul3A_190 = arith.muli %scan3A_156, %mul3A_189 : i32
          %swap3A_191 = arith.constant 0 : i32
          %swap3A_192 = arith.index_cast %swap3A_191 : i32 to index
          %swap3A_193 = arith.index_cast %mul3A_190 : i32 to index
          %swap3A_194 = tpu.vector_load %arg19[%swap3A_192, %swap3A_193] {strides = array<i32>} : memref<2x96xi32, #tpu.memory_space<vmem>>, vector<16xi32>,
          tpu.vector_store %arg19[%swap3A_192, %swap3A_193], %add3A_188 {strides = array<i32>} : memref<2x96xi32, #tpu.memory_space<vmem>>, vector<16xi32>,
          %add3A_195 = arith.constant 10240 : i32
          %add3A_196 = vector.broadcast %add3A_195 : i32 to vector<16xi32>
          %add3A_197 = arith.addi %get3A_161, %add3A_196 : vector<16xi32>
          %gather3A_198 = tpu.vector_load_idx %arg9[%add3A_197] : memref<20480xf32, #tpu.memory_space<vmem>>[vector<16xi32>], vector<16xf32>,
          %add3A_199 = arith.constant 10240 : i32
          %add3A_200 = vector.broadcast %add3A_199 : i32 to vector<16xi32>
          %add3A_201 = arith.addi %get3A_166, %add3A_200 : vector<16xi32>
          %gather3A_202 = tpu.vector_load_idx %arg10[%add3A_201] : memref<20480xf32, #tpu.memory_space<vmem>>[vector<16xi32>], vector<16xf32>,
          %add3A_203 = arith.addf %gather3A_198, %gather3A_202 : vector<16xf32>
          %ge3A_204 = arith.constant 0.000000e+00 : f32
          %ge3A_205 = vector.broadcast %ge3A_204 : f32 to vector<16xf32>
          %ge3A_206 = arith.cmpf oge, %add3A_203, %ge3A_205 : vector<16xf32>
          %mul3A_207 = arith.constant 2.000000e-01 : f32
          %mul3A_208 = vector.broadcast %mul3A_207 : f32 to vector<16xf32>
          %mul3A_209 = arith.mulf %mul3A_208, %add3A_203 : vector<16xf32>
          %select_n3A_210 = arith.select %ge3A_206, %add3A_203, %mul3A_209 : vector<16xi1>, vector<16xf32>
          %exp3A_211 = math.exp %select_n3A_210 : vector<16xf32>
          %mul3A_212 = arith.constant 16 : i32
          %mul3A_213 = arith.muli %scan3A_156, %mul3A_212 : i32
          %swap3A_214 = arith.constant 1 : i32
          %swap3A_215 = arith.index_cast %swap3A_214 : i32 to index
          %swap3A_216 = arith.index_cast %mul3A_213 : i32 to index
          %swap3A_217 = tpu.vector_load %arg17[%swap3A_215, %swap3A_216] {strides = array<i32>} : memref<2x96xf32, #tpu.memory_space<vmem>>, vector<16xf32>,
          tpu.vector_store %arg17[%swap3A_215, %swap3A_216], %exp3A_211 {strides = array<i32>} : memref<2x96xf32, #tpu.memory_space<vmem>>, vector<16xf32>,
          %add3A_218 = arith.constant 10240 : i32
          %add3A_219 = vector.broadcast %add3A_218 : i32 to vector<16xi32>
          %add3A_220 = arith.addi %get3A_166, %add3A_219 : vector<16xi32>
          %mul3A_221 = arith.constant 16 : i32
          %mul3A_222 = arith.muli %scan3A_156, %mul3A_221 : i32
          %swap3A_223 = arith.constant 1 : i32
          %swap3A_224 = arith.index_cast %swap3A_223 : i32 to index
          %swap3A_225 = arith.index_cast %mul3A_222 : i32 to index
          %swap3A_226 = tpu.vector_load %arg19[%swap3A_224, %swap3A_225] {strides = array<i32>} : memref<2x96xi32, #tpu.memory_space<vmem>>, vector<16xi32>,
          tpu.vector_store %arg19[%swap3A_224, %swap3A_225], %add3A_220 {strides = array<i32>} : memref<2x96xi32, #tpu.memory_space<vmem>>, vector<16xi32>,
          %scan3A_227 = arith.constant 0 : i32
          scf.yield %scan3A_227 : i32
        }
        %scan3A_134 = arith.constant 6 : i32
        %dma_start3A_135 = arith.constant 0 : i32
        %dma_start3A_136 = arith.constant 0 : i32
        %dma_start3A_137 = arith.constant 0 : i32
        %dma_start3A_138 = tpu.memref_slice %arg17[%dma_start3A_135, %dma_start3A_137] : memref<2x96xf32, #tpu.memory_space<vmem>> -> memref<1x96xf32, #tpu.memory_space<vmem>>
        %dma_start3A_139 = tpu.memref_squeeze %dma_start3A_138 : memref<1x96xf32, #tpu.memory_space<vmem>> -> memref<96xf32, #tpu.memory_space<vmem>>
        %dma_start3A_140 = arith.constant 0 : i32
        %dma_start3A_141 = tpu.memref_slice %arg19[%dma_start3A_136, %dma_start3A_140] : memref<2x96xi32, #tpu.memory_space<vmem>> -> memref<1x96xi32, #tpu.memory_space<vmem>>
        %dma_start3A_142 = tpu.memref_squeeze %dma_start3A_141 : memref<1x96xi32, #tpu.memory_space<vmem>> -> memref<96xi32, #tpu.memory_space<vmem>>
        %dma_start3A_143 = arith.constant 0 : i32
        %dma_start3A_144 = tpu.memref_slice %arg24[%dma_start3A_143] : memref<20480xf32, #tpu.memory_space<vmem_shared>> -> memref<20480xf32, #tpu.memory_space<vmem_shared>>
        tpu.enqueue_indirect_dma source(%dma_start3A_139 : memref<96xf32, #tpu.memory_space<vmem>>) target(%dma_start3A_144 : memref<20480xf32, #tpu.memory_space<vmem_shared>>) offsets(%dma_start3A_142 : memref<96xi32, #tpu.memory_space<vmem>>) semaphore(%arg33 : memref<!tpu.dma_semaphore, #tpu.memory_space<semaphore_mem>>) {add = true}
        %dma_start3A_145 = arith.constant 1 : i32
        %dma_start3A_146 = arith.constant 1 : i32
        %dma_start3A_147 = arith.constant 0 : i32
        %dma_start3A_148 = tpu.memref_slice %arg17[%dma_start3A_145, %dma_start3A_147] : memref<2x96xf32, #tpu.memory_space<vmem>> -> memref<1x96xf32, #tpu.memory_space<vmem>>
        %dma_start3A_149 = tpu.memref_squeeze %dma_start3A_148 : memref<1x96xf32, #tpu.memory_space<vmem>> -> memref<96xf32, #tpu.memory_space<vmem>>
        %dma_start3A_150 = arith.constant 0 : i32
        %dma_start3A_151 = tpu.memref_slice %arg19[%dma_start3A_146, %dma_start3A_150] : memref<2x96xi32, #tpu.memory_space<vmem>> -> memref<1x96xi32, #tpu.memory_space<vmem>>
        %dma_start3A_152 = tpu.memref_squeeze %dma_start3A_151 : memref<1x96xi32, #tpu.memory_space<vmem>> -> memref<96xi32, #tpu.memory_space<vmem>>
        %dma_start3A_153 = arith.constant 0 : i32
        %dma_start3A_154 = tpu.memref_slice %arg24[%dma_start3A_153] : memref<20480xf32, #tpu.memory_space<vmem_shared>> -> memref<20480xf32, #tpu.memory_space<vmem_shared>>
        tpu.enqueue_indirect_dma source(%dma_start3A_149 : memref<96xf32, #tpu.memory_space<vmem>>) target(%dma_start3A_154 : memref<20480xf32, #tpu.memory_space<vmem_shared>>) offsets(%dma_start3A_152 : memref<96xi32, #tpu.memory_space<vmem>>) semaphore(%arg33 : memref<!tpu.dma_semaphore, #tpu.memory_space<semaphore_mem>>) {add = true}
        %scan3A_155 = arith.constant 0 : i32
        scf.yield %scan3A_155 : i32
      }
      %scan3A_44 = arith.constant 3 : i32
      %dma_wait3A = arith.constant 0 : i32
      %dma_wait3A_45 = arith.constant 0 : i32
      %dma_wait3A_46 = arith.constant 0 : i32
      %dma_wait3A_47 = tpu.memref_slice %arg16[%dma_wait3A, %dma_wait3A_46] : memref<2x96xf32, #tpu.memory_space<vmem>> -> memref<1x96xf32, #tpu.memory_space<vmem>>
      %dma_wait3A_48 = tpu.memref_squeeze %dma_wait3A_47 : memref<1x96xf32, #tpu.memory_space<vmem>> -> memref<96xf32, #tpu.memory_space<vmem>>
      %dma_wait3A_49 = arith.constant 0 : i32
      %dma_wait3A_50 = tpu.memref_slice %arg18[%dma_wait3A_45, %dma_wait3A_49] : memref<2x96xi32, #tpu.memory_space<vmem>> -> memref<1x96xi32, #tpu.memory_space<vmem>>
      %dma_wait3A_51 = tpu.memref_squeeze %dma_wait3A_50 : memref<1x96xi32, #tpu.memory_space<vmem>> -> memref<96xi32, #tpu.memory_space<vmem>>
      %dma_wait3A_52 = arith.constant 0 : i32
      %dma_wait3A_53 = tpu.memref_slice %arg24[%dma_wait3A_52] : memref<20480xf32, #tpu.memory_space<vmem_shared>> -> memref<20480xf32, #tpu.memory_space<vmem_shared>>
      tpu.wait_indirect_dma semaphore(%arg32 : memref<!tpu.dma_semaphore, #tpu.memory_space<semaphore_mem>>) src(%dma_wait3A_48 : memref<96xf32, #tpu.memory_space<vmem>>) dst(%dma_wait3A_53 : memref<20480xf32, #tpu.memory_space<vmem_shared>>)
      %dma_wait3A_54 = arith.constant 1 : i32
      %dma_wait3A_55 = arith.constant 1 : i32
      %dma_wait3A_56 = arith.constant 0 : i32
      %dma_wait3A_57 = tpu.memref_slice %arg16[%dma_wait3A_54, %dma_wait3A_56] : memref<2x96xf32, #tpu.memory_space<vmem>> -> memref<1x96xf32, #tpu.memory_space<vmem>>
      %dma_wait3A_58 = tpu.memref_squeeze %dma_wait3A_57 : memref<1x96xf32, #tpu.memory_space<vmem>> -> memref<96xf32, #tpu.memory_space<vmem>>
      %dma_wait3A_59 = arith.constant 0 : i32
      %dma_wait3A_60 = tpu.memref_slice %arg18[%dma_wait3A_55, %dma_wait3A_59] : memref<2x96xi32, #tpu.memory_space<vmem>> -> memref<1x96xi32, #tpu.memory_space<vmem>>
      %dma_wait3A_61 = tpu.memref_squeeze %dma_wait3A_60 : memref<1x96xi32, #tpu.memory_space<vmem>> -> memref<96xi32, #tpu.memory_space<vmem>>
      %dma_wait3A_62 = arith.constant 0 : i32
      %dma_wait3A_63 = tpu.memref_slice %arg24[%dma_wait3A_62] : memref<20480xf32, #tpu.memory_space<vmem_shared>> -> memref<20480xf32, #tpu.memory_space<vmem_shared>>
      tpu.wait_indirect_dma semaphore(%arg32 : memref<!tpu.dma_semaphore, #tpu.memory_space<semaphore_mem>>) src(%dma_wait3A_58 : memref<96xf32, #tpu.memory_space<vmem>>) dst(%dma_wait3A_63 : memref<20480xf32, #tpu.memory_space<vmem_shared>>)
      %dma_wait3A_64 = arith.constant 0 : i32
      %dma_wait3A_65 = arith.constant 0 : i32
      %dma_wait3A_66 = arith.constant 0 : i32
      %dma_wait3A_67 = tpu.memref_slice %arg17[%dma_wait3A_64, %dma_wait3A_66] : memref<2x96xf32, #tpu.memory_space<vmem>> -> memref<1x96xf32, #tpu.memory_space<vmem>>
      %dma_wait3A_68 = tpu.memref_squeeze %dma_wait3A_67 : memref<1x96xf32, #tpu.memory_space<vmem>> -> memref<96xf32, #tpu.memory_space<vmem>>
      %dma_wait3A_69 = arith.constant 0 : i32
      %dma_wait3A_70 = tpu.memref_slice %arg19[%dma_wait3A_65, %dma_wait3A_69] : memref<2x96xi32, #tpu.memory_space<vmem>> -> memref<1x96xi32, #tpu.memory_space<vmem>>
      %dma_wait3A_71 = tpu.memref_squeeze %dma_wait3A_70 : memref<1x96xi32, #tpu.memory_space<vmem>> -> memref<96xi32, #tpu.memory_space<vmem>>
      %dma_wait3A_72 = arith.constant 0 : i32
      %dma_wait3A_73 = tpu.memref_slice %arg24[%dma_wait3A_72] : memref<20480xf32, #tpu.memory_space<vmem_shared>> -> memref<20480xf32, #tpu.memory_space<vmem_shared>>
      tpu.wait_indirect_dma semaphore(%arg33 : memref<!tpu.dma_semaphore, #tpu.memory_space<semaphore_mem>>) src(%dma_wait3A_68 : memref<96xf32, #tpu.memory_space<vmem>>) dst(%dma_wait3A_73 : memref<20480xf32, #tpu.memory_space<vmem_shared>>)
      %dma_wait3A_74 = arith.constant 1 : i32
      %dma_wait3A_75 = arith.constant 1 : i32
      %dma_wait3A_76 = arith.constant 0 : i32
      %dma_wait3A_77 = tpu.memref_slice %arg17[%dma_wait3A_74, %dma_wait3A_76] : memref<2x96xf32, #tpu.memory_space<vmem>> -> memref<1x96xf32, #tpu.memory_space<vmem>>
      %dma_wait3A_78 = tpu.memref_squeeze %dma_wait3A_77 : memref<1x96xf32, #tpu.memory_space<vmem>> -> memref<96xf32, #tpu.memory_space<vmem>>
      %dma_wait3A_79 = arith.constant 0 : i32
      %dma_wait3A_80 = tpu.memref_slice %arg19[%dma_wait3A_75, %dma_wait3A_79] : memref<2x96xi32, #tpu.memory_space<vmem>> -> memref<1x96xi32, #tpu.memory_space<vmem>>
      %dma_wait3A_81 = tpu.memref_squeeze %dma_wait3A_80 : memref<1x96xi32, #tpu.memory_space<vmem>> -> memref<96xi32, #tpu.memory_space<vmem>>
      %dma_wait3A_82 = arith.constant 0 : i32
      %dma_wait3A_83 = tpu.memref_slice %arg24[%dma_wait3A_82] : memref<20480xf32, #tpu.memory_space<vmem_shared>> -> memref<20480xf32, #tpu.memory_space<vmem_shared>>
      tpu.wait_indirect_dma semaphore(%arg33 : memref<!tpu.dma_semaphore, #tpu.memory_space<semaphore_mem>>) src(%dma_wait3A_78 : memref<96xf32, #tpu.memory_space<vmem>>) dst(%dma_wait3A_83 : memref<20480xf32, #tpu.memory_space<vmem_shared>>)
      %scan3A_84 = arith.constant 0 : i32
      scf.yield %scan3A_84 : i32
    }
    %scan3A_23 = arith.constant 36 : i32
    %barrier3A_24 = arith.constant 0 : index
    tpu.barrier barrier_id(%barrier3A_24)
    "tpu.region"() ({
      %run_scoped3A = tpu.sem_alloc : memref<!tpu.dma_semaphore, #tpu.memory_space<semaphore_mem>>
      tpu.enqueue_dma source(%arg24 : memref<20480xf32, #tpu.memory_space<vmem_shared>>) target(%arg11 : memref<20480xf32, #tpu.memory_space<vmem>>) target_semaphore(%run_scoped3A : memref<!tpu.dma_semaphore, #tpu.memory_space<semaphore_mem>>)
      tpu.wait_dma2 semaphore(%run_scoped3A : memref<!tpu.dma_semaphore, #tpu.memory_space<semaphore_mem>>) src(%arg24 : memref<20480xf32, #tpu.memory_space<vmem_shared>>) dst(%arg11 : memref<20480xf32, #tpu.memory_space<vmem>>)
      tpu.yield
    }) : () -> ()
    %scan3A_25 = arith.constant 0 : i32
    %scan3A_26 = arith.constant 0 : i32
    %scan3A_27 = arith.constant 4 : i32
    %scan3A_28 = arith.addi %scan3A_26, %scan3A_27 : i32
    %scan3A_29 = arith.constant 1 : i32
    %scan3A_30 = scf.for %scan3A_32 = %scan3A_26 to %scan3A_28 step %scan3A_29 iter_args(%scan3A_33 = %scan3A_25) -> (i32)  : i32 {
      %jit3A = arith.constant 2 : i32
      %div3A = arith.divsi %scan3A_32, %jit3A : i32
      %sign3A = arith.constant 0 : i32
      %sign3A_34 = arith.cmpi sgt, %scan3A_32, %sign3A : i32
      %sign3A_35 = arith.extui %sign3A_34 : i1 to i32
      %sign3A_36 = arith.constant 0 : i32
      %sign3A_37 = arith.cmpi slt, %scan3A_32, %sign3A_36 : i32
      %sign3A_38 = arith.extui %sign3A_37 : i1 to i32
      %sign3A_39 = arith.subi %sign3A_35, %sign3A_38 : i32
      %sign3A_40 = arith.constant 0 : i32
      %sign3A_41 = arith.cmpi sgt, %jit3A, %sign3A_40 : i32
      %sign3A_42 = arith.extui %sign3A_41 : i1 to i32
      %sign3A_43 = arith.constant 0 : i32
      %sign3A_44 = arith.cmpi slt, %jit3A, %sign3A_43 : i32
      %sign3A_45 = arith.extui %sign3A_44 : i1 to i32
      %sign3A_46 = arith.subi %sign3A_42, %sign3A_45 : i32
      %ne3A = arith.cmpi ne, %sign3A_39, %sign3A_46 : i32
      %rem3A = arith.remsi %scan3A_32, %jit3A : i32
      %ne3A_47 = arith.constant 0 : i32
      %ne3A_48 = arith.cmpi ne, %rem3A, %ne3A_47 : i32
      %and3A = arith.andi %ne3A, %ne3A_48 : i1
      %sub3A = arith.constant 1 : i32
      %sub3A_49 = arith.subi %div3A, %sub3A : i32
      %select_n3A = arith.select %and3A, %sub3A_49, %div3A : i32
      %mul3A_50 = arith.constant 2 : i32
      %mul3A_51 = arith.muli %mul3A_50, %select_n3A : i32
      %sub3A_52 = arith.subi %scan3A_32, %mul3A_51 : i32
      %mul3A_53 = arith.constant 4 : i32
      %mul3A_54 = arith.muli %sub3A_52, %mul3A_53 : i32
      %mul3A_55 = arith.constant 2 : i32
      %mul3A_56 = arith.muli %mul3A_55, %arg0 : i32
      %add3A_57 = arith.addi %mul3A_54, %mul3A_56 : i32
      %add3A_58 = arith.addi %add3A_57, %select_n3A : i32
      %mul3A_59 = arith.constant 10240 : i32
      %mul3A_60 = arith.muli %add3A_58, %mul3A_59 : i32
      %scan3A_61 = arith.constant 0 : i32
      %scan3A_62 = arith.constant 0 : i32
      %scan3A_63 = arith.constant 96 : i32
      %scan3A_64 = arith.addi %scan3A_62, %scan3A_63 : i32
      %scan3A_65 = arith.constant 1 : i32
      %scan3A_66 = scf.for %scan3A_112 = %scan3A_62 to %scan3A_64 step %scan3A_65 iter_args(%scan3A_113 = %scan3A_61) -> (i32)  : i32 {
        %swap3A = arith.index_cast %scan3A_112 : i32 to index
        %swap3A_114 = arith.constant 0 : index
        %swap3A_115 = tpu.vector_load %arg12[%swap3A, %swap3A_114] {strides = array<i32>} : memref<96x64xf32, #tpu.memory_space<vmem>>, vector<16xf32>,
        tpu.vector_store %arg12[%swap3A, %swap3A_114], %broadcast_in_dim3A_8 {strides = array<i32>} : memref<96x64xf32, #tpu.memory_space<vmem>>, vector<16xf32>,
        %swap3A_116 = arith.index_cast %scan3A_112 : i32 to index
        %swap3A_117 = arith.constant 16 : index
        %swap3A_118 = tpu.vector_load %arg12[%swap3A_116, %swap3A_117] {strides = array<i32>} : memref<96x64xf32, #tpu.memory_space<vmem>>, vector<16xf32>,
        tpu.vector_store %arg12[%swap3A_116, %swap3A_117], %broadcast_in_dim3A_8 {strides = array<i32>} : memref<96x64xf32, #tpu.memory_space<vmem>>, vector<16xf32>,
        %swap3A_119 = arith.index_cast %scan3A_112 : i32 to index
        %swap3A_120 = arith.constant 32 : index
        %swap3A_121 = tpu.vector_load %arg12[%swap3A_119, %swap3A_120] {strides = array<i32>} : memref<96x64xf32, #tpu.memory_space<vmem>>, vector<16xf32>,
        tpu.vector_store %arg12[%swap3A_119, %swap3A_120], %broadcast_in_dim3A_8 {strides = array<i32>} : memref<96x64xf32, #tpu.memory_space<vmem>>, vector<16xf32>,
        %swap3A_122 = arith.index_cast %scan3A_112 : i32 to index
        %swap3A_123 = arith.constant 48 : index
        %swap3A_124 = tpu.vector_load %arg12[%swap3A_122, %swap3A_123] {strides = array<i32>} : memref<96x64xf32, #tpu.memory_space<vmem>>, vector<16xf32>,
        tpu.vector_store %arg12[%swap3A_122, %swap3A_123], %broadcast_in_dim3A_8 {strides = array<i32>} : memref<96x64xf32, #tpu.memory_space<vmem>>, vector<16xf32>,
        %scan3A_125 = arith.constant 0 : i32
        scf.yield %scan3A_125 : i32
      }
      %scan3A_67 = arith.constant 96 : i32
      %mul3A_68 = arith.constant 640 : i32
      %mul3A_69 = arith.muli %arg1, %mul3A_68 : i32
      %add3A_70 = arith.constant 0 : i32
      %add3A_71 = arith.addi %mul3A_69, %add3A_70 : i32
      "tpu.region"() ({
        %run_scoped3A = tpu.sem_alloc : memref<!tpu.dma_semaphore, #tpu.memory_space<semaphore_mem>>
        %dma_start3A = arith.constant 0 : i32
        %dma_start3A_112 = tpu.memref_slice %arg25[%add3A_71, %dma_start3A] : memref<10240x64xf32, #tpu.memory_space<vmem_shared>> -> memref<96x64xf32, #tpu.memory_space<vmem_shared>>
        %dma_start3A_113 = arith.constant 0 : i32
        %dma_start3A_114 = tpu.memref_slice %arg25[%add3A_71, %dma_start3A_113] : memref<10240x64xf32, #tpu.memory_space<vmem_shared>> -> memref<96x64xf32, #tpu.memory_space<vmem_shared>>
        tpu.enqueue_dma source(%arg12 : memref<96x64xf32, #tpu.memory_space<vmem>>) target(%dma_start3A_114 : memref<96x64xf32, #tpu.memory_space<vmem_shared>>) target_semaphore(%run_scoped3A : memref<!tpu.dma_semaphore, #tpu.memory_space<semaphore_mem>>)
        %dma_wait3A = arith.constant 0 : i32
        %dma_wait3A_115 = tpu.memref_slice %arg25[%add3A_71, %dma_wait3A] : memref<10240x64xf32, #tpu.memory_space<vmem_shared>> -> memref<96x64xf32, #tpu.memory_space<vmem_shared>>
        %dma_wait3A_116 = arith.constant 0 : i32
        %dma_wait3A_117 = tpu.memref_slice %arg25[%add3A_71, %dma_wait3A_116] : memref<10240x64xf32, #tpu.memory_space<vmem_shared>> -> memref<96x64xf32, #tpu.memory_space<vmem_shared>>
        tpu.wait_dma2 semaphore(%run_scoped3A : memref<!tpu.dma_semaphore, #tpu.memory_space<semaphore_mem>>) src(%arg12 : memref<96x64xf32, #tpu.memory_space<vmem>>) dst(%dma_wait3A_117 : memref<96x64xf32, #tpu.memory_space<vmem_shared>>)
        tpu.yield
      }) : () -> ()
      %mul3A_72 = arith.constant 640 : i32
      %mul3A_73 = arith.muli %arg1, %mul3A_72 : i32
      %add3A_74 = arith.constant 96 : i32
      %add3A_75 = arith.addi %mul3A_73, %add3A_74 : i32
      "tpu.region"() ({
        %run_scoped3A = tpu.sem_alloc : memref<!tpu.dma_semaphore, #tpu.memory_space<semaphore_mem>>
        %dma_start3A = arith.constant 0 : i32
        %dma_start3A_112 = tpu.memref_slice %arg25[%add3A_75, %dma_start3A] : memref<10240x64xf32, #tpu.memory_space<vmem_shared>> -> memref<96x64xf32, #tpu.memory_space<vmem_shared>>
        %dma_start3A_113 = arith.constant 0 : i32
        %dma_start3A_114 = tpu.memref_slice %arg25[%add3A_75, %dma_start3A_113] : memref<10240x64xf32, #tpu.memory_space<vmem_shared>> -> memref<96x64xf32, #tpu.memory_space<vmem_shared>>
        tpu.enqueue_dma source(%arg12 : memref<96x64xf32, #tpu.memory_space<vmem>>) target(%dma_start3A_114 : memref<96x64xf32, #tpu.memory_space<vmem_shared>>) target_semaphore(%run_scoped3A : memref<!tpu.dma_semaphore, #tpu.memory_space<semaphore_mem>>)
        %dma_wait3A = arith.constant 0 : i32
        %dma_wait3A_115 = tpu.memref_slice %arg25[%add3A_75, %dma_wait3A] : memref<10240x64xf32, #tpu.memory_space<vmem_shared>> -> memref<96x64xf32, #tpu.memory_space<vmem_shared>>
        %dma_wait3A_116 = arith.constant 0 : i32
        %dma_wait3A_117 = tpu.memref_slice %arg25[%add3A_75, %dma_wait3A_116] : memref<10240x64xf32, #tpu.memory_space<vmem_shared>> -> memref<96x64xf32, #tpu.memory_space<vmem_shared>>
        tpu.wait_dma2 semaphore(%run_scoped3A : memref<!tpu.dma_semaphore, #tpu.memory_space<semaphore_mem>>) src(%arg12 : memref<96x64xf32, #tpu.memory_space<vmem>>) dst(%dma_wait3A_117 : memref<96x64xf32, #tpu.memory_space<vmem_shared>>)
        tpu.yield
      }) : () -> ()
      %mul3A_76 = arith.constant 640 : i32
      %mul3A_77 = arith.muli %arg1, %mul3A_76 : i32
      %add3A_78 = arith.constant 192 : i32
      %add3A_79 = arith.addi %mul3A_77, %add3A_78 : i32
      "tpu.region"() ({
        %run_scoped3A = tpu.sem_alloc : memref<!tpu.dma_semaphore, #tpu.memory_space<semaphore_mem>>
        %dma_start3A = arith.constant 0 : i32
        %dma_start3A_112 = tpu.memref_slice %arg25[%add3A_79, %dma_start3A] : memref<10240x64xf32, #tpu.memory_space<vmem_shared>> -> memref<96x64xf32, #tpu.memory_space<vmem_shared>>
        %dma_start3A_113 = arith.constant 0 : i32
        %dma_start3A_114 = tpu.memref_slice %arg25[%add3A_79, %dma_start3A_113] : memref<10240x64xf32, #tpu.memory_space<vmem_shared>> -> memref<96x64xf32, #tpu.memory_space<vmem_shared>>
        tpu.enqueue_dma source(%arg12 : memref<96x64xf32, #tpu.memory_space<vmem>>) target(%dma_start3A_114 : memref<96x64xf32, #tpu.memory_space<vmem_shared>>) target_semaphore(%run_scoped3A : memref<!tpu.dma_semaphore, #tpu.memory_space<semaphore_mem>>)
        %dma_wait3A = arith.constant 0 : i32
        %dma_wait3A_115 = tpu.memref_slice %arg25[%add3A_79, %dma_wait3A] : memref<10240x64xf32, #tpu.memory_space<vmem_shared>> -> memref<96x64xf32, #tpu.memory_space<vmem_shared>>
        %dma_wait3A_116 = arith.constant 0 : i32
        %dma_wait3A_117 = tpu.memref_slice %arg25[%add3A_79, %dma_wait3A_116] : memref<10240x64xf32, #tpu.memory_space<vmem_shared>> -> memref<96x64xf32, #tpu.memory_space<vmem_shared>>
        tpu.wait_dma2 semaphore(%run_scoped3A : memref<!tpu.dma_semaphore, #tpu.memory_space<semaphore_mem>>) src(%arg12 : memref<96x64xf32, #tpu.memory_space<vmem>>) dst(%dma_wait3A_117 : memref<96x64xf32, #tpu.memory_space<vmem_shared>>)
        tpu.yield
      }) : () -> ()
      %mul3A_80 = arith.constant 640 : i32
      %mul3A_81 = arith.muli %arg1, %mul3A_80 : i32
      %add3A_82 = arith.constant 288 : i32
      %add3A_83 = arith.addi %mul3A_81, %add3A_82 : i32
      "tpu.region"() ({
        %run_scoped3A = tpu.sem_alloc : memref<!tpu.dma_semaphore, #tpu.memory_space<semaphore_mem>>
        %dma_start3A = arith.constant 0 : i32
        %dma_start3A_112 = tpu.memref_slice %arg25[%add3A_83, %dma_start3A] : memref<10240x64xf32, #tpu.memory_space<vmem_shared>> -> memref<96x64xf32, #tpu.memory_space<vmem_shared>>
        %dma_start3A_113 = arith.constant 0 : i32
        %dma_start3A_114 = tpu.memref_slice %arg25[%add3A_83, %dma_start3A_113] : memref<10240x64xf32, #tpu.memory_space<vmem_shared>> -> memref<96x64xf32, #tpu.memory_space<vmem_shared>>
        tpu.enqueue_dma source(%arg12 : memref<96x64xf32, #tpu.memory_space<vmem>>) target(%dma_start3A_114 : memref<96x64xf32, #tpu.memory_space<vmem_shared>>) target_semaphore(%run_scoped3A : memref<!tpu.dma_semaphore, #tpu.memory_space<semaphore_mem>>)
        %dma_wait3A = arith.constant 0 : i32
        %dma_wait3A_115 = tpu.memref_slice %arg25[%add3A_83, %dma_wait3A] : memref<10240x64xf32, #tpu.memory_space<vmem_shared>> -> memref<96x64xf32, #tpu.memory_space<vmem_shared>>
        %dma_wait3A_116 = arith.constant 0 : i32
        %dma_wait3A_117 = tpu.memref_slice %arg25[%add3A_83, %dma_wait3A_116] : memref<10240x64xf32, #tpu.memory_space<vmem_shared>> -> memref<96x64xf32, #tpu.memory_space<vmem_shared>>
        tpu.wait_dma2 semaphore(%run_scoped3A : memref<!tpu.dma_semaphore, #tpu.memory_space<semaphore_mem>>) src(%arg12 : memref<96x64xf32, #tpu.memory_space<vmem>>) dst(%dma_wait3A_117 : memref<96x64xf32, #tpu.memory_space<vmem_shared>>)
        tpu.yield
      }) : () -> ()
      %mul3A_84 = arith.constant 640 : i32
      %mul3A_85 = arith.muli %arg1, %mul3A_84 : i32
      %add3A_86 = arith.constant 384 : i32
      %add3A_87 = arith.addi %mul3A_85, %add3A_86 : i32
      "tpu.region"() ({
        %run_scoped3A = tpu.sem_alloc : memref<!tpu.dma_semaphore, #tpu.memory_space<semaphore_mem>>
        %dma_start3A = arith.constant 0 : i32
        %dma_start3A_112 = tpu.memref_slice %arg25[%add3A_87, %dma_start3A] : memref<10240x64xf32, #tpu.memory_space<vmem_shared>> -> memref<96x64xf32, #tpu.memory_space<vmem_shared>>
        %dma_start3A_113 = arith.constant 0 : i32
        %dma_start3A_114 = tpu.memref_slice %arg25[%add3A_87, %dma_start3A_113] : memref<10240x64xf32, #tpu.memory_space<vmem_shared>> -> memref<96x64xf32, #tpu.memory_space<vmem_shared>>
        tpu.enqueue_dma source(%arg12 : memref<96x64xf32, #tpu.memory_space<vmem>>) target(%dma_start3A_114 : memref<96x64xf32, #tpu.memory_space<vmem_shared>>) target_semaphore(%run_scoped3A : memref<!tpu.dma_semaphore, #tpu.memory_space<semaphore_mem>>)
        %dma_wait3A = arith.constant 0 : i32
        %dma_wait3A_115 = tpu.memref_slice %arg25[%add3A_87, %dma_wait3A] : memref<10240x64xf32, #tpu.memory_space<vmem_shared>> -> memref<96x64xf32, #tpu.memory_space<vmem_shared>>
        %dma_wait3A_116 = arith.constant 0 : i32
        %dma_wait3A_117 = tpu.memref_slice %arg25[%add3A_87, %dma_wait3A_116] : memref<10240x64xf32, #tpu.memory_space<vmem_shared>> -> memref<96x64xf32, #tpu.memory_space<vmem_shared>>
        tpu.wait_dma2 semaphore(%run_scoped3A : memref<!tpu.dma_semaphore, #tpu.memory_space<semaphore_mem>>) src(%arg12 : memref<96x64xf32, #tpu.memory_space<vmem>>) dst(%dma_wait3A_117 : memref<96x64xf32, #tpu.memory_space<vmem_shared>>)
        tpu.yield
      }) : () -> ()
      %mul3A_88 = arith.constant 640 : i32
      %mul3A_89 = arith.muli %arg1, %mul3A_88 : i32
      %add3A_90 = arith.constant 480 : i32
      %add3A_91 = arith.addi %mul3A_89, %add3A_90 : i32
      "tpu.region"() ({
        %run_scoped3A = tpu.sem_alloc : memref<!tpu.dma_semaphore, #tpu.memory_space<semaphore_mem>>
        %dma_start3A = arith.constant 0 : i32
        %dma_start3A_112 = tpu.memref_slice %arg25[%add3A_91, %dma_start3A] : memref<10240x64xf32, #tpu.memory_space<vmem_shared>> -> memref<96x64xf32, #tpu.memory_space<vmem_shared>>
        %dma_start3A_113 = arith.constant 0 : i32
        %dma_start3A_114 = tpu.memref_slice %arg25[%add3A_91, %dma_start3A_113] : memref<10240x64xf32, #tpu.memory_space<vmem_shared>> -> memref<96x64xf32, #tpu.memory_space<vmem_shared>>
        tpu.enqueue_dma source(%arg12 : memref<96x64xf32, #tpu.memory_space<vmem>>) target(%dma_start3A_114 : memref<96x64xf32, #tpu.memory_space<vmem_shared>>) target_semaphore(%run_scoped3A : memref<!tpu.dma_semaphore, #tpu.memory_space<semaphore_mem>>)
        %dma_wait3A = arith.constant 0 : i32
        %dma_wait3A_115 = tpu.memref_slice %arg25[%add3A_91, %dma_wait3A] : memref<10240x64xf32, #tpu.memory_space<vmem_shared>> -> memref<96x64xf32, #tpu.memory_space<vmem_shared>>
        %dma_wait3A_116 = arith.constant 0 : i32
        %dma_wait3A_117 = tpu.memref_slice %arg25[%add3A_91, %dma_wait3A_116] : memref<10240x64xf32, #tpu.memory_space<vmem_shared>> -> memref<96x64xf32, #tpu.memory_space<vmem_shared>>
        tpu.wait_dma2 semaphore(%run_scoped3A : memref<!tpu.dma_semaphore, #tpu.memory_space<semaphore_mem>>) src(%arg12 : memref<96x64xf32, #tpu.memory_space<vmem>>) dst(%dma_wait3A_117 : memref<96x64xf32, #tpu.memory_space<vmem_shared>>)
        tpu.yield
      }) : () -> ()
      %mul3A_92 = arith.constant 640 : i32
      %mul3A_93 = arith.muli %arg1, %mul3A_92 : i32
      %add3A_94 = arith.constant 576 : i32
      %add3A_95 = arith.addi %mul3A_93, %add3A_94 : i32
      "tpu.region"() ({
        %run_scoped3A = tpu.sem_alloc : memref<!tpu.dma_semaphore, #tpu.memory_space<semaphore_mem>>
        %dma_start3A = arith.constant 0 : i32
        %dma_start3A_112 = arith.constant 0 : i32
        %dma_start3A_113 = tpu.memref_slice %arg12[%dma_start3A, %dma_start3A_112] : memref<96x64xf32, #tpu.memory_space<vmem>> -> memref<64x64xf32, #tpu.memory_space<vmem>>
        %dma_start3A_114 = arith.constant 0 : i32
        %dma_start3A_115 = tpu.memref_slice %arg25[%add3A_95, %dma_start3A_114] : memref<10240x64xf32, #tpu.memory_space<vmem_shared>> -> memref<64x64xf32, #tpu.memory_space<vmem_shared>>
        %dma_start3A_116 = arith.constant 0 : i32
        %dma_start3A_117 = tpu.memref_slice %arg25[%add3A_95, %dma_start3A_116] : memref<10240x64xf32, #tpu.memory_space<vmem_shared>> -> memref<64x64xf32, #tpu.memory_space<vmem_shared>>
        %dma_start3A_118 = arith.constant 0 : i32
        %dma_start3A_119 = arith.constant 0 : i32
        %dma_start3A_120 = tpu.memref_slice %arg12[%dma_start3A_118, %dma_start3A_119] : memref<96x64xf32, #tpu.memory_space<vmem>> -> memref<64x64xf32, #tpu.memory_space<vmem>>
        tpu.enqueue_dma source(%dma_start3A_120 : memref<64x64xf32, #tpu.memory_space<vmem>>) target(%dma_start3A_117 : memref<64x64xf32, #tpu.memory_space<vmem_shared>>) target_semaphore(%run_scoped3A : memref<!tpu.dma_semaphore, #tpu.memory_space<semaphore_mem>>)
        %dma_wait3A = arith.constant 0 : i32
        %dma_wait3A_121 = arith.constant 0 : i32
        %dma_wait3A_122 = tpu.memref_slice %arg12[%dma_wait3A, %dma_wait3A_121] : memref<96x64xf32, #tpu.memory_space<vmem>> -> memref<64x64xf32, #tpu.memory_space<vmem>>
        %dma_wait3A_123 = arith.constant 0 : i32
        %dma_wait3A_124 = tpu.memref_slice %arg25[%add3A_95, %dma_wait3A_123] : memref<10240x64xf32, #tpu.memory_space<vmem_shared>> -> memref<64x64xf32, #tpu.memory_space<vmem_shared>>
        %dma_wait3A_125 = arith.constant 0 : i32
        %dma_wait3A_126 = tpu.memref_slice %arg25[%add3A_95, %dma_wait3A_125] : memref<10240x64xf32, #tpu.memory_space<vmem_shared>> -> memref<64x64xf32, #tpu.memory_space<vmem_shared>>
        %dma_wait3A_127 = arith.constant 0 : i32
        %dma_wait3A_128 = arith.constant 0 : i32
        %dma_wait3A_129 = tpu.memref_slice %arg12[%dma_wait3A_127, %dma_wait3A_128] : memref<96x64xf32, #tpu.memory_space<vmem>> -> memref<64x64xf32, #tpu.memory_space<vmem>>
        tpu.wait_dma2 semaphore(%run_scoped3A : memref<!tpu.dma_semaphore, #tpu.memory_space<semaphore_mem>>) src(%dma_wait3A_129 : memref<64x64xf32, #tpu.memory_space<vmem>>) dst(%dma_wait3A_126 : memref<64x64xf32, #tpu.memory_space<vmem_shared>>)
        tpu.yield
      }) : () -> ()
      %barrier3A_96 = arith.constant 0 : index
      tpu.barrier barrier_id(%barrier3A_96)
      %scan3A_97 = arith.constant 0 : i32
      %scan3A_98 = arith.constant 0 : i32
      %scan3A_99 = arith.constant 36 : i32
      %scan3A_100 = arith.addi %scan3A_98, %scan3A_99 : i32
      %scan3A_101 = arith.constant 1 : i32
      %scan3A_102 = scf.for %scan3A_112 = %scan3A_98 to %scan3A_100 step %scan3A_101 iter_args(%scan3A_113 = %scan3A_97) -> (i32)  : i32 {
        %mul3A_114 = arith.constant 6 : i32
        %mul3A_115 = arith.muli %scan3A_112, %mul3A_114 : i32
        "tpu.region"() ({
          %run_scoped3A = tpu.sem_alloc : memref<!tpu.dma_semaphore, #tpu.memory_space<semaphore_mem>>
          %dma_start3A_165 = arith.constant 0 : i32
          %dma_start3A_166 = tpu.memref_slice %arg4[%arg1, %mul3A_115, %dma_start3A_165] : memref<16x216x96xi32, #tpu.memory_space<hbm>> -> memref<1x6x96xi32, #tpu.memory_space<hbm>>
          %dma_start3A_167 = tpu.memref_squeeze %dma_start3A_166 : memref<1x6x96xi32, #tpu.memory_space<hbm>> -> memref<6x96xi32, #tpu.memory_space<hbm>>
          %dma_start3A_168 = arith.constant 0 : i32
          %dma_start3A_169 = tpu.memref_slice %arg4[%arg1, %mul3A_115, %dma_start3A_168] : memref<16x216x96xi32, #tpu.memory_space<hbm>> -> memref<1x6x96xi32, #tpu.memory_space<hbm>>
          %dma_start3A_170 = tpu.memref_squeeze %dma_start3A_169 : memref<1x6x96xi32, #tpu.memory_space<hbm>> -> memref<6x96xi32, #tpu.memory_space<hbm>>
          tpu.enqueue_dma source(%dma_start3A_170 : memref<6x96xi32, #tpu.memory_space<hbm>>) target(%arg7 : memref<6x96xi32, #tpu.memory_space<vmem>>) target_semaphore(%run_scoped3A : memref<!tpu.dma_semaphore, #tpu.memory_space<semaphore_mem>>)
          %dma_wait3A_171 = arith.constant 0 : i32
          %dma_wait3A_172 = tpu.memref_slice %arg4[%arg1, %mul3A_115, %dma_wait3A_171] : memref<16x216x96xi32, #tpu.memory_space<hbm>> -> memref<1x6x96xi32, #tpu.memory_space<hbm>>
          %dma_wait3A_173 = tpu.memref_squeeze %dma_wait3A_172 : memref<1x6x96xi32, #tpu.memory_space<hbm>> -> memref<6x96xi32, #tpu.memory_space<hbm>>
          %dma_wait3A_174 = arith.constant 0 : i32
          %dma_wait3A_175 = tpu.memref_slice %arg4[%arg1, %mul3A_115, %dma_wait3A_174] : memref<16x216x96xi32, #tpu.memory_space<hbm>> -> memref<1x6x96xi32, #tpu.memory_space<hbm>>
          %dma_wait3A_176 = tpu.memref_squeeze %dma_wait3A_175 : memref<1x6x96xi32, #tpu.memory_space<hbm>> -> memref<6x96xi32, #tpu.memory_space<hbm>>
          tpu.wait_dma2 semaphore(%run_scoped3A : memref<!tpu.dma_semaphore, #tpu.memory_space<semaphore_mem>>) src(%dma_wait3A_176 : memref<6x96xi32, #tpu.memory_space<hbm>>) dst(%arg7 : memref<6x96xi32, #tpu.memory_space<vmem>>)
          tpu.yield
        }) : () -> ()
        %mul3A_116 = arith.constant 6 : i32
        %mul3A_117 = arith.muli %scan3A_112, %mul3A_116 : i32
        "tpu.region"() ({
          %run_scoped3A = tpu.sem_alloc : memref<!tpu.dma_semaphore, #tpu.memory_space<semaphore_mem>>
          %dma_start3A_165 = arith.constant 0 : i32
          %dma_start3A_166 = tpu.memref_slice %arg5[%arg1, %mul3A_117, %dma_start3A_165] : memref<16x216x96xi32, #tpu.memory_space<hbm>> -> memref<1x6x96xi32, #tpu.memory_space<hbm>>
          %dma_start3A_167 = tpu.memref_squeeze %dma_start3A_166 : memref<1x6x96xi32, #tpu.memory_space<hbm>> -> memref<6x96xi32, #tpu.memory_space<hbm>>
          %dma_start3A_168 = arith.constant 0 : i32
          %dma_start3A_169 = tpu.memref_slice %arg5[%arg1, %mul3A_117, %dma_start3A_168] : memref<16x216x96xi32, #tpu.memory_space<hbm>> -> memref<1x6x96xi32, #tpu.memory_space<hbm>>
          %dma_start3A_170 = tpu.memref_squeeze %dma_start3A_169 : memref<1x6x96xi32, #tpu.memory_space<hbm>> -> memref<6x96xi32, #tpu.memory_space<hbm>>
          tpu.enqueue_dma source(%dma_start3A_170 : memref<6x96xi32, #tpu.memory_space<hbm>>) target(%arg8 : memref<6x96xi32, #tpu.memory_space<vmem>>) target_semaphore(%run_scoped3A : memref<!tpu.dma_semaphore, #tpu.memory_space<semaphore_mem>>)
          %dma_wait3A_171 = arith.constant 0 : i32
          %dma_wait3A_172 = tpu.memref_slice %arg5[%arg1, %mul3A_117, %dma_wait3A_171] : memref<16x216x96xi32, #tpu.memory_space<hbm>> -> memref<1x6x96xi32, #tpu.memory_space<hbm>>
          %dma_wait3A_173 = tpu.memref_squeeze %dma_wait3A_172 : memref<1x6x96xi32, #tpu.memory_space<hbm>> -> memref<6x96xi32, #tpu.memory_space<hbm>>
          %dma_wait3A_174 = arith.constant 0 : i32
          %dma_wait3A_175 = tpu.memref_slice %arg5[%arg1, %mul3A_117, %dma_wait3A_174] : memref<16x216x96xi32, #tpu.memory_space<hbm>> -> memref<1x6x96xi32, #tpu.memory_space<hbm>>
          %dma_wait3A_176 = tpu.memref_squeeze %dma_wait3A_175 : memref<1x6x96xi32, #tpu.memory_space<hbm>> -> memref<6x96xi32, #tpu.memory_space<hbm>>
          tpu.wait_dma2 semaphore(%run_scoped3A : memref<!tpu.dma_semaphore, #tpu.memory_space<semaphore_mem>>) src(%dma_wait3A_176 : memref<6x96xi32, #tpu.memory_space<hbm>>) dst(%arg8 : memref<6x96xi32, #tpu.memory_space<vmem>>)
          tpu.yield
        }) : () -> ()
        %scan3A_118 = arith.constant 0 : i32
        %scan3A_119 = arith.constant 0 : i32
        %scan3A_120 = arith.constant 6 : i32
        %scan3A_121 = arith.addi %scan3A_119, %scan3A_120 : i32
        %scan3A_122 = arith.constant 1 : i32
        %scan3A_123 = scf.for %scan3A_165 = %scan3A_119 to %scan3A_121 step %scan3A_122 iter_args(%scan3A_166 = %scan3A_118) -> (i32)  : i32 {
          %mul3A_167 = arith.constant 16 : i32
          %mul3A_168 = arith.muli %scan3A_165, %mul3A_167 : i32
          %get3A = arith.constant 0 : i32
          %get3A_169 = arith.index_cast %get3A : i32 to index
          %get3A_170 = arith.index_cast %mul3A_168 : i32 to index
          %get3A_171 = tpu.vector_load %arg7[%get3A_169, %get3A_170] {strides = array<i32>} : memref<6x96xi32, #tpu.memory_space<vmem>>, vector<16xi32>,
          %add3A_172 = vector.broadcast %mul3A_60 : i32 to vector<16xi32>
          %add3A_173 = arith.addi %get3A_171, %add3A_172 : vector<16xi32>
          %mul3A_174 = arith.constant 16 : i32
          %mul3A_175 = arith.muli %scan3A_165, %mul3A_174 : i32
          %swap3A = arith.index_cast %mul3A_175 : i32 to index
          %swap3A_176 = tpu.vector_load %arg20[%swap3A] {strides = array<i32>} : memref<96xi32, #tpu.memory_space<vmem>>, vector<16xi32>,
          tpu.vector_store %arg20[%swap3A], %add3A_173 {strides = array<i32>} : memref<96xi32, #tpu.memory_space<vmem>>, vector<16xi32>,
          %scan3A_177 = arith.constant 0 : i32
          scf.yield %scan3A_177 : i32
        }
        %scan3A_124 = arith.constant 6 : i32
        %dma_start3A = arith.constant 0 : i32
        %dma_start3A_125 = arith.constant 0 : i32
        %dma_start3A_126 = tpu.memref_slice %arg2[%dma_start3A, %dma_start3A_125] : memref<81920x64xf32, #tpu.memory_space<hbm>> -> memref<81920x64xf32, #tpu.memory_space<hbm>>
        tpu.enqueue_indirect_dma source(%dma_start3A_126 : memref<81920x64xf32, #tpu.memory_space<hbm>>) target(%arg12 : memref<96x64xf32, #tpu.memory_space<vmem>>) offsets(%arg20 : memref<96xi32, #tpu.memory_space<vmem>>) semaphore(%arg26 : memref<!tpu.dma_semaphore, #tpu.memory_space<semaphore_mem>>)
        %scan3A_127 = arith.constant 0 : i32
        %scan3A_128 = arith.constant 0 : i32
        %scan3A_129 = arith.constant 6 : i32
        %scan3A_130 = arith.addi %scan3A_128, %scan3A_129 : i32
        %scan3A_131 = arith.constant 1 : i32
        %scan3A_132 = scf.for %scan3A_165 = %scan3A_128 to %scan3A_130 step %scan3A_131 iter_args(%scan3A_166 = %scan3A_127) -> (i32)  : i32 {
          %mul3A_167 = arith.constant 16 : i32
          %mul3A_168 = arith.muli %scan3A_165, %mul3A_167 : i32
          %get3A = arith.constant 1 : i32
          %get3A_169 = arith.index_cast %get3A : i32 to index
          %get3A_170 = arith.index_cast %mul3A_168 : i32 to index
          %get3A_171 = tpu.vector_load %arg7[%get3A_169, %get3A_170] {strides = array<i32>} : memref<6x96xi32, #tpu.memory_space<vmem>>, vector<16xi32>,
          %add3A_172 = vector.broadcast %mul3A_60 : i32 to vector<16xi32>
          %add3A_173 = arith.addi %get3A_171, %add3A_172 : vector<16xi32>
          %mul3A_174 = arith.constant 16 : i32
          %mul3A_175 = arith.muli %scan3A_165, %mul3A_174 : i32
          %swap3A = arith.index_cast %mul3A_175 : i32 to index
          %swap3A_176 = tpu.vector_load %arg21[%swap3A] {strides = array<i32>} : memref<96xi32, #tpu.memory_space<vmem>>, vector<16xi32>,
          tpu.vector_store %arg21[%swap3A], %add3A_173 {strides = array<i32>} : memref<96xi32, #tpu.memory_space<vmem>>, vector<16xi32>,
          %scan3A_177 = arith.constant 0 : i32
          scf.yield %scan3A_177 : i32
        }
        %scan3A_133 = arith.constant 6 : i32
        %dma_start3A_134 = arith.constant 0 : i32
        %dma_start3A_135 = arith.constant 0 : i32
        %dma_start3A_136 = tpu.memref_slice %arg2[%dma_start3A_134, %dma_start3A_135] : memref<81920x64xf32, #tpu.memory_space<hbm>> -> memref<81920x64xf32, #tpu.memory_space<hbm>>
        tpu.enqueue_indirect_dma source(%dma_start3A_136 : memref<81920x64xf32, #tpu.memory_space<hbm>>) target(%arg13 : memref<96x64xf32, #tpu.memory_space<vmem>>) offsets(%arg21 : memref<96xi32, #tpu.memory_space<vmem>>) semaphore(%arg27 : memref<!tpu.dma_semaphore, #tpu.memory_space<semaphore_mem>>)
        %scan3A_137 = arith.constant 0 : i32
        %scan3A_138 = arith.constant 0 : i32
        %scan3A_139 = arith.constant 2 : i32
        %scan3A_140 = arith.addi %scan3A_138, %scan3A_139 : i32
        %scan3A_141 = arith.constant 1 : i32
        %scan3A_142 = scf.for %scan3A_165 = %scan3A_138 to %scan3A_140 step %scan3A_141 iter_args(%scan3A_166 = %scan3A_137) -> (i32)  : i32 {
          %mul3A_167 = arith.constant 3 : i32
          %mul3A_168 = arith.muli %mul3A_167, %scan3A_165 : i32
          %add3A_169 = arith.constant 0 : i32
          %add3A_170 = arith.addi %mul3A_168, %add3A_169 : i32
          %dma_wait3A_171 = arith.constant 0 : i32
          %dma_wait3A_172 = arith.constant 0 : i32
          %dma_wait3A_173 = tpu.memref_slice %arg2[%dma_wait3A_171, %dma_wait3A_172] : memref<81920x64xf32, #tpu.memory_space<hbm>> -> memref<81920x64xf32, #tpu.memory_space<hbm>>
          tpu.wait_indirect_dma semaphore(%arg26 : memref<!tpu.dma_semaphore, #tpu.memory_space<semaphore_mem>>) src(%dma_wait3A_173 : memref<81920x64xf32, #tpu.memory_space<hbm>>) dst(%arg12 : memref<96x64xf32, #tpu.memory_space<vmem>>)
          %add3A_174 = arith.constant 2 : i32
          %add3A_175 = arith.addi %add3A_170, %add3A_174 : i32
          %lt3A = arith.constant 6 : i32
          %lt3A_176 = arith.cmpi slt, %add3A_175, %lt3A : i32
          %convert_element_type3A = arith.extui %lt3A_176 : i1 to i32
          %cond3A = arith.constant 0 : i32
          %cond3A_177 = arith.cmpi ne, %convert_element_type3A, %cond3A : i32
          scf.if %cond3A_177 {
            %ge3A = arith.constant 1 : i32
            %ge3A_267 = arith.cmpi sge, %add3A_170, %ge3A : i32
            %convert_element_type3A_268 = arith.extui %ge3A_267 : i1 to i32
            %cond3A_269 = arith.constant 0 : i32
            %cond3A_270 = arith.cmpi ne, %convert_element_type3A_268, %cond3A_269 : i32
            scf.if %cond3A_270 {
              %sub3A_283 = arith.constant 1 : i32
              %sub3A_284 = arith.subi %add3A_170, %sub3A_283 : i32
              %dma_wait3A_285 = arith.constant 0 : i32
              %dma_wait3A_286 = tpu.memref_slice %arg8[%sub3A_284, %dma_wait3A_285] : memref<6x96xi32, #tpu.memory_space<vmem>> -> memref<1x96xi32, #tpu.memory_space<vmem>>
              %dma_wait3A_287 = tpu.memref_squeeze %dma_wait3A_286 : memref<1x96xi32, #tpu.memory_space<vmem>> -> memref<96xi32, #tpu.memory_space<vmem>>
              %dma_wait3A_288 = arith.constant 0 : i32
              %dma_wait3A_289 = arith.constant 0 : i32
              %dma_wait3A_290 = tpu.memref_slice %arg25[%dma_wait3A_288, %dma_wait3A_289] : memref<10240x64xf32, #tpu.memory_space<vmem_shared>> -> memref<10240x64xf32, #tpu.memory_space<vmem_shared>>
              tpu.wait_indirect_dma semaphore(%arg31 : memref<!tpu.dma_semaphore, #tpu.memory_space<semaphore_mem>>) src(%arg14 : memref<96x64xf32, #tpu.memory_space<vmem>>) dst(%dma_wait3A_290 : memref<10240x64xf32, #tpu.memory_space<vmem_shared>>)
            } else {
            }
            %add3A_271 = arith.constant 2 : i32
            %add3A_272 = arith.addi %add3A_170, %add3A_271 : i32
            %scan3A_273 = arith.constant 0 : i32
            %scan3A_274 = arith.constant 0 : i32
            %scan3A_275 = arith.constant 6 : i32
            %scan3A_276 = arith.addi %scan3A_274, %scan3A_275 : i32
            %scan3A_277 = arith.constant 1 : i32
            %scan3A_278 = scf.for %scan3A_283 = %scan3A_274 to %scan3A_276 step %scan3A_277 iter_args(%scan3A_284 = %scan3A_273) -> (i32)  : i32 {
              %mul3A_285 = arith.constant 16 : i32
              %mul3A_286 = arith.muli %scan3A_283, %mul3A_285 : i32
              %get3A = arith.index_cast %add3A_272 : i32 to index
              %get3A_287 = arith.index_cast %mul3A_286 : i32 to index
              %get3A_288 = tpu.vector_load %arg7[%get3A, %get3A_287] {strides = array<i32>} : memref<6x96xi32, #tpu.memory_space<vmem>>, vector<16xi32>,
              %add3A_289 = vector.broadcast %mul3A_60 : i32 to vector<16xi32>
              %add3A_290 = arith.addi %get3A_288, %add3A_289 : vector<16xi32>
              %mul3A_291 = arith.constant 16 : i32
              %mul3A_292 = arith.muli %scan3A_283, %mul3A_291 : i32
              %swap3A = arith.index_cast %mul3A_292 : i32 to index
              %swap3A_293 = tpu.vector_load %arg22[%swap3A] {strides = array<i32>} : memref<96xi32, #tpu.memory_space<vmem>>, vector<16xi32>,
              tpu.vector_store %arg22[%swap3A], %add3A_290 {strides = array<i32>} : memref<96xi32, #tpu.memory_space<vmem>>, vector<16xi32>,
              %scan3A_294 = arith.constant 0 : i32
              scf.yield %scan3A_294 : i32
            }
            %scan3A_279 = arith.constant 6 : i32
            %dma_start3A_280 = arith.constant 0 : i32
            %dma_start3A_281 = arith.constant 0 : i32
            %dma_start3A_282 = tpu.memref_slice %arg2[%dma_start3A_280, %dma_start3A_281] : memref<81920x64xf32, #tpu.memory_space<hbm>> -> memref<81920x64xf32, #tpu.memory_space<hbm>>
            tpu.enqueue_indirect_dma source(%dma_start3A_282 : memref<81920x64xf32, #tpu.memory_space<hbm>>) target(%arg14 : memref<96x64xf32, #tpu.memory_space<vmem>>) offsets(%arg22 : memref<96xi32, #tpu.memory_space<vmem>>) semaphore(%arg28 : memref<!tpu.dma_semaphore, #tpu.memory_space<semaphore_mem>>)
          } else {
          }
          %scan3A_178 = arith.constant 0 : i32
          %scan3A_179 = arith.constant 0 : i32
          %scan3A_180 = arith.constant 6 : i32
          %scan3A_181 = arith.addi %scan3A_179, %scan3A_180 : i32
          %scan3A_182 = arith.constant 1 : i32
          %scan3A_183 = scf.for %scan3A_267 = %scan3A_179 to %scan3A_181 step %scan3A_182 iter_args(%scan3A_268 = %scan3A_178) -> (i32)  : i32 {
            %mul3A_269 = arith.constant 16 : i32
            %mul3A_270 = arith.muli %scan3A_267, %mul3A_269 : i32
            %get3A = arith.index_cast %add3A_170 : i32 to index
            %get3A_271 = arith.index_cast %mul3A_270 : i32 to index
            %get3A_272 = tpu.vector_load %arg7[%get3A, %get3A_271] {strides = array<i32>} : memref<6x96xi32, #tpu.memory_space<vmem>>, vector<16xi32>,
            %mul3A_273 = arith.constant 16 : i32
            %mul3A_274 = arith.muli %scan3A_267, %mul3A_273 : i32
            %get3A_275 = arith.index_cast %add3A_170 : i32 to index
            %get3A_276 = arith.index_cast %mul3A_274 : i32 to index
            %get3A_277 = tpu.vector_load %arg8[%get3A_275, %get3A_276] {strides = array<i32>} : memref<6x96xi32, #tpu.memory_space<vmem>>, vector<16xi32>,
            %mul3A_278 = arith.constant 10240 : i32
            %mul3A_279 = arith.muli %select_n3A, %mul3A_278 : i32
            %add3A_280 = vector.broadcast %mul3A_279 : i32 to vector<16xi32>
            %add3A_281 = arith.addi %get3A_272, %add3A_280 : vector<16xi32>
            %gather3A = tpu.vector_load_idx %arg9[%add3A_281] : memref<20480xf32, #tpu.memory_space<vmem>>[vector<16xi32>], vector<16xf32>,
            %mul3A_282 = arith.constant 10240 : i32
            %mul3A_283 = arith.muli %select_n3A, %mul3A_282 : i32
            %add3A_284 = vector.broadcast %mul3A_283 : i32 to vector<16xi32>
            %add3A_285 = arith.addi %get3A_277, %add3A_284 : vector<16xi32>
            %gather3A_286 = tpu.vector_load_idx %arg10[%add3A_285] : memref<20480xf32, #tpu.memory_space<vmem>>[vector<16xi32>], vector<16xf32>,
            %add3A_287 = arith.addf %gather3A, %gather3A_286 : vector<16xf32>
            %ge3A = arith.constant 0.000000e+00 : f32
            %ge3A_288 = vector.broadcast %ge3A : f32 to vector<16xf32>
            %ge3A_289 = arith.cmpf oge, %add3A_287, %ge3A_288 : vector<16xf32>
            %mul3A_290 = arith.constant 2.000000e-01 : f32
            %mul3A_291 = vector.broadcast %mul3A_290 : f32 to vector<16xf32>
            %mul3A_292 = arith.mulf %mul3A_291, %add3A_287 : vector<16xf32>
            %select_n3A_293 = arith.select %ge3A_289, %add3A_287, %mul3A_292 : vector<16xi1>, vector<16xf32>
            %exp3A = math.exp %select_n3A_293 : vector<16xf32>
            %mul3A_294 = arith.constant 10240 : i32
            %mul3A_295 = arith.muli %select_n3A, %mul3A_294 : i32
            %add3A_296 = vector.broadcast %mul3A_295 : i32 to vector<16xi32>
            %add3A_297 = arith.addi %get3A_277, %add3A_296 : vector<16xi32>
            %gather3A_298 = tpu.vector_load_idx %arg11[%add3A_297] : memref<20480xf32, #tpu.memory_space<vmem>>[vector<16xi32>], vector<16xf32>,
            %div3A_299 = arith.divf %exp3A, %gather3A_298 : vector<16xf32>
            %mul3A_300 = arith.constant 16 : i32
            %mul3A_301 = arith.muli %scan3A_267, %mul3A_300 : i32
            %swap3A = arith.index_cast %mul3A_301 : i32 to index
            %swap3A_302 = tpu.vector_load %arg23[%swap3A] {strides = array<i32>} : memref<96xf32, #tpu.memory_space<vmem>>, vector<16xf32>,
            tpu.vector_store %arg23[%swap3A], %div3A_299 {strides = array<i32>} : memref<96xf32, #tpu.memory_space<vmem>>, vector<16xf32>,
            %scan3A_303 = arith.constant 0 : i32
            scf.yield %scan3A_303 : i32
          }
          %scan3A_184 = arith.constant 6 : i32
          %scan3A_185 = arith.constant 0 : i32
          %scan3A_186 = arith.constant 0 : i32
          %scan3A_187 = arith.constant 96 : i32
          %scan3A_188 = arith.addi %scan3A_186, %scan3A_187 : i32
          %scan3A_189 = arith.constant 1 : i32
          %scan3A_190 = scf.for %scan3A_267 = %scan3A_186 to %scan3A_188 step %scan3A_189 iter_args(%scan3A_268 = %scan3A_185) -> (i32)  : i32 {
            %broadcast_in_dim3A_269 = vector.broadcast %scan3A_267 : i32 to vector<16xi32>
            %gather3A = tpu.vector_load_idx %arg23[%broadcast_in_dim3A_269] : memref<96xf32, #tpu.memory_space<vmem>>[vector<16xi32>], vector<16xf32>,
            %get3A = arith.index_cast %scan3A_267 : i32 to index
            %get3A_270 = arith.constant 0 : index
            %get3A_271 = tpu.vector_load %arg12[%get3A, %get3A_270] {strides = array<i32>} : memref<96x64xf32, #tpu.memory_space<vmem>>, vector<16xf32>,
            %mul3A_272 = arith.mulf %get3A_271, %gather3A : vector<16xf32>
            %swap3A = arith.index_cast %scan3A_267 : i32 to index
            %swap3A_273 = arith.constant 0 : index
            %swap3A_274 = tpu.vector_load %arg12[%swap3A, %swap3A_273] {strides = array<i32>} : memref<96x64xf32, #tpu.memory_space<vmem>>, vector<16xf32>,
            tpu.vector_store %arg12[%swap3A, %swap3A_273], %mul3A_272 {strides = array<i32>} : memref<96x64xf32, #tpu.memory_space<vmem>>, vector<16xf32>,
            %get3A_275 = arith.index_cast %scan3A_267 : i32 to index
            %get3A_276 = arith.constant 16 : index
            %get3A_277 = tpu.vector_load %arg12[%get3A_275, %get3A_276] {strides = array<i32>} : memref<96x64xf32, #tpu.memory_space<vmem>>, vector<16xf32>,
            %mul3A_278 = arith.mulf %get3A_277, %gather3A : vector<16xf32>
            %swap3A_279 = arith.index_cast %scan3A_267 : i32 to index
            %swap3A_280 = arith.constant 16 : index
            %swap3A_281 = tpu.vector_load %arg12[%swap3A_279, %swap3A_280] {strides = array<i32>} : memref<96x64xf32, #tpu.memory_space<vmem>>, vector<16xf32>,
            tpu.vector_store %arg12[%swap3A_279, %swap3A_280], %mul3A_278 {strides = array<i32>} : memref<96x64xf32, #tpu.memory_space<vmem>>, vector<16xf32>,
            %get3A_282 = arith.index_cast %scan3A_267 : i32 to index
            %get3A_283 = arith.constant 32 : index
            %get3A_284 = tpu.vector_load %arg12[%get3A_282, %get3A_283] {strides = array<i32>} : memref<96x64xf32, #tpu.memory_space<vmem>>, vector<16xf32>,
            %mul3A_285 = arith.mulf %get3A_284, %gather3A : vector<16xf32>
            %swap3A_286 = arith.index_cast %scan3A_267 : i32 to index
            %swap3A_287 = arith.constant 32 : index
            %swap3A_288 = tpu.vector_load %arg12[%swap3A_286, %swap3A_287] {strides = array<i32>} : memref<96x64xf32, #tpu.memory_space<vmem>>, vector<16xf32>,
            tpu.vector_store %arg12[%swap3A_286, %swap3A_287], %mul3A_285 {strides = array<i32>} : memref<96x64xf32, #tpu.memory_space<vmem>>, vector<16xf32>,
            %get3A_289 = arith.index_cast %scan3A_267 : i32 to index
            %get3A_290 = arith.constant 48 : index
            %get3A_291 = tpu.vector_load %arg12[%get3A_289, %get3A_290] {strides = array<i32>} : memref<96x64xf32, #tpu.memory_space<vmem>>, vector<16xf32>,
            %mul3A_292 = arith.mulf %get3A_291, %gather3A : vector<16xf32>
            %swap3A_293 = arith.index_cast %scan3A_267 : i32 to index
            %swap3A_294 = arith.constant 48 : index
            %swap3A_295 = tpu.vector_load %arg12[%swap3A_293, %swap3A_294] {strides = array<i32>} : memref<96x64xf32, #tpu.memory_space<vmem>>, vector<16xf32>,
            tpu.vector_store %arg12[%swap3A_293, %swap3A_294], %mul3A_292 {strides = array<i32>} : memref<96x64xf32, #tpu.memory_space<vmem>>, vector<16xf32>,
            %scan3A_296 = arith.constant 0 : i32
            scf.yield %scan3A_296 : i32
          }
          %scan3A_191 = arith.constant 96 : i32
          %dma_start3A_192 = arith.constant 0 : i32
          %dma_start3A_193 = tpu.memref_slice %arg8[%add3A_170, %dma_start3A_192] : memref<6x96xi32, #tpu.memory_space<vmem>> -> memref<1x96xi32, #tpu.memory_space<vmem>>
          %dma_start3A_194 = tpu.memref_squeeze %dma_start3A_193 : memref<1x96xi32, #tpu.memory_space<vmem>> -> memref<96xi32, #tpu.memory_space<vmem>>
          %dma_start3A_195 = arith.constant 0 : i32
          %dma_start3A_196 = arith.constant 0 : i32
          %dma_start3A_197 = tpu.memref_slice %arg25[%dma_start3A_195, %dma_start3A_196] : memref<10240x64xf32, #tpu.memory_space<vmem_shared>> -> memref<10240x64xf32, #tpu.memory_space<vmem_shared>>
          tpu.enqueue_indirect_dma source(%arg12 : memref<96x64xf32, #tpu.memory_space<vmem>>) target(%dma_start3A_197 : memref<10240x64xf32, #tpu.memory_space<vmem_shared>>) offsets(%dma_start3A_194 : memref<96xi32, #tpu.memory_space<vmem>>) semaphore(%arg29 : memref<!tpu.dma_semaphore, #tpu.memory_space<semaphore_mem>>) {add = true}
          %mul3A_198 = arith.constant 3 : i32
          %mul3A_199 = arith.muli %mul3A_198, %scan3A_165 : i32
          %add3A_200 = arith.constant 1 : i32
          %add3A_201 = arith.addi %mul3A_199, %add3A_200 : i32
          %dma_wait3A_202 = arith.constant 0 : i32
          %dma_wait3A_203 = arith.constant 0 : i32
          %dma_wait3A_204 = tpu.memref_slice %arg2[%dma_wait3A_202, %dma_wait3A_203] : memref<81920x64xf32, #tpu.memory_space<hbm>> -> memref<81920x64xf32, #tpu.memory_space<hbm>>
          tpu.wait_indirect_dma semaphore(%arg27 : memref<!tpu.dma_semaphore, #tpu.memory_space<semaphore_mem>>) src(%dma_wait3A_204 : memref<81920x64xf32, #tpu.memory_space<hbm>>) dst(%arg13 : memref<96x64xf32, #tpu.memory_space<vmem>>)
          %add3A_205 = arith.constant 2 : i32
          %add3A_206 = arith.addi %add3A_201, %add3A_205 : i32
          %lt3A_207 = arith.constant 6 : i32
          %lt3A_208 = arith.cmpi slt, %add3A_206, %lt3A_207 : i32
          %convert_element_type3A_209 = arith.extui %lt3A_208 : i1 to i32
          %cond3A_210 = arith.constant 0 : i32
          %cond3A_211 = arith.cmpi ne, %convert_element_type3A_209, %cond3A_210 : i32
          scf.if %cond3A_211 {
            %ge3A = arith.constant 1 : i32
            %ge3A_267 = arith.cmpi sge, %add3A_201, %ge3A : i32
            %convert_element_type3A_268 = arith.extui %ge3A_267 : i1 to i32
            %cond3A_269 = arith.constant 0 : i32
            %cond3A_270 = arith.cmpi ne, %convert_element_type3A_268, %cond3A_269 : i32
            scf.if %cond3A_270 {
              %sub3A_283 = arith.constant 1 : i32
              %sub3A_284 = arith.subi %add3A_201, %sub3A_283 : i32
              %dma_wait3A_285 = arith.constant 0 : i32
              %dma_wait3A_286 = tpu.memref_slice %arg8[%sub3A_284, %dma_wait3A_285] : memref<6x96xi32, #tpu.memory_space<vmem>> -> memref<1x96xi32, #tpu.memory_space<vmem>>
              %dma_wait3A_287 = tpu.memref_squeeze %dma_wait3A_286 : memref<1x96xi32, #tpu.memory_space<vmem>> -> memref<96xi32, #tpu.memory_space<vmem>>
              %dma_wait3A_288 = arith.constant 0 : i32
              %dma_wait3A_289 = arith.constant 0 : i32
              %dma_wait3A_290 = tpu.memref_slice %arg25[%dma_wait3A_288, %dma_wait3A_289] : memref<10240x64xf32, #tpu.memory_space<vmem_shared>> -> memref<10240x64xf32, #tpu.memory_space<vmem_shared>>
              tpu.wait_indirect_dma semaphore(%arg29 : memref<!tpu.dma_semaphore, #tpu.memory_space<semaphore_mem>>) src(%arg12 : memref<96x64xf32, #tpu.memory_space<vmem>>) dst(%dma_wait3A_290 : memref<10240x64xf32, #tpu.memory_space<vmem_shared>>)
            } else {
            }
            %add3A_271 = arith.constant 2 : i32
            %add3A_272 = arith.addi %add3A_201, %add3A_271 : i32
            %scan3A_273 = arith.constant 0 : i32
            %scan3A_274 = arith.constant 0 : i32
            %scan3A_275 = arith.constant 6 : i32
            %scan3A_276 = arith.addi %scan3A_274, %scan3A_275 : i32
            %scan3A_277 = arith.constant 1 : i32
            %scan3A_278 = scf.for %scan3A_283 = %scan3A_274 to %scan3A_276 step %scan3A_277 iter_args(%scan3A_284 = %scan3A_273) -> (i32)  : i32 {
              %mul3A_285 = arith.constant 16 : i32
              %mul3A_286 = arith.muli %scan3A_283, %mul3A_285 : i32
              %get3A = arith.index_cast %add3A_272 : i32 to index
              %get3A_287 = arith.index_cast %mul3A_286 : i32 to index
              %get3A_288 = tpu.vector_load %arg7[%get3A, %get3A_287] {strides = array<i32>} : memref<6x96xi32, #tpu.memory_space<vmem>>, vector<16xi32>,
              %add3A_289 = vector.broadcast %mul3A_60 : i32 to vector<16xi32>
              %add3A_290 = arith.addi %get3A_288, %add3A_289 : vector<16xi32>
              %mul3A_291 = arith.constant 16 : i32
              %mul3A_292 = arith.muli %scan3A_283, %mul3A_291 : i32
              %swap3A = arith.index_cast %mul3A_292 : i32 to index
              %swap3A_293 = tpu.vector_load %arg20[%swap3A] {strides = array<i32>} : memref<96xi32, #tpu.memory_space<vmem>>, vector<16xi32>,
              tpu.vector_store %arg20[%swap3A], %add3A_290 {strides = array<i32>} : memref<96xi32, #tpu.memory_space<vmem>>, vector<16xi32>,
              %scan3A_294 = arith.constant 0 : i32
              scf.yield %scan3A_294 : i32
            }
            %scan3A_279 = arith.constant 6 : i32
            %dma_start3A_280 = arith.constant 0 : i32
            %dma_start3A_281 = arith.constant 0 : i32
            %dma_start3A_282 = tpu.memref_slice %arg2[%dma_start3A_280, %dma_start3A_281] : memref<81920x64xf32, #tpu.memory_space<hbm>> -> memref<81920x64xf32, #tpu.memory_space<hbm>>
            tpu.enqueue_indirect_dma source(%dma_start3A_282 : memref<81920x64xf32, #tpu.memory_space<hbm>>) target(%arg12 : memref<96x64xf32, #tpu.memory_space<vmem>>) offsets(%arg20 : memref<96xi32, #tpu.memory_space<vmem>>) semaphore(%arg26 : memref<!tpu.dma_semaphore, #tpu.memory_space<semaphore_mem>>)
          } else {
          }
          %scan3A_212 = arith.constant 0 : i32
          %scan3A_213 = arith.constant 0 : i32
          %scan3A_214 = arith.constant 6 : i32
          %scan3A_215 = arith.addi %scan3A_213, %scan3A_214 : i32
          %scan3A_216 = arith.constant 1 : i32
          %scan3A_217 = scf.for %scan3A_267 = %scan3A_213 to %scan3A_215 step %scan3A_216 iter_args(%scan3A_268 = %scan3A_212) -> (i32)  : i32 {
            %mul3A_269 = arith.constant 16 : i32
            %mul3A_270 = arith.muli %scan3A_267, %mul3A_269 : i32
            %get3A = arith.index_cast %add3A_201 : i32 to index
            %get3A_271 = arith.index_cast %mul3A_270 : i32 to index
            %get3A_272 = tpu.vector_load %arg7[%get3A, %get3A_271] {strides = array<i32>} : memref<6x96xi32, #tpu.memory_space<vmem>>, vector<16xi32>,
            %mul3A_273 = arith.constant 16 : i32
            %mul3A_274 = arith.muli %scan3A_267, %mul3A_273 : i32
            %get3A_275 = arith.index_cast %add3A_201 : i32 to index
            %get3A_276 = arith.index_cast %mul3A_274 : i32 to index
            %get3A_277 = tpu.vector_load %arg8[%get3A_275, %get3A_276] {strides = array<i32>} : memref<6x96xi32, #tpu.memory_space<vmem>>, vector<16xi32>,
            %mul3A_278 = arith.constant 10240 : i32
            %mul3A_279 = arith.muli %select_n3A, %mul3A_278 : i32
            %add3A_280 = vector.broadcast %mul3A_279 : i32 to vector<16xi32>
            %add3A_281 = arith.addi %get3A_272, %add3A_280 : vector<16xi32>
            %gather3A = tpu.vector_load_idx %arg9[%add3A_281] : memref<20480xf32, #tpu.memory_space<vmem>>[vector<16xi32>], vector<16xf32>,
            %mul3A_282 = arith.constant 10240 : i32
            %mul3A_283 = arith.muli %select_n3A, %mul3A_282 : i32
            %add3A_284 = vector.broadcast %mul3A_283 : i32 to vector<16xi32>
            %add3A_285 = arith.addi %get3A_277, %add3A_284 : vector<16xi32>
            %gather3A_286 = tpu.vector_load_idx %arg10[%add3A_285] : memref<20480xf32, #tpu.memory_space<vmem>>[vector<16xi32>], vector<16xf32>,
            %add3A_287 = arith.addf %gather3A, %gather3A_286 : vector<16xf32>
            %ge3A = arith.constant 0.000000e+00 : f32
            %ge3A_288 = vector.broadcast %ge3A : f32 to vector<16xf32>
            %ge3A_289 = arith.cmpf oge, %add3A_287, %ge3A_288 : vector<16xf32>
            %mul3A_290 = arith.constant 2.000000e-01 : f32
            %mul3A_291 = vector.broadcast %mul3A_290 : f32 to vector<16xf32>
            %mul3A_292 = arith.mulf %mul3A_291, %add3A_287 : vector<16xf32>
            %select_n3A_293 = arith.select %ge3A_289, %add3A_287, %mul3A_292 : vector<16xi1>, vector<16xf32>
            %exp3A = math.exp %select_n3A_293 : vector<16xf32>
            %mul3A_294 = arith.constant 10240 : i32
            %mul3A_295 = arith.muli %select_n3A, %mul3A_294 : i32
            %add3A_296 = vector.broadcast %mul3A_295 : i32 to vector<16xi32>
            %add3A_297 = arith.addi %get3A_277, %add3A_296 : vector<16xi32>
            %gather3A_298 = tpu.vector_load_idx %arg11[%add3A_297] : memref<20480xf32, #tpu.memory_space<vmem>>[vector<16xi32>], vector<16xf32>,
            %div3A_299 = arith.divf %exp3A, %gather3A_298 : vector<16xf32>
            %mul3A_300 = arith.constant 16 : i32
            %mul3A_301 = arith.muli %scan3A_267, %mul3A_300 : i32
            %swap3A = arith.index_cast %mul3A_301 : i32 to index
            %swap3A_302 = tpu.vector_load %arg23[%swap3A] {strides = array<i32>} : memref<96xf32, #tpu.memory_space<vmem>>, vector<16xf32>,
            tpu.vector_store %arg23[%swap3A], %div3A_299 {strides = array<i32>} : memref<96xf32, #tpu.memory_space<vmem>>, vector<16xf32>,
            %scan3A_303 = arith.constant 0 : i32
            scf.yield %scan3A_303 : i32
          }
          %scan3A_218 = arith.constant 6 : i32
          %scan3A_219 = arith.constant 0 : i32
          %scan3A_220 = arith.constant 0 : i32
          %scan3A_221 = arith.constant 96 : i32
          %scan3A_222 = arith.addi %scan3A_220, %scan3A_221 : i32
          %scan3A_223 = arith.constant 1 : i32
          %scan3A_224 = scf.for %scan3A_267 = %scan3A_220 to %scan3A_222 step %scan3A_223 iter_args(%scan3A_268 = %scan3A_219) -> (i32)  : i32 {
            %broadcast_in_dim3A_269 = vector.broadcast %scan3A_267 : i32 to vector<16xi32>
            %gather3A = tpu.vector_load_idx %arg23[%broadcast_in_dim3A_269] : memref<96xf32, #tpu.memory_space<vmem>>[vector<16xi32>], vector<16xf32>,
            %get3A = arith.index_cast %scan3A_267 : i32 to index
            %get3A_270 = arith.constant 0 : index
            %get3A_271 = tpu.vector_load %arg13[%get3A, %get3A_270] {strides = array<i32>} : memref<96x64xf32, #tpu.memory_space<vmem>>, vector<16xf32>,
            %mul3A_272 = arith.mulf %get3A_271, %gather3A : vector<16xf32>
            %swap3A = arith.index_cast %scan3A_267 : i32 to index
            %swap3A_273 = arith.constant 0 : index
            %swap3A_274 = tpu.vector_load %arg13[%swap3A, %swap3A_273] {strides = array<i32>} : memref<96x64xf32, #tpu.memory_space<vmem>>, vector<16xf32>,
            tpu.vector_store %arg13[%swap3A, %swap3A_273], %mul3A_272 {strides = array<i32>} : memref<96x64xf32, #tpu.memory_space<vmem>>, vector<16xf32>,
            %get3A_275 = arith.index_cast %scan3A_267 : i32 to index
            %get3A_276 = arith.constant 16 : index
            %get3A_277 = tpu.vector_load %arg13[%get3A_275, %get3A_276] {strides = array<i32>} : memref<96x64xf32, #tpu.memory_space<vmem>>, vector<16xf32>,
            %mul3A_278 = arith.mulf %get3A_277, %gather3A : vector<16xf32>
            %swap3A_279 = arith.index_cast %scan3A_267 : i32 to index
            %swap3A_280 = arith.constant 16 : index
            %swap3A_281 = tpu.vector_load %arg13[%swap3A_279, %swap3A_280] {strides = array<i32>} : memref<96x64xf32, #tpu.memory_space<vmem>>, vector<16xf32>,
            tpu.vector_store %arg13[%swap3A_279, %swap3A_280], %mul3A_278 {strides = array<i32>} : memref<96x64xf32, #tpu.memory_space<vmem>>, vector<16xf32>,
            %get3A_282 = arith.index_cast %scan3A_267 : i32 to index
            %get3A_283 = arith.constant 32 : index
            %get3A_284 = tpu.vector_load %arg13[%get3A_282, %get3A_283] {strides = array<i32>} : memref<96x64xf32, #tpu.memory_space<vmem>>, vector<16xf32>,
            %mul3A_285 = arith.mulf %get3A_284, %gather3A : vector<16xf32>
            %swap3A_286 = arith.index_cast %scan3A_267 : i32 to index
            %swap3A_287 = arith.constant 32 : index
            %swap3A_288 = tpu.vector_load %arg13[%swap3A_286, %swap3A_287] {strides = array<i32>} : memref<96x64xf32, #tpu.memory_space<vmem>>, vector<16xf32>,
            tpu.vector_store %arg13[%swap3A_286, %swap3A_287], %mul3A_285 {strides = array<i32>} : memref<96x64xf32, #tpu.memory_space<vmem>>, vector<16xf32>,
            %get3A_289 = arith.index_cast %scan3A_267 : i32 to index
            %get3A_290 = arith.constant 48 : index
            %get3A_291 = tpu.vector_load %arg13[%get3A_289, %get3A_290] {strides = array<i32>} : memref<96x64xf32, #tpu.memory_space<vmem>>, vector<16xf32>,
            %mul3A_292 = arith.mulf %get3A_291, %gather3A : vector<16xf32>
            %swap3A_293 = arith.index_cast %scan3A_267 : i32 to index
            %swap3A_294 = arith.constant 48 : index
            %swap3A_295 = tpu.vector_load %arg13[%swap3A_293, %swap3A_294] {strides = array<i32>} : memref<96x64xf32, #tpu.memory_space<vmem>>, vector<16xf32>,
            tpu.vector_store %arg13[%swap3A_293, %swap3A_294], %mul3A_292 {strides = array<i32>} : memref<96x64xf32, #tpu.memory_space<vmem>>, vector<16xf32>,
            %scan3A_296 = arith.constant 0 : i32
            scf.yield %scan3A_296 : i32
          }
          %scan3A_225 = arith.constant 96 : i32
          %dma_start3A_226 = arith.constant 0 : i32
          %dma_start3A_227 = tpu.memref_slice %arg8[%add3A_201, %dma_start3A_226] : memref<6x96xi32, #tpu.memory_space<vmem>> -> memref<1x96xi32, #tpu.memory_space<vmem>>
          %dma_start3A_228 = tpu.memref_squeeze %dma_start3A_227 : memref<1x96xi32, #tpu.memory_space<vmem>> -> memref<96xi32, #tpu.memory_space<vmem>>
          %dma_start3A_229 = arith.constant 0 : i32
          %dma_start3A_230 = arith.constant 0 : i32
          %dma_start3A_231 = tpu.memref_slice %arg25[%dma_start3A_229, %dma_start3A_230] : memref<10240x64xf32, #tpu.memory_space<vmem_shared>> -> memref<10240x64xf32, #tpu.memory_space<vmem_shared>>
          tpu.enqueue_indirect_dma source(%arg13 : memref<96x64xf32, #tpu.memory_space<vmem>>) target(%dma_start3A_231 : memref<10240x64xf32, #tpu.memory_space<vmem_shared>>) offsets(%dma_start3A_228 : memref<96xi32, #tpu.memory_space<vmem>>) semaphore(%arg30 : memref<!tpu.dma_semaphore, #tpu.memory_space<semaphore_mem>>) {add = true}
          %mul3A_232 = arith.constant 3 : i32
          %mul3A_233 = arith.muli %mul3A_232, %scan3A_165 : i32
          %add3A_234 = arith.constant 2 : i32
          %add3A_235 = arith.addi %mul3A_233, %add3A_234 : i32
          %dma_wait3A_236 = arith.constant 0 : i32
          %dma_wait3A_237 = arith.constant 0 : i32
          %dma_wait3A_238 = tpu.memref_slice %arg2[%dma_wait3A_236, %dma_wait3A_237] : memref<81920x64xf32, #tpu.memory_space<hbm>> -> memref<81920x64xf32, #tpu.memory_space<hbm>>
          tpu.wait_indirect_dma semaphore(%arg28 : memref<!tpu.dma_semaphore, #tpu.memory_space<semaphore_mem>>) src(%dma_wait3A_238 : memref<81920x64xf32, #tpu.memory_space<hbm>>) dst(%arg14 : memref<96x64xf32, #tpu.memory_space<vmem>>)
          %add3A_239 = arith.constant 2 : i32
          %add3A_240 = arith.addi %add3A_235, %add3A_239 : i32
          %lt3A_241 = arith.constant 6 : i32
          %lt3A_242 = arith.cmpi slt, %add3A_240, %lt3A_241 : i32
          %convert_element_type3A_243 = arith.extui %lt3A_242 : i1 to i32
          %cond3A_244 = arith.constant 0 : i32
          %cond3A_245 = arith.cmpi ne, %convert_element_type3A_243, %cond3A_244 : i32
          scf.if %cond3A_245 {
            %ge3A = arith.constant 1 : i32
            %ge3A_267 = arith.cmpi sge, %add3A_235, %ge3A : i32
            %convert_element_type3A_268 = arith.extui %ge3A_267 : i1 to i32
            %cond3A_269 = arith.constant 0 : i32
            %cond3A_270 = arith.cmpi ne, %convert_element_type3A_268, %cond3A_269 : i32
            scf.if %cond3A_270 {
              %sub3A_283 = arith.constant 1 : i32
              %sub3A_284 = arith.subi %add3A_235, %sub3A_283 : i32
              %dma_wait3A_285 = arith.constant 0 : i32
              %dma_wait3A_286 = tpu.memref_slice %arg8[%sub3A_284, %dma_wait3A_285] : memref<6x96xi32, #tpu.memory_space<vmem>> -> memref<1x96xi32, #tpu.memory_space<vmem>>
              %dma_wait3A_287 = tpu.memref_squeeze %dma_wait3A_286 : memref<1x96xi32, #tpu.memory_space<vmem>> -> memref<96xi32, #tpu.memory_space<vmem>>
              %dma_wait3A_288 = arith.constant 0 : i32
              %dma_wait3A_289 = arith.constant 0 : i32
              %dma_wait3A_290 = tpu.memref_slice %arg25[%dma_wait3A_288, %dma_wait3A_289] : memref<10240x64xf32, #tpu.memory_space<vmem_shared>> -> memref<10240x64xf32, #tpu.memory_space<vmem_shared>>
              tpu.wait_indirect_dma semaphore(%arg30 : memref<!tpu.dma_semaphore, #tpu.memory_space<semaphore_mem>>) src(%arg13 : memref<96x64xf32, #tpu.memory_space<vmem>>) dst(%dma_wait3A_290 : memref<10240x64xf32, #tpu.memory_space<vmem_shared>>)
            } else {
            }
            %add3A_271 = arith.constant 2 : i32
            %add3A_272 = arith.addi %add3A_235, %add3A_271 : i32
            %scan3A_273 = arith.constant 0 : i32
            %scan3A_274 = arith.constant 0 : i32
            %scan3A_275 = arith.constant 6 : i32
            %scan3A_276 = arith.addi %scan3A_274, %scan3A_275 : i32
            %scan3A_277 = arith.constant 1 : i32
            %scan3A_278 = scf.for %scan3A_283 = %scan3A_274 to %scan3A_276 step %scan3A_277 iter_args(%scan3A_284 = %scan3A_273) -> (i32)  : i32 {
              %mul3A_285 = arith.constant 16 : i32
              %mul3A_286 = arith.muli %scan3A_283, %mul3A_285 : i32
              %get3A = arith.index_cast %add3A_272 : i32 to index
              %get3A_287 = arith.index_cast %mul3A_286 : i32 to index
              %get3A_288 = tpu.vector_load %arg7[%get3A, %get3A_287] {strides = array<i32>} : memref<6x96xi32, #tpu.memory_space<vmem>>, vector<16xi32>,
              %add3A_289 = vector.broadcast %mul3A_60 : i32 to vector<16xi32>
              %add3A_290 = arith.addi %get3A_288, %add3A_289 : vector<16xi32>
              %mul3A_291 = arith.constant 16 : i32
              %mul3A_292 = arith.muli %scan3A_283, %mul3A_291 : i32
              %swap3A = arith.index_cast %mul3A_292 : i32 to index
              %swap3A_293 = tpu.vector_load %arg21[%swap3A] {strides = array<i32>} : memref<96xi32, #tpu.memory_space<vmem>>, vector<16xi32>,
              tpu.vector_store %arg21[%swap3A], %add3A_290 {strides = array<i32>} : memref<96xi32, #tpu.memory_space<vmem>>, vector<16xi32>,
              %scan3A_294 = arith.constant 0 : i32
              scf.yield %scan3A_294 : i32
            }
            %scan3A_279 = arith.constant 6 : i32
            %dma_start3A_280 = arith.constant 0 : i32
            %dma_start3A_281 = arith.constant 0 : i32
            %dma_start3A_282 = tpu.memref_slice %arg2[%dma_start3A_280, %dma_start3A_281] : memref<81920x64xf32, #tpu.memory_space<hbm>> -> memref<81920x64xf32, #tpu.memory_space<hbm>>
            tpu.enqueue_indirect_dma source(%dma_start3A_282 : memref<81920x64xf32, #tpu.memory_space<hbm>>) target(%arg13 : memref<96x64xf32, #tpu.memory_space<vmem>>) offsets(%arg21 : memref<96xi32, #tpu.memory_space<vmem>>) semaphore(%arg27 : memref<!tpu.dma_semaphore, #tpu.memory_space<semaphore_mem>>)
          } else {
          }
          %scan3A_246 = arith.constant 0 : i32
          %scan3A_247 = arith.constant 0 : i32
          %scan3A_248 = arith.constant 6 : i32
          %scan3A_249 = arith.addi %scan3A_247, %scan3A_248 : i32
          %scan3A_250 = arith.constant 1 : i32
          %scan3A_251 = scf.for %scan3A_267 = %scan3A_247 to %scan3A_249 step %scan3A_250 iter_args(%scan3A_268 = %scan3A_246) -> (i32)  : i32 {
            %mul3A_269 = arith.constant 16 : i32
            %mul3A_270 = arith.muli %scan3A_267, %mul3A_269 : i32
            %get3A = arith.index_cast %add3A_235 : i32 to index
            %get3A_271 = arith.index_cast %mul3A_270 : i32 to index
            %get3A_272 = tpu.vector_load %arg7[%get3A, %get3A_271] {strides = array<i32>} : memref<6x96xi32, #tpu.memory_space<vmem>>, vector<16xi32>,
            %mul3A_273 = arith.constant 16 : i32
            %mul3A_274 = arith.muli %scan3A_267, %mul3A_273 : i32
            %get3A_275 = arith.index_cast %add3A_235 : i32 to index
            %get3A_276 = arith.index_cast %mul3A_274 : i32 to index
            %get3A_277 = tpu.vector_load %arg8[%get3A_275, %get3A_276] {strides = array<i32>} : memref<6x96xi32, #tpu.memory_space<vmem>>, vector<16xi32>,
            %mul3A_278 = arith.constant 10240 : i32
            %mul3A_279 = arith.muli %select_n3A, %mul3A_278 : i32
            %add3A_280 = vector.broadcast %mul3A_279 : i32 to vector<16xi32>
            %add3A_281 = arith.addi %get3A_272, %add3A_280 : vector<16xi32>
            %gather3A = tpu.vector_load_idx %arg9[%add3A_281] : memref<20480xf32, #tpu.memory_space<vmem>>[vector<16xi32>], vector<16xf32>,
            %mul3A_282 = arith.constant 10240 : i32
            %mul3A_283 = arith.muli %select_n3A, %mul3A_282 : i32
            %add3A_284 = vector.broadcast %mul3A_283 : i32 to vector<16xi32>
            %add3A_285 = arith.addi %get3A_277, %add3A_284 : vector<16xi32>
            %gather3A_286 = tpu.vector_load_idx %arg10[%add3A_285] : memref<20480xf32, #tpu.memory_space<vmem>>[vector<16xi32>], vector<16xf32>,
            %add3A_287 = arith.addf %gather3A, %gather3A_286 : vector<16xf32>
            %ge3A = arith.constant 0.000000e+00 : f32
            %ge3A_288 = vector.broadcast %ge3A : f32 to vector<16xf32>
            %ge3A_289 = arith.cmpf oge, %add3A_287, %ge3A_288 : vector<16xf32>
            %mul3A_290 = arith.constant 2.000000e-01 : f32
            %mul3A_291 = vector.broadcast %mul3A_290 : f32 to vector<16xf32>
            %mul3A_292 = arith.mulf %mul3A_291, %add3A_287 : vector<16xf32>
            %select_n3A_293 = arith.select %ge3A_289, %add3A_287, %mul3A_292 : vector<16xi1>, vector<16xf32>
            %exp3A = math.exp %select_n3A_293 : vector<16xf32>
            %mul3A_294 = arith.constant 10240 : i32
            %mul3A_295 = arith.muli %select_n3A, %mul3A_294 : i32
            %add3A_296 = vector.broadcast %mul3A_295 : i32 to vector<16xi32>
            %add3A_297 = arith.addi %get3A_277, %add3A_296 : vector<16xi32>
            %gather3A_298 = tpu.vector_load_idx %arg11[%add3A_297] : memref<20480xf32, #tpu.memory_space<vmem>>[vector<16xi32>], vector<16xf32>,
            %div3A_299 = arith.divf %exp3A, %gather3A_298 : vector<16xf32>
            %mul3A_300 = arith.constant 16 : i32
            %mul3A_301 = arith.muli %scan3A_267, %mul3A_300 : i32
            %swap3A = arith.index_cast %mul3A_301 : i32 to index
            %swap3A_302 = tpu.vector_load %arg23[%swap3A] {strides = array<i32>} : memref<96xf32, #tpu.memory_space<vmem>>, vector<16xf32>,
            tpu.vector_store %arg23[%swap3A], %div3A_299 {strides = array<i32>} : memref<96xf32, #tpu.memory_space<vmem>>, vector<16xf32>,
            %scan3A_303 = arith.constant 0 : i32
            scf.yield %scan3A_303 : i32
          }
          %scan3A_252 = arith.constant 6 : i32
          %scan3A_253 = arith.constant 0 : i32
          %scan3A_254 = arith.constant 0 : i32
          %scan3A_255 = arith.constant 96 : i32
          %scan3A_256 = arith.addi %scan3A_254, %scan3A_255 : i32
          %scan3A_257 = arith.constant 1 : i32
          %scan3A_258 = scf.for %scan3A_267 = %scan3A_254 to %scan3A_256 step %scan3A_257 iter_args(%scan3A_268 = %scan3A_253) -> (i32)  : i32 {
            %broadcast_in_dim3A_269 = vector.broadcast %scan3A_267 : i32 to vector<16xi32>
            %gather3A = tpu.vector_load_idx %arg23[%broadcast_in_dim3A_269] : memref<96xf32, #tpu.memory_space<vmem>>[vector<16xi32>], vector<16xf32>,
            %get3A = arith.index_cast %scan3A_267 : i32 to index
            %get3A_270 = arith.constant 0 : index
            %get3A_271 = tpu.vector_load %arg14[%get3A, %get3A_270] {strides = array<i32>} : memref<96x64xf32, #tpu.memory_space<vmem>>, vector<16xf32>,
            %mul3A_272 = arith.mulf %get3A_271, %gather3A : vector<16xf32>
            %swap3A = arith.index_cast %scan3A_267 : i32 to index
            %swap3A_273 = arith.constant 0 : index
            %swap3A_274 = tpu.vector_load %arg14[%swap3A, %swap3A_273] {strides = array<i32>} : memref<96x64xf32, #tpu.memory_space<vmem>>, vector<16xf32>,
            tpu.vector_store %arg14[%swap3A, %swap3A_273], %mul3A_272 {strides = array<i32>} : memref<96x64xf32, #tpu.memory_space<vmem>>, vector<16xf32>,
            %get3A_275 = arith.index_cast %scan3A_267 : i32 to index
            %get3A_276 = arith.constant 16 : index
            %get3A_277 = tpu.vector_load %arg14[%get3A_275, %get3A_276] {strides = array<i32>} : memref<96x64xf32, #tpu.memory_space<vmem>>, vector<16xf32>,
            %mul3A_278 = arith.mulf %get3A_277, %gather3A : vector<16xf32>
            %swap3A_279 = arith.index_cast %scan3A_267 : i32 to index
            %swap3A_280 = arith.constant 16 : index
            %swap3A_281 = tpu.vector_load %arg14[%swap3A_279, %swap3A_280] {strides = array<i32>} : memref<96x64xf32, #tpu.memory_space<vmem>>, vector<16xf32>,
            tpu.vector_store %arg14[%swap3A_279, %swap3A_280], %mul3A_278 {strides = array<i32>} : memref<96x64xf32, #tpu.memory_space<vmem>>, vector<16xf32>,
            %get3A_282 = arith.index_cast %scan3A_267 : i32 to index
            %get3A_283 = arith.constant 32 : index
            %get3A_284 = tpu.vector_load %arg14[%get3A_282, %get3A_283] {strides = array<i32>} : memref<96x64xf32, #tpu.memory_space<vmem>>, vector<16xf32>,
            %mul3A_285 = arith.mulf %get3A_284, %gather3A : vector<16xf32>
            %swap3A_286 = arith.index_cast %scan3A_267 : i32 to index
            %swap3A_287 = arith.constant 32 : index
            %swap3A_288 = tpu.vector_load %arg14[%swap3A_286, %swap3A_287] {strides = array<i32>} : memref<96x64xf32, #tpu.memory_space<vmem>>, vector<16xf32>,
            tpu.vector_store %arg14[%swap3A_286, %swap3A_287], %mul3A_285 {strides = array<i32>} : memref<96x64xf32, #tpu.memory_space<vmem>>, vector<16xf32>,
            %get3A_289 = arith.index_cast %scan3A_267 : i32 to index
            %get3A_290 = arith.constant 48 : index
            %get3A_291 = tpu.vector_load %arg14[%get3A_289, %get3A_290] {strides = array<i32>} : memref<96x64xf32, #tpu.memory_space<vmem>>, vector<16xf32>,
            %mul3A_292 = arith.mulf %get3A_291, %gather3A : vector<16xf32>
            %swap3A_293 = arith.index_cast %scan3A_267 : i32 to index
            %swap3A_294 = arith.constant 48 : index
            %swap3A_295 = tpu.vector_load %arg14[%swap3A_293, %swap3A_294] {strides = array<i32>} : memref<96x64xf32, #tpu.memory_space<vmem>>, vector<16xf32>,
            tpu.vector_store %arg14[%swap3A_293, %swap3A_294], %mul3A_292 {strides = array<i32>} : memref<96x64xf32, #tpu.memory_space<vmem>>, vector<16xf32>,
            %scan3A_296 = arith.constant 0 : i32
            scf.yield %scan3A_296 : i32
          }
          %scan3A_259 = arith.constant 96 : i32
          %dma_start3A_260 = arith.constant 0 : i32
          %dma_start3A_261 = tpu.memref_slice %arg8[%add3A_235, %dma_start3A_260] : memref<6x96xi32, #tpu.memory_space<vmem>> -> memref<1x96xi32, #tpu.memory_space<vmem>>
          %dma_start3A_262 = tpu.memref_squeeze %dma_start3A_261 : memref<1x96xi32, #tpu.memory_space<vmem>> -> memref<96xi32, #tpu.memory_space<vmem>>
          %dma_start3A_263 = arith.constant 0 : i32
          %dma_start3A_264 = arith.constant 0 : i32
          %dma_start3A_265 = tpu.memref_slice %arg25[%dma_start3A_263, %dma_start3A_264] : memref<10240x64xf32, #tpu.memory_space<vmem_shared>> -> memref<10240x64xf32, #tpu.memory_space<vmem_shared>>
          tpu.enqueue_indirect_dma source(%arg14 : memref<96x64xf32, #tpu.memory_space<vmem>>) target(%dma_start3A_265 : memref<10240x64xf32, #tpu.memory_space<vmem_shared>>) offsets(%dma_start3A_262 : memref<96xi32, #tpu.memory_space<vmem>>) semaphore(%arg31 : memref<!tpu.dma_semaphore, #tpu.memory_space<semaphore_mem>>) {add = true}
          %scan3A_266 = arith.constant 0 : i32
          scf.yield %scan3A_266 : i32
        }
        %scan3A_143 = arith.constant 2 : i32
        %dma_wait3A = arith.constant 3 : i32
        %dma_wait3A_144 = arith.constant 0 : i32
        %dma_wait3A_145 = tpu.memref_slice %arg8[%dma_wait3A, %dma_wait3A_144] : memref<6x96xi32, #tpu.memory_space<vmem>> -> memref<1x96xi32, #tpu.memory_space<vmem>>
        %dma_wait3A_146 = tpu.memref_squeeze %dma_wait3A_145 : memref<1x96xi32, #tpu.memory_space<vmem>> -> memref<96xi32, #tpu.memory_space<vmem>>
        %dma_wait3A_147 = arith.constant 0 : i32
        %dma_wait3A_148 = arith.constant 0 : i32
        %dma_wait3A_149 = tpu.memref_slice %arg25[%dma_wait3A_147, %dma_wait3A_148] : memref<10240x64xf32, #tpu.memory_space<vmem_shared>> -> memref<10240x64xf32, #tpu.memory_space<vmem_shared>>
        tpu.wait_indirect_dma semaphore(%arg29 : memref<!tpu.dma_semaphore, #tpu.memory_space<semaphore_mem>>) src(%arg12 : memref<96x64xf32, #tpu.memory_space<vmem>>) dst(%dma_wait3A_149 : memref<10240x64xf32, #tpu.memory_space<vmem_shared>>)
        %dma_wait3A_150 = arith.constant 4 : i32
        %dma_wait3A_151 = arith.constant 0 : i32
        %dma_wait3A_152 = tpu.memref_slice %arg8[%dma_wait3A_150, %dma_wait3A_151] : memref<6x96xi32, #tpu.memory_space<vmem>> -> memref<1x96xi32, #tpu.memory_space<vmem>>
        %dma_wait3A_153 = tpu.memref_squeeze %dma_wait3A_152 : memref<1x96xi32, #tpu.memory_space<vmem>> -> memref<96xi32, #tpu.memory_space<vmem>>
        %dma_wait3A_154 = arith.constant 0 : i32
        %dma_wait3A_155 = arith.constant 0 : i32
        %dma_wait3A_156 = tpu.memref_slice %arg25[%dma_wait3A_154, %dma_wait3A_155] : memref<10240x64xf32, #tpu.memory_space<vmem_shared>> -> memref<10240x64xf32, #tpu.memory_space<vmem_shared>>
        tpu.wait_indirect_dma semaphore(%arg30 : memref<!tpu.dma_semaphore, #tpu.memory_space<semaphore_mem>>) src(%arg13 : memref<96x64xf32, #tpu.memory_space<vmem>>) dst(%dma_wait3A_156 : memref<10240x64xf32, #tpu.memory_space<vmem_shared>>)
        %dma_wait3A_157 = arith.constant 5 : i32
        %dma_wait3A_158 = arith.constant 0 : i32
        %dma_wait3A_159 = tpu.memref_slice %arg8[%dma_wait3A_157, %dma_wait3A_158] : memref<6x96xi32, #tpu.memory_space<vmem>> -> memref<1x96xi32, #tpu.memory_space<vmem>>
        %dma_wait3A_160 = tpu.memref_squeeze %dma_wait3A_159 : memref<1x96xi32, #tpu.memory_space<vmem>> -> memref<96xi32, #tpu.memory_space<vmem>>
        %dma_wait3A_161 = arith.constant 0 : i32
        %dma_wait3A_162 = arith.constant 0 : i32
        %dma_wait3A_163 = tpu.memref_slice %arg25[%dma_wait3A_161, %dma_wait3A_162] : memref<10240x64xf32, #tpu.memory_space<vmem_shared>> -> memref<10240x64xf32, #tpu.memory_space<vmem_shared>>
        tpu.wait_indirect_dma semaphore(%arg31 : memref<!tpu.dma_semaphore, #tpu.memory_space<semaphore_mem>>) src(%arg14 : memref<96x64xf32, #tpu.memory_space<vmem>>) dst(%dma_wait3A_163 : memref<10240x64xf32, #tpu.memory_space<vmem_shared>>)
        %scan3A_164 = arith.constant 0 : i32
        scf.yield %scan3A_164 : i32
      }
      %scan3A_103 = arith.constant 36 : i32
      %barrier3A_104 = arith.constant 0 : index
      tpu.barrier barrier_id(%barrier3A_104)
      %mul3A_105 = arith.constant 640 : i32
      %mul3A_106 = arith.muli %arg1, %mul3A_105 : i32
      %mul3A_107 = arith.constant 640 : i32
      %mul3A_108 = arith.muli %arg1, %mul3A_107 : i32
      %add3A_109 = arith.addi %mul3A_60, %mul3A_108 : i32
      "tpu.region"() ({
        %run_scoped3A = tpu.sem_alloc : memref<!tpu.dma_semaphore, #tpu.memory_space<semaphore_mem>>
        %dma_start3A = arith.constant 0 : i32
        %dma_start3A_112 = tpu.memref_slice %arg6[%add3A_109, %dma_start3A] : memref<81920x64xf32, #tpu.memory_space<hbm>> -> memref<640x64xf32, #tpu.memory_space<hbm>>
        %dma_start3A_113 = arith.constant 0 : i32
        %dma_start3A_114 = tpu.memref_slice %arg25[%mul3A_106, %dma_start3A_113] : memref<10240x64xf32, #tpu.memory_space<vmem_shared>> -> memref<640x64xf32, #tpu.memory_space<vmem_shared>>
        tpu.enqueue_dma source(%dma_start3A_114 : memref<640x64xf32, #tpu.memory_space<vmem_shared>>) target(%dma_start3A_112 : memref<640x64xf32, #tpu.memory_space<hbm>>) target_semaphore(%run_scoped3A : memref<!tpu.dma_semaphore, #tpu.memory_space<semaphore_mem>>)
        %dma_wait3A = arith.constant 0 : i32
        %dma_wait3A_115 = tpu.memref_slice %arg6[%add3A_109, %dma_wait3A] : memref<81920x64xf32, #tpu.memory_space<hbm>> -> memref<640x64xf32, #tpu.memory_space<hbm>>
        %dma_wait3A_116 = arith.constant 0 : i32
        %dma_wait3A_117 = tpu.memref_slice %arg25[%mul3A_106, %dma_wait3A_116] : memref<10240x64xf32, #tpu.memory_space<vmem_shared>> -> memref<640x64xf32, #tpu.memory_space<vmem_shared>>
        tpu.wait_dma2 semaphore(%run_scoped3A : memref<!tpu.dma_semaphore, #tpu.memory_space<semaphore_mem>>) src(%dma_wait3A_117 : memref<640x64xf32, #tpu.memory_space<vmem_shared>>) dst(%dma_wait3A_115 : memref<640x64xf32, #tpu.memory_space<hbm>>)
        tpu.yield
      }) : () -> ()
      %barrier3A_110 = arith.constant 0 : index
      tpu.barrier barrier_id(%barrier3A_110)
      %scan3A_111 = arith.constant 0 : i32
      scf.yield %scan3A_111 : i32
    }
    %scan3A_31 = arith.constant 4 : i32
    return
  }
}

module attributes {stable_mosaic.version = 14 : i64} {
  func.func @_front_body(%arg0: i32, %arg1: i32, %arg2: i32, %arg3: memref<1024x128xf32, #tpu.memory_space<vmem>>, %arg4: memref<1x1x128x64xf32, #tpu.memory_space<vmem>>, %arg5: memref<8x128xf32, #tpu.memory_space<vmem>>, %arg6: memref<1024x64xf32, #tpu.memory_space<vmem>>, %arg7: memref<8x1024xf32, #tpu.memory_space<vmem>>) attributes {dimension_semantics = [#tpu.dimension_semantics<arbitrary>, #tpu.dimension_semantics<arbitrary>, #tpu.dimension_semantics<arbitrary>], iteration_bounds = array<i64: 10, 4, 2>, scalar_prefetch = 0 : i64, scratch_operands = 0 : i64, tpu.core_type = #tpu.core_type<tc>, window_params = [{transform_indices = @transform_0, window_bounds = array<i64: 1024, 128>}, {transform_indices = @transform_1, window_bounds = array<i64: 1, 1, 128, 64>}, {pipeline_mode = #tpu.pipeline_mode<synchronous>, transform_indices = @transform_2, window_bounds = array<i64: 8, 128>}, {transform_indices = @transform_3, window_bounds = array<i64: 1024, 64>}, {transform_indices = @transform_4, window_bounds = array<i64: 8, 1024>}]} {
    %get3A = arith.constant 0 : index
    %get3A_0 = arith.constant 0 : index
    %get3A_1 = vector.load %arg3[%get3A, %get3A_0] : memref<1024x128xf32, #tpu.memory_space<vmem>>, vector<1024x128xf32>
    %get3A_2 = arith.constant 0 : index
    %get3A_3 = arith.constant 0 : index
    %get3A_4 = arith.constant 0 : index
    %get3A_5 = arith.constant 0 : index
    %get3A_6 = vector.load %arg4[%get3A_2, %get3A_3, %get3A_4, %get3A_5] : memref<1x1x128x64xf32, #tpu.memory_space<vmem>>, vector<1x1x128x64xf32>
    %get3A_7 = vector.shape_cast %get3A_6 : vector<1x1x128x64xf32> to vector<128x64xf32>
    %dot_general3A = arith.constant dense<0.000000e+00> : vector<1024x64xf32>
    %dot_general3A_8 = tpu.matmul %get3A_1, %get3A_7, %dot_general3A {dimension_numbers = #tpu.dot_dimension_numbers<[1], [0], [0], [1], [0, 0, 1, 1], [], []>, transpose_lhs_hint = false} : vector<1024x128xf32>, vector<128x64xf32>, vector<1024x64xf32> -> vector<1024x64xf32>
    %swap3A = arith.constant 0 : index
    %swap3A_9 = arith.constant 0 : index
    %swap3A_10 = vector.load %arg6[%swap3A, %swap3A_9] : memref<1024x64xf32, #tpu.memory_space<vmem>>, vector<1024x64xf32>
    tpu.vector_store %arg6[%swap3A, %swap3A_9], %dot_general3A_8 {strides = array<i32>} : memref<1024x64xf32, #tpu.memory_space<vmem>>, vector<1024x64xf32>,
    %get3A_11 = arith.constant 0 : index
    %get3A_12 = arith.constant 0 : index
    %get3A_13 = vector.load %arg5[%get3A_11, %get3A_12] : memref<8x128xf32, #tpu.memory_space<vmem>>, vector<8x128xf32>
    %dot_general3A_14 = arith.constant dense<0.000000e+00> : vector<8x1024xf32>
    %dot_general3A_15 = tpu.matmul %get3A_13, %get3A_1, %dot_general3A_14 {dimension_numbers = #tpu.dot_dimension_numbers<[1], [1], [0], [0], [0, 0, 1, 0], [], []>, transpose_lhs_hint = false} : vector<8x128xf32>, vector<1024x128xf32>, vector<8x1024xf32> -> vector<8x1024xf32>
    %swap3A_16 = arith.constant 0 : index
    %swap3A_17 = arith.constant 0 : index
    %swap3A_18 = vector.load %arg7[%swap3A_16, %swap3A_17] : memref<8x1024xf32, #tpu.memory_space<vmem>>, vector<8x1024xf32>
    tpu.vector_store %arg7[%swap3A_16, %swap3A_17], %dot_general3A_15 {strides = array<i32>} : memref<8x1024xf32, #tpu.memory_space<vmem>>, vector<8x1024xf32>,
    return
  }
  func.func @transform_0(%arg0: i32, %arg1: i32, %arg2: i32) -> (i32, i32) {
    %c0_i32 = arith.constant 0 : i32
    %c0_i32_0 = arith.constant 0 : i32
    return %arg0, %c0_i32 : i32, i32
  }
  func.func @transform_1(%arg0: i32, %arg1: i32, %arg2: i32) -> (i32, i32, i32, i32) {
    %c0_i32 = arith.constant 0 : i32
    %c0_i32_0 = arith.constant 0 : i32
    %c0_i32_1 = arith.constant 0 : i32
    return %arg1, %arg2, %c0_i32, %c0_i32_0 : i32, i32, i32, i32
  }
  func.func @transform_2(%arg0: i32, %arg1: i32, %arg2: i32) -> (i32, i32) {
    %c0_i32 = arith.constant 0 : i32
    %c0_i32_0 = arith.constant 0 : i32
    %c0_i32_1 = arith.constant 0 : i32
    return %c0_i32, %c0_i32_0 : i32, i32
  }
  func.func @transform_3(%arg0: i32, %arg1: i32, %arg2: i32) -> (i32, i32) {
    %mul3A = arith.constant 4 : i32
    %mul3A_0 = arith.muli %arg2, %mul3A : i32
    %mul3A_1 = arith.constant 10 : i32
    %mul3A_2 = arith.muli %mul3A_0, %mul3A_1 : i32
    %mul3A_3 = arith.constant 10 : i32
    %mul3A_4 = arith.muli %arg1, %mul3A_3 : i32
    %add3A = arith.addi %mul3A_2, %mul3A_4 : i32
    %add3A_5 = arith.addi %add3A, %arg0 : i32
    %c0_i32 = arith.constant 0 : i32
    %c0_i32_6 = arith.constant 0 : i32
    return %add3A_5, %c0_i32 : i32, i32
  }
  func.func @transform_4(%arg0: i32, %arg1: i32, %arg2: i32) -> (i32, i32) {
    %c0_i32 = arith.constant 0 : i32
    %c0_i32_0 = arith.constant 0 : i32
    return %c0_i32, %arg0 : i32, i32
  }
}

module attributes {stable_mosaic.version = 14 : i64} {
  func.func @_post_body(%arg0: i32, %arg1: i32, %arg2: memref<1024x64xf32, #tpu.memory_space<vmem>>, %arg3: memref<1024x64xf32, #tpu.memory_space<vmem>>, %arg4: memref<2x4x64xf32, #tpu.memory_space<vmem>>, %arg5: memref<1024x128xf32, #tpu.memory_space<vmem>>) attributes {dimension_semantics = [#tpu.dimension_semantics<arbitrary>, #tpu.dimension_semantics<arbitrary>], iteration_bounds = array<i64: 10, 4>, scalar_prefetch = 0 : i64, scratch_operands = 0 : i64, tpu.core_type = #tpu.core_type<tc>, window_params = [{transform_indices = @transform_0, window_bounds = array<i64: 1024, 64>}, {transform_indices = @transform_1, window_bounds = array<i64: 1024, 64>}, {pipeline_mode = #tpu.pipeline_mode<synchronous>, transform_indices = @transform_2, window_bounds = array<i64: 2, 4, 64>}, {transform_indices = @transform_3, window_bounds = array<i64: 1024, 128>}]} {
    %get3A = arith.constant 0 : index
    %get3A_0 = arith.constant 0 : index
    %get3A_1 = vector.load %arg2[%get3A, %get3A_0] : memref<1024x64xf32, #tpu.memory_space<vmem>>, vector<1024x64xf32>
    %get3A_2 = arith.constant 0 : index
    %get3A_3 = arith.index_cast %arg1 : i32 to index
    %get3A_4 = arith.constant 0 : index
    %get3A_5 = vector.load %arg4[%get3A_2, %get3A_3, %get3A_4] : memref<2x4x64xf32, #tpu.memory_space<vmem>>, vector<1x1x64xf32>
    %get3A_6 = vector.shape_cast %get3A_5 : vector<1x1x64xf32> to vector<1x64xf32>
    %add3A = vector.broadcast %get3A_6 : vector<1x64xf32> to vector<1024x64xf32>
    %add3A_7 = arith.addf %get3A_1, %add3A : vector<1024x64xf32>
    %get3A_8 = arith.constant 0 : index
    %get3A_9 = arith.constant 0 : index
    %get3A_10 = vector.load %arg3[%get3A_8, %get3A_9] : memref<1024x64xf32, #tpu.memory_space<vmem>>, vector<1024x64xf32>
    %get3A_11 = arith.constant 1 : index
    %get3A_12 = arith.index_cast %arg1 : i32 to index
    %get3A_13 = arith.constant 0 : index
    %get3A_14 = vector.load %arg4[%get3A_11, %get3A_12, %get3A_13] : memref<2x4x64xf32, #tpu.memory_space<vmem>>, vector<1x1x64xf32>
    %get3A_15 = vector.shape_cast %get3A_14 : vector<1x1x64xf32> to vector<1x64xf32>
    %add3A_16 = vector.broadcast %get3A_15 : vector<1x64xf32> to vector<1024x64xf32>
    %add3A_17 = arith.addf %get3A_10, %add3A_16 : vector<1024x64xf32>
    %concatenate3A = tpu.concatenate %add3A_7, %add3A_17 in 1 : vector<1024x64xf32>, vector<1024x64xf32> -> vector<1024x128xf32>
    %gt3A = arith.constant 0.000000e+00 : f32
    %gt3A_18 = vector.broadcast %gt3A : f32 to vector<1024x128xf32>
    %gt3A_19 = arith.cmpf ogt, %concatenate3A, %gt3A_18 : vector<1024x128xf32>
    %min3A = arith.constant 0.000000e+00 : f32
    %min3A_20 = vector.broadcast %min3A : f32 to vector<1024x128xf32>
    %min3A_21 = arith.minimumf %concatenate3A, %min3A_20 : vector<1024x128xf32>
    %exp3A = math.exp %min3A_21 : vector<1024x128xf32>
    %sub3A = arith.constant 1.000000e+00 : f32
    %sub3A_22 = vector.broadcast %sub3A : f32 to vector<1024x128xf32>
    %sub3A_23 = arith.subf %exp3A, %sub3A_22 : vector<1024x128xf32>
    %select_n3A = arith.select %gt3A_19, %concatenate3A, %sub3A_23 : vector<1024x128xi1>, vector<1024x128xf32>
    %mul3A = arith.constant 2.500000e-01 : f32
    %mul3A_24 = vector.broadcast %mul3A : f32 to vector<1024x128xf32>
    %mul3A_25 = arith.mulf %select_n3A, %mul3A_24 : vector<1024x128xf32>
    %eq3A = arith.constant 0 : i32
    %eq3A_26 = arith.cmpi eq, %arg1, %eq3A : i32
    %convert_element_type3A = arith.extui %eq3A_26 : i1 to i32
    %cond3A = arith.constant 0 : i32
    %cond3A_27 = arith.cmpi ne, %convert_element_type3A, %cond3A : i32
    scf.if %cond3A_27 {
      %swap3A = arith.constant 0 : index
      %swap3A_33 = arith.constant 0 : index
      %swap3A_34 = vector.load %arg5[%swap3A, %swap3A_33] : memref<1024x128xf32, #tpu.memory_space<vmem>>, vector<1024x128xf32>
      tpu.vector_store %arg5[%swap3A, %swap3A_33], %mul3A_25 {strides = array<i32>} : memref<1024x128xf32, #tpu.memory_space<vmem>>, vector<1024x128xf32>,
    } else {
    }
    %gt3A_28 = arith.constant 0 : i32
    %gt3A_29 = arith.cmpi sgt, %arg1, %gt3A_28 : i32
    %convert_element_type3A_30 = arith.extui %gt3A_29 : i1 to i32
    %cond3A_31 = arith.constant 0 : i32
    %cond3A_32 = arith.cmpi ne, %convert_element_type3A_30, %cond3A_31 : i32
    scf.if %cond3A_32 {
      %get3A_33 = arith.constant 0 : index
      %get3A_34 = arith.constant 0 : index
      %get3A_35 = vector.load %arg5[%get3A_33, %get3A_34] : memref<1024x128xf32, #tpu.memory_space<vmem>>, vector<1024x128xf32>
      %add3A_36 = arith.addf %get3A_35, %mul3A_25 : vector<1024x128xf32>
      %swap3A = arith.constant 0 : index
      %swap3A_37 = arith.constant 0 : index
      %swap3A_38 = vector.load %arg5[%swap3A, %swap3A_37] : memref<1024x128xf32, #tpu.memory_space<vmem>>, vector<1024x128xf32>
      tpu.vector_store %arg5[%swap3A, %swap3A_37], %add3A_36 {strides = array<i32>} : memref<1024x128xf32, #tpu.memory_space<vmem>>, vector<1024x128xf32>,
    } else {
    }
    return
  }
  func.func @transform_0(%arg0: i32, %arg1: i32) -> (i32, i32) {
    %mul3A = arith.constant 10 : i32
    %mul3A_0 = arith.muli %arg1, %mul3A : i32
    %add3A = arith.addi %mul3A_0, %arg0 : i32
    %c0_i32 = arith.constant 0 : i32
    %c0_i32_1 = arith.constant 0 : i32
    return %add3A, %c0_i32 : i32, i32
  }
  func.func @transform_1(%arg0: i32, %arg1: i32) -> (i32, i32) {
    %mul3A = arith.constant 10 : i32
    %mul3A_0 = arith.muli %arg1, %mul3A : i32
    %add3A = arith.constant 40 : i32
    %add3A_1 = arith.addi %add3A, %mul3A_0 : i32
    %add3A_2 = arith.addi %add3A_1, %arg0 : i32
    %c0_i32 = arith.constant 0 : i32
    %c0_i32_3 = arith.constant 0 : i32
    return %add3A_2, %c0_i32 : i32, i32
  }
  func.func @transform_2(%arg0: i32, %arg1: i32) -> (i32, i32, i32) {
    %c0_i32 = arith.constant 0 : i32
    %c0_i32_0 = arith.constant 0 : i32
    %c0_i32_1 = arith.constant 0 : i32
    %c0_i32_2 = arith.constant 0 : i32
    return %c0_i32, %c0_i32_0, %c0_i32_1 : i32, i32, i32
  }
  func.func @transform_3(%arg0: i32, %arg1: i32) -> (i32, i32) {
    %c0_i32 = arith.constant 0 : i32
    %c0_i32_0 = arith.constant 0 : i32
    return %arg0, %c0_i32 : i32, i32
  }
}

module attributes {stable_mosaic.version = 14 : i64} {
  func.func @_post_body(%arg0: i32, %arg1: i32, %arg2: memref<1024x64xf32, #tpu.memory_space<vmem>>, %arg3: memref<1024x64xf32, #tpu.memory_space<vmem>>, %arg4: memref<2x4x64xf32, #tpu.memory_space<vmem>>, %arg5: memref<1024x128xf32, #tpu.memory_space<vmem>>) attributes {dimension_semantics = [#tpu.dimension_semantics<arbitrary>, #tpu.dimension_semantics<arbitrary>], iteration_bounds = array<i64: 10, 4>, scalar_prefetch = 0 : i64, scratch_operands = 0 : i64, tpu.core_type = #tpu.core_type<tc>, window_params = [{transform_indices = @transform_0, window_bounds = array<i64: 1024, 64>}, {transform_indices = @transform_1, window_bounds = array<i64: 1024, 64>}, {pipeline_mode = #tpu.pipeline_mode<synchronous>, transform_indices = @transform_2, window_bounds = array<i64: 2, 4, 64>}, {transform_indices = @transform_3, window_bounds = array<i64: 1024, 128>}]} {
    %get3A = arith.constant 0 : index
    %get3A_0 = arith.constant 0 : index
    %get3A_1 = vector.load %arg2[%get3A, %get3A_0] : memref<1024x64xf32, #tpu.memory_space<vmem>>, vector<1024x64xf32>
    %get3A_2 = arith.constant 0 : index
    %get3A_3 = arith.index_cast %arg1 : i32 to index
    %get3A_4 = arith.constant 0 : index
    %get3A_5 = vector.load %arg4[%get3A_2, %get3A_3, %get3A_4] : memref<2x4x64xf32, #tpu.memory_space<vmem>>, vector<1x1x64xf32>
    %get3A_6 = vector.shape_cast %get3A_5 : vector<1x1x64xf32> to vector<1x64xf32>
    %add3A = vector.broadcast %get3A_6 : vector<1x64xf32> to vector<1024x64xf32>
    %add3A_7 = arith.addf %get3A_1, %add3A : vector<1024x64xf32>
    %get3A_8 = arith.constant 0 : index
    %get3A_9 = arith.constant 0 : index
    %get3A_10 = vector.load %arg3[%get3A_8, %get3A_9] : memref<1024x64xf32, #tpu.memory_space<vmem>>, vector<1024x64xf32>
    %get3A_11 = arith.constant 1 : index
    %get3A_12 = arith.index_cast %arg1 : i32 to index
    %get3A_13 = arith.constant 0 : index
    %get3A_14 = vector.load %arg4[%get3A_11, %get3A_12, %get3A_13] : memref<2x4x64xf32, #tpu.memory_space<vmem>>, vector<1x1x64xf32>
    %get3A_15 = vector.shape_cast %get3A_14 : vector<1x1x64xf32> to vector<1x64xf32>
    %add3A_16 = vector.broadcast %get3A_15 : vector<1x64xf32> to vector<1024x64xf32>
    %add3A_17 = arith.addf %get3A_10, %add3A_16 : vector<1024x64xf32>
    %concatenate3A = tpu.concatenate %add3A_7, %add3A_17 in 1 : vector<1024x64xf32>, vector<1024x64xf32> -> vector<1024x128xf32>
    %mul3A = arith.constant 2.500000e-01 : f32
    %mul3A_18 = vector.broadcast %mul3A : f32 to vector<1024x128xf32>
    %mul3A_19 = arith.mulf %concatenate3A, %mul3A_18 : vector<1024x128xf32>
    %eq3A = arith.constant 0 : i32
    %eq3A_20 = arith.cmpi eq, %arg1, %eq3A : i32
    %convert_element_type3A = arith.extui %eq3A_20 : i1 to i32
    %cond3A = arith.constant 0 : i32
    %cond3A_21 = arith.cmpi ne, %convert_element_type3A, %cond3A : i32
    scf.if %cond3A_21 {
      %swap3A = arith.constant 0 : index
      %swap3A_26 = arith.constant 0 : index
      %swap3A_27 = vector.load %arg5[%swap3A, %swap3A_26] : memref<1024x128xf32, #tpu.memory_space<vmem>>, vector<1024x128xf32>
      tpu.vector_store %arg5[%swap3A, %swap3A_26], %mul3A_19 {strides = array<i32>} : memref<1024x128xf32, #tpu.memory_space<vmem>>, vector<1024x128xf32>,
    } else {
    }
    %gt3A = arith.constant 0 : i32
    %gt3A_22 = arith.cmpi sgt, %arg1, %gt3A : i32
    %convert_element_type3A_23 = arith.extui %gt3A_22 : i1 to i32
    %cond3A_24 = arith.constant 0 : i32
    %cond3A_25 = arith.cmpi ne, %convert_element_type3A_23, %cond3A_24 : i32
    scf.if %cond3A_25 {
      %get3A_26 = arith.constant 0 : index
      %get3A_27 = arith.constant 0 : index
      %get3A_28 = vector.load %arg5[%get3A_26, %get3A_27] : memref<1024x128xf32, #tpu.memory_space<vmem>>, vector<1024x128xf32>
      %add3A_29 = arith.addf %get3A_28, %mul3A_19 : vector<1024x128xf32>
      %swap3A = arith.constant 0 : index
      %swap3A_30 = arith.constant 0 : index
      %swap3A_31 = vector.load %arg5[%swap3A, %swap3A_30] : memref<1024x128xf32, #tpu.memory_space<vmem>>, vector<1024x128xf32>
      tpu.vector_store %arg5[%swap3A, %swap3A_30], %add3A_29 {strides = array<i32>} : memref<1024x128xf32, #tpu.memory_space<vmem>>, vector<1024x128xf32>,
    } else {
    }
    return
  }
  func.func @transform_0(%arg0: i32, %arg1: i32) -> (i32, i32) {
    %mul3A = arith.constant 10 : i32
    %mul3A_0 = arith.muli %arg1, %mul3A : i32
    %add3A = arith.addi %mul3A_0, %arg0 : i32
    %c0_i32 = arith.constant 0 : i32
    %c0_i32_1 = arith.constant 0 : i32
    return %add3A, %c0_i32 : i32, i32
  }
  func.func @transform_1(%arg0: i32, %arg1: i32) -> (i32, i32) {
    %mul3A = arith.constant 10 : i32
    %mul3A_0 = arith.muli %arg1, %mul3A : i32
    %add3A = arith.constant 40 : i32
    %add3A_1 = arith.addi %add3A, %mul3A_0 : i32
    %add3A_2 = arith.addi %add3A_1, %arg0 : i32
    %c0_i32 = arith.constant 0 : i32
    %c0_i32_3 = arith.constant 0 : i32
    return %add3A_2, %c0_i32 : i32, i32
  }
  func.func @transform_2(%arg0: i32, %arg1: i32) -> (i32, i32, i32) {
    %c0_i32 = arith.constant 0 : i32
    %c0_i32_0 = arith.constant 0 : i32
    %c0_i32_1 = arith.constant 0 : i32
    %c0_i32_2 = arith.constant 0 : i32
    return %c0_i32, %c0_i32_0, %c0_i32_1 : i32, i32, i32
  }
  func.func @transform_3(%arg0: i32, %arg1: i32) -> (i32, i32) {
    %c0_i32 = arith.constant 0 : i32
    %c0_i32_0 = arith.constant 0 : i32
    return %arg0, %c0_i32 : i32, i32
  }
}

</mosaic_0001>

<sc_bundles>
// kernel: kernel.11.cloned.1.call-start
scs
__scs_entry_jumppad:
0x0: {  	(pc) =	sbr.rel $0x88, $3  }
0x1: {  	(tag) =	ssettag $0x0;
	lr =	simm.s32 $0x1  }
0x2: {  	[smem:$0x3F97] =	sst lr;
	_ =	strace $0xD0000000  }
0x3: {  	_ = 	snop  }
0x4: {  	_ = 	snop  }
0x5: {  	_ = 	snop  }
0x6: {  	_ = 	snop  }
0x7: {  	_ = 	snop  }
__scs_overlays_trampoline_lowered:
0x8: {  	[smem:$0x3FA6] =	sst s0  }
0x9: {  	[smem:$0x3FA7] =	sst s1  }
0xa: {  	[smem:$0x3FA8] =	sst s2  }
0xb: {  	[smem:$0x3FA9] =	sst s3  }
0xc: {  	[smem:$0x3FAA] =	sst s4  }
0xd: {  	[smem:$0x3FAB] =	sst s5  }
0xe: {  	[smem:$0x3FAC] =	sst s6  }
0xf: {  	[smem:$0x3FAD] =	sst s7  }
0x10: {  	[smem:$0x3FAE] =	sst s8  }
0x11: {  	[smem:$0x3FAF] =	sst s9;
	s0 =	simm.s32 @!p0 $0x0  }
0x12: {  	s1 =	sld [smem:$0x3F95];
	s0 =	simm.s32 @p0 $0x1  }
0x13: {  	[smem:$0x3FB0] =	sst s0;
	s0 =	simm.s32 @!p1 $0x0  }
0x14: {  	s2 =	sld [smem:$0x3F94];
	s0 =	simm.s32 @p1 $0x1  }
0x15: {  	[smem:$0x3FB1] =	sst s0;
	s0 =	simm.s32 @!p2 $0x0  }
0x16: {  	s3 =	sld [smem:$0x3FDB];
	s0 =	simm.s32 @p2 $0x1  }
0x17: {  	s4 =	simm.s32 $0x1BF5;
	[smem:$0x3FB3] =	sst s0  }
0x18: {  	s0 =	sld [smem:$0x3F96];
	_ =	swait.ge [sflag:s4], $0x0  }
0x19: {  	s7 =	sld [smem:$0x3F97]  }
0x1a: {  	s8 =	sadd.s32 $0xFFFFE003, lr  }
0x1b: {  	s9 =	sadd.s32 $0xFFFFFEF7, lr;
	s5 =	simm.s32 $0xFFFFFFFF;
	p2 =	slt.u32 s8, $0xFFFFF086  }
0x1c: {  	p1 =	slt.u32 s9, $0xF7A;
	s5 =	simm.s32 @!p2 $0x0  }
0x1d: {  	s5 =	simm.s32 @p1 $0x1;
	p0 =	seq.s32 s7, s2  }
0x1e: {  	s7 =	smul.u32 @!p0 $0xF7A, s2;
	p2 =	seq.s32 @!p0 s5, $0x0  }
0x1f: {  	s9 =	smul.u32 $0xF7A, s1;
	s8 =	simm.s32 @!p0 $0x1BF5;
	p2 =	por !p2, p0  }
0x20: {  	[sflag:s8] =	ssyncset.s32 @!p0 $0xFFFFF086;
	s6 =	sadd.s32 @!p0 s3, s7;
	s7 =	simm.s32 @!p0 $0x108  }
0x21: {  	s3 =	sadd.s32 s3, s9;
	s6 =	sadd.s32 @!p0 $0x88, s6;
	s7 =	simm.s32 @p2 $0x1082  }
0x22: {  	[simem:s7], [sflag:s8] =	dma.local @!p0 [hbm:s6], $0xF7A  }
0x23: {  	s9 =	sor.u32 $0xD0000000, s2;
	s6 =	simm.s32 $0x108;
	_ =	swait.ge @!p0 [sflag:s8], $0x0  }
0x24: {  	s3 =	sadd.s32 $0x88, s3;
	s6 =	simm.s32 @!p1 $0x1082;
	[sflag:s4] =	ssyncset.s32 $0xFFFFF086  }
0x25: {  	[simem:s6], [sflag:s4] =	dma.local [hbm:s3], $0xF7A  }
0x26: {  	[smem:$0x3F97] =	sst s1;
	(tag) =	ssettag s2;
	_ =	strace s9  }
0x27: {  	s1 =	sld [smem:$0x3FA7]  }
0x28: {  	s2 =	sld [smem:$0x3FA8]  }
0x29: {  	s4 =	sld [smem:$0x3FAA]  }
0x2a: {  	p0 =	seq.s32 s5, $0x0;
	s5 =	sld [smem:$0x3FAB]  }
0x2b: {  	s6 =	sld [smem:$0x3FAC]  }
0x2c: {  	s7 =	sld [smem:$0x3FAD]  }
0x2d: {  	s3 =	simm.s32 $0x108;
	s8 =	sld [smem:$0x3FAE]  }
0x2e: {  	s3 =	simm.s32 @!p0 $0x1082;
	s9 =	sld [smem:$0x3FAF]  }
0x2f: {  	lr =	sadd.s32 s0, s3;
	s0 =	sld [smem:$0x3FA6]  }
0x30: {  	s3 =	sld [smem:$0x3FA9]  }
0x31: {  	[smem:$0x3FB2] =	sst s10  }
0x32: {  	s10 =	sld [smem:$0x3FB0];
	_ =	sdelay $0x3  }
0x33: {  	p0 =	seq.s32 s10, $0x1;
	s10 =	sld [smem:$0x3FB2];
	_ =	sdelay $0x3  }
0x34: {  	[smem:$0x3FB2] =	sst s10  }
0x35: {  	s10 =	sld [smem:$0x3FB1];
	_ =	sdelay $0x3  }
0x36: {  	p1 =	seq.s32 s10, $0x1;
	s10 =	sld [smem:$0x3FB2];
	_ =	sdelay $0x3  }
0x37: {  	[smem:$0x3FB2] =	sst s10  }
0x38: {  	s10 =	sld [smem:$0x3FB3]  }
0x39: {  	_ = 	snop;
	(pc) =	sbr.ind lr, $3  }
0x3a: {  	_ = 	snop  }
0x3b: {  	_ = 	snop  }
0x3c: {  	p2 =	seq.s32 s10, $0x1;
	s10 =	sld [smem:$0x3FB2]  }
0x3d: {  	_ =	shalt  }
0x3e: {  	_ =	shalt  }
0x3f: {  	_ =	shalt  }
0x40: {  	_ =	shalt  }
0x41: {  	_ =	shalt  }
0x42: {  	_ =	shalt  }
0x43: {  	_ =	shalt  }
0x44: {  	_ =	shalt  }
0x45: {  	_ =	shalt  }
0x46: {  	_ =	shalt  }
0x47: {  	_ =	shalt  }
0x48: {  	_ =	shalt  }
0x49: {  	_ =	shalt  }
0x4a: {  	_ =	shalt  }
0x4b: {  	_ =	shalt  }
0x4c: {  	_ =	shalt  }
0x4d: {  	_ =	shalt  }
0x4e: {  	_ =	shalt  }
0x4f: {  	_ =	shalt  }
0x50: {  	_ =	shalt  }
0x51: {  	_ =	shalt  }
0x52: {  	_ =	shalt  }
0x53: {  	_ =	shalt  }
0x54: {  	_ =	shalt  }
0x55: {  	_ =	shalt  }
0x56: {  	_ =	shalt  }
0x57: {  	_ =	shalt  }
0x58: {  	_ =	shalt  }
0x59: {  	_ =	shalt  }
0x5a: {  	_ =	shalt  }
0x5b: {  	_ =	shalt  }
0x5c: {  	_ =	shalt  }
0x5d: {  	_ =	shalt  }
0x5e: {  	_ =	shalt  }
0x5f: {  	_ =	shalt  }
0x60: {  	_ =	shalt  }
0x61: {  	_ =	shalt  }
0x62: {  	_ =	shalt  }
0x63: {  	_ =	shalt  }
0x64: {  	_ =	shalt  }
0x65: {  	_ =	shalt  }
0x66: {  	_ =	shalt  }
0x67: {  	_ =	shalt  }
0x68: {  	_ =	shalt  }
0x69: {  	_ =	shalt  }
0x6a: {  	_ =	shalt  }
0x6b: {  	_ =	shalt  }
0x6c: {  	_ =	shalt  }
0x6d: {  	_ =	shalt  }
0x6e: {  	_ =	shalt  }
0x6f: {  	_ =	shalt  }
0x70: {  	_ =	shalt  }
0x71: {  	_ =	shalt  }
0x72: {  	_ =	shalt  }
0x73: {  	_ =	shalt  }
0x74: {  	_ =	shalt  }
0x75: {  	_ =	shalt  }
0x76: {  	_ =	shalt  }
0x77: {  	_ =	shalt  }
0x78: {  	_ =	shalt  }
0x79: {  	_ =	shalt  }
0x7a: {  	_ =	shalt  }
0x7b: {  	_ =	shalt  }
0x7c: {  	_ =	shalt  }
0x7d: {  	_ =	shalt  }
0x7e: {  	_ =	shalt  }
0x7f: {  	_ =	shalt  }
0x80: {  	_ =	shalt  }
0x81: {  	_ =	shalt  }
0x82: {  	_ =	shalt  }
0x83: {  	_ =	shalt  }
0x84: {  	_ =	shalt  }
0x85: {  	_ =	shalt  }
0x86: {  	_ =	shalt  }
0x87: {  	_ =	shalt  }
.Lfunc_end0:
.L_simem_size_0:
called_computation.1_lowered:
.L_overlay_start_0:
0x88: {  	s2 =	sld [smem:$0x3FD9]  }
0x89: {  	s3 =	sld [smem:$0x3FFE];
	_ =	sdelay $0x1  }
0x8a: {  	s1 =	srdreg.scid  }
0x8b: {  	s0 =	sand.u32 $0x1, s1  }
0x8c: {  	s17 =	sshll.u32 s0, $0xA;
	s2 =	sadd.s32 s3, s2  }
0x8d: {  	s2 =	sadd.s32 s2, s17  }
0x8e: {  	[smem:$0x3FBE] =	sst s2  }
0x8f: {  	_ = 	snop  }
0x90: {  	s2 =	sld [smem:$0x3FD0];
	(tm) =	ssettm $0x1  }
0x91: {  	s18 =	sld [smem:$0x3FFB];
	_ =	sdelay $0x3  }
0x92: {  	_ =	strace s18  }
0x93: {  	s3 =	sld [smem:$0x3FFC];
	_ =	sdelay $0x3  }
0x94: {  	_ =	strace s3  }
0x95: {  	s3 =	sld [smem:$0x3FFD];
	_ =	sdelay $0x3  }
0x96: {  	_ =	strace s3  }
0x97: {  	_ =	strace $0x8FFFFFFF  }
0x98: {  	s19 =	sld [smem:$0x3FDB];
	_ =	sdelay $0x1  }
0x99: {  	s4 =	simm.s32 $_scs_section_size  }
0x9a: {  	s5 =	simm.s32 $_size__tile_overlayer_lowered;
	s6 =	simm.s32 $_tile_overlayer_lowered  }
0x9b: {  	s22 =	simm.s32 $0x1BFF;
	s21 =	sshll.u32 s6, $0x1;
	s3 =	sadd.s32 s4, s19  }
0x9c: {  	s7 =	simm.s32 $0x0;
	s20 =	sshll.u32 s5, $0x1;
	s5 =	sadd.s32 s21, s3  }
0x9d: {  	[timem:s7], [sflag:s22] =	dma.local [hbm:s5], s20  }
0x9e: {  	_ =	swait.ge [sflag:s22], s20  }
0x9f: {  	s4 =	ssub.s32 $0x0, s20;
	[sflag:s22] =	ssyncset.done $0x0  }
0xa0: {  	[sflag:s22] =	ssyncadd.s32 s4;
	_ =	sdelay $0x1  }
0xa1: {  	s23 =	simm.s32 $0x1B8B  }
0xa2: {  	_ =	swait.ge [sflag:s23], $0x1  }
0xa3: {  	[sflag:s23] =	ssyncset.done $0x0  }
0xa4: {  	s25 =	simm.s32 $0x1B8E;
	s24 =	sld [smem:$0x3FFE];
	[sflag:s23] =	ssyncadd.s32 $0xFFFFFFFF  }
0xa5: {  	s26 =	simm.s32 $execute0_lowered;
	[smem:$0x3FD2] =	sst s25  }
0xa6: {  	s5 =	sshll.u32 s26, $0x1;
	_ =	strace $0x80000049;
	[dreg:$0x1] =	wrdreg $0xFFFFFFFF  }
0xa7: {  	s28 =	simm.s32 $_size_execute0_lowered;
	s3 =	sadd.s32 s3, s5;
	[dreg:$0x0] =	wrdreg $0x0  }
0xa8: {  	s5 =	sshll.u32 s28, $0x1;
	[dreg:$0x2] =	wrdreg s3  }
0xa9: {  	[dreg:$0x3] =	wrdreg s5  }
0xaa: {  	[dreg:$0x4] =	wrdreg $0xC0  }
0xab: {  	_ =	task [dreg:s7], $0x5FFFF  }
0xac: {  	[dreg:$0x1] =	wrdreg $0xFFFFFFFF  }
0xad: {  	[dreg:$0x0] =	wrdreg $0x60  }
0xae: {  	[dreg:$0x2] =	wrdreg s24  }
0xaf: {  	[dreg:$0x3] =	wrdreg s2  }
0xb0: {  	[dreg:$0x4] =	wrdreg $0x146000  }
0xb1: {  	[dreg:$0x5] =	wrdreg $0x14B000  }
0xb2: {  	[dreg:$0x6] =	wrdreg $0x9  }
0xb3: {  	_ =	task.clear_ibuf [dreg:s7], $0x7FFFF;
	_ =	strace $0x90000049  }
0xb4: {  	s29 =	simm.s32 $0x9;
	_ =	strace $0x8000004B  }
0xb5: {  	_ =	swait.ge [sflag:s29], $0x1  }
0xb6: {  	[sflag:s29] =	ssyncadd.s32 $0xFFFFFFFF  }
0xb7: {  	_ =	strace $0x9000004B  }
0xb8: {  	_ =	sfence  }
0xb9: {  	s30 =	sld [smem:$0x0];
	_ =	sdelay $0x2  }
0xba: {  	s31 =	sshll.u32 s1, $0xD;
	s1 =	sshrl.u32 s1, $0x2  }
0xbb: {  	s3 =	sand.u32 $0x4000, s31;
	s1 =	sadd.s32 s1, s30  }
0xbc: {  	s0 =	sor.u32 s3, s0;
	s1 =	sshll.u32 s1, $0x11  }
0xbd: {  	s0 =	sor.u32 s1, s0  }
0xbe: {  	s0 =	sadd.s32 $0x8F2B, s0  }
0xbf: {  	[sflag:s0] =	ssyncadd.remote.s32 $0x1  }
0xc0: {  	_ =	sfence.sel $0xFFFF  }
0xc1: {  	[dreg:$0x0] =	wrdreg $0xFFFFFFFF;
	(pc) =	sbr.abs _section_cstart, $3  }
0xc2: {  	[dreg:$0x1] =	wrdreg $0xFFFFFFFF  }
0xc3: {  	_ =	task.clear_ibuf [dreg:s7], $0x2FFFF;
	_ =	strace $0x9FFFFFFF  }
0xc4: {  	(tm) =	ssettm $0x7FFFFFFF  }
0xc5: {  	_ =	shalt  }
tec
execute0_lowered:
.L_overlay_start_1:
0x0: {  	(tag) =	ssettag $0x1  }
0x1: {  	s0 =	rddreg [dreg:$0x0]  }
0x2: {  	s2 =	rddreg [dreg:$0x2]  }
0x3: {  	s3 =	rddreg [dreg:$0x3];
	s1 =	simm.s32 $0x0;
	s13 =	srdreg.scid  }
0x4: {  	s11 =	stileid.u32;
	s29 =	simm.s32 $0x60;
	s28 =	simm.s32 $0x14360  }
0x5: {  	s31 =	simm.s32 $0x141E0;
	s30 =	simm.s32 $0x6;
	[smem:$0x7FF] =	sst s1  }
0x6: {  	s5 =	sadd.s32 $0x14DE00, s0;
	s1 =	sand.u32 $0x1, s13;
	s10 =	smul.u32 $0x1400, s11  }
0x7: {  	s4 =	sadd.s32 $0x1400, s0;
	s7 =	sadd.s32 $0x3C00, s0;
	s16 =	smul.u32 $0x28000, s11  }
0x8: {  	s0 =	sadd.s32 $0xDE00, s0;
	s20 =	smul.u32 $0x280, s11;
	_ =	strace $0x8000004A  }
0x9: {  	s6 =	smul.u32 $0xA00, s1;
	s8 =	ssub.s32 $0x2, s1;
	[dreg:$0x5] =	wrdreg s0  }
0xa: {  	s9 =	smul.u32 $0x5000, s1;
	s1 =	sshll.u32 s1, $0x1;
	[dreg:$0x13] =	wrdreg s7  }
0xb: {  	s13 =	smul.u32 $0x5100, s11;
	s14 =	sshrl.u32 s8, $0x1;
	[dreg:$0x7] =	wrdreg s1  }
0xc: {  	s18 =	sshrl.u32 s10, $0x2;
	s19 =	sshrl.u32 s16, $0x2;
	[dreg:$0xb] =	wrdreg s20  }
0xd: {  	s16 =	simm.s32 $0x14180;
	s10 =	simm.s32 $0xF480;
	s20 =	simm.s32 $0x12480  }
0xe: {  	s0 =	ssub.s32 s8, s14;
	s15 =	sshrl.u32 s9, $0x3;
	s6 =	sadd.s32 s4, s6  }
0xf: {  	s12 =	sadd.s32 s19, s3;
	s8 =	simm.s32 $0xA480;
	[dreg:$0x6] =	wrdreg s6  }
0x10: {  	s19 =	simm.s32 $0x14540;
	s21 =	sadd.s32 $0x1800, s12;
	[dreg:$0xa] =	wrdreg s12  }
0x11: {  	s14 =	simm.s32 $0x2;
	s22 =	sadd.s32 $0x3000, s12;
	[dreg:$0xc] =	wrdreg s21  }
0x12: {  	s17 =	sadd.s32 s4, s15;
	s23 =	sadd.s32 $0x4800, s12;
	[dreg:$0xd] =	wrdreg s22  }
0x13: {  	s24 =	sadd.s32 $0x6000, s12;
	s25 =	sadd.s32 $0x7800, s12;
	[dreg:$0xe] =	wrdreg s23  }
0x14: {  	s26 =	sadd.s32 $0x9000, s12;
	s0 =	smax.u32 s0, $0x1;
	[dreg:$0xf] =	wrdreg s24  }
0x15: {  	s15 =	simm.s32 $0x14300;
	s6 =	simm.s32 $0x4;
	[dreg:$0x10] =	wrdreg s25  }
0x16: {  	s4 =	simm.s32 $0x0;
	s1 =	sadd.s32 $0x1400, s17;
	[dreg:$0x11] =	wrdreg s26  }
0x17: {  	[dreg:$0x12] =	wrdreg s0;
	s23 =	simm.s32 $0x480;
	s24 =	simm.s32 $0x9  }
0x18: {  	s25 =	simm.s32 $0x5480;
	s17 =	simm.s32 $0x10C80;
	s21 =	simm.s32 $0x145A0  }
0x19: {  	s22 =	simm.s32 $0x3;
	[dreg:$0x8] =	wrdreg s1;
	s1 =	sadd.s32 s18, s2  }
0x1a: {  	v0 =	vimm.f32 $0.0e+00;
	s18 =	simm.s32 $0x1;
	[dreg:$0x9] =	wrdreg s1;
	s1 =	simm.s32 $0x5  }
.LBB2_1:
0x1b: {  	[dreg:$0x14] =	wrdreg s4  }
0x1c: {  	s0 =	simm.s32 $0x0;
	s12 =	rddreg [dreg:$0x6]  }
0x1d: {  	[tilespmem:s23], [sflag:$0x9] =	stream.linear.gather [hbm4b:s12+s0], $0x5000, $0x38;
	[tilespmem:$0x1EB00] =	vst v63  }
0x1e: {  	_ =	swait.ge [sflag:s24], $0x5000  }
0x1f: {  	[sflag:s24] =	ssyncset.done $0x0  }
0x20: {  	s26 =	rddreg [dreg:$0x8];
	[sflag:s24] =	ssyncadd.s32 $0xFFFFB000  }
0x21: {  	[tilespmem:s25], [sflag:$0x9] =	stream.linear.gather [hbm4b:s26+s0], $0x5000, $0x38;
	[tilespmem:$0x1EB00] =	vst v63  }
0x22: {  	_ =	swait.ge [sflag:s24], $0x5000  }
0x23: {  	[sflag:s24] =	ssyncset.done $0x0  }
0x24: {  	s4 =	simm.s32 $0x0;
	s0 =	simm.s32 $0x40;
	[sflag:s24] =	ssyncadd.s32 $0xFFFFB000  }
.LBB2_2:
0x25: {  	p0 =	sne.s32 s0, $0x13C0;
	[tilespmem:s4+$0x13C80] =	vst v0;
	s4 =	smov.u32 s0;
	s0 =	sadd.s32 $0x40, s0  }
.Ltmp0:
0x26: {  	(pc) =	sbr.rel @p0 .LBB2_2-.Ltmp0, $2  }
0x27: {  	_ =	sdelay $0x2  }
0x28: {  	s4 =	sshra.s32 s4, $0x2  }
0x29: {  	[tilespmem:s4+$0x13C80] =	vst v0;
	s0 =	rddreg [dreg:$0x9];
	s26 =	simm.s32 $0x13C80  }
0x2a: {  	[spmem:s0] =	stream.linear.scatter [tilespmem:s26], [sflag:$0x9], $0x500, $0x38;
	[tilespmem:$0x1EB00] =	vst v63  }
0x2b: {  	_ =	swait.ge [sflag:s24], $0x500  }
0x2c: {  	[sflag:s24] =	ssyncset.done $0x0  }
0x2d: {  	[sflag:s24] =	ssyncadd.s32 $0xFFFFFB00  }
0x2e: {  	s4 =	simm.s32 $0x0;
	[bflag:$0x0] =	sbarrier.arrive $0xFFFF  }
.LBB2_4:
0x2f: {  	s9 =	smul.u32 $0x240, s4;
	_ =	sdelay $0x1  }
0x30: {  	s9 =	sadd.s32 s13, s9  }
0x31: {  	s11 =	rddreg [dreg:$0x1];
	s9 =	sshrl.u32 s9, $0x3  }
0x32: {  	[dreg:$0x17] =	wrdreg s4;
	s0 =	simm.s32 $0x0;
	s11 =	sadd.s32 s11, s9  }
0x33: {  	[tilespmem:s0], [sflag:$0x9] =	stream.linear.gather [hbm4b:s11+s0], $0x240, $0x38;
	[tilespmem:$0x1EB00] =	vst v63  }
0x34: {  	_ =	swait.ge [sflag:s24], $0x240  }
0x35: {  	[sflag:s24] =	ssyncset.done $0x0  }
0x36: {  	s26 =	simm.s32 $0x240;
	s9 =	sadd.s32 s7, s9;
	[sflag:s24] =	ssyncadd.s32 $0xFFFFFDC0  }
0x37: {  	[tilespmem:s26], [sflag:$0x9] =	stream.linear.gather [hbm4b:s9+s0], $0x240, $0x38;
	[tilespmem:$0x1EB00] =	vst v63  }
0x38: {  	s12 =	simm.s32 $0x14240;
	_ =	swait.ge [sflag:s24], $0x240  }
0x39: {  	s4 =	simm.s32 $0x14420;
	s7 =	simm.s32 $0x142A0;
	[sflag:s24] =	ssyncset.done $0x0  }
0x3a: {  	s9 =	simm.s32 $0x0;
	s0 =	simm.s32 $0x143C0;
	[sflag:s24] =	ssyncadd.s32 $0xFFFFFDC0  }
.LBB2_5:
0x3b: {  	p0 =	seq.s32 s9, $0x0  }
0x3c: {  	s11 =	simm.s32 @!p0 $0x7  }
0x3d: {  	_ =	swait.ge @!p0 [sflag:s11], $0x60  }
0x3e: {  	[sflag:s11] =	ssyncset.done @!p0 $0x0  }
0x3f: {  	[sflag:s11] =	ssyncadd.s32 @!p0 $0xFFFFFFA0  }
0x40: {  	_ =	swait.ge @!p0 [sflag:s11], $0x60  }
0x41: {  	[sflag:s11] =	ssyncset.done @!p0 $0x0  }
0x42: {  	s26 =	sshra.s32 s9, $0x2;
	[sflag:s11] =	ssyncadd.s32 @!p0 $0xFFFFFFA0  }
0x43: {  	v1 =	vld [tilespmem:s26+$0x0]  }
0x44: {  	v2 =	vld [tilespmem:s26+$0x240];
	_ =	sdelay $0x6  }
0x45: {  	v3 =	vld.idx.msk [tilespmem:v1+s23+$0x0], $0xffff  }
0x46: {  	v4 =	vld.idx.msk [tilespmem:v2+s25+$0x0], $0xffff;
	_ =	sdelay $0x4  }
0x47: {  	v3 =	vadd.f32 v4, v3;
	_ =	sdelay $0x1  }
0x48: {  	v4 =	vmul.f32 $2.000000030e-01, v3  }
0x49: {  	vm0 =	vge.f32 v3, $0.0e+00  }
0x4a: {  	v3 =	vsel vm0, v3, v4  }
0x4b: {  	v3 =	vmul.f32 $1.442695020e+00, v3;
	_ =	sdelay $0x1  }
0x4c: {  	(erf) = vpow2.f32 v3;
	_ =	sdelay $0x5  }
0x4d: {  	v1 =	vadd.s32 $0x2800, v1  }
0x4e: {  	v3 =	vadd.s32 $0x2800, v2;
	_ =	sdelay $0x1  }
0x4f: {  	[tilespmem:$0x14300] =	vst v2;
	v51 =	vpop (erf)  }
0x50: {  	[tilespmem:$0x14180] =	vst v51  }
0x51: {  	v1 =	vld.idx.msk [tilespmem:v1+s23+$0x0], $0xffff  }
0x52: {  	v2 =	vld.idx.msk [tilespmem:v3+s25+$0x0], $0xffff;
	_ =	sdelay $0x4  }
0x53: {  	v1 =	vadd.f32 v2, v1;
	_ =	sdelay $0x1  }
0x54: {  	v2 =	vmul.f32 $2.000000030e-01, v1  }
0x55: {  	vm5 =	vge.f32 v1, $0.0e+00  }
0x56: {  	v1 =	vsel vm5, v1, v2  }
0x57: {  	v1 =	vmul.f32 $1.442695020e+00, v1;
	_ =	sdelay $0x1  }
0x58: {  	(erf) = vpow2.f32 v1;
	_ =	sdelay $0x8  }
0x59: {  	[tilespmem:$0x14360] =	vst v3;
	v1 =	vpop (erf)  }
0x5a: {  	[tilespmem:$0x141E0] =	vst v1  }
0x5b: {  	v1 =	vld [tilespmem:s26+$0x10]  }
0x5c: {  	v2 =	vld [tilespmem:s26+$0x250];
	_ =	sdelay $0x6  }
0x5d: {  	v3 =	vld.idx.msk [tilespmem:v1+s23+$0x0], $0xffff  }
0x5e: {  	v4 =	vld.idx.msk [tilespmem:v2+s25+$0x0], $0xffff;
	_ =	sdelay $0x4  }
0x5f: {  	v3 =	vadd.f32 v4, v3;
	_ =	sdelay $0x1  }
0x60: {  	v4 =	vmul.f32 $2.000000030e-01, v3  }
0x61: {  	vm6 =	vge.f32 v3, $0.0e+00  }
0x62: {  	v3 =	vsel vm6, v3, v4  }
0x63: {  	v3 =	vmul.f32 $1.442695020e+00, v3;
	_ =	sdelay $0x1  }
0x64: {  	(erf) = vpow2.f32 v3;
	_ =	sdelay $0x5  }
0x65: {  	v1 =	vadd.s32 $0x2800, v1  }
0x66: {  	v3 =	vadd.s32 $0x2800, v2;
	_ =	sdelay $0x1  }
0x67: {  	[tilespmem:$0x14310] =	vst v2;
	v52 =	vpop (erf)  }
0x68: {  	[tilespmem:$0x14190] =	vst v52  }
0x69: {  	v1 =	vld.idx.msk [tilespmem:v1+s23+$0x0], $0xffff  }
0x6a: {  	v2 =	vld.idx.msk [tilespmem:v3+s25+$0x0], $0xffff;
	_ =	sdelay $0x4  }
0x6b: {  	v1 =	vadd.f32 v2, v1;
	_ =	sdelay $0x1  }
0x6c: {  	v2 =	vmul.f32 $2.000000030e-01, v1  }
0x6d: {  	vm7 =	vge.f32 v1, $0.0e+00  }
0x6e: {  	v1 =	vsel vm7, v1, v2  }
0x6f: {  	v1 =	vmul.f32 $1.442695020e+00, v1;
	_ =	sdelay $0x1  }
0x70: {  	(erf) = vpow2.f32 v1;
	_ =	sdelay $0x8  }
0x71: {  	[tilespmem:$0x14370] =	vst v3;
	v1 =	vpop (erf)  }
0x72: {  	[tilespmem:$0x141F0] =	vst v1  }
0x73: {  	v1 =	vld [tilespmem:s26+$0x20]  }
0x74: {  	v2 =	vld [tilespmem:s26+$0x260];
	_ =	sdelay $0x6  }
0x75: {  	v3 =	vld.idx.msk [tilespmem:v1+s23+$0x0], $0xffff  }
0x76: {  	v4 =	vld.idx.msk [tilespmem:v2+s25+$0x0], $0xffff;
	_ =	sdelay $0x4  }
0x77: {  	v3 =	vadd.f32 v4, v3;
	_ =	sdelay $0x1  }
0x78: {  	v4 =	vmul.f32 $2.000000030e-01, v3  }
0x79: {  	vm8 =	vge.f32 v3, $0.0e+00  }
0x7a: {  	v3 =	vsel vm8, v3, v4  }
0x7b: {  	v3 =	vmul.f32 $1.442695020e+00, v3;
	_ =	sdelay $0x1  }
0x7c: {  	(erf) = vpow2.f32 v3;
	_ =	sdelay $0x5  }
0x7d: {  	v1 =	vadd.s32 $0x2800, v1  }
0x7e: {  	v3 =	vadd.s32 $0x2800, v2;
	_ =	sdelay $0x1  }
0x7f: {  	[tilespmem:$0x14320] =	vst v2;
	v53 =	vpop (erf)  }
0x80: {  	[tilespmem:$0x141A0] =	vst v53  }
0x81: {  	v1 =	vld.idx.msk [tilespmem:v1+s23+$0x0], $0xffff  }
0x82: {  	v2 =	vld.idx.msk [tilespmem:v3+s25+$0x0], $0xffff;
	_ =	sdelay $0x4  }
0x83: {  	v1 =	vadd.f32 v2, v1;
	_ =	sdelay $0x1  }
0x84: {  	v2 =	vmul.f32 $2.000000030e-01, v1  }
0x85: {  	vm9 =	vge.f32 v1, $0.0e+00  }
0x86: {  	v1 =	vsel vm9, v1, v2  }
0x87: {  	v1 =	vmul.f32 $1.442695020e+00, v1;
	_ =	sdelay $0x1  }
0x88: {  	(erf) = vpow2.f32 v1;
	_ =	sdelay $0x8  }
0x89: {  	[tilespmem:$0x14380] =	vst v3;
	v1 =	vpop (erf)  }
0x8a: {  	[tilespmem:$0x14200] =	vst v1  }
0x8b: {  	v1 =	vld [tilespmem:s26+$0x30]  }
0x8c: {  	v2 =	vld [tilespmem:s26+$0x270];
	_ =	sdelay $0x6  }
0x8d: {  	v3 =	vld.idx.msk [tilespmem:v1+s23+$0x0], $0xffff  }
0x8e: {  	v4 =	vld.idx.msk [tilespmem:v2+s25+$0x0], $0xffff;
	_ =	sdelay $0x4  }
0x8f: {  	v3 =	vadd.f32 v4, v3;
	_ =	sdelay $0x1  }
0x90: {  	v4 =	vmul.f32 $2.000000030e-01, v3  }
0x91: {  	vm10 =	vge.f32 v3, $0.0e+00  }
0x92: {  	v3 =	vsel vm10, v3, v4  }
0x93: {  	v3 =	vmul.f32 $1.442695020e+00, v3;
	_ =	sdelay $0x1  }
0x94: {  	(erf) = vpow2.f32 v3;
	_ =	sdelay $0x5  }
0x95: {  	v1 =	vadd.s32 $0x2800, v1  }
0x96: {  	v3 =	vadd.s32 $0x2800, v2;
	_ =	sdelay $0x1  }
0x97: {  	[tilespmem:$0x14330] =	vst v2;
	v54 =	vpop (erf)  }
0x98: {  	[tilespmem:$0x141B0] =	vst v54  }
0x99: {  	v1 =	vld.idx.msk [tilespmem:v1+s23+$0x0], $0xffff  }
0x9a: {  	v2 =	vld.idx.msk [tilespmem:v3+s25+$0x0], $0xffff;
	_ =	sdelay $0x4  }
0x9b: {  	v1 =	vadd.f32 v2, v1;
	_ =	sdelay $0x1  }
0x9c: {  	v2 =	vmul.f32 $2.000000030e-01, v1  }
0x9d: {  	vm11 =	vge.f32 v1, $0.0e+00  }
0x9e: {  	v1 =	vsel vm11, v1, v2  }
0x9f: {  	v1 =	vmul.f32 $1.442695020e+00, v1;
	_ =	sdelay $0x1  }
0xa0: {  	(erf) = vpow2.f32 v1;
	_ =	sdelay $0x8  }
0xa1: {  	[tilespmem:$0x14390] =	vst v3;
	v1 =	vpop (erf)  }
0xa2: {  	[tilespmem:$0x14210] =	vst v1  }
0xa3: {  	v1 =	vld [tilespmem:s26+$0x40]  }
0xa4: {  	v2 =	vld [tilespmem:s26+$0x280];
	_ =	sdelay $0x6  }
0xa5: {  	v3 =	vld.idx.msk [tilespmem:v1+s23+$0x0], $0xffff  }
0xa6: {  	v4 =	vld.idx.msk [tilespmem:v2+s25+$0x0], $0xffff;
	_ =	sdelay $0x4  }
0xa7: {  	v3 =	vadd.f32 v4, v3;
	_ =	sdelay $0x1  }
0xa8: {  	v4 =	vmul.f32 $2.000000030e-01, v3  }
0xa9: {  	vm12 =	vge.f32 v3, $0.0e+00  }
0xaa: {  	v3 =	vsel vm12, v3, v4  }
0xab: {  	v3 =	vmul.f32 $1.442695020e+00, v3;
	_ =	sdelay $0x1  }
0xac: {  	(erf) = vpow2.f32 v3;
	_ =	sdelay $0x5  }
0xad: {  	v1 =	vadd.s32 $0x2800, v1  }
0xae: {  	v3 =	vadd.s32 $0x2800, v2;
	_ =	sdelay $0x1  }
0xaf: {  	[tilespmem:$0x14340] =	vst v2;
	v55 =	vpop (erf)  }
0xb0: {  	[tilespmem:$0x141C0] =	vst v55  }
0xb1: {  	v1 =	vld.idx.msk [tilespmem:v1+s23+$0x0], $0xffff  }
0xb2: {  	v2 =	vld.idx.msk [tilespmem:v3+s25+$0x0], $0xffff;
	_ =	sdelay $0x4  }
0xb3: {  	v1 =	vadd.f32 v2, v1;
	_ =	sdelay $0x1  }
0xb4: {  	v2 =	vmul.f32 $2.000000030e-01, v1  }
0xb5: {  	vm13 =	vge.f32 v1, $0.0e+00  }
0xb6: {  	v1 =	vsel vm13, v1, v2  }
0xb7: {  	v1 =	vmul.f32 $1.442695020e+00, v1;
	_ =	sdelay $0x1  }
0xb8: {  	(erf) = vpow2.f32 v1;
	_ =	sdelay $0x8  }
0xb9: {  	[tilespmem:$0x143A0] =	vst v3;
	v1 =	vpop (erf)  }
0xba: {  	[tilespmem:$0x14220] =	vst v1  }
0xbb: {  	v1 =	vld [tilespmem:s26+$0x50]  }
0xbc: {  	v2 =	vld [tilespmem:s26+$0x290];
	_ =	sdelay $0x6  }
0xbd: {  	v3 =	vld.idx.msk [tilespmem:v1+s23+$0x0], $0xffff  }
0xbe: {  	v4 =	vld.idx.msk [tilespmem:v2+s25+$0x0], $0xffff;
	_ =	sdelay $0x4  }
0xbf: {  	v3 =	vadd.f32 v4, v3;
	_ =	sdelay $0x1  }
0xc0: {  	v4 =	vmul.f32 $2.000000030e-01, v3  }
0xc1: {  	vm14 =	vge.f32 v3, $0.0e+00  }
0xc2: {  	v3 =	vsel vm14, v3, v4  }
0xc3: {  	v3 =	vmul.f32 $1.442695020e+00, v3;
	_ =	sdelay $0x1  }
0xc4: {  	(erf) = vpow2.f32 v3;
	_ =	sdelay $0x5  }
0xc5: {  	v1 =	vadd.s32 $0x2800, v1  }
0xc6: {  	v3 =	vadd.s32 $0x2800, v2;
	_ =	sdelay $0x1  }
0xc7: {  	[tilespmem:$0x14350] =	vst v2;
	v56 =	vpop (erf)  }
0xc8: {  	[tilespmem:$0x141D0] =	vst v56  }
0xc9: {  	v1 =	vld.idx.msk [tilespmem:v1+s23+$0x0], $0xffff  }
0xca: {  	v2 =	vld.idx.msk [tilespmem:v3+s25+$0x0], $0xffff;
	_ =	sdelay $0x4  }
0xcb: {  	v1 =	vadd.f32 v2, v1;
	_ =	sdelay $0x1  }
0xcc: {  	v2 =	vmul.f32 $2.000000030e-01, v1  }
0xcd: {  	vm15 =	vge.f32 v1, $0.0e+00  }
0xce: {  	v1 =	vsel vm15, v1, v2  }
0xcf: {  	v1 =	vmul.f32 $1.442695020e+00, v1;
	_ =	sdelay $0x1  }
0xd0: {  	(erf) = vpow2.f32 v1;
	_ =	sdelay $0x8  }
0xd1: {  	[tilespmem:$0x143B0] =	vst v3;
	v1 =	vpop (erf)  }
0xd2: {  	[tilespmem:$0x14230] =	vst v1  }
0xd3: {  	[spmem:s2] =	stream.indirect.scatter.add.f32 [tilespmem:s16], [sflag:$0x7], $0x1, s15, s29, $0xb8;
	[tilespmem:$0x1EB00] =	vst v63  }
0xd4: {  	s11 =	simm.s32 @!p0 $0x8  }
0xd5: {  	[spmem:s2] =	stream.indirect.scatter.add.f32 [tilespmem:s31], [sflag:$0x7], $0x1, s28, s29, $0xb8;
	[tilespmem:$0x1EB00] =	vst v63  }
0xd6: {  	_ =	swait.ge @!p0 [sflag:s11], $0x60  }
0xd7: {  	[sflag:s11] =	ssyncset.done @!p0 $0x0  }
0xd8: {  	[sflag:s11] =	ssyncadd.s32 @!p0 $0xFFFFFFA0  }
0xd9: {  	_ =	swait.ge @!p0 [sflag:s11], $0x60  }
0xda: {  	[sflag:s11] =	ssyncset.done @!p0 $0x0  }
0xdb: {  	[sflag:s11] =	ssyncadd.s32 @!p0 $0xFFFFFFA0  }
0xdc: {  	v1 =	vld [tilespmem:s26+$0x60]  }
0xdd: {  	v2 =	vld [tilespmem:s26+$0x2A0];
	_ =	sdelay $0x6  }
0xde: {  	v3 =	vld.idx.msk [tilespmem:v1+s23+$0x0], $0xffff  }
0xdf: {  	v57 =	vld.idx.msk [tilespmem:v2+s25+$0x0], $0xffff;
	_ =	sdelay $0x4  }
0xe0: {  	v3 =	vadd.f32 v57, v3;
	_ =	sdelay $0x1  }
0xe1: {  	v4 =	vmul.f32 $2.000000030e-01, v3  }
0xe2: {  	vm4 =	vge.f32 v3, $0.0e+00  }
0xe3: {  	v3 =	vsel vm4, v3, v4  }
0xe4: {  	v3 =	vmul.f32 $1.442695020e+00, v3;
	_ =	sdelay $0x1  }
0xe5: {  	(erf) = vpow2.f32 v3;
	_ =	sdelay $0x5  }
0xe6: {  	v1 =	vadd.s32 $0x2800, v1  }
0xe7: {  	v3 =	vadd.s32 $0x2800, v2;
	_ =	sdelay $0x1  }
0xe8: {  	[tilespmem:$0x143C0] =	vst v2;
	v58 =	vpop (erf)  }
0xe9: {  	[tilespmem:$0x14240] =	vst v58  }
0xea: {  	v1 =	vld.idx.msk [tilespmem:v1+s23+$0x0], $0xffff  }
0xeb: {  	v2 =	vld.idx.msk [tilespmem:v3+s25+$0x0], $0xffff;
	_ =	sdelay $0x4  }
0xec: {  	v1 =	vadd.f32 v2, v1;
	_ =	sdelay $0x1  }
0xed: {  	v2 =	vmul.f32 $2.000000030e-01, v1  }
0xee: {  	vm5 =	vge.f32 v1, $0.0e+00  }
0xef: {  	v1 =	vsel vm5, v1, v2  }
0xf0: {  	v1 =	vmul.f32 $1.442695020e+00, v1;
	_ =	sdelay $0x1  }
0xf1: {  	(erf) = vpow2.f32 v1;
	_ =	sdelay $0x8  }
0xf2: {  	[tilespmem:$0x14420] =	vst v3;
	v1 =	vpop (erf)  }
0xf3: {  	[tilespmem:$0x142A0] =	vst v1  }
0xf4: {  	v1 =	vld [tilespmem:s26+$0x70]  }
0xf5: {  	v2 =	vld [tilespmem:s26+$0x2B0];
	_ =	sdelay $0x6  }
0xf6: {  	v3 =	vld.idx.msk [tilespmem:v1+s23+$0x0], $0xffff  }
0xf7: {  	v4 =	vld.idx.msk [tilespmem:v2+s25+$0x0], $0xffff;
	_ =	sdelay $0x4  }
0xf8: {  	v3 =	vadd.f32 v4, v3;
	_ =	sdelay $0x1  }
0xf9: {  	v4 =	vmul.f32 $2.000000030e-01, v3  }
0xfa: {  	vm6 =	vge.f32 v3, $0.0e+00  }
0xfb: {  	v3 =	vsel vm6, v3, v4  }
0xfc: {  	v3 =	vmul.f32 $1.442695020e+00, v3;
	_ =	sdelay $0x1  }
0xfd: {  	(erf) = vpow2.f32 v3;
	_ =	sdelay $0x5  }
0xfe: {  	v1 =	vadd.s32 $0x2800, v1  }
0xff: {  	v3 =	vadd.s32 $0x2800, v2;
	_ =	sdelay $0x1  }
0x100: {  	[tilespmem:$0x143D0] =	vst v2;
	v59 =	vpop (erf)  }
0x101: {  	[tilespmem:$0x14250] =	vst v59  }
0x102: {  	v1 =	vld.idx.msk [tilespmem:v1+s23+$0x0], $0xffff  }
0x103: {  	v2 =	vld.idx.msk [tilespmem:v3+s25+$0x0], $0xffff;
	_ =	sdelay $0x4  }
0x104: {  	v1 =	vadd.f32 v2, v1;
	_ =	sdelay $0x1  }
0x105: {  	v2 =	vmul.f32 $2.000000030e-01, v1  }
0x106: {  	vm7 =	vge.f32 v1, $0.0e+00  }
0x107: {  	v1 =	vsel vm7, v1, v2  }
0x108: {  	v1 =	vmul.f32 $1.442695020e+00, v1;
	_ =	sdelay $0x1  }
0x109: {  	(erf) = vpow2.f32 v1;
	_ =	sdelay $0x8  }
0x10a: {  	[tilespmem:$0x14430] =	vst v3;
	v1 =	vpop (erf)  }
0x10b: {  	[tilespmem:$0x142B0] =	vst v1  }
0x10c: {  	v1 =	vld [tilespmem:s26+$0x80]  }
0x10d: {  	v2 =	vld [tilespmem:s26+$0x2C0];
	_ =	sdelay $0x6  }
0x10e: {  	v3 =	vld.idx.msk [tilespmem:v1+s23+$0x0], $0xffff  }
0x10f: {  	v4 =	vld.idx.msk [tilespmem:v2+s25+$0x0], $0xffff;
	_ =	sdelay $0x4  }
0x110: {  	v3 =	vadd.f32 v4, v3;
	_ =	sdelay $0x1  }
0x111: {  	v4 =	vmul.f32 $2.000000030e-01, v3  }
0x112: {  	vm8 =	vge.f32 v3, $0.0e+00  }
0x113: {  	v3 =	vsel vm8, v3, v4  }
0x114: {  	v3 =	vmul.f32 $1.442695020e+00, v3;
	_ =	sdelay $0x1  }
0x115: {  	(erf) = vpow2.f32 v3;
	_ =	sdelay $0x5  }
0x116: {  	v1 =	vadd.s32 $0x2800, v1  }
0x117: {  	v3 =	vadd.s32 $0x2800, v2;
	_ =	sdelay $0x1  }
0x118: {  	[tilespmem:$0x143E0] =	vst v2;
	v60 =	vpop (erf)  }
0x119: {  	[tilespmem:$0x14260] =	vst v60  }
0x11a: {  	v1 =	vld.idx.msk [tilespmem:v1+s23+$0x0], $0xffff  }
0x11b: {  	v2 =	vld.idx.msk [tilespmem:v3+s25+$0x0], $0xffff;
	_ =	sdelay $0x4  }
0x11c: {  	v1 =	vadd.f32 v2, v1;
	_ =	sdelay $0x1  }
0x11d: {  	v2 =	vmul.f32 $2.000000030e-01, v1  }
0x11e: {  	vm9 =	vge.f32 v1, $0.0e+00  }
0x11f: {  	v1 =	vsel vm9, v1, v2  }
0x120: {  	v1 =	vmul.f32 $1.442695020e+00, v1;
	_ =	sdelay $0x1  }
0x121: {  	(erf) = vpow2.f32 v1;
	_ =	sdelay $0x8  }
0x122: {  	[tilespmem:$0x14440] =	vst v3;
	v1 =	vpop (erf)  }
0x123: {  	[tilespmem:$0x142C0] =	vst v1  }
0x124: {  	v1 =	vld [tilespmem:s26+$0x90]  }
0x125: {  	v2 =	vld [tilespmem:s26+$0x2D0];
	_ =	sdelay $0x6  }
0x126: {  	v3 =	vld.idx.msk [tilespmem:v1+s23+$0x0], $0xffff  }
0x127: {  	v4 =	vld.idx.msk [tilespmem:v2+s25+$0x0], $0xffff;
	_ =	sdelay $0x4  }
0x128: {  	v3 =	vadd.f32 v4, v3;
	_ =	sdelay $0x1  }
0x129: {  	v4 =	vmul.f32 $2.000000030e-01, v3  }
0x12a: {  	vm10 =	vge.f32 v3, $0.0e+00  }
0x12b: {  	v3 =	vsel vm10, v3, v4  }
0x12c: {  	v3 =	vmul.f32 $1.442695020e+00, v3;
	_ =	sdelay $0x1  }
0x12d: {  	(erf) = vpow2.f32 v3;
	_ =	sdelay $0x5  }
0x12e: {  	v1 =	vadd.s32 $0x2800, v1  }
0x12f: {  	v3 =	vadd.s32 $0x2800, v2;
	_ =	sdelay $0x1  }
0x130: {  	[tilespmem:$0x143F0] =	vst v2;
	v61 =	vpop (erf)  }
0x131: {  	[tilespmem:$0x14270] =	vst v61  }
0x132: {  	v1 =	vld.idx.msk [tilespmem:v1+s23+$0x0], $0xffff  }
0x133: {  	v2 =	vld.idx.msk [tilespmem:v3+s25+$0x0], $0xffff;
	_ =	sdelay $0x4  }
0x134: {  	v1 =	vadd.f32 v2, v1;
	_ =	sdelay $0x1  }
0x135: {  	v2 =	vmul.f32 $2.000000030e-01, v1  }
0x136: {  	vm11 =	vge.f32 v1, $0.0e+00  }
0x137: {  	v1 =	vsel vm11, v1, v2  }
0x138: {  	v1 =	vmul.f32 $1.442695020e+00, v1;
	_ =	sdelay $0x1  }
0x139: {  	(erf) = vpow2.f32 v1;
	_ =	sdelay $0x8  }
0x13a: {  	[tilespmem:$0x14450] =	vst v3;
	v1 =	vpop (erf)  }
0x13b: {  	[tilespmem:$0x142D0] =	vst v1  }
0x13c: {  	v1 =	vld [tilespmem:s26+$0xA0]  }
0x13d: {  	v2 =	vld [tilespmem:s26+$0x2E0];
	_ =	sdelay $0x6  }
0x13e: {  	v3 =	vld.idx.msk [tilespmem:v1+s23+$0x0], $0xffff  }
0x13f: {  	v4 =	vld.idx.msk [tilespmem:v2+s25+$0x0], $0xffff;
	_ =	sdelay $0x4  }
0x140: {  	v3 =	vadd.f32 v4, v3;
	_ =	sdelay $0x1  }
0x141: {  	v4 =	vmul.f32 $2.000000030e-01, v3  }
0x142: {  	vm12 =	vge.f32 v3, $0.0e+00  }
0x143: {  	v3 =	vsel vm12, v3, v4  }
0x144: {  	v3 =	vmul.f32 $1.442695020e+00, v3;
	_ =	sdelay $0x1  }
0x145: {  	(erf) = vpow2.f32 v3;
	_ =	sdelay $0x5  }
0x146: {  	v1 =	vadd.s32 $0x2800, v1  }
0x147: {  	v3 =	vadd.s32 $0x2800, v2;
	_ =	sdelay $0x1  }
0x148: {  	[tilespmem:$0x14400] =	vst v2;
	v62 =	vpop (erf)  }
0x149: {  	[tilespmem:$0x14280] =	vst v62  }
0x14a: {  	v1 =	vld.idx.msk [tilespmem:v1+s23+$0x0], $0xffff  }
0x14b: {  	v2 =	vld.idx.msk [tilespmem:v3+s25+$0x0], $0xffff;
	_ =	sdelay $0x4  }
0x14c: {  	v1 =	vadd.f32 v2, v1;
	_ =	sdelay $0x1  }
0x14d: {  	v2 =	vmul.f32 $2.000000030e-01, v1  }
0x14e: {  	vm13 =	vge.f32 v1, $0.0e+00  }
0x14f: {  	v1 =	vsel vm13, v1, v2  }
0x150: {  	v1 =	vmul.f32 $1.442695020e+00, v1;
	_ =	sdelay $0x1  }
0x151: {  	(erf) = vpow2.f32 v1;
	_ =	sdelay $0x8  }
0x152: {  	[tilespmem:$0x14460] =	vst v3;
	v1 =	vpop (erf)  }
0x153: {  	[tilespmem:$0x142E0] =	vst v1  }
0x154: {  	v1 =	vld [tilespmem:s26+$0xB0]  }
0x155: {  	v2 =	vld [tilespmem:s26+$0x2F0];
	_ =	sdelay $0x6  }
0x156: {  	v3 =	vld.idx.msk [tilespmem:v1+s23+$0x0], $0xffff  }
0x157: {  	v4 =	vld.idx.msk [tilespmem:v2+s25+$0x0], $0xffff;
	_ =	sdelay $0x4  }
0x158: {  	v3 =	vadd.f32 v4, v3;
	_ =	sdelay $0x1  }
0x159: {  	v4 =	vmul.f32 $2.000000030e-01, v3  }
0x15a: {  	vm14 =	vge.f32 v3, $0.0e+00  }
0x15b: {  	v3 =	vsel vm14, v3, v4  }
0x15c: {  	v3 =	vmul.f32 $1.442695020e+00, v3;
	_ =	sdelay $0x1  }
0x15d: {  	(erf) = vpow2.f32 v3;
	_ =	sdelay $0x5  }
0x15e: {  	v1 =	vadd.s32 $0x2800, v1  }
0x15f: {  	v3 =	vadd.s32 $0x2800, v2;
	_ =	sdelay $0x1  }
0x160: {  	[tilespmem:$0x14410] =	vst v2;
	v63 =	vpop (erf)  }
0x161: {  	[tilespmem:$0x14290] =	vst v63  }
0x162: {  	v1 =	vld.idx.msk [tilespmem:v1+s23+$0x0], $0xffff  }
0x163: {  	v2 =	vld.idx.msk [tilespmem:v3+s25+$0x0], $0xffff;
	_ =	sdelay $0x4  }
0x164: {  	v1 =	vadd.f32 v2, v1;
	_ =	sdelay $0x1  }
0x165: {  	v2 =	vmul.f32 $2.000000030e-01, v1  }
0x166: {  	vm15 =	vge.f32 v1, $0.0e+00  }
0x167: {  	v1 =	vsel vm15, v1, v2  }
0x168: {  	v1 =	vmul.f32 $1.442695020e+00, v1;
	_ =	sdelay $0x1  }
0x169: {  	(erf) = vpow2.f32 v1;
	_ =	sdelay $0x6  }
0x16a: {  	s9 =	sadd.s32 $0x300, s9  }
0x16b: {  	p0 =	sne.s32 s9, $0x900  }
.Ltmp1:
0x16c: {  	[tilespmem:$0x14470] =	vst v3;
	v1 =	vpop (erf);
	(pc) =	sbr.rel @p0 .LBB2_5-.Ltmp1, $4  }
0x16d: {  	[tilespmem:$0x142F0] =	vst v1  }
0x16e: {  	[spmem:s2] =	stream.indirect.scatter.add.f32 [tilespmem:s12], [sflag:$0x8], $0x1, s0, s29, $0xb8;
	[tilespmem:$0x1EB00] =	vst v63  }
0x16f: {  	_ = 	snop  }
0x170: {  	[spmem:s2] =	stream.indirect.scatter.add.f32 [tilespmem:s7], [sflag:$0x8], $0x1, s4, s29, $0xb8;
	[tilespmem:$0x1EB00] =	vst v63  }
0x171: {  	s0 =	simm.s32 $0x7  }
0x172: {  	_ =	swait.ge [sflag:s0], $0x60  }
0x173: {  	[sflag:s0] =	ssyncset.done $0x0  }
0x174: {  	[sflag:s0] =	ssyncadd.s32 $0xFFFFFFA0  }
0x175: {  	_ =	swait.ge [sflag:s0], $0x60  }
0x176: {  	[sflag:s0] =	ssyncset.done $0x0  }
0x177: {  	s26 =	simm.s32 $0x8;
	[sflag:s0] =	ssyncadd.s32 $0xFFFFFFA0  }
0x178: {  	_ =	swait.ge [sflag:s26], $0x60  }
0x179: {  	[sflag:s26] =	ssyncset.done $0x0  }
0x17a: {  	[sflag:s26] =	ssyncadd.s32 $0xFFFFFFA0  }
0x17b: {  	_ =	swait.ge [sflag:s26], $0x60  }
0x17c: {  	s4 =	rddreg [dreg:$0x17]  }
0x17d: {  	s4 =	sadd.s32 $0x1, s4  }
0x17e: {  	p0 =	sne.s32 s4, $0x24  }
.Ltmp2:
0x17f: {  	_ = 	snop;
	(pc) =	sbr.rel @p0 .LBB2_4-.Ltmp2, $3  }
0x180: {  	_ =	sdelay $0x1  }
0x181: {  	[sflag:s26] =	ssyncset.done $0x0  }
0x182: {  	s7 =	rddreg [dreg:$0x13];
	[sflag:s26] =	ssyncadd.s32 $0xFFFFFFA0  }
0x183: {  	[bflag:$0x0] =	sbarrier.arrive $0xFFFF  }
0x184: {  	[tilespmem:s8], [sflag:$0x9] =	stream.linear.gather [spmem:s2], $0x5000, $0x38;
	[tilespmem:$0x1EB00] =	vst v63  }
0x185: {  	_ =	swait.ge [sflag:s24], $0x5000  }
0x186: {  	[sflag:s24] =	ssyncset.done $0x0  }
0x187: {  	s11 =	simm.s32 $0x0;
	s12 =	rddreg [dreg:$0xa];
	[sflag:s24] =	ssyncadd.s32 $0xFFFFB000  }
.LBB2_8:
0x188: {  	s4 =	simm.s32 $0x100;
	s0 =	simm.s32 $0x0  }
.LBB2_9:
0x189: {  	p0 =	sne.s32 s4, $0x5F00;
	[tilespmem:s0+$0xF4B0] =	vst v0;
	s9 =	smov.u32 s4;
	s4 =	sadd.s32 $0x100, s4  }
.Ltmp3:
0x18a: {  	[tilespmem:s0+$0xF4A0] =	vst v0;
	(pc) =	sbr.rel @p0 .LBB2_9-.Ltmp3, $3  }
0x18b: {  	[tilespmem:s0+$0xF480] =	vst v0  }
0x18c: {  	[tilespmem:s0+$0xF490] =	vst v0;
	_ =	sdelay $0x1  }
0x18d: {  	s0 =	sshra.s32 s9, $0x2  }
0x18e: {  	[tilespmem:s0+$0xF4B0] =	vst v0  }
0x18f: {  	[tilespmem:s0+$0xF4A0] =	vst v0  }
0x190: {  	[tilespmem:s0+$0xF480] =	vst v0  }
0x191: {  	[tilespmem:s0+$0xF490] =	vst v0  }
0x192: {  	[spmem:s12] =	stream.linear.scatter [tilespmem:s10], [sflag:$0x9], $0x1800, $0x38;
	[tilespmem:$0x1EB00] =	vst v63  }
0x193: {  	_ =	swait.ge [sflag:s24], $0x1800  }
0x194: {  	[sflag:s24] =	ssyncset.done $0x0  }
0x195: {  	s28 =	rddreg [dreg:$0xc];
	[sflag:s24] =	ssyncadd.s32 $0xFFFFE800  }
0x196: {  	[spmem:s28] =	stream.linear.scatter [tilespmem:s10], [sflag:$0x9], $0x1800, $0x38;
	[tilespmem:$0x1EB00] =	vst v63  }
0x197: {  	_ =	swait.ge [sflag:s24], $0x1800  }
0x198: {  	[sflag:s24] =	ssyncset.done $0x0  }
0x199: {  	s4 =	rddreg [dreg:$0xd];
	[sflag:s24] =	ssyncadd.s32 $0xFFFFE800  }
0x19a: {  	[spmem:s4] =	stream.linear.scatter [tilespmem:s10], [sflag:$0x9], $0x1800, $0x38;
	[tilespmem:$0x1EB00] =	vst v63  }
0x19b: {  	_ =	swait.ge [sflag:s24], $0x1800  }
0x19c: {  	[sflag:s24] =	ssyncset.done $0x0  }
0x19d: {  	s9 =	rddreg [dreg:$0xe];
	[sflag:s24] =	ssyncadd.s32 $0xFFFFE800  }
0x19e: {  	[spmem:s9] =	stream.linear.scatter [tilespmem:s10], [sflag:$0x9], $0x1800, $0x38;
	[tilespmem:$0x1EB00] =	vst v63  }
0x19f: {  	_ =	swait.ge [sflag:s24], $0x1800  }
0x1a0: {  	[sflag:s24] =	ssyncset.done $0x0  }
0x1a1: {  	s12 =	rddreg [dreg:$0xf];
	[sflag:s24] =	ssyncadd.s32 $0xFFFFE800  }
0x1a2: {  	[spmem:s12] =	stream.linear.scatter [tilespmem:s10], [sflag:$0x9], $0x1800, $0x38;
	[tilespmem:$0x1EB00] =	vst v63  }
0x1a3: {  	_ =	swait.ge [sflag:s24], $0x1800  }
0x1a4: {  	[dreg:$0x15] =	wrdreg s11;
	[sflag:s24] =	ssyncset.done $0x0  }
0x1a5: {  	s15 =	sshrl.u32 s11, $0x1;
	s16 =	rddreg [dreg:$0x10];
	[sflag:s24] =	ssyncadd.s32 $0xFFFFE800  }
0x1a6: {  	[spmem:s16] =	stream.linear.scatter [tilespmem:s10], [sflag:$0x9], $0x1800, $0x38;
	[tilespmem:$0x1EB00] =	vst v63  }
0x1a7: {  	s4 =	sshll.u32 s15, $0x3;
	_ =	swait.ge [sflag:s24], $0x1800  }
0x1a8: {  	s9 =	sshll.u32 s11, $0x2;
	s26 =	rddreg [dreg:$0x7];
	[sflag:s24] =	ssyncset.done $0x0  }
0x1a9: {  	s4 =	ssub.s32 s9, s4;
	s28 =	rddreg [dreg:$0x11];
	[sflag:s24] =	ssyncadd.s32 $0xFFFFE800  }
0x1aa: {  	[spmem:s28] =	stream.linear.scatter [tilespmem:s10], [sflag:$0x9], $0x1000, $0x38;
	[tilespmem:$0x1EB00] =	vst v63  }
0x1ab: {  	s4 =	sor.u32 s26, s4;
	_ =	swait.ge [sflag:s24], $0x1000  }
0x1ac: {  	s0 =	smul.u32 $0x2800, s15;
	s4 =	sadd.s32 s15, s4;
	[sflag:s24] =	ssyncset.done $0x0  }
0x1ad: {  	s4 =	smul.u32 $0x2800, s4;
	[sflag:s24] =	ssyncadd.s32 $0xFFFFF000  }
0x1ae: {  	[bflag:$0x0] =	sbarrier.arrive $0xFFFF  }
0x1af: {  	s31 =	simm.s32 $0x0;
	v2 =	vmov s0;
	s0 =	simm.s32 $0x0;
	v1 =	vmov s4;
	[dreg:$0x16] =	wrdreg s4  }
.LBB2_11:
0x1b0: {  	s4 =	smul.u32 $0x240, s0;
	_ =	sdelay $0x1  }
0x1b1: {  	s4 =	sadd.s32 s13, s4  }
0x1b2: {  	s9 =	rddreg [dreg:$0x1];
	s4 =	sshrl.u32 s4, $0x3  }
0x1b3: {  	s9 =	sadd.s32 s9, s4  }
0x1b4: {  	[tilespmem:s31], [sflag:$0x9] =	stream.linear.gather [hbm4b:s9+s31], $0x240, $0x38;
	[tilespmem:$0x1EB00] =	vst v63  }
0x1b5: {  	_ =	swait.ge [sflag:s24], $0x240  }
0x1b6: {  	[sflag:s24] =	ssyncset.done $0x0  }
0x1b7: {  	s16 =	simm.s32 $0x240;
	s4 =	sadd.s32 s7, s4;
	[sflag:s24] =	ssyncadd.s32 $0xFFFFFDC0  }
0x1b8: {  	[tilespmem:s16], [sflag:$0x9] =	stream.linear.gather [hbm4b:s4+s31], $0x240, $0x38;
	[tilespmem:$0x1EB00] =	vst v63  }
0x1b9: {  	_ =	swait.ge [sflag:s24], $0x240  }
0x1ba: {  	[sflag:s24] =	ssyncset.done $0x0  }
0x1bb: {  	[sflag:s24] =	ssyncadd.s32 $0xFFFFFDC0  }
0x1bc: {  	v3 =	vld [tilespmem:$0x0]  }
0x1bd: {  	v4 =	vld [tilespmem:$0x10]  }
0x1be: {  	v5 =	vld [tilespmem:$0x20]  }
0x1bf: {  	v6 =	vld [tilespmem:$0x30]  }
0x1c0: {  	v7 =	vld [tilespmem:$0x40]  }
0x1c1: {  	v8 =	vld [tilespmem:$0x50];
	v3 =	vadd.s32 v1, v3  }
0x1c2: {  	[tilespmem:$0x14480] =	vst v3;
	v3 =	vadd.s32 v1, v4  }
0x1c3: {  	[tilespmem:$0x14490] =	vst v3;
	v3 =	vadd.s32 v1, v5  }
0x1c4: {  	[tilespmem:$0x144A0] =	vst v3;
	v3 =	vadd.s32 v1, v6  }
0x1c5: {  	[tilespmem:$0x144B0] =	vst v3;
	v3 =	vadd.s32 v1, v7  }
0x1c6: {  	[tilespmem:$0x144C0] =	vst v3;
	v3 =	vadd.s32 v1, v8  }
0x1c7: {  	s26 =	simm.s32 $0x14480;
	[tilespmem:$0x144D0] =	vst v3  }
0x1c8: {  	[tilespmem:s10], [sflag:$0x1] =	stream.indirect.gather [hbm4b:s5+s29], $0x40, s26, s29, $0xb8;
	[tilespmem:$0x1EB00] =	vst v63  }
0x1c9: {  	v3 =	vld [tilespmem:$0x60]  }
0x1ca: {  	v59 =	vld [tilespmem:$0x70]  }
0x1cb: {  	v60 =	vld [tilespmem:$0x80]  }
0x1cc: {  	v61 =	vld [tilespmem:$0x90]  }
0x1cd: {  	v62 =	vld [tilespmem:$0xA0]  }
0x1ce: {  	v63 =	vld [tilespmem:$0xB0];
	v3 =	vadd.s32 v1, v3  }
0x1cf: {  	[tilespmem:$0x144E0] =	vst v3;
	v3 =	vadd.s32 v1, v59  }
0x1d0: {  	[tilespmem:$0x144F0] =	vst v3;
	v3 =	vadd.s32 v1, v60  }
0x1d1: {  	[tilespmem:$0x14500] =	vst v3;
	v3 =	vadd.s32 v1, v61  }
0x1d2: {  	[tilespmem:$0x14510] =	vst v3;
	v3 =	vadd.s32 v1, v62  }
0x1d3: {  	[tilespmem:$0x14520] =	vst v3;
	v3 =	vadd.s32 v1, v63  }
0x1d4: {  	s28 =	simm.s32 $0x144E0;
	p1 =	por $0x1, $0x1;
	s11 =	simm.s32 $0x0;
	[tilespmem:$0x14530] =	vst v3  }
0x1d5: {  	[tilespmem:s17], [sflag:$0x2] =	stream.indirect.gather [hbm4b:s5+s29], $0x40, s28, s29, $0xb8;
	[tilespmem:$0x1EB00] =	vst v63  }
.LBB2_12:
0x1d6: {  	s9 =	smul.u32 $0x3, s11;
	_ =	swait.ge [sflag:s18], $0x1800  }
0x1d7: {  	[sflag:s18] =	ssyncset.done $0x0  }
0x1d8: {  	s12 =	simm.s32 @!p1 $0x6;
	[sflag:s18] =	ssyncadd.s32 $0xFFFFE800;
	s4 =	sadd.s32 $0x2, s9  }
0x1d9: {  	_ =	swait.ge @!p1 [sflag:s12], $0x1800;
	s15 =	smul.u32 $0x180, s4  }
0x1da: {  	[sflag:s12] =	ssyncset.done @!p1 $0x0  }
0x1db: {  	[sflag:s12] =	ssyncadd.s32 @!p1 $0xFFFFE800;
	s26 =	sshra.s32 s15, $0x2  }
0x1dc: {  	v3 =	vld [tilespmem:s26+$0x0];
	_ =	sdelay $0x4  }
0x1dd: {  	v3 =	vadd.s32 v1, v3  }
0x1de: {  	[tilespmem:$0x14540] =	vst v3  }
0x1df: {  	v3 =	vld [tilespmem:s26+$0x10];
	_ =	sdelay $0x4  }
0x1e0: {  	v3 =	vadd.s32 v1, v3  }
0x1e1: {  	[tilespmem:$0x14550] =	vst v3  }
0x1e2: {  	v3 =	vld [tilespmem:s26+$0x20];
	_ =	sdelay $0x4  }
0x1e3: {  	v3 =	vadd.s32 v1, v3  }
0x1e4: {  	[tilespmem:$0x14560] =	vst v3  }
0x1e5: {  	v3 =	vld [tilespmem:s26+$0x30];
	_ =	sdelay $0x4  }
0x1e6: {  	v3 =	vadd.s32 v1, v3  }
0x1e7: {  	[tilespmem:$0x14570] =	vst v3  }
0x1e8: {  	v3 =	vld [tilespmem:s26+$0x40];
	_ =	sdelay $0x4  }
0x1e9: {  	v3 =	vadd.s32 v1, v3  }
0x1ea: {  	[tilespmem:$0x14580] =	vst v3  }
0x1eb: {  	v3 =	vld [tilespmem:s26+$0x50];
	_ =	sdelay $0x4  }
0x1ec: {  	v3 =	vadd.s32 v1, v3  }
0x1ed: {  	s16 =	smul.u32 $0x120, s11;
	[tilespmem:$0x14590] =	vst v3  }
0x1ee: {  	[tilespmem:s20], [sflag:$0x3] =	stream.indirect.gather [hbm4b:s5+s29], $0x40, s19, s29, $0xb8;
	[tilespmem:$0x1EB00] =	vst v63  }
0x1ef: {  	v3 =	vld [tilespmem:s16+$0x0]  }
0x1f0: {  	v4 =	vld [tilespmem:s16+$0x240];
	_ =	sdelay $0x3  }
0x1f1: {  	v3 =	vadd.s32 v2, v3  }
0x1f2: {  	v4 =	vadd.s32 v2, v4;
	_ =	sdelay $0x3  }
0x1f3: {  	v3 =	vld.idx.msk [tilespmem:v3+s23+$0x0], $0xffff  }
0x1f4: {  	v5 =	vld.idx.msk [tilespmem:v4+s25+$0x0], $0xffff;
	_ =	sdelay $0x4  }
0x1f5: {  	v3 =	vadd.f32 v5, v3;
	_ =	sdelay $0x1  }
0x1f6: {  	v5 =	vmul.f32 $2.000000030e-01, v3  }
0x1f7: {  	v4 =	vld.idx.msk [tilespmem:v4+s8+$0x0], $0xffff;
	vm0 =	vge.f32 v3, $0.0e+00  }
0x1f8: {  	v3 =	vsel vm0, v3, v5  }
0x1f9: {  	v3 =	vmul.f32 $1.442695020e+00, v3;
	_ =	sdelay $0x1  }
0x1fa: {  	(erf) = vpow2.f32 v3  }
0x1fb: {  	(erf) = vrcp.f32 v4;
	_ =	sdelay $0x7  }
0x1fc: {  	v3 =	vpop (erf)  }
0x1fd: {  	v4 =	vpop (erf)  }
0x1fe: {  	v3 =	vmul.f32 v3, v4;
	_ =	sdelay $0x1  }
0x1ff: {  	[tilespmem:$0x145A0] =	vst v3  }
0x200: {  	v3 =	vld [tilespmem:s16+$0x10]  }
0x201: {  	v4 =	vld [tilespmem:s16+$0x250];
	_ =	sdelay $0x3  }
0x202: {  	v3 =	vadd.s32 v2, v3  }
0x203: {  	v4 =	vadd.s32 v2, v4;
	_ =	sdelay $0x3  }
0x204: {  	v3 =	vld.idx.msk [tilespmem:v3+s23+$0x0], $0xffff  }
0x205: {  	v5 =	vld.idx.msk [tilespmem:v4+s25+$0x0], $0xffff;
	_ =	sdelay $0x4  }
0x206: {  	v3 =	vadd.f32 v5, v3;
	_ =	sdelay $0x1  }
0x207: {  	v5 =	vmul.f32 $2.000000030e-01, v3  }
0x208: {  	v4 =	vld.idx.msk [tilespmem:v4+s8+$0x0], $0xffff;
	vm11 =	vge.f32 v3, $0.0e+00  }
0x209: {  	v3 =	vsel vm11, v3, v5  }
0x20a: {  	v3 =	vmul.f32 $1.442695020e+00, v3;
	_ =	sdelay $0x1  }
0x20b: {  	(erf) = vpow2.f32 v3  }
0x20c: {  	(erf) = vrcp.f32 v4;
	_ =	sdelay $0x7  }
0x20d: {  	v3 =	vpop (erf)  }
0x20e: {  	v4 =	vpop (erf)  }
0x20f: {  	v3 =	vmul.f32 v3, v4;
	_ =	sdelay $0x1  }
0x210: {  	[tilespmem:$0x145B0] =	vst v3  }
0x211: {  	v3 =	vld [tilespmem:s16+$0x20]  }
0x212: {  	v4 =	vld [tilespmem:s16+$0x260];
	_ =	sdelay $0x3  }
0x213: {  	v3 =	vadd.s32 v2, v3  }
0x214: {  	v4 =	vadd.s32 v2, v4;
	_ =	sdelay $0x3  }
0x215: {  	v3 =	vld.idx.msk [tilespmem:v3+s23+$0x0], $0xffff  }
0x216: {  	v5 =	vld.idx.msk [tilespmem:v4+s25+$0x0], $0xffff;
	_ =	sdelay $0x4  }
0x217: {  	v3 =	vadd.f32 v5, v3;
	_ =	sdelay $0x1  }
0x218: {  	v5 =	vmul.f32 $2.000000030e-01, v3  }
0x219: {  	v4 =	vld.idx.msk [tilespmem:v4+s8+$0x0], $0xffff;
	vm12 =	vge.f32 v3, $0.0e+00  }
0x21a: {  	v3 =	vsel vm12, v3, v5  }
0x21b: {  	v3 =	vmul.f32 $1.442695020e+00, v3;
	_ =	sdelay $0x1  }
0x21c: {  	(erf) = vpow2.f32 v3  }
0x21d: {  	(erf) = vrcp.f32 v4;
	_ =	sdelay $0x7  }
0x21e: {  	v3 =	vpop (erf)  }
0x21f: {  	v4 =	vpop (erf)  }
0x220: {  	v3 =	vmul.f32 v3, v4;
	_ =	sdelay $0x1  }
0x221: {  	[tilespmem:$0x145C0] =	vst v3  }
0x222: {  	v3 =	vld [tilespmem:s16+$0x30]  }
0x223: {  	v4 =	vld [tilespmem:s16+$0x270];
	_ =	sdelay $0x3  }
0x224: {  	v3 =	vadd.s32 v2, v3  }
0x225: {  	v4 =	vadd.s32 v2, v4;
	_ =	sdelay $0x3  }
0x226: {  	v3 =	vld.idx.msk [tilespmem:v3+s23+$0x0], $0xffff  }
0x227: {  	v5 =	vld.idx.msk [tilespmem:v4+s25+$0x0], $0xffff;
	_ =	sdelay $0x4  }
0x228: {  	v3 =	vadd.f32 v5, v3;
	_ =	sdelay $0x1  }
0x229: {  	v5 =	vmul.f32 $2.000000030e-01, v3  }
0x22a: {  	v4 =	vld.idx.msk [tilespmem:v4+s8+$0x0], $0xffff;
	vm13 =	vge.f32 v3, $0.0e+00  }
0x22b: {  	v3 =	vsel vm13, v3, v5  }
0x22c: {  	v3 =	vmul.f32 $1.442695020e+00, v3;
	_ =	sdelay $0x1  }
0x22d: {  	(erf) = vpow2.f32 v3  }
0x22e: {  	(erf) = vrcp.f32 v4;
	_ =	sdelay $0x7  }
0x22f: {  	v3 =	vpop (erf)  }
0x230: {  	v4 =	vpop (erf)  }
0x231: {  	v3 =	vmul.f32 v3, v4;
	_ =	sdelay $0x1  }
0x232: {  	[tilespmem:$0x145D0] =	vst v3  }
0x233: {  	v3 =	vld [tilespmem:s16+$0x40]  }
0x234: {  	v4 =	vld [tilespmem:s16+$0x280];
	_ =	sdelay $0x3  }
0x235: {  	v3 =	vadd.s32 v2, v3  }
0x236: {  	v4 =	vadd.s32 v2, v4;
	_ =	sdelay $0x3  }
0x237: {  	v3 =	vld.idx.msk [tilespmem:v3+s23+$0x0], $0xffff  }
0x238: {  	v5 =	vld.idx.msk [tilespmem:v4+s25+$0x0], $0xffff;
	_ =	sdelay $0x4  }
0x239: {  	v3 =	vadd.f32 v5, v3;
	_ =	sdelay $0x1  }
0x23a: {  	v5 =	vmul.f32 $2.000000030e-01, v3  }
0x23b: {  	v4 =	vld.idx.msk [tilespmem:v4+s8+$0x0], $0xffff;
	vm14 =	vge.f32 v3, $0.0e+00  }
0x23c: {  	v3 =	vsel vm14, v3, v5  }
0x23d: {  	v3 =	vmul.f32 $1.442695020e+00, v3;
	_ =	sdelay $0x1  }
0x23e: {  	(erf) = vpow2.f32 v3  }
0x23f: {  	(erf) = vrcp.f32 v4;
	_ =	sdelay $0x7  }
0x240: {  	v3 =	vpop (erf)  }
0x241: {  	v4 =	vpop (erf)  }
0x242: {  	v3 =	vmul.f32 v3, v4;
	_ =	sdelay $0x1  }
0x243: {  	[tilespmem:$0x145E0] =	vst v3  }
0x244: {  	v3 =	vld [tilespmem:s16+$0x50]  }
0x245: {  	v4 =	vld [tilespmem:s16+$0x290];
	_ =	sdelay $0x3  }
0x246: {  	v3 =	vadd.s32 v2, v3  }
0x247: {  	v4 =	vadd.s32 v2, v4;
	_ =	sdelay $0x3  }
0x248: {  	v3 =	vld.idx.msk [tilespmem:v3+s23+$0x0], $0xffff  }
0x249: {  	v5 =	vld.idx.msk [tilespmem:v4+s25+$0x0], $0xffff;
	_ =	sdelay $0x4  }
0x24a: {  	v3 =	vadd.f32 v5, v3;
	_ =	sdelay $0x1  }
0x24b: {  	v5 =	vmul.f32 $2.000000030e-01, v3  }
0x24c: {  	v4 =	vld.idx.msk [tilespmem:v4+s8+$0x0], $0xffff;
	vm15 =	vge.f32 v3, $0.0e+00  }
0x24d: {  	v3 =	vsel vm15, v3, v5  }
0x24e: {  	v3 =	vmul.f32 $1.442695020e+00, v3;
	_ =	sdelay $0x1  }
0x24f: {  	(erf) = vpow2.f32 v3  }
0x250: {  	(erf) = vrcp.f32 v4;
	_ =	sdelay $0x7  }
0x251: {  	v3 =	vpop (erf)  }
0x252: {  	s28 =	simm.s32 $0x0;
	v4 =	vpop (erf)  }
0x253: {  	v3 =	vmul.f32 v3, v4;
	v4 =	vmov s28;
	_ =	sdelay $0x1  }
0x254: {  	s12 =	simm.s32 $0xF4A0;
	[tilespmem:$0x145F0] =	vst v3  }
0x255: {  	v5 =	vld [tilespmem:s12+$0xFFFFFFF0]  }
0x256: {  	v3 =	vld [tilespmem:s12+$0x10]  }
0x257: {  	v8 =	vld.idx.msk [tilespmem:v4+s21+$0x0], $0xffff  }
0x258: {  	v4 =	vld [tilespmem:s12+$0xFFFFFFE0]  }
0x259: {  	v9 =	vld [tilespmem:s12+$0x0];
	_ =	sdelay $0x3  }
0x25a: {  	s16 =	simm.s32 $0x1;
	v4 =	vmul.f32 v4, v8;
	v7 =	vmul.f32 v3, v8  }
0x25b: {  	p0 =	por p1, p1;
	s15 =	simm.s32 $0x2;
	v3 =	vmov s16;
	v6 =	vmul.f32 v5, v8;
	v5 =	vmul.f32 v9, v8;
	s16 =	simm.s32 $0xF4A0  }
.LBB2_13:
0x25c: {  	p1 =	sne.s32 s15, $0x5F  }
0x25d: {  	[tilespmem:s12+$0x10] =	vst v7;
	s16 =	sadd.s32 $0x40, s16;
	s28 =	smov.u32 s15;
	s15 =	sadd.s32 $0x1, s15  }
0x25e: {  	[tilespmem:s12+$0xFFFFFFE0] =	vst v4  }
0x25f: {  	v8 =	vld [tilespmem:s16+$0xFFFFFFF0];
	[tilespmem:s12+$0xFFFFFFF0] =	vst v6  }
0x260: {  	v6 =	vld [tilespmem:s16+$0x10];
	[tilespmem:s12+$0x0] =	vst v5;
	s12 =	smov.u32 s16  }
0x261: {  	v5 =	vld.idx.msk [tilespmem:v3+s21+$0x0], $0xffff  }
0x262: {  	v3 =	vld [tilespmem:s16+$0xFFFFFFE0]  }
0x263: {  	v9 =	vld [tilespmem:s16+$0x0]  }
.Ltmp4:
0x264: {  	(pc) =	sbr.rel @p1 .LBB2_13-.Ltmp4, $3  }
0x265: {  	_ =	sdelay $0x1  }
0x266: {  	v7 =	vmul.f32 v6, v5;
	v4 =	vmul.f32 v3, v5  }
0x267: {  	v6 =	vmul.f32 v8, v5;
	v3 =	vmov s28;
	v5 =	vmul.f32 v9, v5  }
0x268: {  	[tilespmem:s12+$0x10] =	vst v7  }
0x269: {  	s15 =	sadd.s32 $0x40, s16;
	[tilespmem:s12+$0xFFFFFFE0] =	vst v4  }
0x26a: {  	v4 =	vld [tilespmem:s15+$0xFFFFFFF0];
	[tilespmem:s12+$0xFFFFFFF0] =	vst v6  }
0x26b: {  	v6 =	vld [tilespmem:s15+$0x10];
	[tilespmem:s12+$0x0] =	vst v5  }
0x26c: {  	v3 =	vld.idx.msk [tilespmem:v3+s21+$0x0], $0xffff  }
0x26d: {  	v5 =	vld [tilespmem:s15+$0xFFFFFFE0];
	_ =	sdelay $0x1  }
0x26e: {  	v7 =	vld [tilespmem:s15+$0x0];
	_ =	sdelay $0x1  }
0x26f: {  	v6 =	vmul.f32 v6, v3  }
0x270: {  	v5 =	vmul.f32 v5, v3  }
0x271: {  	s11 =	smul.u32 $0x480, s11;
	v4 =	vmul.f32 v4, v3;
	[tilespmem:s15+$0x10] =	vst v6  }
0x272: {  	v3 =	vmul.f32 v7, v3;
	[tilespmem:s15+$0xFFFFFFE0] =	vst v5  }
0x273: {  	s11 =	sshra.s32 s11, $0x2;
	[tilespmem:s15+$0xFFFFFFF0] =	vst v4  }
0x274: {  	s11 =	sadd.s32 $0x240, s11;
	[tilespmem:s15+$0x0] =	vst v3  }
0x275: {  	[spmem:s3] =	stream.indirect.scatter.add.f32 [tilespmem:s10], [sflag:$0x4], $0x40, s11, s29, $0xb8;
	[tilespmem:$0x1EB00] =	vst v63  }
0x276: {  	_ =	swait.ge [sflag:s14], $0x1800  }
0x277: {  	[sflag:s14] =	ssyncset.done $0x0  }
0x278: {  	s11 =	simm.s32 @p0 $0x4;
	[sflag:s14] =	ssyncadd.s32 $0xFFFFE800  }
0x279: {  	_ =	swait.ge @p0 [sflag:s11], $0x1800  }
0x27a: {  	[sflag:s11] =	ssyncset.done @p0 $0x0  }
0x27b: {  	[sflag:s11] =	ssyncadd.s32 @p0 $0xFFFFE800  }
0x27c: {  	v3 =	vld @p0 [tilespmem:$0x120]  }
0x27d: {  	v4 =	vld @p0 [tilespmem:$0x130]  }
0x27e: {  	v5 =	vld @p0 [tilespmem:$0x140]  }
0x27f: {  	v6 =	vld @p0 [tilespmem:$0x150]  }
0x280: {  	v7 =	vld @p0 [tilespmem:$0x160]  }
0x281: {  	v8 =	vld @p0 [tilespmem:$0x170];
	v3 =	vadd.s32 @p0 v1, v3  }
0x282: {  	[tilespmem:$0x14480] =	vst @p0 v3;
	v3 =	vadd.s32 @p0 v1, v4  }
0x283: {  	[tilespmem:$0x14490] =	vst @p0 v3;
	v3 =	vadd.s32 @p0 v1, v5  }
0x284: {  	[tilespmem:$0x144A0] =	vst @p0 v3;
	v3 =	vadd.s32 @p0 v1, v6  }
0x285: {  	[tilespmem:$0x144B0] =	vst @p0 v3;
	v3 =	vadd.s32 @p0 v1, v7  }
0x286: {  	s16 =	simm.s32 @p0 $0x14480;
	s11 =	sadd.s32 $0x1, s9;
	[tilespmem:$0x144C0] =	vst @p0 v3;
	v3 =	vadd.s32 @p0 v1, v8  }
0x287: {  	s28 =	simm.s32 @p0 $0xF480;
	s15 =	simm.s32 @p0 $0x60;
	s12 =	smul.u32 $0x60, s11;
	[tilespmem:$0x144D0] =	vst @p0 v3  }
0x288: {  	[tilespmem:s28], [sflag:$0x1] =	stream.indirect.gather @p0 [hbm4b:s5+s15], $0x40, s16, s15, $0xb8;
	[tilespmem:$0x1EB00] =	vst v63  }
0x289: {  	v3 =	vld [tilespmem:s12+$0x0]  }
0x28a: {  	v4 =	vld [tilespmem:s12+$0x240];
	_ =	sdelay $0x3  }
0x28b: {  	v3 =	vadd.s32 v2, v3  }
0x28c: {  	v4 =	vadd.s32 v2, v4;
	_ =	sdelay $0x3  }
0x28d: {  	v3 =	vld.idx.msk [tilespmem:v3+s23+$0x0], $0xffff  }
0x28e: {  	v5 =	vld.idx.msk [tilespmem:v4+s25+$0x0], $0xffff;
	_ =	sdelay $0x4  }
0x28f: {  	v3 =	vadd.f32 v5, v3;
	_ =	sdelay $0x1  }
0x290: {  	v5 =	vmul.f32 $2.000000030e-01, v3  }
0x291: {  	v4 =	vld.idx.msk [tilespmem:v4+s8+$0x0], $0xffff;
	vm0 =	vge.f32 v3, $0.0e+00  }
0x292: {  	v3 =	vsel vm0, v3, v5  }
0x293: {  	v3 =	vmul.f32 $1.442695020e+00, v3;
	_ =	sdelay $0x1  }
0x294: {  	(erf) = vpow2.f32 v3  }
0x295: {  	(erf) = vrcp.f32 v4;
	_ =	sdelay $0x7  }
0x296: {  	v3 =	vpop (erf)  }
0x297: {  	v4 =	vpop (erf)  }
0x298: {  	v3 =	vmul.f32 v3, v4;
	_ =	sdelay $0x1  }
0x299: {  	[tilespmem:$0x145A0] =	vst v3  }
0x29a: {  	v3 =	vld [tilespmem:s12+$0x10]  }
0x29b: {  	v4 =	vld [tilespmem:s12+$0x250];
	_ =	sdelay $0x3  }
0x29c: {  	v3 =	vadd.s32 v2, v3  }
0x29d: {  	v4 =	vadd.s32 v2, v4;
	_ =	sdelay $0x3  }
0x29e: {  	v3 =	vld.idx.msk [tilespmem:v3+s23+$0x0], $0xffff  }
0x29f: {  	v5 =	vld.idx.msk [tilespmem:v4+s25+$0x0], $0xffff;
	_ =	sdelay $0x4  }
0x2a0: {  	v3 =	vadd.f32 v5, v3;
	_ =	sdelay $0x1  }
0x2a1: {  	v5 =	vmul.f32 $2.000000030e-01, v3  }
0x2a2: {  	v4 =	vld.idx.msk [tilespmem:v4+s8+$0x0], $0xffff;
	vm11 =	vge.f32 v3, $0.0e+00  }
0x2a3: {  	v3 =	vsel vm11, v3, v5  }
0x2a4: {  	v3 =	vmul.f32 $1.442695020e+00, v3;
	_ =	sdelay $0x1  }
0x2a5: {  	(erf) = vpow2.f32 v3  }
0x2a6: {  	(erf) = vrcp.f32 v4;
	_ =	sdelay $0x7  }
0x2a7: {  	v3 =	vpop (erf)  }
0x2a8: {  	v4 =	vpop (erf)  }
0x2a9: {  	v3 =	vmul.f32 v3, v4;
	_ =	sdelay $0x1  }
0x2aa: {  	[tilespmem:$0x145B0] =	vst v3  }
0x2ab: {  	v3 =	vld [tilespmem:s12+$0x20]  }
0x2ac: {  	v4 =	vld [tilespmem:s12+$0x260];
	_ =	sdelay $0x3  }
0x2ad: {  	v3 =	vadd.s32 v2, v3  }
0x2ae: {  	v4 =	vadd.s32 v2, v4;
	_ =	sdelay $0x3  }
0x2af: {  	v3 =	vld.idx.msk [tilespmem:v3+s23+$0x0], $0xffff  }
0x2b0: {  	v5 =	vld.idx.msk [tilespmem:v4+s25+$0x0], $0xffff;
	_ =	sdelay $0x4  }
0x2b1: {  	v3 =	vadd.f32 v5, v3;
	_ =	sdelay $0x1  }
0x2b2: {  	v5 =	vmul.f32 $2.000000030e-01, v3  }
0x2b3: {  	v4 =	vld.idx.msk [tilespmem:v4+s8+$0x0], $0xffff;
	vm12 =	vge.f32 v3, $0.0e+00  }
0x2b4: {  	v3 =	vsel vm12, v3, v5  }
0x2b5: {  	v3 =	vmul.f32 $1.442695020e+00, v3;
	_ =	sdelay $0x1  }
0x2b6: {  	(erf) = vpow2.f32 v3  }
0x2b7: {  	(erf) = vrcp.f32 v4;
	_ =	sdelay $0x7  }
0x2b8: {  	v3 =	vpop (erf)  }
0x2b9: {  	v4 =	vpop (erf)  }
0x2ba: {  	v3 =	vmul.f32 v3, v4;
	_ =	sdelay $0x1  }
0x2bb: {  	[tilespmem:$0x145C0] =	vst v3  }
0x2bc: {  	v3 =	vld [tilespmem:s12+$0x30]  }
0x2bd: {  	v4 =	vld [tilespmem:s12+$0x270];
	_ =	sdelay $0x3  }
0x2be: {  	v3 =	vadd.s32 v2, v3  }
0x2bf: {  	v4 =	vadd.s32 v2, v4;
	_ =	sdelay $0x3  }
0x2c0: {  	v3 =	vld.idx.msk [tilespmem:v3+s23+$0x0], $0xffff  }
0x2c1: {  	v5 =	vld.idx.msk [tilespmem:v4+s25+$0x0], $0xffff;
	_ =	sdelay $0x4  }
0x2c2: {  	v3 =	vadd.f32 v5, v3;
	_ =	sdelay $0x1  }
0x2c3: {  	v5 =	vmul.f32 $2.000000030e-01, v3  }
0x2c4: {  	v4 =	vld.idx.msk [tilespmem:v4+s8+$0x0], $0xffff;
	vm13 =	vge.f32 v3, $0.0e+00  }
0x2c5: {  	v3 =	vsel vm13, v3, v5  }
0x2c6: {  	v3 =	vmul.f32 $1.442695020e+00, v3;
	_ =	sdelay $0x1  }
0x2c7: {  	(erf) = vpow2.f32 v3  }
0x2c8: {  	(erf) = vrcp.f32 v4;
	_ =	sdelay $0x7  }
0x2c9: {  	v3 =	vpop (erf)  }
0x2ca: {  	v4 =	vpop (erf)  }
0x2cb: {  	v3 =	vmul.f32 v3, v4;
	_ =	sdelay $0x1  }
0x2cc: {  	[tilespmem:$0x145D0] =	vst v3  }
0x2cd: {  	v3 =	vld [tilespmem:s12+$0x40]  }
0x2ce: {  	v4 =	vld [tilespmem:s12+$0x280];
	_ =	sdelay $0x3  }
0x2cf: {  	v3 =	vadd.s32 v2, v3  }
0x2d0: {  	v4 =	vadd.s32 v2, v4;
	_ =	sdelay $0x3  }
0x2d1: {  	v3 =	vld.idx.msk [tilespmem:v3+s23+$0x0], $0xffff  }
0x2d2: {  	v5 =	vld.idx.msk [tilespmem:v4+s25+$0x0], $0xffff;
	_ =	sdelay $0x4  }
0x2d3: {  	v3 =	vadd.f32 v5, v3;
	_ =	sdelay $0x1  }
0x2d4: {  	v5 =	vmul.f32 $2.000000030e-01, v3  }
0x2d5: {  	v4 =	vld.idx.msk [tilespmem:v4+s8+$0x0], $0xffff;
	vm14 =	vge.f32 v3, $0.0e+00  }
0x2d6: {  	v3 =	vsel vm14, v3, v5  }
0x2d7: {  	v3 =	vmul.f32 $1.442695020e+00, v3;
	_ =	sdelay $0x1  }
0x2d8: {  	(erf) = vpow2.f32 v3  }
0x2d9: {  	(erf) = vrcp.f32 v4;
	_ =	sdelay $0x7  }
0x2da: {  	v3 =	vpop (erf)  }
0x2db: {  	v4 =	vpop (erf)  }
0x2dc: {  	v3 =	vmul.f32 v3, v4;
	_ =	sdelay $0x1  }
0x2dd: {  	[tilespmem:$0x145E0] =	vst v3  }
0x2de: {  	v3 =	vld [tilespmem:s12+$0x50]  }
0x2df: {  	v4 =	vld [tilespmem:s12+$0x290];
	_ =	sdelay $0x3  }
0x2e0: {  	v3 =	vadd.s32 v2, v3  }
0x2e1: {  	v4 =	vadd.s32 v2, v4;
	_ =	sdelay $0x3  }
0x2e2: {  	v3 =	vld.idx.msk [tilespmem:v3+s23+$0x0], $0xffff  }
0x2e3: {  	v5 =	vld.idx.msk [tilespmem:v4+s25+$0x0], $0xffff;
	_ =	sdelay $0x4  }
0x2e4: {  	v3 =	vadd.f32 v5, v3;
	_ =	sdelay $0x1  }
0x2e5: {  	v5 =	vmul.f32 $2.000000030e-01, v3  }
0x2e6: {  	v4 =	vld.idx.msk [tilespmem:v4+s8+$0x0], $0xffff;
	vm15 =	vge.f32 v3, $0.0e+00  }
0x2e7: {  	v3 =	vsel vm15, v3, v5  }
0x2e8: {  	v3 =	vmul.f32 $1.442695020e+00, v3;
	_ =	sdelay $0x1  }
0x2e9: {  	(erf) = vpow2.f32 v3  }
0x2ea: {  	(erf) = vrcp.f32 v4;
	_ =	sdelay $0x7  }
0x2eb: {  	v3 =	vpop (erf)  }
0x2ec: {  	s16 =	simm.s32 $0x0;
	v4 =	vpop (erf)  }
0x2ed: {  	v3 =	vmul.f32 v3, v4;
	v4 =	vmov s16;
	_ =	sdelay $0x1  }
0x2ee: {  	s12 =	simm.s32 $0x10CA0;
	[tilespmem:$0x145F0] =	vst v3  }
0x2ef: {  	v5 =	vld [tilespmem:s12+$0xFFFFFFF0]  }
0x2f0: {  	v3 =	vld [tilespmem:s12+$0x10]  }
0x2f1: {  	v8 =	vld.idx.msk [tilespmem:v4+s21+$0x0], $0xffff  }
0x2f2: {  	v4 =	vld [tilespmem:s12+$0xFFFFFFE0]  }
0x2f3: {  	v9 =	vld [tilespmem:s12+$0x0];
	_ =	sdelay $0x3  }
0x2f4: {  	s28 =	simm.s32 $0x1;
	v4 =	vmul.f32 v4, v8;
	v7 =	vmul.f32 v3, v8  }
0x2f5: {  	s15 =	simm.s32 $0x2;
	s16 =	simm.s32 $0x10CA0;
	v3 =	vmov s28;
	v6 =	vmul.f32 v5, v8;
	v5 =	vmul.f32 v9, v8  }
.LBB2_15:
0x2f6: {  	p1 =	sne.s32 s15, $0x5F  }
0x2f7: {  	[tilespmem:s12+$0x10] =	vst v7;
	s16 =	sadd.s32 $0x40, s16;
	s28 =	smov.u32 s15;
	s15 =	sadd.s32 $0x1, s15  }
0x2f8: {  	[tilespmem:s12+$0xFFFFFFE0] =	vst v4  }
0x2f9: {  	v8 =	vld [tilespmem:s16+$0xFFFFFFF0];
	[tilespmem:s12+$0xFFFFFFF0] =	vst v6  }
0x2fa: {  	v6 =	vld [tilespmem:s16+$0x10];
	[tilespmem:s12+$0x0] =	vst v5;
	s12 =	smov.u32 s16  }
0x2fb: {  	v5 =	vld.idx.msk [tilespmem:v3+s21+$0x0], $0xffff  }
0x2fc: {  	v3 =	vld [tilespmem:s16+$0xFFFFFFE0]  }
0x2fd: {  	v9 =	vld [tilespmem:s16+$0x0]  }
.Ltmp5:
0x2fe: {  	(pc) =	sbr.rel @p1 .LBB2_15-.Ltmp5, $3  }
0x2ff: {  	_ =	sdelay $0x1  }
0x300: {  	v7 =	vmul.f32 v6, v5;
	v4 =	vmul.f32 v3, v5  }
0x301: {  	v6 =	vmul.f32 v8, v5;
	v3 =	vmov s28;
	v5 =	vmul.f32 v9, v5  }
0x302: {  	[tilespmem:s12+$0x10] =	vst v7  }
0x303: {  	s15 =	sadd.s32 $0x40, s16;
	[tilespmem:s12+$0xFFFFFFE0] =	vst v4  }
0x304: {  	v4 =	vld [tilespmem:s15+$0xFFFFFFF0];
	[tilespmem:s12+$0xFFFFFFF0] =	vst v6  }
0x305: {  	v6 =	vld [tilespmem:s15+$0x10];
	[tilespmem:s12+$0x0] =	vst v5  }
0x306: {  	v3 =	vld.idx.msk [tilespmem:v3+s21+$0x0], $0xffff  }
0x307: {  	v5 =	vld [tilespmem:s15+$0xFFFFFFE0];
	_ =	sdelay $0x1  }
0x308: {  	v7 =	vld [tilespmem:s15+$0x0];
	_ =	sdelay $0x1  }
0x309: {  	v6 =	vmul.f32 v6, v3  }
0x30a: {  	v5 =	vmul.f32 v5, v3  }
0x30b: {  	s11 =	smul.u32 $0x180, s11;
	v4 =	vmul.f32 v4, v3;
	[tilespmem:s15+$0x10] =	vst v6  }
0x30c: {  	v3 =	vmul.f32 v7, v3;
	[tilespmem:s15+$0xFFFFFFE0] =	vst v5  }
0x30d: {  	s11 =	sshra.s32 s11, $0x2;
	[tilespmem:s15+$0xFFFFFFF0] =	vst v4  }
0x30e: {  	s11 =	sadd.s32 $0x240, s11;
	[tilespmem:s15+$0x0] =	vst v3  }
0x30f: {  	[spmem:s3] =	stream.indirect.scatter.add.f32 [tilespmem:s17], [sflag:$0x5], $0x40, s11, s29, $0xb8;
	[tilespmem:$0x1EB00] =	vst v63  }
0x310: {  	s9 =	sor.u32 $0x4, s9;
	_ =	swait.ge [sflag:s22], $0x1800  }
0x311: {  	p1 =	sgt.u32 s9, $0x5;
	[sflag:s22] =	ssyncset.done $0x0  }
0x312: {  	s11 =	simm.s32 @!p1 $0x5;
	[sflag:s22] =	ssyncadd.s32 $0xFFFFE800  }
0x313: {  	s9 =	smul.u32 @!p1 $0x180, s9;
	_ =	swait.ge @!p1 [sflag:s11], $0x1800  }
0x314: {  	[sflag:s11] =	ssyncset.done @!p1 $0x0  }
0x315: {  	s9 =	sshra.s32 @!p1 s9, $0x2;
	[sflag:s11] =	ssyncadd.s32 @!p1 $0xFFFFE800  }
0x316: {  	v3 =	vld @!p1 [tilespmem:s9+$0x0];
	_ =	sdelay $0x4  }
0x317: {  	v3 =	vadd.s32 @!p1 v1, v3  }
0x318: {  	[tilespmem:$0x144E0] =	vst @!p1 v3  }
0x319: {  	v3 =	vld @!p1 [tilespmem:s9+$0x10];
	_ =	sdelay $0x4  }
0x31a: {  	v3 =	vadd.s32 @!p1 v1, v3  }
0x31b: {  	[tilespmem:$0x144F0] =	vst @!p1 v3  }
0x31c: {  	v3 =	vld @!p1 [tilespmem:s9+$0x20];
	_ =	sdelay $0x4  }
0x31d: {  	v3 =	vadd.s32 @!p1 v1, v3  }
0x31e: {  	[tilespmem:$0x14500] =	vst @!p1 v3  }
0x31f: {  	v3 =	vld @!p1 [tilespmem:s9+$0x30];
	_ =	sdelay $0x4  }
0x320: {  	v3 =	vadd.s32 @!p1 v1, v3  }
0x321: {  	[tilespmem:$0x14510] =	vst @!p1 v3  }
0x322: {  	v3 =	vld @!p1 [tilespmem:s9+$0x40];
	_ =	sdelay $0x4  }
0x323: {  	v3 =	vadd.s32 @!p1 v1, v3  }
0x324: {  	[tilespmem:$0x14520] =	vst @!p1 v3  }
0x325: {  	v3 =	vld @!p1 [tilespmem:s9+$0x50];
	_ =	sdelay $0x4  }
0x326: {  	s4 =	smul.u32 $0x60, s4;
	v3 =	vadd.s32 @!p1 v1, v3  }
0x327: {  	s12 =	simm.s32 @!p1 $0x10C80;
	s11 =	simm.s32 @!p1 $0x144E0;
	s9 =	simm.s32 @!p1 $0x60;
	[tilespmem:$0x14530] =	vst @!p1 v3  }
0x328: {  	[tilespmem:s12], [sflag:$0x2] =	stream.indirect.gather @!p1 [hbm4b:s5+s9], $0x40, s11, s9, $0xb8;
	[tilespmem:$0x1EB00] =	vst v63  }
0x329: {  	v3 =	vld [tilespmem:s4+$0x0]  }
0x32a: {  	v4 =	vld [tilespmem:s4+$0x240];
	_ =	sdelay $0x3  }
0x32b: {  	v3 =	vadd.s32 v2, v3  }
0x32c: {  	v4 =	vadd.s32 v2, v4;
	_ =	sdelay $0x3  }
0x32d: {  	v3 =	vld.idx.msk [tilespmem:v3+s23+$0x0], $0xffff  }
0x32e: {  	v5 =	vld.idx.msk [tilespmem:v4+s25+$0x0], $0xffff;
	_ =	sdelay $0x4  }
0x32f: {  	v3 =	vadd.f32 v5, v3;
	_ =	sdelay $0x1  }
0x330: {  	v5 =	vmul.f32 $2.000000030e-01, v3  }
0x331: {  	v4 =	vld.idx.msk [tilespmem:v4+s8+$0x0], $0xffff;
	vm0 =	vge.f32 v3, $0.0e+00  }
0x332: {  	v3 =	vsel vm0, v3, v5  }
0x333: {  	v3 =	vmul.f32 $1.442695020e+00, v3;
	_ =	sdelay $0x1  }
0x334: {  	(erf) = vpow2.f32 v3  }
0x335: {  	(erf) = vrcp.f32 v4;
	_ =	sdelay $0x7  }
0x336: {  	v3 =	vpop (erf)  }
0x337: {  	v4 =	vpop (erf)  }
0x338: {  	v3 =	vmul.f32 v3, v4;
	_ =	sdelay $0x1  }
0x339: {  	[tilespmem:$0x145A0] =	vst v3  }
0x33a: {  	v3 =	vld [tilespmem:s4+$0x10]  }
0x33b: {  	v4 =	vld [tilespmem:s4+$0x250];
	_ =	sdelay $0x3  }
0x33c: {  	v3 =	vadd.s32 v2, v3  }
0x33d: {  	v4 =	vadd.s32 v2, v4;
	_ =	sdelay $0x3  }
0x33e: {  	v3 =	vld.idx.msk [tilespmem:v3+s23+$0x0], $0xffff  }
0x33f: {  	v5 =	vld.idx.msk [tilespmem:v4+s25+$0x0], $0xffff;
	_ =	sdelay $0x4  }
0x340: {  	v3 =	vadd.f32 v5, v3;
	_ =	sdelay $0x1  }
0x341: {  	v5 =	vmul.f32 $2.000000030e-01, v3  }
0x342: {  	v4 =	vld.idx.msk [tilespmem:v4+s8+$0x0], $0xffff;
	vm11 =	vge.f32 v3, $0.0e+00  }
0x343: {  	v3 =	vsel vm11, v3, v5  }
0x344: {  	v3 =	vmul.f32 $1.442695020e+00, v3;
	_ =	sdelay $0x1  }
0x345: {  	(erf) = vpow2.f32 v3  }
0x346: {  	(erf) = vrcp.f32 v4;
	_ =	sdelay $0x7  }
0x347: {  	v3 =	vpop (erf)  }
0x348: {  	v4 =	vpop (erf)  }
0x349: {  	v3 =	vmul.f32 v3, v4;
	_ =	sdelay $0x1  }
0x34a: {  	[tilespmem:$0x145B0] =	vst v3  }
0x34b: {  	v3 =	vld [tilespmem:s4+$0x20]  }
0x34c: {  	v4 =	vld [tilespmem:s4+$0x260];
	_ =	sdelay $0x3  }
0x34d: {  	v3 =	vadd.s32 v2, v3  }
0x34e: {  	v4 =	vadd.s32 v2, v4;
	_ =	sdelay $0x3  }
0x34f: {  	v3 =	vld.idx.msk [tilespmem:v3+s23+$0x0], $0xffff  }
0x350: {  	v5 =	vld.idx.msk [tilespmem:v4+s25+$0x0], $0xffff;
	_ =	sdelay $0x4  }
0x351: {  	v3 =	vadd.f32 v5, v3;
	_ =	sdelay $0x1  }
0x352: {  	v5 =	vmul.f32 $2.000000030e-01, v3  }
0x353: {  	v4 =	vld.idx.msk [tilespmem:v4+s8+$0x0], $0xffff;
	vm12 =	vge.f32 v3, $0.0e+00  }
0x354: {  	v3 =	vsel vm12, v3, v5  }
0x355: {  	v3 =	vmul.f32 $1.442695020e+00, v3;
	_ =	sdelay $0x1  }
0x356: {  	(erf) = vpow2.f32 v3  }
0x357: {  	(erf) = vrcp.f32 v4;
	_ =	sdelay $0x7  }
0x358: {  	v3 =	vpop (erf)  }
0x359: {  	v4 =	vpop (erf)  }
0x35a: {  	v3 =	vmul.f32 v3, v4;
	_ =	sdelay $0x1  }
0x35b: {  	[tilespmem:$0x145C0] =	vst v3  }
0x35c: {  	v3 =	vld [tilespmem:s4+$0x30]  }
0x35d: {  	v4 =	vld [tilespmem:s4+$0x270];
	_ =	sdelay $0x3  }
0x35e: {  	v3 =	vadd.s32 v2, v3  }
0x35f: {  	v4 =	vadd.s32 v2, v4;
	_ =	sdelay $0x3  }
0x360: {  	v3 =	vld.idx.msk [tilespmem:v3+s23+$0x0], $0xffff  }
0x361: {  	v5 =	vld.idx.msk [tilespmem:v4+s25+$0x0], $0xffff;
	_ =	sdelay $0x4  }
0x362: {  	v3 =	vadd.f32 v5, v3;
	_ =	sdelay $0x1  }
0x363: {  	v5 =	vmul.f32 $2.000000030e-01, v3  }
0x364: {  	v4 =	vld.idx.msk [tilespmem:v4+s8+$0x0], $0xffff;
	vm13 =	vge.f32 v3, $0.0e+00  }
0x365: {  	v3 =	vsel vm13, v3, v5  }
0x366: {  	v3 =	vmul.f32 $1.442695020e+00, v3;
	_ =	sdelay $0x1  }
0x367: {  	(erf) = vpow2.f32 v3  }
0x368: {  	(erf) = vrcp.f32 v4;
	_ =	sdelay $0x7  }
0x369: {  	v3 =	vpop (erf)  }
0x36a: {  	v4 =	vpop (erf)  }
0x36b: {  	v3 =	vmul.f32 v3, v4;
	_ =	sdelay $0x1  }
0x36c: {  	[tilespmem:$0x145D0] =	vst v3  }
0x36d: {  	v3 =	vld [tilespmem:s4+$0x40]  }
0x36e: {  	v4 =	vld [tilespmem:s4+$0x280];
	_ =	sdelay $0x3  }
0x36f: {  	v3 =	vadd.s32 v2, v3  }
0x370: {  	v4 =	vadd.s32 v2, v4;
	_ =	sdelay $0x3  }
0x371: {  	v3 =	vld.idx.msk [tilespmem:v3+s23+$0x0], $0xffff  }
0x372: {  	v5 =	vld.idx.msk [tilespmem:v4+s25+$0x0], $0xffff;
	_ =	sdelay $0x4  }
0x373: {  	v3 =	vadd.f32 v5, v3;
	_ =	sdelay $0x1  }
0x374: {  	v5 =	vmul.f32 $2.000000030e-01, v3  }
0x375: {  	v4 =	vld.idx.msk [tilespmem:v4+s8+$0x0], $0xffff;
	vm14 =	vge.f32 v3, $0.0e+00  }
0x376: {  	v3 =	vsel vm14, v3, v5  }
0x377: {  	v3 =	vmul.f32 $1.442695020e+00, v3;
	_ =	sdelay $0x1  }
0x378: {  	(erf) = vpow2.f32 v3  }
0x379: {  	(erf) = vrcp.f32 v4;
	_ =	sdelay $0x7  }
0x37a: {  	v3 =	vpop (erf)  }
0x37b: {  	v4 =	vpop (erf)  }
0x37c: {  	v3 =	vmul.f32 v3, v4;
	_ =	sdelay $0x1  }
0x37d: {  	[tilespmem:$0x145E0] =	vst v3  }
0x37e: {  	v3 =	vld [tilespmem:s4+$0x50]  }
0x37f: {  	v4 =	vld [tilespmem:s4+$0x290];
	_ =	sdelay $0x3  }
0x380: {  	v3 =	vadd.s32 v2, v3  }
0x381: {  	v4 =	vadd.s32 v2, v4;
	_ =	sdelay $0x3  }
0x382: {  	v3 =	vld.idx.msk [tilespmem:v3+s23+$0x0], $0xffff  }
0x383: {  	v5 =	vld.idx.msk [tilespmem:v4+s25+$0x0], $0xffff;
	_ =	sdelay $0x4  }
0x384: {  	v3 =	vadd.f32 v5, v3;
	_ =	sdelay $0x1  }
0x385: {  	v5 =	vmul.f32 $2.000000030e-01, v3  }
0x386: {  	v4 =	vld.idx.msk [tilespmem:v4+s8+$0x0], $0xffff;
	vm15 =	vge.f32 v3, $0.0e+00  }
0x387: {  	v3 =	vsel vm15, v3, v5  }
0x388: {  	v3 =	vmul.f32 $1.442695020e+00, v3;
	_ =	sdelay $0x1  }
0x389: {  	(erf) = vpow2.f32 v3  }
0x38a: {  	(erf) = vrcp.f32 v4;
	_ =	sdelay $0x7  }
0x38b: {  	v3 =	vpop (erf)  }
0x38c: {  	s16 =	simm.s32 $0x0;
	v4 =	vpop (erf)  }
0x38d: {  	v3 =	vmul.f32 v3, v4;
	v4 =	vmov s16;
	_ =	sdelay $0x1  }
0x38e: {  	s4 =	simm.s32 $0x124A0;
	[tilespmem:$0x145F0] =	vst v3  }
0x38f: {  	v5 =	vld [tilespmem:s4+$0xFFFFFFF0]  }
0x390: {  	v3 =	vld [tilespmem:s4+$0x10]  }
0x391: {  	v8 =	vld.idx.msk [tilespmem:v4+s21+$0x0], $0xffff  }
0x392: {  	v4 =	vld [tilespmem:s4+$0xFFFFFFE0]  }
0x393: {  	v9 =	vld [tilespmem:s4+$0x0];
	_ =	sdelay $0x3  }
0x394: {  	s28 =	simm.s32 $0x1;
	v4 =	vmul.f32 v4, v8;
	v7 =	vmul.f32 v3, v8  }
0x395: {  	s9 =	simm.s32 $0x2;
	s11 =	simm.s32 $0x124A0;
	v3 =	vmov s28;
	v6 =	vmul.f32 v5, v8;
	v5 =	vmul.f32 v9, v8  }
.LBB2_17:
0x396: {  	p1 =	sne.s32 s9, $0x5F  }
0x397: {  	[tilespmem:s4+$0x10] =	vst v7;
	s11 =	sadd.s32 $0x40, s11;
	s12 =	smov.u32 s9;
	s9 =	sadd.s32 $0x1, s9  }
0x398: {  	[tilespmem:s4+$0xFFFFFFE0] =	vst v4  }
0x399: {  	v8 =	vld [tilespmem:s11+$0xFFFFFFF0];
	[tilespmem:s4+$0xFFFFFFF0] =	vst v6  }
0x39a: {  	v6 =	vld [tilespmem:s11+$0x10];
	[tilespmem:s4+$0x0] =	vst v5;
	s4 =	smov.u32 s11  }
0x39b: {  	v5 =	vld.idx.msk [tilespmem:v3+s21+$0x0], $0xffff  }
0x39c: {  	v3 =	vld [tilespmem:s11+$0xFFFFFFE0]  }
0x39d: {  	v9 =	vld [tilespmem:s11+$0x0]  }
.Ltmp6:
0x39e: {  	(pc) =	sbr.rel @p1 .LBB2_17-.Ltmp6, $3  }
0x39f: {  	_ =	sdelay $0x1  }
0x3a0: {  	v7 =	vmul.f32 v6, v5;
	v4 =	vmul.f32 v3, v5  }
0x3a1: {  	v6 =	vmul.f32 v8, v5;
	v3 =	vmov s12;
	v5 =	vmul.f32 v9, v5  }
0x3a2: {  	[tilespmem:s4+$0x10] =	vst v7  }
0x3a3: {  	s9 =	sadd.s32 $0x40, s11;
	[tilespmem:s4+$0xFFFFFFE0] =	vst v4  }
0x3a4: {  	v4 =	vld [tilespmem:s9+$0xFFFFFFF0];
	[tilespmem:s4+$0xFFFFFFF0] =	vst v6  }
0x3a5: {  	v6 =	vld [tilespmem:s9+$0x10];
	[tilespmem:s4+$0x0] =	vst v5  }
0x3a6: {  	v3 =	vld.idx.msk [tilespmem:v3+s21+$0x0], $0xffff  }
0x3a7: {  	v5 =	vld [tilespmem:s9+$0xFFFFFFE0];
	_ =	sdelay $0x1  }
0x3a8: {  	v7 =	vld [tilespmem:s9+$0x0];
	_ =	sdelay $0x1  }
0x3a9: {  	v6 =	vmul.f32 v6, v3  }
0x3aa: {  	v5 =	vmul.f32 v5, v3  }
.Ltmp7:
0x3ab: {  	v4 =	vmul.f32 v4, v3;
	[tilespmem:s9+$0x10] =	vst v6;
	(pc) =	sbr.rel @p0 .LBB2_12-.Ltmp7, $4  }
0x3ac: {  	v3 =	vmul.f32 v7, v3;
	[tilespmem:s9+$0xFFFFFFE0] =	vst v5  }
0x3ad: {  	[tilespmem:s9+$0xFFFFFFF0] =	vst v4  }
0x3ae: {  	s28 =	sadd.s32 $0x240, s26;
	s11 =	simm.s32 $0x1;
	p1 =	por $0x0, $0x0;
	[tilespmem:s9+$0x0] =	vst v3  }
0x3af: {  	[spmem:s3] =	stream.indirect.scatter.add.f32 [tilespmem:s20], [sflag:$0x6], $0x40, s28, s29, $0xb8;
	[tilespmem:$0x1EB00] =	vst v63  }
0x3b0: {  	_ =	swait.ge [sflag:s6], $0x1800  }
0x3b1: {  	[sflag:s6] =	ssyncset.done $0x0  }
0x3b2: {  	s0 =	sadd.s32 $0x1, s0;
	[sflag:s6] =	ssyncadd.s32 $0xFFFFE800  }
0x3b3: {  	p0 =	sne.s32 s0, $0x24;
	_ =	swait.ge [sflag:s1], $0x1800  }
.Ltmp8:
0x3b4: {  	[sflag:s1] =	ssyncset.done $0x0;
	(pc) =	sbr.rel @p0 .LBB2_11-.Ltmp8, $4  }
0x3b5: {  	[sflag:s1] =	ssyncadd.s32 $0xFFFFE800  }
0x3b6: {  	_ =	swait.ge [sflag:s30], $0x1800  }
0x3b7: {  	[sflag:s30] =	ssyncset.done $0x0  }
0x3b8: {  	[sflag:s30] =	ssyncadd.s32 $0xFFFFE800  }
0x3b9: {  	s0 =	rddreg [dreg:$0xb]  }
0x3ba: {  	s4 =	rddreg [dreg:$0x16]  }
0x3bb: {  	[bflag:$0x0] =	sbarrier.arrive $0xFFFF;
	s0 =	sadd.s32 s0, s4  }
0x3bc: {  	s28 =	stileid.u32;
	s9 =	rddreg [dreg:$0x5];
	s0 =	sshll.u32 s0, $0x3  }
0x3bd: {  	s4 =	sshll.u32 s28, $0x6;
	s12 =	rddreg [dreg:$0xa];
	s0 =	sand.u32 $0x1FFFFC00, s0  }
0x3be: {  	s4 =	sor.u32 $0x1C09, s4;
	s31 =	sshrl.u32 s12, $0x3;
	s0 =	sadd.s32 s9, s0  }
0x3bf: {  	[hbm:s0], [sflag:s4] =	dma.local [spmem:s31], $0x1400  }
0x3c0: {  	_ =	swait.ge [sflag:s24], $0x1400  }
0x3c1: {  	s11 =	rddreg [dreg:$0x15]  }
0x3c2: {  	s11 =	sadd.s32 $0x1, s11  }
0x3c3: {  	p0 =	sne.s32 s11, $0x4  }
.Ltmp9:
0x3c4: {  	_ = 	snop;
	(pc) =	sbr.rel @p0 .LBB2_8-.Ltmp9, $3  }
0x3c5: {  	[sflag:s24] =	ssyncset.done $0x0  }
0x3c6: {  	[sflag:s24] =	ssyncadd.s32 $0xFFFFEC00  }
0x3c7: {  	[bflag:$0x0] =	sbarrier.arrive $0xFFFF;
	_ =	sdelay $0x1  }
0x3c8: {  	s4 =	rddreg [dreg:$0x14]  }
0x3c9: {  	s0 =	rddreg [dreg:$0x12];
	s4 =	sadd.s32 $0x1, s4  }
0x3ca: {  	p0 =	sne.s32 s4, s0  }
.Ltmp10:
0x3cb: {  	_ = 	snop;
	(pc) =	sbr.rel @p0 .LBB2_1-.Ltmp10, $3  }
0x3cc: {  	_ =	sdelay $0x1  }
0x3cd: {  	s15 =	simm.s32 $0x14300  }
0x3ce: {  	s16 =	simm.s32 $0x14180;
	s28 =	simm.s32 $0x14360;
	s31 =	simm.s32 $0x141E0  }
0x3cf: {  	_ =	sfence.sel $0x180000  }
0x3d0: {  	[bflag:$0x0] =	sbarrier.arrive $0xFFFF  }
0x3d1: {  	_ =	strace $0x9000004A  }
0x3d2: {  	s0 =	stileid.u32;
	[bflag:$0x2] =	sbarrier.arrive $0xFFFF  }
0x3d3: {  	p0 =	sne.s32 s0, $0x0;
	s0 =	rddreg [dreg:$0x4]  }
0x3d4: {  	s0 =	sadd.s32 @!p0 $0x100000, s0  }
0x3d5: {  	[sflag:s0] =	ssyncadd.tile.s32 @!p0 $0x1;
	_ =	shalt  }
.Lfunc_end2:
_tile_overlayer_lowered:
.L_overlay_start_2:
0x3d6: {  	(tag) =	ssettag $0x2  }
0x3d7: {  	s0 =	rddreg [dreg:$0x0];
	s2 =	stileid.u32  }
0x3d8: {  	s1 =	rddreg [dreg:$0x1];
	p0 =	sne.s32 s2, $0x0  }
0x3d9: {  	s3 =	rddreg [dreg:$0x2];
	[bflag:$0x3] =	sbarrier.arrive $0xFFFF;
	s2 =	simm.s32 @!p0 $0x1C09  }
0x3da: {  	[timem:s3], [sflag:s2] =	dma.local @!p0 [hbm:s0], s1  }
0x3db: {  	s0 =	simm.s32 @!p0 $0x9  }
0x3dc: {  	_ =	swait.ge @!p0 [sflag:s0], s1  }
0x3dd: {  	s1 =	ssub.s32 @!p0 $0x0, s1;
	[sflag:s0] =	ssyncset.done @!p0 $0x0  }
0x3de: {  	[sflag:s0] =	ssyncadd.s32 @!p0 s1  }
0x3df: {  	[bflag:$0x3] =	sbarrier.arrive $0xFFFF  }
0x3e0: {  	_ =	shalt  }

// kernel: kernel.8.cloned.1.call-start
scs
__scs_entry_jumppad:
0x0: {  	(pc) =	sbr.rel $0x88, $3  }
0x1: {  	(tag) =	ssettag $0x0;
	lr =	simm.s32 $0x1  }
0x2: {  	[smem:$0x3F97] =	sst lr;
	_ =	strace $0xD0000000  }
0x3: {  	_ = 	snop  }
0x4: {  	_ = 	snop  }
0x5: {  	_ = 	snop  }
0x6: {  	_ = 	snop  }
0x7: {  	_ = 	snop  }
__scs_overlays_trampoline_lowered:
0x8: {  	[smem:$0x3FA6] =	sst s0  }
0x9: {  	[smem:$0x3FA7] =	sst s1  }
0xa: {  	[smem:$0x3FA8] =	sst s2  }
0xb: {  	[smem:$0x3FA9] =	sst s3  }
0xc: {  	[smem:$0x3FAA] =	sst s4  }
0xd: {  	[smem:$0x3FAB] =	sst s5  }
0xe: {  	[smem:$0x3FAC] =	sst s6  }
0xf: {  	[smem:$0x3FAD] =	sst s7  }
0x10: {  	[smem:$0x3FAE] =	sst s8  }
0x11: {  	[smem:$0x3FAF] =	sst s9;
	s0 =	simm.s32 @!p0 $0x0  }
0x12: {  	s1 =	sld [smem:$0x3F95];
	s0 =	simm.s32 @p0 $0x1  }
0x13: {  	[smem:$0x3FB0] =	sst s0;
	s0 =	simm.s32 @!p1 $0x0  }
0x14: {  	s2 =	sld [smem:$0x3F94];
	s0 =	simm.s32 @p1 $0x1  }
0x15: {  	[smem:$0x3FB1] =	sst s0;
	s0 =	simm.s32 @!p2 $0x0  }
0x16: {  	s3 =	sld [smem:$0x3FDB];
	s0 =	simm.s32 @p2 $0x1  }
0x17: {  	s4 =	simm.s32 $0x1BF5;
	[smem:$0x3FB3] =	sst s0  }
0x18: {  	s0 =	sld [smem:$0x3F96];
	_ =	swait.ge [sflag:s4], $0x0  }
0x19: {  	s7 =	sld [smem:$0x3F97]  }
0x1a: {  	s8 =	sadd.s32 $0xFFFFE003, lr  }
0x1b: {  	s9 =	sadd.s32 $0xFFFFFEF7, lr;
	s5 =	simm.s32 $0xFFFFFFFF;
	p2 =	slt.u32 s8, $0xFFFFF086  }
0x1c: {  	p1 =	slt.u32 s9, $0xF7A;
	s5 =	simm.s32 @!p2 $0x0  }
0x1d: {  	s5 =	simm.s32 @p1 $0x1;
	p0 =	seq.s32 s7, s2  }
0x1e: {  	s7 =	smul.u32 @!p0 $0xF7A, s2;
	p2 =	seq.s32 @!p0 s5, $0x0  }
0x1f: {  	s9 =	smul.u32 $0xF7A, s1;
	s8 =	simm.s32 @!p0 $0x1BF5;
	p2 =	por !p2, p0  }
0x20: {  	[sflag:s8] =	ssyncset.s32 @!p0 $0xFFFFF086;
	s6 =	sadd.s32 @!p0 s3, s7;
	s7 =	simm.s32 @!p0 $0x108  }
0x21: {  	s3 =	sadd.s32 s3, s9;
	s6 =	sadd.s32 @!p0 $0x88, s6;
	s7 =	simm.s32 @p2 $0x1082  }
0x22: {  	[simem:s7], [sflag:s8] =	dma.local @!p0 [hbm:s6], $0xF7A  }
0x23: {  	s9 =	sor.u32 $0xD0000000, s2;
	s6 =	simm.s32 $0x108;
	_ =	swait.ge @!p0 [sflag:s8], $0x0  }
0x24: {  	s3 =	sadd.s32 $0x88, s3;
	s6 =	simm.s32 @!p1 $0x1082;
	[sflag:s4] =	ssyncset.s32 $0xFFFFF086  }
0x25: {  	[simem:s6], [sflag:s4] =	dma.local [hbm:s3], $0xF7A  }
0x26: {  	[smem:$0x3F97] =	sst s1;
	(tag) =	ssettag s2;
	_ =	strace s9  }
0x27: {  	s1 =	sld [smem:$0x3FA7]  }
0x28: {  	s2 =	sld [smem:$0x3FA8]  }
0x29: {  	s4 =	sld [smem:$0x3FAA]  }
0x2a: {  	p0 =	seq.s32 s5, $0x0;
	s5 =	sld [smem:$0x3FAB]  }
0x2b: {  	s6 =	sld [smem:$0x3FAC]  }
0x2c: {  	s7 =	sld [smem:$0x3FAD]  }
0x2d: {  	s3 =	simm.s32 $0x108;
	s8 =	sld [smem:$0x3FAE]  }
0x2e: {  	s3 =	simm.s32 @!p0 $0x1082;
	s9 =	sld [smem:$0x3FAF]  }
0x2f: {  	lr =	sadd.s32 s0, s3;
	s0 =	sld [smem:$0x3FA6]  }
0x30: {  	s3 =	sld [smem:$0x3FA9]  }
0x31: {  	[smem:$0x3FB2] =	sst s10  }
0x32: {  	s10 =	sld [smem:$0x3FB0];
	_ =	sdelay $0x3  }
0x33: {  	p0 =	seq.s32 s10, $0x1;
	s10 =	sld [smem:$0x3FB2];
	_ =	sdelay $0x3  }
0x34: {  	[smem:$0x3FB2] =	sst s10  }
0x35: {  	s10 =	sld [smem:$0x3FB1];
	_ =	sdelay $0x3  }
0x36: {  	p1 =	seq.s32 s10, $0x1;
	s10 =	sld [smem:$0x3FB2];
	_ =	sdelay $0x3  }
0x37: {  	[smem:$0x3FB2] =	sst s10  }
0x38: {  	s10 =	sld [smem:$0x3FB3]  }
0x39: {  	_ = 	snop;
	(pc) =	sbr.ind lr, $3  }
0x3a: {  	_ = 	snop  }
0x3b: {  	_ = 	snop  }
0x3c: {  	p2 =	seq.s32 s10, $0x1;
	s10 =	sld [smem:$0x3FB2]  }
0x3d: {  	_ =	shalt  }
0x3e: {  	_ =	shalt  }
0x3f: {  	_ =	shalt  }
0x40: {  	_ =	shalt  }
0x41: {  	_ =	shalt  }
0x42: {  	_ =	shalt  }
0x43: {  	_ =	shalt  }
0x44: {  	_ =	shalt  }
0x45: {  	_ =	shalt  }
0x46: {  	_ =	shalt  }
0x47: {  	_ =	shalt  }
0x48: {  	_ =	shalt  }
0x49: {  	_ =	shalt  }
0x4a: {  	_ =	shalt  }
0x4b: {  	_ =	shalt  }
0x4c: {  	_ =	shalt  }
0x4d: {  	_ =	shalt  }
0x4e: {  	_ =	shalt  }
0x4f: {  	_ =	shalt  }
0x50: {  	_ =	shalt  }
0x51: {  	_ =	shalt  }
0x52: {  	_ =	shalt  }
0x53: {  	_ =	shalt  }
0x54: {  	_ =	shalt  }
0x55: {  	_ =	shalt  }
0x56: {  	_ =	shalt  }
0x57: {  	_ =	shalt  }
0x58: {  	_ =	shalt  }
0x59: {  	_ =	shalt  }
0x5a: {  	_ =	shalt  }
0x5b: {  	_ =	shalt  }
0x5c: {  	_ =	shalt  }
0x5d: {  	_ =	shalt  }
0x5e: {  	_ =	shalt  }
0x5f: {  	_ =	shalt  }
0x60: {  	_ =	shalt  }
0x61: {  	_ =	shalt  }
0x62: {  	_ =	shalt  }
0x63: {  	_ =	shalt  }
0x64: {  	_ =	shalt  }
0x65: {  	_ =	shalt  }
0x66: {  	_ =	shalt  }
0x67: {  	_ =	shalt  }
0x68: {  	_ =	shalt  }
0x69: {  	_ =	shalt  }
0x6a: {  	_ =	shalt  }
0x6b: {  	_ =	shalt  }
0x6c: {  	_ =	shalt  }
0x6d: {  	_ =	shalt  }
0x6e: {  	_ =	shalt  }
0x6f: {  	_ =	shalt  }
0x70: {  	_ =	shalt  }
0x71: {  	_ =	shalt  }
0x72: {  	_ =	shalt  }
0x73: {  	_ =	shalt  }
0x74: {  	_ =	shalt  }
0x75: {  	_ =	shalt  }
0x76: {  	_ =	shalt  }
0x77: {  	_ =	shalt  }
0x78: {  	_ =	shalt  }
0x79: {  	_ =	shalt  }
0x7a: {  	_ =	shalt  }
0x7b: {  	_ =	shalt  }
0x7c: {  	_ =	shalt  }
0x7d: {  	_ =	shalt  }
0x7e: {  	_ =	shalt  }
0x7f: {  	_ =	shalt  }
0x80: {  	_ =	shalt  }
0x81: {  	_ =	shalt  }
0x82: {  	_ =	shalt  }
0x83: {  	_ =	shalt  }
0x84: {  	_ =	shalt  }
0x85: {  	_ =	shalt  }
0x86: {  	_ =	shalt  }
0x87: {  	_ =	shalt  }
.Lfunc_end0:
.L_simem_size_0:
called_computation_lowered:
.L_overlay_start_0:
0x88: {  	s2 =	sld [smem:$0x3FD9]  }
0x89: {  	s3 =	sld [smem:$0x3FFE];
	_ =	sdelay $0x1  }
0x8a: {  	s1 =	srdreg.scid  }
0x8b: {  	s0 =	sand.u32 $0x1, s1  }
0x8c: {  	s17 =	sshll.u32 s0, $0xA;
	s2 =	sadd.s32 s3, s2  }
0x8d: {  	s2 =	sadd.s32 s2, s17  }
0x8e: {  	[smem:$0x3FBE] =	sst s2  }
0x8f: {  	_ = 	snop  }
0x90: {  	s2 =	sld [smem:$0x3FD0];
	(tm) =	ssettm $0x1  }
0x91: {  	s18 =	sld [smem:$0x3FFB];
	_ =	sdelay $0x3  }
0x92: {  	_ =	strace s18  }
0x93: {  	s3 =	sld [smem:$0x3FFC];
	_ =	sdelay $0x3  }
0x94: {  	_ =	strace s3  }
0x95: {  	s3 =	sld [smem:$0x3FFD];
	_ =	sdelay $0x3  }
0x96: {  	_ =	strace s3  }
0x97: {  	_ =	strace $0x8FFFFFFF  }
0x98: {  	s19 =	sld [smem:$0x3FDB];
	_ =	sdelay $0x1  }
0x99: {  	s4 =	simm.s32 $_scs_section_size  }
0x9a: {  	s5 =	simm.s32 $_size__tile_overlayer_lowered;
	s6 =	simm.s32 $_tile_overlayer_lowered  }
0x9b: {  	s22 =	simm.s32 $0x1BFF;
	s21 =	sshll.u32 s6, $0x1;
	s3 =	sadd.s32 s4, s19  }
0x9c: {  	s7 =	simm.s32 $0x0;
	s20 =	sshll.u32 s5, $0x1;
	s5 =	sadd.s32 s21, s3  }
0x9d: {  	[timem:s7], [sflag:s22] =	dma.local [hbm:s5], s20  }
0x9e: {  	_ =	swait.ge [sflag:s22], s20  }
0x9f: {  	s4 =	ssub.s32 $0x0, s20;
	[sflag:s22] =	ssyncset.done $0x0  }
0xa0: {  	[sflag:s22] =	ssyncadd.s32 s4;
	_ =	sdelay $0x1  }
0xa1: {  	s23 =	simm.s32 $0x1B8B  }
0xa2: {  	_ =	swait.ge [sflag:s23], $0x1  }
0xa3: {  	[sflag:s23] =	ssyncset.done $0x0  }
0xa4: {  	s25 =	simm.s32 $0x1B8E;
	s24 =	sld [smem:$0x3FFE];
	[sflag:s23] =	ssyncadd.s32 $0xFFFFFFFF  }
0xa5: {  	s26 =	simm.s32 $execute0_lowered;
	[smem:$0x3FD2] =	sst s25  }
0xa6: {  	s5 =	sshll.u32 s26, $0x1;
	_ =	strace $0x80000046;
	[dreg:$0x1] =	wrdreg $0xFFFFFFFF  }
0xa7: {  	s28 =	simm.s32 $_size_execute0_lowered;
	s3 =	sadd.s32 s3, s5;
	[dreg:$0x0] =	wrdreg $0x0  }
0xa8: {  	s5 =	sshll.u32 s28, $0x1;
	[dreg:$0x2] =	wrdreg s3  }
0xa9: {  	[dreg:$0x3] =	wrdreg s5  }
0xaa: {  	[dreg:$0x4] =	wrdreg $0xC0  }
0xab: {  	_ =	task [dreg:s7], $0x5FFFF  }
0xac: {  	[dreg:$0x1] =	wrdreg $0xFFFFFFFF  }
0xad: {  	[dreg:$0x0] =	wrdreg $0x60  }
0xae: {  	[dreg:$0x2] =	wrdreg s24  }
0xaf: {  	[dreg:$0x3] =	wrdreg s2  }
0xb0: {  	[dreg:$0x4] =	wrdreg $0x146000  }
0xb1: {  	[dreg:$0x5] =	wrdreg $0x14B000  }
0xb2: {  	[dreg:$0x6] =	wrdreg $0x9  }
0xb3: {  	_ =	task.clear_ibuf [dreg:s7], $0x7FFFF;
	_ =	strace $0x90000046  }
0xb4: {  	s29 =	simm.s32 $0x9;
	_ =	strace $0x80000048  }
0xb5: {  	_ =	swait.ge [sflag:s29], $0x1  }
0xb6: {  	[sflag:s29] =	ssyncadd.s32 $0xFFFFFFFF  }
0xb7: {  	_ =	strace $0x90000048  }
0xb8: {  	_ =	sfence  }
0xb9: {  	s30 =	sld [smem:$0x0];
	_ =	sdelay $0x2  }
0xba: {  	s31 =	sshll.u32 s1, $0xD;
	s1 =	sshrl.u32 s1, $0x2  }
0xbb: {  	s3 =	sand.u32 $0x4000, s31;
	s1 =	sadd.s32 s1, s30  }
0xbc: {  	s0 =	sor.u32 s3, s0;
	s1 =	sshll.u32 s1, $0x11  }
0xbd: {  	s0 =	sor.u32 s1, s0  }
0xbe: {  	s0 =	sadd.s32 $0x8F2B, s0  }
0xbf: {  	[sflag:s0] =	ssyncadd.remote.s32 $0x1  }
0xc0: {  	_ =	sfence.sel $0xFFFF  }
0xc1: {  	[dreg:$0x0] =	wrdreg $0xFFFFFFFF;
	(pc) =	sbr.abs _section_cstart, $3  }
0xc2: {  	[dreg:$0x1] =	wrdreg $0xFFFFFFFF  }
0xc3: {  	_ =	task.clear_ibuf [dreg:s7], $0x2FFFF;
	_ =	strace $0x9FFFFFFF  }
0xc4: {  	(tm) =	ssettm $0x7FFFFFFF  }
0xc5: {  	_ =	shalt  }
tec
execute0_lowered:
.L_overlay_start_1:
0x0: {  	(tag) =	ssettag $0x1  }
0x1: {  	s0 =	rddreg [dreg:$0x0]  }
0x2: {  	s2 =	rddreg [dreg:$0x2]  }
0x3: {  	s3 =	rddreg [dreg:$0x3];
	s1 =	simm.s32 $0x0;
	s13 =	srdreg.scid  }
0x4: {  	s11 =	stileid.u32;
	s29 =	simm.s32 $0x60;
	s28 =	simm.s32 $0x14360  }
0x5: {  	s31 =	simm.s32 $0x141E0;
	s30 =	simm.s32 $0x6;
	[smem:$0x7FF] =	sst s1  }
0x6: {  	s5 =	sadd.s32 $0x141400, s0;
	s1 =	sand.u32 $0x1, s13;
	s10 =	smul.u32 $0x1400, s11  }
0x7: {  	s4 =	sadd.s32 $0x1400, s0;
	s7 =	sadd.s32 $0x3C00, s0;
	s16 =	smul.u32 $0x28000, s11  }
0x8: {  	s0 =	sadd.s32 $0xDE00, s0;
	s20 =	smul.u32 $0x280, s11;
	_ =	strace $0x80000047  }
0x9: {  	s6 =	smul.u32 $0xA00, s1;
	s8 =	ssub.s32 $0x2, s1;
	[dreg:$0x5] =	wrdreg s0  }
0xa: {  	s9 =	smul.u32 $0x5000, s1;
	s1 =	sshll.u32 s1, $0x1;
	[dreg:$0x13] =	wrdreg s7  }
0xb: {  	s13 =	smul.u32 $0x5100, s11;
	s14 =	sshrl.u32 s8, $0x1;
	[dreg:$0x7] =	wrdreg s1  }
0xc: {  	s18 =	sshrl.u32 s10, $0x2;
	s19 =	sshrl.u32 s16, $0x2;
	[dreg:$0xb] =	wrdreg s20  }
0xd: {  	s16 =	simm.s32 $0x14180;
	s10 =	simm.s32 $0xF480;
	s20 =	simm.s32 $0x12480  }
0xe: {  	s0 =	ssub.s32 s8, s14;
	s15 =	sshrl.u32 s9, $0x3;
	s6 =	sadd.s32 s4, s6  }
0xf: {  	s12 =	sadd.s32 s19, s3;
	s8 =	simm.s32 $0xA480;
	[dreg:$0x6] =	wrdreg s6  }
0x10: {  	s19 =	simm.s32 $0x14540;
	s21 =	sadd.s32 $0x1800, s12;
	[dreg:$0xa] =	wrdreg s12  }
0x11: {  	s14 =	simm.s32 $0x2;
	s22 =	sadd.s32 $0x3000, s12;
	[dreg:$0xc] =	wrdreg s21  }
0x12: {  	s17 =	sadd.s32 s4, s15;
	s23 =	sadd.s32 $0x4800, s12;
	[dreg:$0xd] =	wrdreg s22  }
0x13: {  	s24 =	sadd.s32 $0x6000, s12;
	s25 =	sadd.s32 $0x7800, s12;
	[dreg:$0xe] =	wrdreg s23  }
0x14: {  	s26 =	sadd.s32 $0x9000, s12;
	s0 =	smax.u32 s0, $0x1;
	[dreg:$0xf] =	wrdreg s24  }
0x15: {  	s15 =	simm.s32 $0x14300;
	s6 =	simm.s32 $0x4;
	[dreg:$0x10] =	wrdreg s25  }
0x16: {  	s4 =	simm.s32 $0x0;
	s1 =	sadd.s32 $0x1400, s17;
	[dreg:$0x11] =	wrdreg s26  }
0x17: {  	[dreg:$0x12] =	wrdreg s0;
	s23 =	simm.s32 $0x480;
	s24 =	simm.s32 $0x9  }
0x18: {  	s25 =	simm.s32 $0x5480;
	s17 =	simm.s32 $0x10C80;
	s21 =	simm.s32 $0x145A0  }
0x19: {  	s22 =	simm.s32 $0x3;
	[dreg:$0x8] =	wrdreg s1;
	s1 =	sadd.s32 s18, s2  }
0x1a: {  	v0 =	vimm.f32 $0.0e+00;
	s18 =	simm.s32 $0x1;
	[dreg:$0x9] =	wrdreg s1;
	s1 =	simm.s32 $0x5  }
.LBB2_1:
0x1b: {  	[dreg:$0x14] =	wrdreg s4  }
0x1c: {  	s0 =	simm.s32 $0x0;
	s12 =	rddreg [dreg:$0x6]  }
0x1d: {  	[tilespmem:s23], [sflag:$0x9] =	stream.linear.gather [hbm4b:s12+s0], $0x5000, $0x38;
	[tilespmem:$0x1EB00] =	vst v63  }
0x1e: {  	_ =	swait.ge [sflag:s24], $0x5000  }
0x1f: {  	[sflag:s24] =	ssyncset.done $0x0  }
0x20: {  	s26 =	rddreg [dreg:$0x8];
	[sflag:s24] =	ssyncadd.s32 $0xFFFFB000  }
0x21: {  	[tilespmem:s25], [sflag:$0x9] =	stream.linear.gather [hbm4b:s26+s0], $0x5000, $0x38;
	[tilespmem:$0x1EB00] =	vst v63  }
0x22: {  	_ =	swait.ge [sflag:s24], $0x5000  }
0x23: {  	[sflag:s24] =	ssyncset.done $0x0  }
0x24: {  	s4 =	simm.s32 $0x0;
	s0 =	simm.s32 $0x40;
	[sflag:s24] =	ssyncadd.s32 $0xFFFFB000  }
.LBB2_2:
0x25: {  	p0 =	sne.s32 s0, $0x13C0;
	[tilespmem:s4+$0x13C80] =	vst v0;
	s4 =	smov.u32 s0;
	s0 =	sadd.s32 $0x40, s0  }
.Ltmp0:
0x26: {  	(pc) =	sbr.rel @p0 .LBB2_2-.Ltmp0, $2  }
0x27: {  	_ =	sdelay $0x2  }
0x28: {  	s4 =	sshra.s32 s4, $0x2  }
0x29: {  	[tilespmem:s4+$0x13C80] =	vst v0;
	s0 =	rddreg [dreg:$0x9];
	s26 =	simm.s32 $0x13C80  }
0x2a: {  	[spmem:s0] =	stream.linear.scatter [tilespmem:s26], [sflag:$0x9], $0x500, $0x38;
	[tilespmem:$0x1EB00] =	vst v63  }
0x2b: {  	_ =	swait.ge [sflag:s24], $0x500  }
0x2c: {  	[sflag:s24] =	ssyncset.done $0x0  }
0x2d: {  	[sflag:s24] =	ssyncadd.s32 $0xFFFFFB00  }
0x2e: {  	s4 =	simm.s32 $0x0;
	[bflag:$0x0] =	sbarrier.arrive $0xFFFF  }
.LBB2_4:
0x2f: {  	s9 =	smul.u32 $0x240, s4;
	_ =	sdelay $0x1  }
0x30: {  	s9 =	sadd.s32 s13, s9  }
0x31: {  	s11 =	rddreg [dreg:$0x1];
	s9 =	sshrl.u32 s9, $0x3  }
0x32: {  	[dreg:$0x17] =	wrdreg s4;
	s0 =	simm.s32 $0x0;
	s11 =	sadd.s32 s11, s9  }
0x33: {  	[tilespmem:s0], [sflag:$0x9] =	stream.linear.gather [hbm4b:s11+s0], $0x240, $0x38;
	[tilespmem:$0x1EB00] =	vst v63  }
0x34: {  	_ =	swait.ge [sflag:s24], $0x240  }
0x35: {  	[sflag:s24] =	ssyncset.done $0x0  }
0x36: {  	s26 =	simm.s32 $0x240;
	s9 =	sadd.s32 s7, s9;
	[sflag:s24] =	ssyncadd.s32 $0xFFFFFDC0  }
0x37: {  	[tilespmem:s26], [sflag:$0x9] =	stream.linear.gather [hbm4b:s9+s0], $0x240, $0x38;
	[tilespmem:$0x1EB00] =	vst v63  }
0x38: {  	s12 =	simm.s32 $0x14240;
	_ =	swait.ge [sflag:s24], $0x240  }
0x39: {  	s4 =	simm.s32 $0x14420;
	s7 =	simm.s32 $0x142A0;
	[sflag:s24] =	ssyncset.done $0x0  }
0x3a: {  	s9 =	simm.s32 $0x0;
	s0 =	simm.s32 $0x143C0;
	[sflag:s24] =	ssyncadd.s32 $0xFFFFFDC0  }
.LBB2_5:
0x3b: {  	p0 =	seq.s32 s9, $0x0  }
0x3c: {  	s11 =	simm.s32 @!p0 $0x7  }
0x3d: {  	_ =	swait.ge @!p0 [sflag:s11], $0x60  }
0x3e: {  	[sflag:s11] =	ssyncset.done @!p0 $0x0  }
0x3f: {  	[sflag:s11] =	ssyncadd.s32 @!p0 $0xFFFFFFA0  }
0x40: {  	_ =	swait.ge @!p0 [sflag:s11], $0x60  }
0x41: {  	[sflag:s11] =	ssyncset.done @!p0 $0x0  }
0x42: {  	s26 =	sshra.s32 s9, $0x2;
	[sflag:s11] =	ssyncadd.s32 @!p0 $0xFFFFFFA0  }
0x43: {  	v1 =	vld [tilespmem:s26+$0x0]  }
0x44: {  	v2 =	vld [tilespmem:s26+$0x240];
	_ =	sdelay $0x6  }
0x45: {  	v3 =	vld.idx.msk [tilespmem:v1+s23+$0x0], $0xffff  }
0x46: {  	v4 =	vld.idx.msk [tilespmem:v2+s25+$0x0], $0xffff;
	_ =	sdelay $0x4  }
0x47: {  	v3 =	vadd.f32 v4, v3;
	_ =	sdelay $0x1  }
0x48: {  	v4 =	vmul.f32 $2.000000030e-01, v3  }
0x49: {  	vm0 =	vge.f32 v3, $0.0e+00  }
0x4a: {  	v3 =	vsel vm0, v3, v4  }
0x4b: {  	v3 =	vmul.f32 $1.442695020e+00, v3;
	_ =	sdelay $0x1  }
0x4c: {  	(erf) = vpow2.f32 v3;
	_ =	sdelay $0x5  }
0x4d: {  	v1 =	vadd.s32 $0x2800, v1  }
0x4e: {  	v3 =	vadd.s32 $0x2800, v2;
	_ =	sdelay $0x1  }
0x4f: {  	[tilespmem:$0x14300] =	vst v2;
	v51 =	vpop (erf)  }
0x50: {  	[tilespmem:$0x14180] =	vst v51  }
0x51: {  	v1 =	vld.idx.msk [tilespmem:v1+s23+$0x0], $0xffff  }
0x52: {  	v2 =	vld.idx.msk [tilespmem:v3+s25+$0x0], $0xffff;
	_ =	sdelay $0x4  }
0x53: {  	v1 =	vadd.f32 v2, v1;
	_ =	sdelay $0x1  }
0x54: {  	v2 =	vmul.f32 $2.000000030e-01, v1  }
0x55: {  	vm5 =	vge.f32 v1, $0.0e+00  }
0x56: {  	v1 =	vsel vm5, v1, v2  }
0x57: {  	v1 =	vmul.f32 $1.442695020e+00, v1;
	_ =	sdelay $0x1  }
0x58: {  	(erf) = vpow2.f32 v1;
	_ =	sdelay $0x8  }
0x59: {  	[tilespmem:$0x14360] =	vst v3;
	v1 =	vpop (erf)  }
0x5a: {  	[tilespmem:$0x141E0] =	vst v1  }
0x5b: {  	v1 =	vld [tilespmem:s26+$0x10]  }
0x5c: {  	v2 =	vld [tilespmem:s26+$0x250];
	_ =	sdelay $0x6  }
0x5d: {  	v3 =	vld.idx.msk [tilespmem:v1+s23+$0x0], $0xffff  }
0x5e: {  	v4 =	vld.idx.msk [tilespmem:v2+s25+$0x0], $0xffff;
	_ =	sdelay $0x4  }
0x5f: {  	v3 =	vadd.f32 v4, v3;
	_ =	sdelay $0x1  }
0x60: {  	v4 =	vmul.f32 $2.000000030e-01, v3  }
0x61: {  	vm6 =	vge.f32 v3, $0.0e+00  }
0x62: {  	v3 =	vsel vm6, v3, v4  }
0x63: {  	v3 =	vmul.f32 $1.442695020e+00, v3;
	_ =	sdelay $0x1  }
0x64: {  	(erf) = vpow2.f32 v3;
	_ =	sdelay $0x5  }
0x65: {  	v1 =	vadd.s32 $0x2800, v1  }
0x66: {  	v3 =	vadd.s32 $0x2800, v2;
	_ =	sdelay $0x1  }
0x67: {  	[tilespmem:$0x14310] =	vst v2;
	v52 =	vpop (erf)  }
0x68: {  	[tilespmem:$0x14190] =	vst v52  }
0x69: {  	v1 =	vld.idx.msk [tilespmem:v1+s23+$0x0], $0xffff  }
0x6a: {  	v2 =	vld.idx.msk [tilespmem:v3+s25+$0x0], $0xffff;
	_ =	sdelay $0x4  }
0x6b: {  	v1 =	vadd.f32 v2, v1;
	_ =	sdelay $0x1  }
0x6c: {  	v2 =	vmul.f32 $2.000000030e-01, v1  }
0x6d: {  	vm7 =	vge.f32 v1, $0.0e+00  }
0x6e: {  	v1 =	vsel vm7, v1, v2  }
0x6f: {  	v1 =	vmul.f32 $1.442695020e+00, v1;
	_ =	sdelay $0x1  }
0x70: {  	(erf) = vpow2.f32 v1;
	_ =	sdelay $0x8  }
0x71: {  	[tilespmem:$0x14370] =	vst v3;
	v1 =	vpop (erf)  }
0x72: {  	[tilespmem:$0x141F0] =	vst v1  }
0x73: {  	v1 =	vld [tilespmem:s26+$0x20]  }
0x74: {  	v2 =	vld [tilespmem:s26+$0x260];
	_ =	sdelay $0x6  }
0x75: {  	v3 =	vld.idx.msk [tilespmem:v1+s23+$0x0], $0xffff  }
0x76: {  	v4 =	vld.idx.msk [tilespmem:v2+s25+$0x0], $0xffff;
	_ =	sdelay $0x4  }
0x77: {  	v3 =	vadd.f32 v4, v3;
	_ =	sdelay $0x1  }
0x78: {  	v4 =	vmul.f32 $2.000000030e-01, v3  }
0x79: {  	vm8 =	vge.f32 v3, $0.0e+00  }
0x7a: {  	v3 =	vsel vm8, v3, v4  }
0x7b: {  	v3 =	vmul.f32 $1.442695020e+00, v3;
	_ =	sdelay $0x1  }
0x7c: {  	(erf) = vpow2.f32 v3;
	_ =	sdelay $0x5  }
0x7d: {  	v1 =	vadd.s32 $0x2800, v1  }
0x7e: {  	v3 =	vadd.s32 $0x2800, v2;
	_ =	sdelay $0x1  }
0x7f: {  	[tilespmem:$0x14320] =	vst v2;
	v53 =	vpop (erf)  }
0x80: {  	[tilespmem:$0x141A0] =	vst v53  }
0x81: {  	v1 =	vld.idx.msk [tilespmem:v1+s23+$0x0], $0xffff  }
0x82: {  	v2 =	vld.idx.msk [tilespmem:v3+s25+$0x0], $0xffff;
	_ =	sdelay $0x4  }
0x83: {  	v1 =	vadd.f32 v2, v1;
	_ =	sdelay $0x1  }
0x84: {  	v2 =	vmul.f32 $2.000000030e-01, v1  }
0x85: {  	vm9 =	vge.f32 v1, $0.0e+00  }
0x86: {  	v1 =	vsel vm9, v1, v2  }
0x87: {  	v1 =	vmul.f32 $1.442695020e+00, v1;
	_ =	sdelay $0x1  }
0x88: {  	(erf) = vpow2.f32 v1;
	_ =	sdelay $0x8  }
0x89: {  	[tilespmem:$0x14380] =	vst v3;
	v1 =	vpop (erf)  }
0x8a: {  	[tilespmem:$0x14200] =	vst v1  }
0x8b: {  	v1 =	vld [tilespmem:s26+$0x30]  }
0x8c: {  	v2 =	vld [tilespmem:s26+$0x270];
	_ =	sdelay $0x6  }
0x8d: {  	v3 =	vld.idx.msk [tilespmem:v1+s23+$0x0], $0xffff  }
0x8e: {  	v4 =	vld.idx.msk [tilespmem:v2+s25+$0x0], $0xffff;
	_ =	sdelay $0x4  }
0x8f: {  	v3 =	vadd.f32 v4, v3;
	_ =	sdelay $0x1  }
0x90: {  	v4 =	vmul.f32 $2.000000030e-01, v3  }
0x91: {  	vm10 =	vge.f32 v3, $0.0e+00  }
0x92: {  	v3 =	vsel vm10, v3, v4  }
0x93: {  	v3 =	vmul.f32 $1.442695020e+00, v3;
	_ =	sdelay $0x1  }
0x94: {  	(erf) = vpow2.f32 v3;
	_ =	sdelay $0x5  }
0x95: {  	v1 =	vadd.s32 $0x2800, v1  }
0x96: {  	v3 =	vadd.s32 $0x2800, v2;
	_ =	sdelay $0x1  }
0x97: {  	[tilespmem:$0x14330] =	vst v2;
	v54 =	vpop (erf)  }
0x98: {  	[tilespmem:$0x141B0] =	vst v54  }
0x99: {  	v1 =	vld.idx.msk [tilespmem:v1+s23+$0x0], $0xffff  }
0x9a: {  	v2 =	vld.idx.msk [tilespmem:v3+s25+$0x0], $0xffff;
	_ =	sdelay $0x4  }
0x9b: {  	v1 =	vadd.f32 v2, v1;
	_ =	sdelay $0x1  }
0x9c: {  	v2 =	vmul.f32 $2.000000030e-01, v1  }
0x9d: {  	vm11 =	vge.f32 v1, $0.0e+00  }
0x9e: {  	v1 =	vsel vm11, v1, v2  }
0x9f: {  	v1 =	vmul.f32 $1.442695020e+00, v1;
	_ =	sdelay $0x1  }
0xa0: {  	(erf) = vpow2.f32 v1;
	_ =	sdelay $0x8  }
0xa1: {  	[tilespmem:$0x14390] =	vst v3;
	v1 =	vpop (erf)  }
0xa2: {  	[tilespmem:$0x14210] =	vst v1  }
0xa3: {  	v1 =	vld [tilespmem:s26+$0x40]  }
0xa4: {  	v2 =	vld [tilespmem:s26+$0x280];
	_ =	sdelay $0x6  }
0xa5: {  	v3 =	vld.idx.msk [tilespmem:v1+s23+$0x0], $0xffff  }
0xa6: {  	v4 =	vld.idx.msk [tilespmem:v2+s25+$0x0], $0xffff;
	_ =	sdelay $0x4  }
0xa7: {  	v3 =	vadd.f32 v4, v3;
	_ =	sdelay $0x1  }
0xa8: {  	v4 =	vmul.f32 $2.000000030e-01, v3  }
0xa9: {  	vm12 =	vge.f32 v3, $0.0e+00  }
0xaa: {  	v3 =	vsel vm12, v3, v4  }
0xab: {  	v3 =	vmul.f32 $1.442695020e+00, v3;
	_ =	sdelay $0x1  }
0xac: {  	(erf) = vpow2.f32 v3;
	_ =	sdelay $0x5  }
0xad: {  	v1 =	vadd.s32 $0x2800, v1  }
0xae: {  	v3 =	vadd.s32 $0x2800, v2;
	_ =	sdelay $0x1  }
0xaf: {  	[tilespmem:$0x14340] =	vst v2;
	v55 =	vpop (erf)  }
0xb0: {  	[tilespmem:$0x141C0] =	vst v55  }
0xb1: {  	v1 =	vld.idx.msk [tilespmem:v1+s23+$0x0], $0xffff  }
0xb2: {  	v2 =	vld.idx.msk [tilespmem:v3+s25+$0x0], $0xffff;
	_ =	sdelay $0x4  }
0xb3: {  	v1 =	vadd.f32 v2, v1;
	_ =	sdelay $0x1  }
0xb4: {  	v2 =	vmul.f32 $2.000000030e-01, v1  }
0xb5: {  	vm13 =	vge.f32 v1, $0.0e+00  }
0xb6: {  	v1 =	vsel vm13, v1, v2  }
0xb7: {  	v1 =	vmul.f32 $1.442695020e+00, v1;
	_ =	sdelay $0x1  }
0xb8: {  	(erf) = vpow2.f32 v1;
	_ =	sdelay $0x8  }
0xb9: {  	[tilespmem:$0x143A0] =	vst v3;
	v1 =	vpop (erf)  }
0xba: {  	[tilespmem:$0x14220] =	vst v1  }
0xbb: {  	v1 =	vld [tilespmem:s26+$0x50]  }
0xbc: {  	v2 =	vld [tilespmem:s26+$0x290];
	_ =	sdelay $0x6  }
0xbd: {  	v3 =	vld.idx.msk [tilespmem:v1+s23+$0x0], $0xffff  }
0xbe: {  	v4 =	vld.idx.msk [tilespmem:v2+s25+$0x0], $0xffff;
	_ =	sdelay $0x4  }
0xbf: {  	v3 =	vadd.f32 v4, v3;
	_ =	sdelay $0x1  }
0xc0: {  	v4 =	vmul.f32 $2.000000030e-01, v3  }
0xc1: {  	vm14 =	vge.f32 v3, $0.0e+00  }
0xc2: {  	v3 =	vsel vm14, v3, v4  }
0xc3: {  	v3 =	vmul.f32 $1.442695020e+00, v3;
	_ =	sdelay $0x1  }
0xc4: {  	(erf) = vpow2.f32 v3;
	_ =	sdelay $0x5  }
0xc5: {  	v1 =	vadd.s32 $0x2800, v1  }
0xc6: {  	v3 =	vadd.s32 $0x2800, v2;
	_ =	sdelay $0x1  }
0xc7: {  	[tilespmem:$0x14350] =	vst v2;
	v56 =	vpop (erf)  }
0xc8: {  	[tilespmem:$0x141D0] =	vst v56  }
0xc9: {  	v1 =	vld.idx.msk [tilespmem:v1+s23+$0x0], $0xffff  }
0xca: {  	v2 =	vld.idx.msk [tilespmem:v3+s25+$0x0], $0xffff;
	_ =	sdelay $0x4  }
0xcb: {  	v1 =	vadd.f32 v2, v1;
	_ =	sdelay $0x1  }
0xcc: {  	v2 =	vmul.f32 $2.000000030e-01, v1  }
0xcd: {  	vm15 =	vge.f32 v1, $0.0e+00  }
0xce: {  	v1 =	vsel vm15, v1, v2  }
0xcf: {  	v1 =	vmul.f32 $1.442695020e+00, v1;
	_ =	sdelay $0x1  }
0xd0: {  	(erf) = vpow2.f32 v1;
	_ =	sdelay $0x8  }
0xd1: {  	[tilespmem:$0x143B0] =	vst v3;
	v1 =	vpop (erf)  }
0xd2: {  	[tilespmem:$0x14230] =	vst v1  }
0xd3: {  	[spmem:s2] =	stream.indirect.scatter.add.f32 [tilespmem:s16], [sflag:$0x7], $0x1, s15, s29, $0xb8;
	[tilespmem:$0x1EB00] =	vst v63  }
0xd4: {  	s11 =	simm.s32 @!p0 $0x8  }
0xd5: {  	[spmem:s2] =	stream.indirect.scatter.add.f32 [tilespmem:s31], [sflag:$0x7], $0x1, s28, s29, $0xb8;
	[tilespmem:$0x1EB00] =	vst v63  }
0xd6: {  	_ =	swait.ge @!p0 [sflag:s11], $0x60  }
0xd7: {  	[sflag:s11] =	ssyncset.done @!p0 $0x0  }
0xd8: {  	[sflag:s11] =	ssyncadd.s32 @!p0 $0xFFFFFFA0  }
0xd9: {  	_ =	swait.ge @!p0 [sflag:s11], $0x60  }
0xda: {  	[sflag:s11] =	ssyncset.done @!p0 $0x0  }
0xdb: {  	[sflag:s11] =	ssyncadd.s32 @!p0 $0xFFFFFFA0  }
0xdc: {  	v1 =	vld [tilespmem:s26+$0x60]  }
0xdd: {  	v2 =	vld [tilespmem:s26+$0x2A0];
	_ =	sdelay $0x6  }
0xde: {  	v3 =	vld.idx.msk [tilespmem:v1+s23+$0x0], $0xffff  }
0xdf: {  	v57 =	vld.idx.msk [tilespmem:v2+s25+$0x0], $0xffff;
	_ =	sdelay $0x4  }
0xe0: {  	v3 =	vadd.f32 v57, v3;
	_ =	sdelay $0x1  }
0xe1: {  	v4 =	vmul.f32 $2.000000030e-01, v3  }
0xe2: {  	vm4 =	vge.f32 v3, $0.0e+00  }
0xe3: {  	v3 =	vsel vm4, v3, v4  }
0xe4: {  	v3 =	vmul.f32 $1.442695020e+00, v3;
	_ =	sdelay $0x1  }
0xe5: {  	(erf) = vpow2.f32 v3;
	_ =	sdelay $0x5  }
0xe6: {  	v1 =	vadd.s32 $0x2800, v1  }
0xe7: {  	v3 =	vadd.s32 $0x2800, v2;
	_ =	sdelay $0x1  }
0xe8: {  	[tilespmem:$0x143C0] =	vst v2;
	v58 =	vpop (erf)  }
0xe9: {  	[tilespmem:$0x14240] =	vst v58  }
0xea: {  	v1 =	vld.idx.msk [tilespmem:v1+s23+$0x0], $0xffff  }
0xeb: {  	v2 =	vld.idx.msk [tilespmem:v3+s25+$0x0], $0xffff;
	_ =	sdelay $0x4  }
0xec: {  	v1 =	vadd.f32 v2, v1;
	_ =	sdelay $0x1  }
0xed: {  	v2 =	vmul.f32 $2.000000030e-01, v1  }
0xee: {  	vm5 =	vge.f32 v1, $0.0e+00  }
0xef: {  	v1 =	vsel vm5, v1, v2  }
0xf0: {  	v1 =	vmul.f32 $1.442695020e+00, v1;
	_ =	sdelay $0x1  }
0xf1: {  	(erf) = vpow2.f32 v1;
	_ =	sdelay $0x8  }
0xf2: {  	[tilespmem:$0x14420] =	vst v3;
	v1 =	vpop (erf)  }
0xf3: {  	[tilespmem:$0x142A0] =	vst v1  }
0xf4: {  	v1 =	vld [tilespmem:s26+$0x70]  }
0xf5: {  	v2 =	vld [tilespmem:s26+$0x2B0];
	_ =	sdelay $0x6  }
0xf6: {  	v3 =	vld.idx.msk [tilespmem:v1+s23+$0x0], $0xffff  }
0xf7: {  	v4 =	vld.idx.msk [tilespmem:v2+s25+$0x0], $0xffff;
	_ =	sdelay $0x4  }
0xf8: {  	v3 =	vadd.f32 v4, v3;
	_ =	sdelay $0x1  }
0xf9: {  	v4 =	vmul.f32 $2.000000030e-01, v3  }
0xfa: {  	vm6 =	vge.f32 v3, $0.0e+00  }
0xfb: {  	v3 =	vsel vm6, v3, v4  }
0xfc: {  	v3 =	vmul.f32 $1.442695020e+00, v3;
	_ =	sdelay $0x1  }
0xfd: {  	(erf) = vpow2.f32 v3;
	_ =	sdelay $0x5  }
0xfe: {  	v1 =	vadd.s32 $0x2800, v1  }
0xff: {  	v3 =	vadd.s32 $0x2800, v2;
	_ =	sdelay $0x1  }
0x100: {  	[tilespmem:$0x143D0] =	vst v2;
	v59 =	vpop (erf)  }
0x101: {  	[tilespmem:$0x14250] =	vst v59  }
0x102: {  	v1 =	vld.idx.msk [tilespmem:v1+s23+$0x0], $0xffff  }
0x103: {  	v2 =	vld.idx.msk [tilespmem:v3+s25+$0x0], $0xffff;
	_ =	sdelay $0x4  }
0x104: {  	v1 =	vadd.f32 v2, v1;
	_ =	sdelay $0x1  }
0x105: {  	v2 =	vmul.f32 $2.000000030e-01, v1  }
0x106: {  	vm7 =	vge.f32 v1, $0.0e+00  }
0x107: {  	v1 =	vsel vm7, v1, v2  }
0x108: {  	v1 =	vmul.f32 $1.442695020e+00, v1;
	_ =	sdelay $0x1  }
0x109: {  	(erf) = vpow2.f32 v1;
	_ =	sdelay $0x8  }
0x10a: {  	[tilespmem:$0x14430] =	vst v3;
	v1 =	vpop (erf)  }
0x10b: {  	[tilespmem:$0x142B0] =	vst v1  }
0x10c: {  	v1 =	vld [tilespmem:s26+$0x80]  }
0x10d: {  	v2 =	vld [tilespmem:s26+$0x2C0];
	_ =	sdelay $0x6  }
0x10e: {  	v3 =	vld.idx.msk [tilespmem:v1+s23+$0x0], $0xffff  }
0x10f: {  	v4 =	vld.idx.msk [tilespmem:v2+s25+$0x0], $0xffff;
	_ =	sdelay $0x4  }
0x110: {  	v3 =	vadd.f32 v4, v3;
	_ =	sdelay $0x1  }
0x111: {  	v4 =	vmul.f32 $2.000000030e-01, v3  }
0x112: {  	vm8 =	vge.f32 v3, $0.0e+00  }
0x113: {  	v3 =	vsel vm8, v3, v4  }
0x114: {  	v3 =	vmul.f32 $1.442695020e+00, v3;
	_ =	sdelay $0x1  }
0x115: {  	(erf) = vpow2.f32 v3;
	_ =	sdelay $0x5  }
0x116: {  	v1 =	vadd.s32 $0x2800, v1  }
0x117: {  	v3 =	vadd.s32 $0x2800, v2;
	_ =	sdelay $0x1  }
0x118: {  	[tilespmem:$0x143E0] =	vst v2;
	v60 =	vpop (erf)  }
0x119: {  	[tilespmem:$0x14260] =	vst v60  }
0x11a: {  	v1 =	vld.idx.msk [tilespmem:v1+s23+$0x0], $0xffff  }
0x11b: {  	v2 =	vld.idx.msk [tilespmem:v3+s25+$0x0], $0xffff;
	_ =	sdelay $0x4  }
0x11c: {  	v1 =	vadd.f32 v2, v1;
	_ =	sdelay $0x1  }
0x11d: {  	v2 =	vmul.f32 $2.000000030e-01, v1  }
0x11e: {  	vm9 =	vge.f32 v1, $0.0e+00  }
0x11f: {  	v1 =	vsel vm9, v1, v2  }
0x120: {  	v1 =	vmul.f32 $1.442695020e+00, v1;
	_ =	sdelay $0x1  }
0x121: {  	(erf) = vpow2.f32 v1;
	_ =	sdelay $0x8  }
0x122: {  	[tilespmem:$0x14440] =	vst v3;
	v1 =	vpop (erf)  }
0x123: {  	[tilespmem:$0x142C0] =	vst v1  }
0x124: {  	v1 =	vld [tilespmem:s26+$0x90]  }
0x125: {  	v2 =	vld [tilespmem:s26+$0x2D0];
	_ =	sdelay $0x6  }
0x126: {  	v3 =	vld.idx.msk [tilespmem:v1+s23+$0x0], $0xffff  }
0x127: {  	v4 =	vld.idx.msk [tilespmem:v2+s25+$0x0], $0xffff;
	_ =	sdelay $0x4  }
0x128: {  	v3 =	vadd.f32 v4, v3;
	_ =	sdelay $0x1  }
0x129: {  	v4 =	vmul.f32 $2.000000030e-01, v3  }
0x12a: {  	vm10 =	vge.f32 v3, $0.0e+00  }
0x12b: {  	v3 =	vsel vm10, v3, v4  }
0x12c: {  	v3 =	vmul.f32 $1.442695020e+00, v3;
	_ =	sdelay $0x1  }
0x12d: {  	(erf) = vpow2.f32 v3;
	_ =	sdelay $0x5  }
0x12e: {  	v1 =	vadd.s32 $0x2800, v1  }
0x12f: {  	v3 =	vadd.s32 $0x2800, v2;
	_ =	sdelay $0x1  }
0x130: {  	[tilespmem:$0x143F0] =	vst v2;
	v61 =	vpop (erf)  }
0x131: {  	[tilespmem:$0x14270] =	vst v61  }
0x132: {  	v1 =	vld.idx.msk [tilespmem:v1+s23+$0x0], $0xffff  }
0x133: {  	v2 =	vld.idx.msk [tilespmem:v3+s25+$0x0], $0xffff;
	_ =	sdelay $0x4  }
0x134: {  	v1 =	vadd.f32 v2, v1;
	_ =	sdelay $0x1  }
0x135: {  	v2 =	vmul.f32 $2.000000030e-01, v1  }
0x136: {  	vm11 =	vge.f32 v1, $0.0e+00  }
0x137: {  	v1 =	vsel vm11, v1, v2  }
0x138: {  	v1 =	vmul.f32 $1.442695020e+00, v1;
	_ =	sdelay $0x1  }
0x139: {  	(erf) = vpow2.f32 v1;
	_ =	sdelay $0x8  }
0x13a: {  	[tilespmem:$0x14450] =	vst v3;
	v1 =	vpop (erf)  }
0x13b: {  	[tilespmem:$0x142D0] =	vst v1  }
0x13c: {  	v1 =	vld [tilespmem:s26+$0xA0]  }
0x13d: {  	v2 =	vld [tilespmem:s26+$0x2E0];
	_ =	sdelay $0x6  }
0x13e: {  	v3 =	vld.idx.msk [tilespmem:v1+s23+$0x0], $0xffff  }
0x13f: {  	v4 =	vld.idx.msk [tilespmem:v2+s25+$0x0], $0xffff;
	_ =	sdelay $0x4  }
0x140: {  	v3 =	vadd.f32 v4, v3;
	_ =	sdelay $0x1  }
0x141: {  	v4 =	vmul.f32 $2.000000030e-01, v3  }
0x142: {  	vm12 =	vge.f32 v3, $0.0e+00  }
0x143: {  	v3 =	vsel vm12, v3, v4  }
0x144: {  	v3 =	vmul.f32 $1.442695020e+00, v3;
	_ =	sdelay $0x1  }
0x145: {  	(erf) = vpow2.f32 v3;
	_ =	sdelay $0x5  }
0x146: {  	v1 =	vadd.s32 $0x2800, v1  }
0x147: {  	v3 =	vadd.s32 $0x2800, v2;
	_ =	sdelay $0x1  }
0x148: {  	[tilespmem:$0x14400] =	vst v2;
	v62 =	vpop (erf)  }
0x149: {  	[tilespmem:$0x14280] =	vst v62  }
0x14a: {  	v1 =	vld.idx.msk [tilespmem:v1+s23+$0x0], $0xffff  }
0x14b: {  	v2 =	vld.idx.msk [tilespmem:v3+s25+$0x0], $0xffff;
	_ =	sdelay $0x4  }
0x14c: {  	v1 =	vadd.f32 v2, v1;
	_ =	sdelay $0x1  }
0x14d: {  	v2 =	vmul.f32 $2.000000030e-01, v1  }
0x14e: {  	vm13 =	vge.f32 v1, $0.0e+00  }
0x14f: {  	v1 =	vsel vm13, v1, v2  }
0x150: {  	v1 =	vmul.f32 $1.442695020e+00, v1;
	_ =	sdelay $0x1  }
0x151: {  	(erf) = vpow2.f32 v1;
	_ =	sdelay $0x8  }
0x152: {  	[tilespmem:$0x14460] =	vst v3;
	v1 =	vpop (erf)  }
0x153: {  	[tilespmem:$0x142E0] =	vst v1  }
0x154: {  	v1 =	vld [tilespmem:s26+$0xB0]  }
0x155: {  	v2 =	vld [tilespmem:s26+$0x2F0];
	_ =	sdelay $0x6  }
0x156: {  	v3 =	vld.idx.msk [tilespmem:v1+s23+$0x0], $0xffff  }
0x157: {  	v4 =	vld.idx.msk [tilespmem:v2+s25+$0x0], $0xffff;
	_ =	sdelay $0x4  }
0x158: {  	v3 =	vadd.f32 v4, v3;
	_ =	sdelay $0x1  }
0x159: {  	v4 =	vmul.f32 $2.000000030e-01, v3  }
0x15a: {  	vm14 =	vge.f32 v3, $0.0e+00  }
0x15b: {  	v3 =	vsel vm14, v3, v4  }
0x15c: {  	v3 =	vmul.f32 $1.442695020e+00, v3;
	_ =	sdelay $0x1  }
0x15d: {  	(erf) = vpow2.f32 v3;
	_ =	sdelay $0x5  }
0x15e: {  	v1 =	vadd.s32 $0x2800, v1  }
0x15f: {  	v3 =	vadd.s32 $0x2800, v2;
	_ =	sdelay $0x1  }
0x160: {  	[tilespmem:$0x14410] =	vst v2;
	v63 =	vpop (erf)  }
0x161: {  	[tilespmem:$0x14290] =	vst v63  }
0x162: {  	v1 =	vld.idx.msk [tilespmem:v1+s23+$0x0], $0xffff  }
0x163: {  	v2 =	vld.idx.msk [tilespmem:v3+s25+$0x0], $0xffff;
	_ =	sdelay $0x4  }
0x164: {  	v1 =	vadd.f32 v2, v1;
	_ =	sdelay $0x1  }
0x165: {  	v2 =	vmul.f32 $2.000000030e-01, v1  }
0x166: {  	vm15 =	vge.f32 v1, $0.0e+00  }
0x167: {  	v1 =	vsel vm15, v1, v2  }
0x168: {  	v1 =	vmul.f32 $1.442695020e+00, v1;
	_ =	sdelay $0x1  }
0x169: {  	(erf) = vpow2.f32 v1;
	_ =	sdelay $0x6  }
0x16a: {  	s9 =	sadd.s32 $0x300, s9  }
0x16b: {  	p0 =	sne.s32 s9, $0x900  }
.Ltmp1:
0x16c: {  	[tilespmem:$0x14470] =	vst v3;
	v1 =	vpop (erf);
	(pc) =	sbr.rel @p0 .LBB2_5-.Ltmp1, $4  }
0x16d: {  	[tilespmem:$0x142F0] =	vst v1  }
0x16e: {  	[spmem:s2] =	stream.indirect.scatter.add.f32 [tilespmem:s12], [sflag:$0x8], $0x1, s0, s29, $0xb8;
	[tilespmem:$0x1EB00] =	vst v63  }
0x16f: {  	_ = 	snop  }
0x170: {  	[spmem:s2] =	stream.indirect.scatter.add.f32 [tilespmem:s7], [sflag:$0x8], $0x1, s4, s29, $0xb8;
	[tilespmem:$0x1EB00] =	vst v63  }
0x171: {  	s0 =	simm.s32 $0x7  }
0x172: {  	_ =	swait.ge [sflag:s0], $0x60  }
0x173: {  	[sflag:s0] =	ssyncset.done $0x0  }
0x174: {  	[sflag:s0] =	ssyncadd.s32 $0xFFFFFFA0  }
0x175: {  	_ =	swait.ge [sflag:s0], $0x60  }
0x176: {  	[sflag:s0] =	ssyncset.done $0x0  }
0x177: {  	s26 =	simm.s32 $0x8;
	[sflag:s0] =	ssyncadd.s32 $0xFFFFFFA0  }
0x178: {  	_ =	swait.ge [sflag:s26], $0x60  }
0x179: {  	[sflag:s26] =	ssyncset.done $0x0  }
0x17a: {  	[sflag:s26] =	ssyncadd.s32 $0xFFFFFFA0  }
0x17b: {  	_ =	swait.ge [sflag:s26], $0x60  }
0x17c: {  	s4 =	rddreg [dreg:$0x17]  }
0x17d: {  	s4 =	sadd.s32 $0x1, s4  }
0x17e: {  	p0 =	sne.s32 s4, $0x24  }
.Ltmp2:
0x17f: {  	_ = 	snop;
	(pc) =	sbr.rel @p0 .LBB2_4-.Ltmp2, $3  }
0x180: {  	_ =	sdelay $0x1  }
0x181: {  	[sflag:s26] =	ssyncset.done $0x0  }
0x182: {  	s7 =	rddreg [dreg:$0x13];
	[sflag:s26] =	ssyncadd.s32 $0xFFFFFFA0  }
0x183: {  	[bflag:$0x0] =	sbarrier.arrive $0xFFFF  }
0x184: {  	[tilespmem:s8], [sflag:$0x9] =	stream.linear.gather [spmem:s2], $0x5000, $0x38;
	[tilespmem:$0x1EB00] =	vst v63  }
0x185: {  	_ =	swait.ge [sflag:s24], $0x5000  }
0x186: {  	[sflag:s24] =	ssyncset.done $0x0  }
0x187: {  	s11 =	simm.s32 $0x0;
	s12 =	rddreg [dreg:$0xa];
	[sflag:s24] =	ssyncadd.s32 $0xFFFFB000  }
.LBB2_8:
0x188: {  	s4 =	simm.s32 $0x100;
	s0 =	simm.s32 $0x0  }
.LBB2_9:
0x189: {  	p0 =	sne.s32 s4, $0x5F00;
	[tilespmem:s0+$0xF4B0] =	vst v0;
	s9 =	smov.u32 s4;
	s4 =	sadd.s32 $0x100, s4  }
.Ltmp3:
0x18a: {  	[tilespmem:s0+$0xF4A0] =	vst v0;
	(pc) =	sbr.rel @p0 .LBB2_9-.Ltmp3, $3  }
0x18b: {  	[tilespmem:s0+$0xF480] =	vst v0  }
0x18c: {  	[tilespmem:s0+$0xF490] =	vst v0;
	_ =	sdelay $0x1  }
0x18d: {  	s0 =	sshra.s32 s9, $0x2  }
0x18e: {  	[tilespmem:s0+$0xF4B0] =	vst v0  }
0x18f: {  	[tilespmem:s0+$0xF4A0] =	vst v0  }
0x190: {  	[tilespmem:s0+$0xF480] =	vst v0  }
0x191: {  	[tilespmem:s0+$0xF490] =	vst v0  }
0x192: {  	[spmem:s12] =	stream.linear.scatter [tilespmem:s10], [sflag:$0x9], $0x1800, $0x38;
	[tilespmem:$0x1EB00] =	vst v63  }
0x193: {  	_ =	swait.ge [sflag:s24], $0x1800  }
0x194: {  	[sflag:s24] =	ssyncset.done $0x0  }
0x195: {  	s28 =	rddreg [dreg:$0xc];
	[sflag:s24] =	ssyncadd.s32 $0xFFFFE800  }
0x196: {  	[spmem:s28] =	stream.linear.scatter [tilespmem:s10], [sflag:$0x9], $0x1800, $0x38;
	[tilespmem:$0x1EB00] =	vst v63  }
0x197: {  	_ =	swait.ge [sflag:s24], $0x1800  }
0x198: {  	[sflag:s24] =	ssyncset.done $0x0  }
0x199: {  	s4 =	rddreg [dreg:$0xd];
	[sflag:s24] =	ssyncadd.s32 $0xFFFFE800  }
0x19a: {  	[spmem:s4] =	stream.linear.scatter [tilespmem:s10], [sflag:$0x9], $0x1800, $0x38;
	[tilespmem:$0x1EB00] =	vst v63  }
0x19b: {  	_ =	swait.ge [sflag:s24], $0x1800  }
0x19c: {  	[sflag:s24] =	ssyncset.done $0x0  }
0x19d: {  	s9 =	rddreg [dreg:$0xe];
	[sflag:s24] =	ssyncadd.s32 $0xFFFFE800  }
0x19e: {  	[spmem:s9] =	stream.linear.scatter [tilespmem:s10], [sflag:$0x9], $0x1800, $0x38;
	[tilespmem:$0x1EB00] =	vst v63  }
0x19f: {  	_ =	swait.ge [sflag:s24], $0x1800  }
0x1a0: {  	[sflag:s24] =	ssyncset.done $0x0  }
0x1a1: {  	s12 =	rddreg [dreg:$0xf];
	[sflag:s24] =	ssyncadd.s32 $0xFFFFE800  }
0x1a2: {  	[spmem:s12] =	stream.linear.scatter [tilespmem:s10], [sflag:$0x9], $0x1800, $0x38;
	[tilespmem:$0x1EB00] =	vst v63  }
0x1a3: {  	_ =	swait.ge [sflag:s24], $0x1800  }
0x1a4: {  	[dreg:$0x15] =	wrdreg s11;
	[sflag:s24] =	ssyncset.done $0x0  }
0x1a5: {  	s15 =	sshrl.u32 s11, $0x1;
	s16 =	rddreg [dreg:$0x10];
	[sflag:s24] =	ssyncadd.s32 $0xFFFFE800  }
0x1a6: {  	[spmem:s16] =	stream.linear.scatter [tilespmem:s10], [sflag:$0x9], $0x1800, $0x38;
	[tilespmem:$0x1EB00] =	vst v63  }
0x1a7: {  	s4 =	sshll.u32 s15, $0x3;
	_ =	swait.ge [sflag:s24], $0x1800  }
0x1a8: {  	s9 =	sshll.u32 s11, $0x2;
	s26 =	rddreg [dreg:$0x7];
	[sflag:s24] =	ssyncset.done $0x0  }
0x1a9: {  	s4 =	ssub.s32 s9, s4;
	s28 =	rddreg [dreg:$0x11];
	[sflag:s24] =	ssyncadd.s32 $0xFFFFE800  }
0x1aa: {  	[spmem:s28] =	stream.linear.scatter [tilespmem:s10], [sflag:$0x9], $0x1000, $0x38;
	[tilespmem:$0x1EB00] =	vst v63  }
0x1ab: {  	s4 =	sor.u32 s26, s4;
	_ =	swait.ge [sflag:s24], $0x1000  }
0x1ac: {  	s0 =	smul.u32 $0x2800, s15;
	s4 =	sadd.s32 s15, s4;
	[sflag:s24] =	ssyncset.done $0x0  }
0x1ad: {  	s4 =	smul.u32 $0x2800, s4;
	[sflag:s24] =	ssyncadd.s32 $0xFFFFF000  }
0x1ae: {  	[bflag:$0x0] =	sbarrier.arrive $0xFFFF  }
0x1af: {  	s31 =	simm.s32 $0x0;
	v2 =	vmov s0;
	s0 =	simm.s32 $0x0;
	v1 =	vmov s4;
	[dreg:$0x16] =	wrdreg s4  }
.LBB2_11:
0x1b0: {  	s4 =	smul.u32 $0x240, s0;
	_ =	sdelay $0x1  }
0x1b1: {  	s4 =	sadd.s32 s13, s4  }
0x1b2: {  	s9 =	rddreg [dreg:$0x1];
	s4 =	sshrl.u32 s4, $0x3  }
0x1b3: {  	s9 =	sadd.s32 s9, s4  }
0x1b4: {  	[tilespmem:s31], [sflag:$0x9] =	stream.linear.gather [hbm4b:s9+s31], $0x240, $0x38;
	[tilespmem:$0x1EB00] =	vst v63  }
0x1b5: {  	_ =	swait.ge [sflag:s24], $0x240  }
0x1b6: {  	[sflag:s24] =	ssyncset.done $0x0  }
0x1b7: {  	s16 =	simm.s32 $0x240;
	s4 =	sadd.s32 s7, s4;
	[sflag:s24] =	ssyncadd.s32 $0xFFFFFDC0  }
0x1b8: {  	[tilespmem:s16], [sflag:$0x9] =	stream.linear.gather [hbm4b:s4+s31], $0x240, $0x38;
	[tilespmem:$0x1EB00] =	vst v63  }
0x1b9: {  	_ =	swait.ge [sflag:s24], $0x240  }
0x1ba: {  	[sflag:s24] =	ssyncset.done $0x0  }
0x1bb: {  	[sflag:s24] =	ssyncadd.s32 $0xFFFFFDC0  }
0x1bc: {  	v3 =	vld [tilespmem:$0x0]  }
0x1bd: {  	v4 =	vld [tilespmem:$0x10]  }
0x1be: {  	v5 =	vld [tilespmem:$0x20]  }
0x1bf: {  	v6 =	vld [tilespmem:$0x30]  }
0x1c0: {  	v7 =	vld [tilespmem:$0x40]  }
0x1c1: {  	v8 =	vld [tilespmem:$0x50];
	v3 =	vadd.s32 v1, v3  }
0x1c2: {  	[tilespmem:$0x14480] =	vst v3;
	v3 =	vadd.s32 v1, v4  }
0x1c3: {  	[tilespmem:$0x14490] =	vst v3;
	v3 =	vadd.s32 v1, v5  }
0x1c4: {  	[tilespmem:$0x144A0] =	vst v3;
	v3 =	vadd.s32 v1, v6  }
0x1c5: {  	[tilespmem:$0x144B0] =	vst v3;
	v3 =	vadd.s32 v1, v7  }
0x1c6: {  	[tilespmem:$0x144C0] =	vst v3;
	v3 =	vadd.s32 v1, v8  }
0x1c7: {  	s26 =	simm.s32 $0x14480;
	[tilespmem:$0x144D0] =	vst v3  }
0x1c8: {  	[tilespmem:s10], [sflag:$0x1] =	stream.indirect.gather [hbm4b:s5+s29], $0x40, s26, s29, $0xb8;
	[tilespmem:$0x1EB00] =	vst v63  }
0x1c9: {  	v3 =	vld [tilespmem:$0x60]  }
0x1ca: {  	v59 =	vld [tilespmem:$0x70]  }
0x1cb: {  	v60 =	vld [tilespmem:$0x80]  }
0x1cc: {  	v61 =	vld [tilespmem:$0x90]  }
0x1cd: {  	v62 =	vld [tilespmem:$0xA0]  }
0x1ce: {  	v63 =	vld [tilespmem:$0xB0];
	v3 =	vadd.s32 v1, v3  }
0x1cf: {  	[tilespmem:$0x144E0] =	vst v3;
	v3 =	vadd.s32 v1, v59  }
0x1d0: {  	[tilespmem:$0x144F0] =	vst v3;
	v3 =	vadd.s32 v1, v60  }
0x1d1: {  	[tilespmem:$0x14500] =	vst v3;
	v3 =	vadd.s32 v1, v61  }
0x1d2: {  	[tilespmem:$0x14510] =	vst v3;
	v3 =	vadd.s32 v1, v62  }
0x1d3: {  	[tilespmem:$0x14520] =	vst v3;
	v3 =	vadd.s32 v1, v63  }
0x1d4: {  	s28 =	simm.s32 $0x144E0;
	p1 =	por $0x1, $0x1;
	s11 =	simm.s32 $0x0;
	[tilespmem:$0x14530] =	vst v3  }
0x1d5: {  	[tilespmem:s17], [sflag:$0x2] =	stream.indirect.gather [hbm4b:s5+s29], $0x40, s28, s29, $0xb8;
	[tilespmem:$0x1EB00] =	vst v63  }
.LBB2_12:
0x1d6: {  	s9 =	smul.u32 $0x3, s11;
	_ =	swait.ge [sflag:s18], $0x1800  }
0x1d7: {  	[sflag:s18] =	ssyncset.done $0x0  }
0x1d8: {  	s12 =	simm.s32 @!p1 $0x6;
	[sflag:s18] =	ssyncadd.s32 $0xFFFFE800;
	s4 =	sadd.s32 $0x2, s9  }
0x1d9: {  	_ =	swait.ge @!p1 [sflag:s12], $0x1800;
	s15 =	smul.u32 $0x180, s4  }
0x1da: {  	[sflag:s12] =	ssyncset.done @!p1 $0x0  }
0x1db: {  	[sflag:s12] =	ssyncadd.s32 @!p1 $0xFFFFE800;
	s26 =	sshra.s32 s15, $0x2  }
0x1dc: {  	v3 =	vld [tilespmem:s26+$0x0];
	_ =	sdelay $0x4  }
0x1dd: {  	v3 =	vadd.s32 v1, v3  }
0x1de: {  	[tilespmem:$0x14540] =	vst v3  }
0x1df: {  	v3 =	vld [tilespmem:s26+$0x10];
	_ =	sdelay $0x4  }
0x1e0: {  	v3 =	vadd.s32 v1, v3  }
0x1e1: {  	[tilespmem:$0x14550] =	vst v3  }
0x1e2: {  	v3 =	vld [tilespmem:s26+$0x20];
	_ =	sdelay $0x4  }
0x1e3: {  	v3 =	vadd.s32 v1, v3  }
0x1e4: {  	[tilespmem:$0x14560] =	vst v3  }
0x1e5: {  	v3 =	vld [tilespmem:s26+$0x30];
	_ =	sdelay $0x4  }
0x1e6: {  	v3 =	vadd.s32 v1, v3  }
0x1e7: {  	[tilespmem:$0x14570] =	vst v3  }
0x1e8: {  	v3 =	vld [tilespmem:s26+$0x40];
	_ =	sdelay $0x4  }
0x1e9: {  	v3 =	vadd.s32 v1, v3  }
0x1ea: {  	[tilespmem:$0x14580] =	vst v3  }
0x1eb: {  	v3 =	vld [tilespmem:s26+$0x50];
	_ =	sdelay $0x4  }
0x1ec: {  	v3 =	vadd.s32 v1, v3  }
0x1ed: {  	s16 =	smul.u32 $0x120, s11;
	[tilespmem:$0x14590] =	vst v3  }
0x1ee: {  	[tilespmem:s20], [sflag:$0x3] =	stream.indirect.gather [hbm4b:s5+s29], $0x40, s19, s29, $0xb8;
	[tilespmem:$0x1EB00] =	vst v63  }
0x1ef: {  	v3 =	vld [tilespmem:s16+$0x0]  }
0x1f0: {  	v4 =	vld [tilespmem:s16+$0x240];
	_ =	sdelay $0x3  }
0x1f1: {  	v3 =	vadd.s32 v2, v3  }
0x1f2: {  	v4 =	vadd.s32 v2, v4;
	_ =	sdelay $0x3  }
0x1f3: {  	v3 =	vld.idx.msk [tilespmem:v3+s23+$0x0], $0xffff  }
0x1f4: {  	v5 =	vld.idx.msk [tilespmem:v4+s25+$0x0], $0xffff;
	_ =	sdelay $0x4  }
0x1f5: {  	v3 =	vadd.f32 v5, v3;
	_ =	sdelay $0x1  }
0x1f6: {  	v5 =	vmul.f32 $2.000000030e-01, v3  }
0x1f7: {  	v4 =	vld.idx.msk [tilespmem:v4+s8+$0x0], $0xffff;
	vm0 =	vge.f32 v3, $0.0e+00  }
0x1f8: {  	v3 =	vsel vm0, v3, v5  }
0x1f9: {  	v3 =	vmul.f32 $1.442695020e+00, v3;
	_ =	sdelay $0x1  }
0x1fa: {  	(erf) = vpow2.f32 v3  }
0x1fb: {  	(erf) = vrcp.f32 v4;
	_ =	sdelay $0x7  }
0x1fc: {  	v3 =	vpop (erf)  }
0x1fd: {  	v4 =	vpop (erf)  }
0x1fe: {  	v3 =	vmul.f32 v3, v4;
	_ =	sdelay $0x1  }
0x1ff: {  	[tilespmem:$0x145A0] =	vst v3  }
0x200: {  	v3 =	vld [tilespmem:s16+$0x10]  }
0x201: {  	v4 =	vld [tilespmem:s16+$0x250];
	_ =	sdelay $0x3  }
0x202: {  	v3 =	vadd.s32 v2, v3  }
0x203: {  	v4 =	vadd.s32 v2, v4;
	_ =	sdelay $0x3  }
0x204: {  	v3 =	vld.idx.msk [tilespmem:v3+s23+$0x0], $0xffff  }
0x205: {  	v5 =	vld.idx.msk [tilespmem:v4+s25+$0x0], $0xffff;
	_ =	sdelay $0x4  }
0x206: {  	v3 =	vadd.f32 v5, v3;
	_ =	sdelay $0x1  }
0x207: {  	v5 =	vmul.f32 $2.000000030e-01, v3  }
0x208: {  	v4 =	vld.idx.msk [tilespmem:v4+s8+$0x0], $0xffff;
	vm11 =	vge.f32 v3, $0.0e+00  }
0x209: {  	v3 =	vsel vm11, v3, v5  }
0x20a: {  	v3 =	vmul.f32 $1.442695020e+00, v3;
	_ =	sdelay $0x1  }
0x20b: {  	(erf) = vpow2.f32 v3  }
0x20c: {  	(erf) = vrcp.f32 v4;
	_ =	sdelay $0x7  }
0x20d: {  	v3 =	vpop (erf)  }
0x20e: {  	v4 =	vpop (erf)  }
0x20f: {  	v3 =	vmul.f32 v3, v4;
	_ =	sdelay $0x1  }
0x210: {  	[tilespmem:$0x145B0] =	vst v3  }
0x211: {  	v3 =	vld [tilespmem:s16+$0x20]  }
0x212: {  	v4 =	vld [tilespmem:s16+$0x260];
	_ =	sdelay $0x3  }
0x213: {  	v3 =	vadd.s32 v2, v3  }
0x214: {  	v4 =	vadd.s32 v2, v4;
	_ =	sdelay $0x3  }
0x215: {  	v3 =	vld.idx.msk [tilespmem:v3+s23+$0x0], $0xffff  }
0x216: {  	v5 =	vld.idx.msk [tilespmem:v4+s25+$0x0], $0xffff;
	_ =	sdelay $0x4  }
0x217: {  	v3 =	vadd.f32 v5, v3;
	_ =	sdelay $0x1  }
0x218: {  	v5 =	vmul.f32 $2.000000030e-01, v3  }
0x219: {  	v4 =	vld.idx.msk [tilespmem:v4+s8+$0x0], $0xffff;
	vm12 =	vge.f32 v3, $0.0e+00  }
0x21a: {  	v3 =	vsel vm12, v3, v5  }
0x21b: {  	v3 =	vmul.f32 $1.442695020e+00, v3;
	_ =	sdelay $0x1  }
0x21c: {  	(erf) = vpow2.f32 v3  }
0x21d: {  	(erf) = vrcp.f32 v4;
	_ =	sdelay $0x7  }
0x21e: {  	v3 =	vpop (erf)  }
0x21f: {  	v4 =	vpop (erf)  }
0x220: {  	v3 =	vmul.f32 v3, v4;
	_ =	sdelay $0x1  }
0x221: {  	[tilespmem:$0x145C0] =	vst v3  }
0x222: {  	v3 =	vld [tilespmem:s16+$0x30]  }
0x223: {  	v4 =	vld [tilespmem:s16+$0x270];
	_ =	sdelay $0x3  }
0x224: {  	v3 =	vadd.s32 v2, v3  }
0x225: {  	v4 =	vadd.s32 v2, v4;
	_ =	sdelay $0x3  }
0x226: {  	v3 =	vld.idx.msk [tilespmem:v3+s23+$0x0], $0xffff  }
0x227: {  	v5 =	vld.idx.msk [tilespmem:v4+s25+$0x0], $0xffff;
	_ =	sdelay $0x4  }
0x228: {  	v3 =	vadd.f32 v5, v3;
	_ =	sdelay $0x1  }
0x229: {  	v5 =	vmul.f32 $2.000000030e-01, v3  }
0x22a: {  	v4 =	vld.idx.msk [tilespmem:v4+s8+$0x0], $0xffff;
	vm13 =	vge.f32 v3, $0.0e+00  }
0x22b: {  	v3 =	vsel vm13, v3, v5  }
0x22c: {  	v3 =	vmul.f32 $1.442695020e+00, v3;
	_ =	sdelay $0x1  }
0x22d: {  	(erf) = vpow2.f32 v3  }
0x22e: {  	(erf) = vrcp.f32 v4;
	_ =	sdelay $0x7  }
0x22f: {  	v3 =	vpop (erf)  }
0x230: {  	v4 =	vpop (erf)  }
0x231: {  	v3 =	vmul.f32 v3, v4;
	_ =	sdelay $0x1  }
0x232: {  	[tilespmem:$0x145D0] =	vst v3  }
0x233: {  	v3 =	vld [tilespmem:s16+$0x40]  }
0x234: {  	v4 =	vld [tilespmem:s16+$0x280];
	_ =	sdelay $0x3  }
0x235: {  	v3 =	vadd.s32 v2, v3  }
0x236: {  	v4 =	vadd.s32 v2, v4;
	_ =	sdelay $0x3  }
0x237: {  	v3 =	vld.idx.msk [tilespmem:v3+s23+$0x0], $0xffff  }
0x238: {  	v5 =	vld.idx.msk [tilespmem:v4+s25+$0x0], $0xffff;
	_ =	sdelay $0x4  }
0x239: {  	v3 =	vadd.f32 v5, v3;
	_ =	sdelay $0x1  }
0x23a: {  	v5 =	vmul.f32 $2.000000030e-01, v3  }
0x23b: {  	v4 =	vld.idx.msk [tilespmem:v4+s8+$0x0], $0xffff;
	vm14 =	vge.f32 v3, $0.0e+00  }
0x23c: {  	v3 =	vsel vm14, v3, v5  }
0x23d: {  	v3 =	vmul.f32 $1.442695020e+00, v3;
	_ =	sdelay $0x1  }
0x23e: {  	(erf) = vpow2.f32 v3  }
0x23f: {  	(erf) = vrcp.f32 v4;
	_ =	sdelay $0x7  }
0x240: {  	v3 =	vpop (erf)  }
0x241: {  	v4 =	vpop (erf)  }
0x242: {  	v3 =	vmul.f32 v3, v4;
	_ =	sdelay $0x1  }
0x243: {  	[tilespmem:$0x145E0] =	vst v3  }
0x244: {  	v3 =	vld [tilespmem:s16+$0x50]  }
0x245: {  	v4 =	vld [tilespmem:s16+$0x290];
	_ =	sdelay $0x3  }
0x246: {  	v3 =	vadd.s32 v2, v3  }
0x247: {  	v4 =	vadd.s32 v2, v4;
	_ =	sdelay $0x3  }
0x248: {  	v3 =	vld.idx.msk [tilespmem:v3+s23+$0x0], $0xffff  }
0x249: {  	v5 =	vld.idx.msk [tilespmem:v4+s25+$0x0], $0xffff;
	_ =	sdelay $0x4  }
0x24a: {  	v3 =	vadd.f32 v5, v3;
	_ =	sdelay $0x1  }
0x24b: {  	v5 =	vmul.f32 $2.000000030e-01, v3  }
0x24c: {  	v4 =	vld.idx.msk [tilespmem:v4+s8+$0x0], $0xffff;
	vm15 =	vge.f32 v3, $0.0e+00  }
0x24d: {  	v3 =	vsel vm15, v3, v5  }
0x24e: {  	v3 =	vmul.f32 $1.442695020e+00, v3;
	_ =	sdelay $0x1  }
0x24f: {  	(erf) = vpow2.f32 v3  }
0x250: {  	(erf) = vrcp.f32 v4;
	_ =	sdelay $0x7  }
0x251: {  	v3 =	vpop (erf)  }
0x252: {  	s28 =	simm.s32 $0x0;
	v4 =	vpop (erf)  }
0x253: {  	v3 =	vmul.f32 v3, v4;
	v4 =	vmov s28;
	_ =	sdelay $0x1  }
0x254: {  	s12 =	simm.s32 $0xF4A0;
	[tilespmem:$0x145F0] =	vst v3  }
0x255: {  	v5 =	vld [tilespmem:s12+$0xFFFFFFF0]  }
0x256: {  	v3 =	vld [tilespmem:s12+$0x10]  }
0x257: {  	v8 =	vld.idx.msk [tilespmem:v4+s21+$0x0], $0xffff  }
0x258: {  	v4 =	vld [tilespmem:s12+$0xFFFFFFE0]  }
0x259: {  	v9 =	vld [tilespmem:s12+$0x0];
	_ =	sdelay $0x3  }
0x25a: {  	s16 =	simm.s32 $0x1;
	v4 =	vmul.f32 v4, v8;
	v7 =	vmul.f32 v3, v8  }
0x25b: {  	p0 =	por p1, p1;
	s15 =	simm.s32 $0x2;
	v3 =	vmov s16;
	v6 =	vmul.f32 v5, v8;
	v5 =	vmul.f32 v9, v8;
	s16 =	simm.s32 $0xF4A0  }
.LBB2_13:
0x25c: {  	p1 =	sne.s32 s15, $0x5F  }
0x25d: {  	[tilespmem:s12+$0x10] =	vst v7;
	s16 =	sadd.s32 $0x40, s16;
	s28 =	smov.u32 s15;
	s15 =	sadd.s32 $0x1, s15  }
0x25e: {  	[tilespmem:s12+$0xFFFFFFE0] =	vst v4  }
0x25f: {  	v8 =	vld [tilespmem:s16+$0xFFFFFFF0];
	[tilespmem:s12+$0xFFFFFFF0] =	vst v6  }
0x260: {  	v6 =	vld [tilespmem:s16+$0x10];
	[tilespmem:s12+$0x0] =	vst v5;
	s12 =	smov.u32 s16  }
0x261: {  	v5 =	vld.idx.msk [tilespmem:v3+s21+$0x0], $0xffff  }
0x262: {  	v3 =	vld [tilespmem:s16+$0xFFFFFFE0]  }
0x263: {  	v9 =	vld [tilespmem:s16+$0x0]  }
.Ltmp4:
0x264: {  	(pc) =	sbr.rel @p1 .LBB2_13-.Ltmp4, $3  }
0x265: {  	_ =	sdelay $0x1  }
0x266: {  	v7 =	vmul.f32 v6, v5;
	v4 =	vmul.f32 v3, v5  }
0x267: {  	v6 =	vmul.f32 v8, v5;
	v3 =	vmov s28;
	v5 =	vmul.f32 v9, v5  }
0x268: {  	[tilespmem:s12+$0x10] =	vst v7  }
0x269: {  	s15 =	sadd.s32 $0x40, s16;
	[tilespmem:s12+$0xFFFFFFE0] =	vst v4  }
0x26a: {  	v4 =	vld [tilespmem:s15+$0xFFFFFFF0];
	[tilespmem:s12+$0xFFFFFFF0] =	vst v6  }
0x26b: {  	v6 =	vld [tilespmem:s15+$0x10];
	[tilespmem:s12+$0x0] =	vst v5  }
0x26c: {  	v3 =	vld.idx.msk [tilespmem:v3+s21+$0x0], $0xffff  }
0x26d: {  	v5 =	vld [tilespmem:s15+$0xFFFFFFE0];
	_ =	sdelay $0x1  }
0x26e: {  	v7 =	vld [tilespmem:s15+$0x0];
	_ =	sdelay $0x1  }
0x26f: {  	v6 =	vmul.f32 v6, v3  }
0x270: {  	v5 =	vmul.f32 v5, v3  }
0x271: {  	s11 =	smul.u32 $0x480, s11;
	v4 =	vmul.f32 v4, v3;
	[tilespmem:s15+$0x10] =	vst v6  }
0x272: {  	v3 =	vmul.f32 v7, v3;
	[tilespmem:s15+$0xFFFFFFE0] =	vst v5  }
0x273: {  	s11 =	sshra.s32 s11, $0x2;
	[tilespmem:s15+$0xFFFFFFF0] =	vst v4  }
0x274: {  	s11 =	sadd.s32 $0x240, s11;
	[tilespmem:s15+$0x0] =	vst v3  }
0x275: {  	[spmem:s3] =	stream.indirect.scatter.add.f32 [tilespmem:s10], [sflag:$0x4], $0x40, s11, s29, $0xb8;
	[tilespmem:$0x1EB00] =	vst v63  }
0x276: {  	_ =	swait.ge [sflag:s14], $0x1800  }
0x277: {  	[sflag:s14] =	ssyncset.done $0x0  }
0x278: {  	s11 =	simm.s32 @p0 $0x4;
	[sflag:s14] =	ssyncadd.s32 $0xFFFFE800  }
0x279: {  	_ =	swait.ge @p0 [sflag:s11], $0x1800  }
0x27a: {  	[sflag:s11] =	ssyncset.done @p0 $0x0  }
0x27b: {  	[sflag:s11] =	ssyncadd.s32 @p0 $0xFFFFE800  }
0x27c: {  	v3 =	vld @p0 [tilespmem:$0x120]  }
0x27d: {  	v4 =	vld @p0 [tilespmem:$0x130]  }
0x27e: {  	v5 =	vld @p0 [tilespmem:$0x140]  }
0x27f: {  	v6 =	vld @p0 [tilespmem:$0x150]  }
0x280: {  	v7 =	vld @p0 [tilespmem:$0x160]  }
0x281: {  	v8 =	vld @p0 [tilespmem:$0x170];
	v3 =	vadd.s32 @p0 v1, v3  }
0x282: {  	[tilespmem:$0x14480] =	vst @p0 v3;
	v3 =	vadd.s32 @p0 v1, v4  }
0x283: {  	[tilespmem:$0x14490] =	vst @p0 v3;
	v3 =	vadd.s32 @p0 v1, v5  }
0x284: {  	[tilespmem:$0x144A0] =	vst @p0 v3;
	v3 =	vadd.s32 @p0 v1, v6  }
0x285: {  	[tilespmem:$0x144B0] =	vst @p0 v3;
	v3 =	vadd.s32 @p0 v1, v7  }
0x286: {  	s16 =	simm.s32 @p0 $0x14480;
	s11 =	sadd.s32 $0x1, s9;
	[tilespmem:$0x144C0] =	vst @p0 v3;
	v3 =	vadd.s32 @p0 v1, v8  }
0x287: {  	s28 =	simm.s32 @p0 $0xF480;
	s15 =	simm.s32 @p0 $0x60;
	s12 =	smul.u32 $0x60, s11;
	[tilespmem:$0x144D0] =	vst @p0 v3  }
0x288: {  	[tilespmem:s28], [sflag:$0x1] =	stream.indirect.gather @p0 [hbm4b:s5+s15], $0x40, s16, s15, $0xb8;
	[tilespmem:$0x1EB00] =	vst v63  }
0x289: {  	v3 =	vld [tilespmem:s12+$0x0]  }
0x28a: {  	v4 =	vld [tilespmem:s12+$0x240];
	_ =	sdelay $0x3  }
0x28b: {  	v3 =	vadd.s32 v2, v3  }
0x28c: {  	v4 =	vadd.s32 v2, v4;
	_ =	sdelay $0x3  }
0x28d: {  	v3 =	vld.idx.msk [tilespmem:v3+s23+$0x0], $0xffff  }
0x28e: {  	v5 =	vld.idx.msk [tilespmem:v4+s25+$0x0], $0xffff;
	_ =	sdelay $0x4  }
0x28f: {  	v3 =	vadd.f32 v5, v3;
	_ =	sdelay $0x1  }
0x290: {  	v5 =	vmul.f32 $2.000000030e-01, v3  }
0x291: {  	v4 =	vld.idx.msk [tilespmem:v4+s8+$0x0], $0xffff;
	vm0 =	vge.f32 v3, $0.0e+00  }
0x292: {  	v3 =	vsel vm0, v3, v5  }
0x293: {  	v3 =	vmul.f32 $1.442695020e+00, v3;
	_ =	sdelay $0x1  }
0x294: {  	(erf) = vpow2.f32 v3  }
0x295: {  	(erf) = vrcp.f32 v4;
	_ =	sdelay $0x7  }
0x296: {  	v3 =	vpop (erf)  }
0x297: {  	v4 =	vpop (erf)  }
0x298: {  	v3 =	vmul.f32 v3, v4;
	_ =	sdelay $0x1  }
0x299: {  	[tilespmem:$0x145A0] =	vst v3  }
0x29a: {  	v3 =	vld [tilespmem:s12+$0x10]  }
0x29b: {  	v4 =	vld [tilespmem:s12+$0x250];
	_ =	sdelay $0x3  }
0x29c: {  	v3 =	vadd.s32 v2, v3  }
0x29d: {  	v4 =	vadd.s32 v2, v4;
	_ =	sdelay $0x3  }
0x29e: {  	v3 =	vld.idx.msk [tilespmem:v3+s23+$0x0], $0xffff  }
0x29f: {  	v5 =	vld.idx.msk [tilespmem:v4+s25+$0x0], $0xffff;
	_ =	sdelay $0x4  }
0x2a0: {  	v3 =	vadd.f32 v5, v3;
	_ =	sdelay $0x1  }
0x2a1: {  	v5 =	vmul.f32 $2.000000030e-01, v3  }
0x2a2: {  	v4 =	vld.idx.msk [tilespmem:v4+s8+$0x0], $0xffff;
	vm11 =	vge.f32 v3, $0.0e+00  }
0x2a3: {  	v3 =	vsel vm11, v3, v5  }
0x2a4: {  	v3 =	vmul.f32 $1.442695020e+00, v3;
	_ =	sdelay $0x1  }
0x2a5: {  	(erf) = vpow2.f32 v3  }
0x2a6: {  	(erf) = vrcp.f32 v4;
	_ =	sdelay $0x7  }
0x2a7: {  	v3 =	vpop (erf)  }
0x2a8: {  	v4 =	vpop (erf)  }
0x2a9: {  	v3 =	vmul.f32 v3, v4;
	_ =	sdelay $0x1  }
0x2aa: {  	[tilespmem:$0x145B0] =	vst v3  }
0x2ab: {  	v3 =	vld [tilespmem:s12+$0x20]  }
0x2ac: {  	v4 =	vld [tilespmem:s12+$0x260];
	_ =	sdelay $0x3  }
0x2ad: {  	v3 =	vadd.s32 v2, v3  }
0x2ae: {  	v4 =	vadd.s32 v2, v4;
	_ =	sdelay $0x3  }
0x2af: {  	v3 =	vld.idx.msk [tilespmem:v3+s23+$0x0], $0xffff  }
0x2b0: {  	v5 =	vld.idx.msk [tilespmem:v4+s25+$0x0], $0xffff;
	_ =	sdelay $0x4  }
0x2b1: {  	v3 =	vadd.f32 v5, v3;
	_ =	sdelay $0x1  }
0x2b2: {  	v5 =	vmul.f32 $2.000000030e-01, v3  }
0x2b3: {  	v4 =	vld.idx.msk [tilespmem:v4+s8+$0x0], $0xffff;
	vm12 =	vge.f32 v3, $0.0e+00  }
0x2b4: {  	v3 =	vsel vm12, v3, v5  }
0x2b5: {  	v3 =	vmul.f32 $1.442695020e+00, v3;
	_ =	sdelay $0x1  }
0x2b6: {  	(erf) = vpow2.f32 v3  }
0x2b7: {  	(erf) = vrcp.f32 v4;
	_ =	sdelay $0x7  }
0x2b8: {  	v3 =	vpop (erf)  }
0x2b9: {  	v4 =	vpop (erf)  }
0x2ba: {  	v3 =	vmul.f32 v3, v4;
	_ =	sdelay $0x1  }
0x2bb: {  	[tilespmem:$0x145C0] =	vst v3  }
0x2bc: {  	v3 =	vld [tilespmem:s12+$0x30]  }
0x2bd: {  	v4 =	vld [tilespmem:s12+$0x270];
	_ =	sdelay $0x3  }
0x2be: {  	v3 =	vadd.s32 v2, v3  }
0x2bf: {  	v4 =	vadd.s32 v2, v4;
	_ =	sdelay $0x3  }
0x2c0: {  	v3 =	vld.idx.msk [tilespmem:v3+s23+$0x0], $0xffff  }
0x2c1: {  	v5 =	vld.idx.msk [tilespmem:v4+s25+$0x0], $0xffff;
	_ =	sdelay $0x4  }
0x2c2: {  	v3 =	vadd.f32 v5, v3;
	_ =	sdelay $0x1  }
0x2c3: {  	v5 =	vmul.f32 $2.000000030e-01, v3  }
0x2c4: {  	v4 =	vld.idx.msk [tilespmem:v4+s8+$0x0], $0xffff;
	vm13 =	vge.f32 v3, $0.0e+00  }
0x2c5: {  	v3 =	vsel vm13, v3, v5  }
0x2c6: {  	v3 =	vmul.f32 $1.442695020e+00, v3;
	_ =	sdelay $0x1  }
0x2c7: {  	(erf) = vpow2.f32 v3  }
0x2c8: {  	(erf) = vrcp.f32 v4;
	_ =	sdelay $0x7  }
0x2c9: {  	v3 =	vpop (erf)  }
0x2ca: {  	v4 =	vpop (erf)  }
0x2cb: {  	v3 =	vmul.f32 v3, v4;
	_ =	sdelay $0x1  }
0x2cc: {  	[tilespmem:$0x145D0] =	vst v3  }
0x2cd: {  	v3 =	vld [tilespmem:s12+$0x40]  }
0x2ce: {  	v4 =	vld [tilespmem:s12+$0x280];
	_ =	sdelay $0x3  }
0x2cf: {  	v3 =	vadd.s32 v2, v3  }
0x2d0: {  	v4 =	vadd.s32 v2, v4;
	_ =	sdelay $0x3  }
0x2d1: {  	v3 =	vld.idx.msk [tilespmem:v3+s23+$0x0], $0xffff  }
0x2d2: {  	v5 =	vld.idx.msk [tilespmem:v4+s25+$0x0], $0xffff;
	_ =	sdelay $0x4  }
0x2d3: {  	v3 =	vadd.f32 v5, v3;
	_ =	sdelay $0x1  }
0x2d4: {  	v5 =	vmul.f32 $2.000000030e-01, v3  }
0x2d5: {  	v4 =	vld.idx.msk [tilespmem:v4+s8+$0x0], $0xffff;
	vm14 =	vge.f32 v3, $0.0e+00  }
0x2d6: {  	v3 =	vsel vm14, v3, v5  }
0x2d7: {  	v3 =	vmul.f32 $1.442695020e+00, v3;
	_ =	sdelay $0x1  }
0x2d8: {  	(erf) = vpow2.f32 v3  }
0x2d9: {  	(erf) = vrcp.f32 v4;
	_ =	sdelay $0x7  }
0x2da: {  	v3 =	vpop (erf)  }
0x2db: {  	v4 =	vpop (erf)  }
0x2dc: {  	v3 =	vmul.f32 v3, v4;
	_ =	sdelay $0x1  }
0x2dd: {  	[tilespmem:$0x145E0] =	vst v3  }
0x2de: {  	v3 =	vld [tilespmem:s12+$0x50]  }
0x2df: {  	v4 =	vld [tilespmem:s12+$0x290];
	_ =	sdelay $0x3  }
0x2e0: {  	v3 =	vadd.s32 v2, v3  }
0x2e1: {  	v4 =	vadd.s32 v2, v4;
	_ =	sdelay $0x3  }
0x2e2: {  	v3 =	vld.idx.msk [tilespmem:v3+s23+$0x0], $0xffff  }
0x2e3: {  	v5 =	vld.idx.msk [tilespmem:v4+s25+$0x0], $0xffff;
	_ =	sdelay $0x4  }
0x2e4: {  	v3 =	vadd.f32 v5, v3;
	_ =	sdelay $0x1  }
0x2e5: {  	v5 =	vmul.f32 $2.000000030e-01, v3  }
0x2e6: {  	v4 =	vld.idx.msk [tilespmem:v4+s8+$0x0], $0xffff;
	vm15 =	vge.f32 v3, $0.0e+00  }
0x2e7: {  	v3 =	vsel vm15, v3, v5  }
0x2e8: {  	v3 =	vmul.f32 $1.442695020e+00, v3;
	_ =	sdelay $0x1  }
0x2e9: {  	(erf) = vpow2.f32 v3  }
0x2ea: {  	(erf) = vrcp.f32 v4;
	_ =	sdelay $0x7  }
0x2eb: {  	v3 =	vpop (erf)  }
0x2ec: {  	s16 =	simm.s32 $0x0;
	v4 =	vpop (erf)  }
0x2ed: {  	v3 =	vmul.f32 v3, v4;
	v4 =	vmov s16;
	_ =	sdelay $0x1  }
0x2ee: {  	s12 =	simm.s32 $0x10CA0;
	[tilespmem:$0x145F0] =	vst v3  }
0x2ef: {  	v5 =	vld [tilespmem:s12+$0xFFFFFFF0]  }
0x2f0: {  	v3 =	vld [tilespmem:s12+$0x10]  }
0x2f1: {  	v8 =	vld.idx.msk [tilespmem:v4+s21+$0x0], $0xffff  }
0x2f2: {  	v4 =	vld [tilespmem:s12+$0xFFFFFFE0]  }
0x2f3: {  	v9 =	vld [tilespmem:s12+$0x0];
	_ =	sdelay $0x3  }
0x2f4: {  	s28 =	simm.s32 $0x1;
	v4 =	vmul.f32 v4, v8;
	v7 =	vmul.f32 v3, v8  }
0x2f5: {  	s15 =	simm.s32 $0x2;
	s16 =	simm.s32 $0x10CA0;
	v3 =	vmov s28;
	v6 =	vmul.f32 v5, v8;
	v5 =	vmul.f32 v9, v8  }
.LBB2_15:
0x2f6: {  	p1 =	sne.s32 s15, $0x5F  }
0x2f7: {  	[tilespmem:s12+$0x10] =	vst v7;
	s16 =	sadd.s32 $0x40, s16;
	s28 =	smov.u32 s15;
	s15 =	sadd.s32 $0x1, s15  }
0x2f8: {  	[tilespmem:s12+$0xFFFFFFE0] =	vst v4  }
0x2f9: {  	v8 =	vld [tilespmem:s16+$0xFFFFFFF0];
	[tilespmem:s12+$0xFFFFFFF0] =	vst v6  }
0x2fa: {  	v6 =	vld [tilespmem:s16+$0x10];
	[tilespmem:s12+$0x0] =	vst v5;
	s12 =	smov.u32 s16  }
0x2fb: {  	v5 =	vld.idx.msk [tilespmem:v3+s21+$0x0], $0xffff  }
0x2fc: {  	v3 =	vld [tilespmem:s16+$0xFFFFFFE0]  }
0x2fd: {  	v9 =	vld [tilespmem:s16+$0x0]  }
.Ltmp5:
0x2fe: {  	(pc) =	sbr.rel @p1 .LBB2_15-.Ltmp5, $3  }
0x2ff: {  	_ =	sdelay $0x1  }
0x300: {  	v7 =	vmul.f32 v6, v5;
	v4 =	vmul.f32 v3, v5  }
0x301: {  	v6 =	vmul.f32 v8, v5;
	v3 =	vmov s28;
	v5 =	vmul.f32 v9, v5  }
0x302: {  	[tilespmem:s12+$0x10] =	vst v7  }
0x303: {  	s15 =	sadd.s32 $0x40, s16;
	[tilespmem:s12+$0xFFFFFFE0] =	vst v4  }
0x304: {  	v4 =	vld [tilespmem:s15+$0xFFFFFFF0];
	[tilespmem:s12+$0xFFFFFFF0] =	vst v6  }
0x305: {  	v6 =	vld [tilespmem:s15+$0x10];
	[tilespmem:s12+$0x0] =	vst v5  }
0x306: {  	v3 =	vld.idx.msk [tilespmem:v3+s21+$0x0], $0xffff  }
0x307: {  	v5 =	vld [tilespmem:s15+$0xFFFFFFE0];
	_ =	sdelay $0x1  }
0x308: {  	v7 =	vld [tilespmem:s15+$0x0];
	_ =	sdelay $0x1  }
0x309: {  	v6 =	vmul.f32 v6, v3  }
0x30a: {  	v5 =	vmul.f32 v5, v3  }
0x30b: {  	s11 =	smul.u32 $0x180, s11;
	v4 =	vmul.f32 v4, v3;
	[tilespmem:s15+$0x10] =	vst v6  }
0x30c: {  	v3 =	vmul.f32 v7, v3;
	[tilespmem:s15+$0xFFFFFFE0] =	vst v5  }
0x30d: {  	s11 =	sshra.s32 s11, $0x2;
	[tilespmem:s15+$0xFFFFFFF0] =	vst v4  }
0x30e: {  	s11 =	sadd.s32 $0x240, s11;
	[tilespmem:s15+$0x0] =	vst v3  }
0x30f: {  	[spmem:s3] =	stream.indirect.scatter.add.f32 [tilespmem:s17], [sflag:$0x5], $0x40, s11, s29, $0xb8;
	[tilespmem:$0x1EB00] =	vst v63  }
0x310: {  	s9 =	sor.u32 $0x4, s9;
	_ =	swait.ge [sflag:s22], $0x1800  }
0x311: {  	p1 =	sgt.u32 s9, $0x5;
	[sflag:s22] =	ssyncset.done $0x0  }
0x312: {  	s11 =	simm.s32 @!p1 $0x5;
	[sflag:s22] =	ssyncadd.s32 $0xFFFFE800  }
0x313: {  	s9 =	smul.u32 @!p1 $0x180, s9;
	_ =	swait.ge @!p1 [sflag:s11], $0x1800  }
0x314: {  	[sflag:s11] =	ssyncset.done @!p1 $0x0  }
0x315: {  	s9 =	sshra.s32 @!p1 s9, $0x2;
	[sflag:s11] =	ssyncadd.s32 @!p1 $0xFFFFE800  }
0x316: {  	v3 =	vld @!p1 [tilespmem:s9+$0x0];
	_ =	sdelay $0x4  }
0x317: {  	v3 =	vadd.s32 @!p1 v1, v3  }
0x318: {  	[tilespmem:$0x144E0] =	vst @!p1 v3  }
0x319: {  	v3 =	vld @!p1 [tilespmem:s9+$0x10];
	_ =	sdelay $0x4  }
0x31a: {  	v3 =	vadd.s32 @!p1 v1, v3  }
0x31b: {  	[tilespmem:$0x144F0] =	vst @!p1 v3  }
0x31c: {  	v3 =	vld @!p1 [tilespmem:s9+$0x20];
	_ =	sdelay $0x4  }
0x31d: {  	v3 =	vadd.s32 @!p1 v1, v3  }
0x31e: {  	[tilespmem:$0x14500] =	vst @!p1 v3  }
0x31f: {  	v3 =	vld @!p1 [tilespmem:s9+$0x30];
	_ =	sdelay $0x4  }
0x320: {  	v3 =	vadd.s32 @!p1 v1, v3  }
0x321: {  	[tilespmem:$0x14510] =	vst @!p1 v3  }
0x322: {  	v3 =	vld @!p1 [tilespmem:s9+$0x40];
	_ =	sdelay $0x4  }
0x323: {  	v3 =	vadd.s32 @!p1 v1, v3  }
0x324: {  	[tilespmem:$0x14520] =	vst @!p1 v3  }
0x325: {  	v3 =	vld @!p1 [tilespmem:s9+$0x50];
	_ =	sdelay $0x4  }
0x326: {  	s4 =	smul.u32 $0x60, s4;
	v3 =	vadd.s32 @!p1 v1, v3  }
0x327: {  	s12 =	simm.s32 @!p1 $0x10C80;
	s11 =	simm.s32 @!p1 $0x144E0;
	s9 =	simm.s32 @!p1 $0x60;
	[tilespmem:$0x14530] =	vst @!p1 v3  }
0x328: {  	[tilespmem:s12], [sflag:$0x2] =	stream.indirect.gather @!p1 [hbm4b:s5+s9], $0x40, s11, s9, $0xb8;
	[tilespmem:$0x1EB00] =	vst v63  }
0x329: {  	v3 =	vld [tilespmem:s4+$0x0]  }
0x32a: {  	v4 =	vld [tilespmem:s4+$0x240];
	_ =	sdelay $0x3  }
0x32b: {  	v3 =	vadd.s32 v2, v3  }
0x32c: {  	v4 =	vadd.s32 v2, v4;
	_ =	sdelay $0x3  }
0x32d: {  	v3 =	vld.idx.msk [tilespmem:v3+s23+$0x0], $0xffff  }
0x32e: {  	v5 =	vld.idx.msk [tilespmem:v4+s25+$0x0], $0xffff;
	_ =	sdelay $0x4  }
0x32f: {  	v3 =	vadd.f32 v5, v3;
	_ =	sdelay $0x1  }
0x330: {  	v5 =	vmul.f32 $2.000000030e-01, v3  }
0x331: {  	v4 =	vld.idx.msk [tilespmem:v4+s8+$0x0], $0xffff;
	vm0 =	vge.f32 v3, $0.0e+00  }
0x332: {  	v3 =	vsel vm0, v3, v5  }
0x333: {  	v3 =	vmul.f32 $1.442695020e+00, v3;
	_ =	sdelay $0x1  }
0x334: {  	(erf) = vpow2.f32 v3  }
0x335: {  	(erf) = vrcp.f32 v4;
	_ =	sdelay $0x7  }
0x336: {  	v3 =	vpop (erf)  }
0x337: {  	v4 =	vpop (erf)  }
0x338: {  	v3 =	vmul.f32 v3, v4;
	_ =	sdelay $0x1  }
0x339: {  	[tilespmem:$0x145A0] =	vst v3  }
0x33a: {  	v3 =	vld [tilespmem:s4+$0x10]  }
0x33b: {  	v4 =	vld [tilespmem:s4+$0x250];
	_ =	sdelay $0x3  }
0x33c: {  	v3 =	vadd.s32 v2, v3  }
0x33d: {  	v4 =	vadd.s32 v2, v4;
	_ =	sdelay $0x3  }
0x33e: {  	v3 =	vld.idx.msk [tilespmem:v3+s23+$0x0], $0xffff  }
0x33f: {  	v5 =	vld.idx.msk [tilespmem:v4+s25+$0x0], $0xffff;
	_ =	sdelay $0x4  }
0x340: {  	v3 =	vadd.f32 v5, v3;
	_ =	sdelay $0x1  }
0x341: {  	v5 =	vmul.f32 $2.000000030e-01, v3  }
0x342: {  	v4 =	vld.idx.msk [tilespmem:v4+s8+$0x0], $0xffff;
	vm11 =	vge.f32 v3, $0.0e+00  }
0x343: {  	v3 =	vsel vm11, v3, v5  }
0x344: {  	v3 =	vmul.f32 $1.442695020e+00, v3;
	_ =	sdelay $0x1  }
0x345: {  	(erf) = vpow2.f32 v3  }
0x346: {  	(erf) = vrcp.f32 v4;
	_ =	sdelay $0x7  }
0x347: {  	v3 =	vpop (erf)  }
0x348: {  	v4 =	vpop (erf)  }
0x349: {  	v3 =	vmul.f32 v3, v4;
	_ =	sdelay $0x1  }
0x34a: {  	[tilespmem:$0x145B0] =	vst v3  }
0x34b: {  	v3 =	vld [tilespmem:s4+$0x20]  }
0x34c: {  	v4 =	vld [tilespmem:s4+$0x260];
	_ =	sdelay $0x3  }
0x34d: {  	v3 =	vadd.s32 v2, v3  }
0x34e: {  	v4 =	vadd.s32 v2, v4;
	_ =	sdelay $0x3  }
0x34f: {  	v3 =	vld.idx.msk [tilespmem:v3+s23+$0x0], $0xffff  }
0x350: {  	v5 =	vld.idx.msk [tilespmem:v4+s25+$0x0], $0xffff;
	_ =	sdelay $0x4  }
0x351: {  	v3 =	vadd.f32 v5, v3;
	_ =	sdelay $0x1  }
0x352: {  	v5 =	vmul.f32 $2.000000030e-01, v3  }
0x353: {  	v4 =	vld.idx.msk [tilespmem:v4+s8+$0x0], $0xffff;
	vm12 =	vge.f32 v3, $0.0e+00  }
0x354: {  	v3 =	vsel vm12, v3, v5  }
0x355: {  	v3 =	vmul.f32 $1.442695020e+00, v3;
	_ =	sdelay $0x1  }
0x356: {  	(erf) = vpow2.f32 v3  }
0x357: {  	(erf) = vrcp.f32 v4;
	_ =	sdelay $0x7  }
0x358: {  	v3 =	vpop (erf)  }
0x359: {  	v4 =	vpop (erf)  }
0x35a: {  	v3 =	vmul.f32 v3, v4;
	_ =	sdelay $0x1  }
0x35b: {  	[tilespmem:$0x145C0] =	vst v3  }
0x35c: {  	v3 =	vld [tilespmem:s4+$0x30]  }
0x35d: {  	v4 =	vld [tilespmem:s4+$0x270];
	_ =	sdelay $0x3  }
0x35e: {  	v3 =	vadd.s32 v2, v3  }
0x35f: {  	v4 =	vadd.s32 v2, v4;
	_ =	sdelay $0x3  }
0x360: {  	v3 =	vld.idx.msk [tilespmem:v3+s23+$0x0], $0xffff  }
0x361: {  	v5 =	vld.idx.msk [tilespmem:v4+s25+$0x0], $0xffff;
	_ =	sdelay $0x4  }
0x362: {  	v3 =	vadd.f32 v5, v3;
	_ =	sdelay $0x1  }
0x363: {  	v5 =	vmul.f32 $2.000000030e-01, v3  }
0x364: {  	v4 =	vld.idx.msk [tilespmem:v4+s8+$0x0], $0xffff;
	vm13 =	vge.f32 v3, $0.0e+00  }
0x365: {  	v3 =	vsel vm13, v3, v5  }
0x366: {  	v3 =	vmul.f32 $1.442695020e+00, v3;
	_ =	sdelay $0x1  }
0x367: {  	(erf) = vpow2.f32 v3  }
0x368: {  	(erf) = vrcp.f32 v4;
	_ =	sdelay $0x7  }
0x369: {  	v3 =	vpop (erf)  }
0x36a: {  	v4 =	vpop (erf)  }
0x36b: {  	v3 =	vmul.f32 v3, v4;
	_ =	sdelay $0x1  }
0x36c: {  	[tilespmem:$0x145D0] =	vst v3  }
0x36d: {  	v3 =	vld [tilespmem:s4+$0x40]  }
0x36e: {  	v4 =	vld [tilespmem:s4+$0x280];
	_ =	sdelay $0x3  }
0x36f: {  	v3 =	vadd.s32 v2, v3  }
0x370: {  	v4 =	vadd.s32 v2, v4;
	_ =	sdelay $0x3  }
0x371: {  	v3 =	vld.idx.msk [tilespmem:v3+s23+$0x0], $0xffff  }
0x372: {  	v5 =	vld.idx.msk [tilespmem:v4+s25+$0x0], $0xffff;
	_ =	sdelay $0x4  }
0x373: {  	v3 =	vadd.f32 v5, v3;
	_ =	sdelay $0x1  }
0x374: {  	v5 =	vmul.f32 $2.000000030e-01, v3  }
0x375: {  	v4 =	vld.idx.msk [tilespmem:v4+s8+$0x0], $0xffff;
	vm14 =	vge.f32 v3, $0.0e+00  }
0x376: {  	v3 =	vsel vm14, v3, v5  }
0x377: {  	v3 =	vmul.f32 $1.442695020e+00, v3;
	_ =	sdelay $0x1  }
0x378: {  	(erf) = vpow2.f32 v3  }
0x379: {  	(erf) = vrcp.f32 v4;
	_ =	sdelay $0x7  }
0x37a: {  	v3 =	vpop (erf)  }
0x37b: {  	v4 =	vpop (erf)  }
0x37c: {  	v3 =	vmul.f32 v3, v4;
	_ =	sdelay $0x1  }
0x37d: {  	[tilespmem:$0x145E0] =	vst v3  }
0x37e: {  	v3 =	vld [tilespmem:s4+$0x50]  }
0x37f: {  	v4 =	vld [tilespmem:s4+$0x290];
	_ =	sdelay $0x3  }
0x380: {  	v3 =	vadd.s32 v2, v3  }
0x381: {  	v4 =	vadd.s32 v2, v4;
	_ =	sdelay $0x3  }
0x382: {  	v3 =	vld.idx.msk [tilespmem:v3+s23+$0x0], $0xffff  }
0x383: {  	v5 =	vld.idx.msk [tilespmem:v4+s25+$0x0], $0xffff;
	_ =	sdelay $0x4  }
0x384: {  	v3 =	vadd.f32 v5, v3;
	_ =	sdelay $0x1  }
0x385: {  	v5 =	vmul.f32 $2.000000030e-01, v3  }
0x386: {  	v4 =	vld.idx.msk [tilespmem:v4+s8+$0x0], $0xffff;
	vm15 =	vge.f32 v3, $0.0e+00  }
0x387: {  	v3 =	vsel vm15, v3, v5  }
0x388: {  	v3 =	vmul.f32 $1.442695020e+00, v3;
	_ =	sdelay $0x1  }
0x389: {  	(erf) = vpow2.f32 v3  }
0x38a: {  	(erf) = vrcp.f32 v4;
	_ =	sdelay $0x7  }
0x38b: {  	v3 =	vpop (erf)  }
0x38c: {  	s16 =	simm.s32 $0x0;
	v4 =	vpop (erf)  }
0x38d: {  	v3 =	vmul.f32 v3, v4;
	v4 =	vmov s16;
	_ =	sdelay $0x1  }
0x38e: {  	s4 =	simm.s32 $0x124A0;
	[tilespmem:$0x145F0] =	vst v3  }
0x38f: {  	v5 =	vld [tilespmem:s4+$0xFFFFFFF0]  }
0x390: {  	v3 =	vld [tilespmem:s4+$0x10]  }
0x391: {  	v8 =	vld.idx.msk [tilespmem:v4+s21+$0x0], $0xffff  }
0x392: {  	v4 =	vld [tilespmem:s4+$0xFFFFFFE0]  }
0x393: {  	v9 =	vld [tilespmem:s4+$0x0];
	_ =	sdelay $0x3  }
0x394: {  	s28 =	simm.s32 $0x1;
	v4 =	vmul.f32 v4, v8;
	v7 =	vmul.f32 v3, v8  }
0x395: {  	s9 =	simm.s32 $0x2;
	s11 =	simm.s32 $0x124A0;
	v3 =	vmov s28;
	v6 =	vmul.f32 v5, v8;
	v5 =	vmul.f32 v9, v8  }
.LBB2_17:
0x396: {  	p1 =	sne.s32 s9, $0x5F  }
0x397: {  	[tilespmem:s4+$0x10] =	vst v7;
	s11 =	sadd.s32 $0x40, s11;
	s12 =	smov.u32 s9;
	s9 =	sadd.s32 $0x1, s9  }
0x398: {  	[tilespmem:s4+$0xFFFFFFE0] =	vst v4  }
0x399: {  	v8 =	vld [tilespmem:s11+$0xFFFFFFF0];
	[tilespmem:s4+$0xFFFFFFF0] =	vst v6  }
0x39a: {  	v6 =	vld [tilespmem:s11+$0x10];
	[tilespmem:s4+$0x0] =	vst v5;
	s4 =	smov.u32 s11  }
0x39b: {  	v5 =	vld.idx.msk [tilespmem:v3+s21+$0x0], $0xffff  }
0x39c: {  	v3 =	vld [tilespmem:s11+$0xFFFFFFE0]  }
0x39d: {  	v9 =	vld [tilespmem:s11+$0x0]  }
.Ltmp6:
0x39e: {  	(pc) =	sbr.rel @p1 .LBB2_17-.Ltmp6, $3  }
0x39f: {  	_ =	sdelay $0x1  }
0x3a0: {  	v7 =	vmul.f32 v6, v5;
	v4 =	vmul.f32 v3, v5  }
0x3a1: {  	v6 =	vmul.f32 v8, v5;
	v3 =	vmov s12;
	v5 =	vmul.f32 v9, v5  }
0x3a2: {  	[tilespmem:s4+$0x10] =	vst v7  }
0x3a3: {  	s9 =	sadd.s32 $0x40, s11;
	[tilespmem:s4+$0xFFFFFFE0] =	vst v4  }
0x3a4: {  	v4 =	vld [tilespmem:s9+$0xFFFFFFF0];
	[tilespmem:s4+$0xFFFFFFF0] =	vst v6  }
0x3a5: {  	v6 =	vld [tilespmem:s9+$0x10];
	[tilespmem:s4+$0x0] =	vst v5  }
0x3a6: {  	v3 =	vld.idx.msk [tilespmem:v3+s21+$0x0], $0xffff  }
0x3a7: {  	v5 =	vld [tilespmem:s9+$0xFFFFFFE0];
	_ =	sdelay $0x1  }
0x3a8: {  	v7 =	vld [tilespmem:s9+$0x0];
	_ =	sdelay $0x1  }
0x3a9: {  	v6 =	vmul.f32 v6, v3  }
0x3aa: {  	v5 =	vmul.f32 v5, v3  }
.Ltmp7:
0x3ab: {  	v4 =	vmul.f32 v4, v3;
	[tilespmem:s9+$0x10] =	vst v6;
	(pc) =	sbr.rel @p0 .LBB2_12-.Ltmp7, $4  }
0x3ac: {  	v3 =	vmul.f32 v7, v3;
	[tilespmem:s9+$0xFFFFFFE0] =	vst v5  }
0x3ad: {  	[tilespmem:s9+$0xFFFFFFF0] =	vst v4  }
0x3ae: {  	s28 =	sadd.s32 $0x240, s26;
	s11 =	simm.s32 $0x1;
	p1 =	por $0x0, $0x0;
	[tilespmem:s9+$0x0] =	vst v3  }
0x3af: {  	[spmem:s3] =	stream.indirect.scatter.add.f32 [tilespmem:s20], [sflag:$0x6], $0x40, s28, s29, $0xb8;
	[tilespmem:$0x1EB00] =	vst v63  }
0x3b0: {  	_ =	swait.ge [sflag:s6], $0x1800  }
0x3b1: {  	[sflag:s6] =	ssyncset.done $0x0  }
0x3b2: {  	s0 =	sadd.s32 $0x1, s0;
	[sflag:s6] =	ssyncadd.s32 $0xFFFFE800  }
0x3b3: {  	p0 =	sne.s32 s0, $0x24;
	_ =	swait.ge [sflag:s1], $0x1800  }
.Ltmp8:
0x3b4: {  	[sflag:s1] =	ssyncset.done $0x0;
	(pc) =	sbr.rel @p0 .LBB2_11-.Ltmp8, $4  }
0x3b5: {  	[sflag:s1] =	ssyncadd.s32 $0xFFFFE800  }
0x3b6: {  	_ =	swait.ge [sflag:s30], $0x1800  }
0x3b7: {  	[sflag:s30] =	ssyncset.done $0x0  }
0x3b8: {  	[sflag:s30] =	ssyncadd.s32 $0xFFFFE800  }
0x3b9: {  	s0 =	rddreg [dreg:$0xb]  }
0x3ba: {  	s4 =	rddreg [dreg:$0x16]  }
0x3bb: {  	[bflag:$0x0] =	sbarrier.arrive $0xFFFF;
	s0 =	sadd.s32 s0, s4  }
0x3bc: {  	s28 =	stileid.u32;
	s9 =	rddreg [dreg:$0x5];
	s0 =	sshll.u32 s0, $0x3  }
0x3bd: {  	s4 =	sshll.u32 s28, $0x6;
	s12 =	rddreg [dreg:$0xa];
	s0 =	sand.u32 $0x1FFFFC00, s0  }
0x3be: {  	s4 =	sor.u32 $0x1C09, s4;
	s31 =	sshrl.u32 s12, $0x3;
	s0 =	sadd.s32 s9, s0  }
0x3bf: {  	[hbm:s0], [sflag:s4] =	dma.local [spmem:s31], $0x1400  }
0x3c0: {  	_ =	swait.ge [sflag:s24], $0x1400  }
0x3c1: {  	s11 =	rddreg [dreg:$0x15]  }
0x3c2: {  	s11 =	sadd.s32 $0x1, s11  }
0x3c3: {  	p0 =	sne.s32 s11, $0x4  }
.Ltmp9:
0x3c4: {  	_ = 	snop;
	(pc) =	sbr.rel @p0 .LBB2_8-.Ltmp9, $3  }
0x3c5: {  	[sflag:s24] =	ssyncset.done $0x0  }
0x3c6: {  	[sflag:s24] =	ssyncadd.s32 $0xFFFFEC00  }
0x3c7: {  	[bflag:$0x0] =	sbarrier.arrive $0xFFFF;
	_ =	sdelay $0x1  }
0x3c8: {  	s4 =	rddreg [dreg:$0x14]  }
0x3c9: {  	s0 =	rddreg [dreg:$0x12];
	s4 =	sadd.s32 $0x1, s4  }
0x3ca: {  	p0 =	sne.s32 s4, s0  }
.Ltmp10:
0x3cb: {  	_ = 	snop;
	(pc) =	sbr.rel @p0 .LBB2_1-.Ltmp10, $3  }
0x3cc: {  	_ =	sdelay $0x1  }
0x3cd: {  	s15 =	simm.s32 $0x14300  }
0x3ce: {  	s16 =	simm.s32 $0x14180;
	s28 =	simm.s32 $0x14360;
	s31 =	simm.s32 $0x141E0  }
0x3cf: {  	_ =	sfence.sel $0x180000  }
0x3d0: {  	[bflag:$0x0] =	sbarrier.arrive $0xFFFF  }
0x3d1: {  	_ =	strace $0x90000047  }
0x3d2: {  	s0 =	stileid.u32;
	[bflag:$0x2] =	sbarrier.arrive $0xFFFF  }
0x3d3: {  	p0 =	sne.s32 s0, $0x0;
	s0 =	rddreg [dreg:$0x4]  }
0x3d4: {  	s0 =	sadd.s32 @!p0 $0x100000, s0  }
0x3d5: {  	[sflag:s0] =	ssyncadd.tile.s32 @!p0 $0x1;
	_ =	shalt  }
.Lfunc_end2:
_tile_overlayer_lowered:
.L_overlay_start_2:
0x3d6: {  	(tag) =	ssettag $0x2  }
0x3d7: {  	s0 =	rddreg [dreg:$0x0];
	s2 =	stileid.u32  }
0x3d8: {  	s1 =	rddreg [dreg:$0x1];
	p0 =	sne.s32 s2, $0x0  }
0x3d9: {  	s3 =	rddreg [dreg:$0x2];
	[bflag:$0x3] =	sbarrier.arrive $0xFFFF;
	s2 =	simm.s32 @!p0 $0x1C09  }
0x3da: {  	[timem:s3], [sflag:s2] =	dma.local @!p0 [hbm:s0], s1  }
0x3db: {  	s0 =	simm.s32 @!p0 $0x9  }
0x3dc: {  	_ =	swait.ge @!p0 [sflag:s0], s1  }
0x3dd: {  	s1 =	ssub.s32 @!p0 $0x0, s1;
	[sflag:s0] =	ssyncset.done @!p0 $0x0  }
0x3de: {  	[sflag:s0] =	ssyncadd.s32 @!p0 s1  }
0x3df: {  	[bflag:$0x3] =	sbarrier.arrive $0xFFFF  }
0x3e0: {  	_ =	shalt  }

</sc_bundles>
